<compile_context>
chip_gen: v7x
topology: tpu7x:2x2x1
jax: 0.10.2.dev20260603
libtpu: 0.0.44.dev20260713+nightly
codegen_flags: <defaults>
</compile_context>

<pallas_src>
import functools

import jax
import jax.numpy as jnp
import numpy as np
from jax import lax
from jax.experimental import pallas as pl
from jax.experimental.pallas import tpu as pltpu
from jax.experimental.pallas import tpu_sc as plsc

WIDTH = 16
N_NODES = 10000
N_EDGES = 320000

NC = 2
NS = 16
NW = NC * NS
E_PER_W = N_EDGES // NW
CH = 80
NCHUNK = E_PER_W // CH
GF = 25
GOUT = NCHUNK // GF
SROWS = 2000
SOUT = E_PER_W // SROWS
SIN = SROWS // CH
ROWS_PER_TILE = N_NODES // NS

_f32 = jnp.float32


def _sc_gather_body(h_hbm, src_hbm, out_hbm, idx_v, rows_v, gsem, osem):
    wid = lax.axis_index("s") * NC + lax.axis_index("c")
    base = wid * E_PER_W
    h16 = h_hbm
    out16 = out_hbm
    pltpu.sync_copy(src_hbm.at[wid], idx_v)

    def outer(o, carry):
        b = lax.rem(o, 2)

        @pl.when(o >= 2)
        def _():
            pltpu.make_async_copy(
                out16.at[pl.ds(0, GF * CH)], rows_v.at[0], osem).wait()

        for g in range(GF):
            j = o * GF + g
            pltpu.async_copy(
                h16.at[idx_v.at[j]], rows_v.at[b, pl.ds(g * CH, CH)], gsem)
        pltpu.make_async_copy(
            h16.at[pl.ds(0, GF * CH)], rows_v.at[0], gsem).wait()
        pltpu.async_copy(
            rows_v.at[b], out16.at[pl.ds(base + o * GF * CH, GF * CH)], osem)
        return carry

    lax.fori_loop(0, GOUT, outer, 0)
    pltpu.make_async_copy(out16.at[pl.ds(0, GF * CH)], rows_v.at[0],
                          osem).wait()
    pltpu.make_async_copy(out16.at[pl.ds(0, GF * CH)], rows_v.at[0],
                          osem).wait()


def _scatter_body(with_cnt, msg_hbm, dst_hbm, zeros_hbm, ones_hbm,
                  outm_hbm, outc_hbm, idx_v, rows_v, ones_v, aggm_sh, aggc_sh,
                  lsem, ssem):
    cid = lax.axis_index("c")
    sid = lax.axis_index("s")
    wid = sid * NC + cid
    base = wid * E_PER_W
    r0 = sid * ROWS_PER_TILE
    msg16 = msg_hbm
    z16 = zeros_hbm
    out16 = outm_hbm
    pltpu.sync_copy(z16.at[pl.ds(r0, ROWS_PER_TILE)],
                    aggm_sh.at[pl.ds(r0, ROWS_PER_TILE)])
    if with_cnt:
        pltpu.sync_copy(z16.at[pl.ds(r0, ROWS_PER_TILE)],
                        aggc_sh.at[pl.ds(r0, ROWS_PER_TILE)])
        pltpu.sync_copy(ones_hbm, ones_v)
    pltpu.sync_copy(dst_hbm.at[wid], idx_v)
    plsc.subcore_barrier()
    pltpu.async_copy(msg16.at[pl.ds(base, SROWS)], rows_v.at[0], lsem)

    def outer(o, carry):
        b = lax.rem(o, 2)
        pltpu.make_async_copy(
            msg16.at[pl.ds(0, SROWS)], rows_v.at[0], lsem).wait()

        @pl.when(o + 1 < SOUT)
        def _():
            pltpu.async_copy(
                msg16.at[pl.ds(base + (o + 1) * SROWS, SROWS)],
                rows_v.at[1 - b], lsem)

        def inner(i, c2):
            j = o * SIN + i
            pltpu.async_copy(rows_v.at[b, pl.ds(i * CH, CH)],
                             aggm_sh.at[idx_v.at[j]], ssem, add=True)
            if with_cnt:
                pltpu.async_copy(ones_v, aggc_sh.at[idx_v.at[j]], ssem,
                                 add=True)
            return c2

        lax.fori_loop(0, SIN, inner, 0)
        pltpu.make_async_copy(
            msg16.at[pl.ds(0, SROWS)], rows_v.at[0], ssem).wait()
        if with_cnt:
            pltpu.make_async_copy(
                msg16.at[pl.ds(0, SROWS)], rows_v.at[0], ssem).wait()
        return carry

    lax.fori_loop(0, SOUT, outer, 0)
    plsc.subcore_barrier()
    pltpu.sync_copy(aggm_sh.at[pl.ds(r0, ROWS_PER_TILE)],
                    out16.at[cid, pl.ds(r0, ROWS_PER_TILE)])
    if with_cnt:
        pltpu.sync_copy(aggc_sh.at[pl.ds(r0, ROWS_PER_TILE)],
                        outc_hbm.at[cid, pl.ds(r0, ROWS_PER_TILE)])


@functools.lru_cache(maxsize=1)
def _sc_kernels():
    mesh = plsc.VectorSubcoreMesh(
        core_axis_name="c", subcore_axis_name="s",
        num_cores=NC, num_subcores=NS)

    params = pltpu.CompilerParams(use_tc_tiling_on_sc=False)

    gather = functools.partial(
        pl.kernel,
        out_type=jax.ShapeDtypeStruct((N_EDGES, WIDTH), _f32),
        mesh=mesh,
        compiler_params=params,
        scratch_types=[
            pltpu.VMEM((NCHUNK, CH), jnp.int32),
            pltpu.VMEM((2, GF * CH, WIDTH), _f32),
            pltpu.SemaphoreType.DMA,
            pltpu.SemaphoreType.DMA,
        ],
    )(_sc_gather_body)

    scatter_out2 = (jax.ShapeDtypeStruct((NC, N_NODES, WIDTH), _f32),
                    jax.ShapeDtypeStruct((NC, N_NODES, WIDTH), _f32))

    @functools.partial(pl.kernel, out_type=scatter_out2, mesh=mesh,
                       compiler_params=params,
                       scratch_types=[
                           pltpu.VMEM((NCHUNK, CH), jnp.int32),
                           pltpu.VMEM((2, SROWS, WIDTH), _f32),
                           pltpu.VMEM((CH, WIDTH), _f32),
                           pltpu.VMEM_SHARED((N_NODES, WIDTH), _f32),
                           pltpu.VMEM_SHARED((N_NODES, WIDTH), _f32),
                           pltpu.SemaphoreType.DMA,
                           pltpu.SemaphoreType.DMA,
                       ])
    def scatter_cnt(msg_hbm, dst_hbm, zeros_hbm, ones_hbm, outm_hbm, outc_hbm,
                    idx_v, rows_v, ones_v, aggm_sh, aggc_sh, lsem, ssem):
        _scatter_body(True, msg_hbm, dst_hbm, zeros_hbm, ones_hbm, outm_hbm,
                      outc_hbm, idx_v, rows_v, ones_v, aggm_sh, aggc_sh,
                      lsem, ssem)

    @functools.partial(pl.kernel,
                       out_type=jax.ShapeDtypeStruct((NC, N_NODES, WIDTH),
                                                     _f32),
                       mesh=mesh,
                       compiler_params=params,
                       scratch_types=[
                           pltpu.VMEM((NCHUNK, CH), jnp.int32),
                           pltpu.VMEM((2, SROWS, WIDTH), _f32),
                           pltpu.VMEM_SHARED((N_NODES, WIDTH), _f32),
                           pltpu.SemaphoreType.DMA,
                           pltpu.SemaphoreType.DMA,
                       ])
    def scatter(msg_hbm, dst_hbm, zeros_hbm, outm_hbm, idx_v, rows_v, aggm_sh,
                lsem, ssem):
        _scatter_body(False, msg_hbm, dst_hbm, zeros_hbm, None, outm_hbm,
                      None, idx_v, rows_v, None, aggm_sh, None, lsem, ssem)

    return gather, scatter_cnt, scatter


E8 = N_EDGES // 8
N8 = N_NODES // 8
RB = 1000

_SEL_NP = np.zeros((WIDTH, 128, 128), np.float32)
for _f in range(WIDTH):
    for _p in range(8):
        _SEL_NP[_f, _p * 16 + _f, _p * 16:_p * 16 + 16] = 1.0


def _msg8_body(a8_ref, x8_ref, selbf_ref, bdall_ref, out_ref):
    a8bf = a8_ref[...].astype(jnp.bfloat16)
    x8 = x8_ref[...]
    p_all = jnp.dot(a8bf, selbf_ref[...], preferred_element_type=_f32)
    g_all = jnp.dot(x8, bdall_ref[...], preferred_element_type=_f32)
    acc = g_all[:, WIDTH * 128:]
    for f in range(WIDTH):
        acc = acc + p_all[:, f * 128:(f + 1) * 128] * g_all[:, f * 128:(f + 1) * 128]
    out_ref[...] = acc


_msg8_call = pl.pallas_call(
    _msg8_body,
    grid=(E8 // RB,),
    in_specs=[
        pl.BlockSpec((RB, 128), lambda i: (i, 0)),
        pl.BlockSpec((RB, 128), lambda i: (i, 0)),
        pl.BlockSpec((128, WIDTH * 128), lambda i: (0, 0)),
        pl.BlockSpec((128, (WIDTH + 1) * 128), lambda i: (0, 0)),
    ],
    out_specs=pl.BlockSpec((RB, 128), lambda i: (i, 0)),
    out_shape=jax.ShapeDtypeStruct((E8, 128), _f32),
)


def _upd8_body(pm_ref, pc_ref, h_ref, wl_ref, bl_ref, out_ref):
    agg = pm_ref[0] + pm_ref[1]
    cnt = pc_ref[0] + pc_ref[1]
    mean = agg / jnp.maximum(cnt, 1.0)
    out_ref[...] = jnp.tanh(
        mean + jnp.dot(h_ref[...], wl_ref[...], preferred_element_type=_f32)
        + bl_ref[...])


_upd8_call = pl.pallas_call(
    _upd8_body,
    out_shape=jax.ShapeDtypeStruct((N8, 128), _f32),
)


def kernel(x, edge_index, edge_attr, Wd0, bd0, Wl0, bl0, Wd1, bd1, Wl1, bl1):
    src3 = edge_index[0].reshape(NW, NCHUNK, CH)
    dst3 = edge_index[1].reshape(NW, NCHUNK, CH)
    zeros_n = jnp.zeros((N_NODES, WIDTH), _f32)
    ones_ch = jnp.ones((CH, WIDTH), _f32)
    ea8 = edge_attr.reshape(E8, 128)
    selbf = jnp.asarray(_SEL_NP).transpose(1, 0, 2).reshape(
        128, WIDTH * 128).astype(jnp.bfloat16)
    eye8 = jnp.eye(8, dtype=_f32)

    def xf(Wd, bd, Wl, bl):
        w3 = Wd.reshape(WIDTH, WIDTH, WIDTH).transpose(2, 1, 0)
        bdf = jnp.einsum("pq,fji->fpjqi", eye8, w3).reshape(WIDTH, 128, 128)
        bdb = jnp.kron(eye8, bd.reshape(WIDTH, WIDTH).T)
        bdall = jnp.concatenate(
            [bdf.transpose(1, 0, 2).reshape(128, WIDTH * 128), bdb], axis=1)
        wld = jnp.kron(eye8, Wl.T)
        bl8 = jnp.tile(bl, 8).reshape(1, 128)
        return bdall, wld, bl8

    BDALL0, WLD0, BL0 = xf(Wd0, bd0, Wl0, bl0)
    BDALL1, WLD1, BL1 = xf(Wd1, bd1, Wl1, bl1)

    _sc_gather, _sc_scatter_cnt, _sc_scatter = _sc_kernels()

    xj = _sc_gather(x, src3)
    msg8 = _msg8_call(ea8, xj.reshape(E8, 128), selbf, BDALL0)
    pm, pc = _sc_scatter_cnt(msg8.reshape(N_EDGES, WIDTH), dst3, zeros_n,
                             ones_ch)
    h8 = _upd8_call(pm.reshape(NC, N8, 128), pc.reshape(NC, N8, 128),
                    x.reshape(N8, 128), WLD0, BL0)

    xj = _sc_gather(h8.reshape(N_NODES, WIDTH), src3)
    msg8 = _msg8_call(ea8, xj.reshape(E8, 128), selbf, BDALL1)
    pm2 = _sc_scatter(msg8.reshape(N_EDGES, WIDTH), dst3, zeros_n)
    h8 = _upd8_call(pm2.reshape(NC, N8, 128), pc.reshape(NC, N8, 128),
                    h8, WLD1, BL1)
    return h8.reshape(N_NODES, WIDTH)

# --- scband reference (transcript-rebuilt; emitter-appended) ---
"""Pipeline reference for scband-graph-neural-kernel-35287451304791 (READ-ONLY COPY).

The authoritative reference and input builder live on the scoring server;
editing this copy changes nothing except your own understanding.
"""

import jax, jax.numpy as jnp
import numpy as np

WIDTH = 16
N_NODES = 10000
N_EDGES = 320000
EDGE_FEAT = 16


def setup_inputs(seed: int = 0) -> dict:
    key = jax.random.key(seed)
    ks = jax.random.split(key, 16)
    inp = {}
    inp["x"] = jax.random.normal(ks[0], (N_NODES, WIDTH), dtype=jnp.float32)
    inp["edge_index"] = jax.random.randint(ks[1], (2, N_EDGES), 0, N_NODES, dtype=jnp.int32)
    inp["edge_attr"] = jax.random.normal(ks[2], (N_EDGES, EDGE_FEAT), dtype=jnp.float32)
    # Unshared GNOBlock params for n_layers=2.
    # Each block: dense FeedForward (internal_n_layers=0 -> single Linear edge_feat -> width^2)
    # plus node-update Linear W (width -> width).
    for l in range(2):
        inp[f"Wd{l}"] = jax.random.normal(ks[3 + 4 * l], (WIDTH * WIDTH, EDGE_FEAT), dtype=jnp.float32) * (1.0 / np.sqrt(EDGE_FEAT))
        inp[f"bd{l}"] = jnp.zeros((WIDTH * WIDTH,), dtype=jnp.float32)
        inp[f"Wl{l}"] = jax.random.normal(ks[4 + 4 * l], (WIDTH, WIDTH), dtype=jnp.float32) * (1.0 / np.sqrt(WIDTH))
        inp[f"bl{l}"] = jnp.zeros((WIDTH,), dtype=jnp.float32)
    return inp


def _gno_block(x, edge_index, edge_attr, Wd, bd, Wl, bl):
    # PyG convention: edge_index[0]=source (x_j), edge_index[1]=target; aggr='mean'.
    src = edge_index[0]
    dst = edge_index[1]
    # Edge-conditioned kernel: FeedForward(edge_attr) -> [E, width, width]
    kern = (edge_attr @ Wd.T + bd).reshape(-1, WIDTH, WIDTH)
    x_j = jnp.take(x, src, axis=0)
    msg = jnp.einsum("eij,ej->ei", kern, x_j)
    agg_sum = jax.ops.segment_sum(msg, dst, num_segments=N_NODES)
    cnt = jax.ops.segment_sum(jnp.ones((msg.shape[0],), dtype=msg.dtype), dst, num_segments=N_NODES)
    aggr = agg_sum / jnp.clip(cnt, 1.0, None)[:, None]
    # update: aggr + W x, then external activation (Tanh)
    return jnp.tanh(aggr + x @ Wl.T + bl)


def reference(x, edge_index, edge_attr, Wd0, bd0, Wl0, bl0, Wd1, bd1, Wl1, bl1):
    h = _gno_block(x, edge_index, edge_attr, Wd0, bd0, Wl0, bl0)
    h = _gno_block(h, edge_index, edge_attr, Wd1, bd1, Wl1, bl1)
    return h

if __name__ == "__main__":
    import jax
    _d = setup_inputs()
    print(jax.jit(kernel)(*tuple(_d.values())))

</pallas_src>

<mosaic_0001>
#map = affine_map<(d0, d1) -> (0, 0)>
#map1 = affine_map<(d0, d1) -> (0, 0, 0)>
module attributes {stable_mosaic.version = 14 : i64} {
  func.func @scatter_cnt(%arg0: i32, %arg1: i32, %arg2: memref<320000x16xf32, #tpu.memory_space<hbm>>, %arg3: memref<32x125x80xi32, #tpu.memory_space<hbm>>, %arg4: memref<10000x16xf32, #tpu.memory_space<hbm>>, %arg5: memref<80x16xf32, #tpu.memory_space<hbm>>, %arg6: memref<2x10000x16xf32, #tpu.memory_space<hbm>>, %arg7: memref<2x10000x16xf32, #tpu.memory_space<hbm>>, %arg8: memref<125x80xi32, #tpu.memory_space<vmem>>, %arg9: memref<2x2000x16xf32, #tpu.memory_space<vmem>>, %arg10: memref<80x16xf32, #tpu.memory_space<vmem>>, %arg11: memref<10000x16xf32, #tpu.memory_space<vmem_shared>>, %arg12: memref<10000x16xf32, #tpu.memory_space<vmem_shared>>, %arg13: memref<!tpu.dma_semaphore, #tpu.memory_space<semaphore_mem>>, %arg14: memref<!tpu.dma_semaphore, #tpu.memory_space<semaphore_mem>>) attributes {dimension_semantics = [#tpu.dimension_semantics<core_parallel>, #tpu.dimension_semantics<subcore_parallel>], iteration_bounds = array<i64: 2, 16>, scalar_prefetch = 0 : i64, scratch_operands = 7 : i64, tpu.core_type = #tpu.core_type<sc_vector_subcore>, window_params = [{transform_indices = #map}, {transform_indices = #map1}, {transform_indices = #map}, {transform_indices = #map}, {transform_indices = #map1}, {transform_indices = #map1}]} {
    %mul3A = arith.constant 2 : i32
    %mul3A_0 = arith.muli %arg1, %mul3A : i32
    %add3A = arith.addi %mul3A_0, %arg0 : i32
    %mul3A_1 = arith.constant 10000 : i32
    %mul3A_2 = arith.muli %add3A, %mul3A_1 : i32
    %mul3A_3 = arith.constant 625 : i32
    %mul3A_4 = arith.muli %arg1, %mul3A_3 : i32
    "tpu.region"() ({
      %run_scoped3A = tpu.sem_alloc : memref<!tpu.dma_semaphore, #tpu.memory_space<semaphore_mem>>
      %dma_start3A_23 = arith.constant 0 : i32
      %dma_start3A_24 = tpu.memref_slice %arg11[%mul3A_4, %dma_start3A_23] : memref<10000x16xf32, #tpu.memory_space<vmem_shared>> -> memref<625x16xf32, #tpu.memory_space<vmem_shared>>
      %dma_start3A_25 = arith.constant 0 : i32
      %dma_start3A_26 = tpu.memref_slice %arg4[%mul3A_4, %dma_start3A_25] : memref<10000x16xf32, #tpu.memory_space<hbm>> -> memref<625x16xf32, #tpu.memory_space<hbm>>
      tpu.enqueue_dma source(%dma_start3A_26 : memref<625x16xf32, #tpu.memory_space<hbm>>) target(%dma_start3A_24 : memref<625x16xf32, #tpu.memory_space<vmem_shared>>) target_semaphore(%run_scoped3A : memref<!tpu.dma_semaphore, #tpu.memory_space<semaphore_mem>>)
      %dma_wait3A = arith.constant 0 : i32
      %dma_wait3A_27 = tpu.memref_slice %arg11[%mul3A_4, %dma_wait3A] : memref<10000x16xf32, #tpu.memory_space<vmem_shared>> -> memref<625x16xf32, #tpu.memory_space<vmem_shared>>
      %dma_wait3A_28 = arith.constant 0 : i32
      %dma_wait3A_29 = tpu.memref_slice %arg4[%mul3A_4, %dma_wait3A_28] : memref<10000x16xf32, #tpu.memory_space<hbm>> -> memref<625x16xf32, #tpu.memory_space<hbm>>
      tpu.wait_dma2 semaphore(%run_scoped3A : memref<!tpu.dma_semaphore, #tpu.memory_space<semaphore_mem>>) src(%dma_wait3A_29 : memref<625x16xf32, #tpu.memory_space<hbm>>) dst(%dma_wait3A_27 : memref<625x16xf32, #tpu.memory_space<vmem_shared>>)
      tpu.yield
    }) : () -> ()
    "tpu.region"() ({
      %run_scoped3A = tpu.sem_alloc : memref<!tpu.dma_semaphore, #tpu.memory_space<semaphore_mem>>
      %dma_start3A_23 = arith.constant 0 : i32
      %dma_start3A_24 = tpu.memref_slice %arg12[%mul3A_4, %dma_start3A_23] : memref<10000x16xf32, #tpu.memory_space<vmem_shared>> -> memref<625x16xf32, #tpu.memory_space<vmem_shared>>
      %dma_start3A_25 = arith.constant 0 : i32
      %dma_start3A_26 = tpu.memref_slice %arg4[%mul3A_4, %dma_start3A_25] : memref<10000x16xf32, #tpu.memory_space<hbm>> -> memref<625x16xf32, #tpu.memory_space<hbm>>
      tpu.enqueue_dma source(%dma_start3A_26 : memref<625x16xf32, #tpu.memory_space<hbm>>) target(%dma_start3A_24 : memref<625x16xf32, #tpu.memory_space<vmem_shared>>) target_semaphore(%run_scoped3A : memref<!tpu.dma_semaphore, #tpu.memory_space<semaphore_mem>>)
      %dma_wait3A = arith.constant 0 : i32
      %dma_wait3A_27 = tpu.memref_slice %arg12[%mul3A_4, %dma_wait3A] : memref<10000x16xf32, #tpu.memory_space<vmem_shared>> -> memref<625x16xf32, #tpu.memory_space<vmem_shared>>
      %dma_wait3A_28 = arith.constant 0 : i32
      %dma_wait3A_29 = tpu.memref_slice %arg4[%mul3A_4, %dma_wait3A_28] : memref<10000x16xf32, #tpu.memory_space<hbm>> -> memref<625x16xf32, #tpu.memory_space<hbm>>
      tpu.wait_dma2 semaphore(%run_scoped3A : memref<!tpu.dma_semaphore, #tpu.memory_space<semaphore_mem>>) src(%dma_wait3A_29 : memref<625x16xf32, #tpu.memory_space<hbm>>) dst(%dma_wait3A_27 : memref<625x16xf32, #tpu.memory_space<vmem_shared>>)
      tpu.yield
    }) : () -> ()
    "tpu.region"() ({
      %run_scoped3A = tpu.sem_alloc : memref<!tpu.dma_semaphore, #tpu.memory_space<semaphore_mem>>
      tpu.enqueue_dma source(%arg5 : memref<80x16xf32, #tpu.memory_space<hbm>>) target(%arg10 : memref<80x16xf32, #tpu.memory_space<vmem>>) target_semaphore(%run_scoped3A : memref<!tpu.dma_semaphore, #tpu.memory_space<semaphore_mem>>)
      tpu.wait_dma2 semaphore(%run_scoped3A : memref<!tpu.dma_semaphore, #tpu.memory_space<semaphore_mem>>) src(%arg5 : memref<80x16xf32, #tpu.memory_space<hbm>>) dst(%arg10 : memref<80x16xf32, #tpu.memory_space<vmem>>)
      tpu.yield
    }) : () -> ()
    "tpu.region"() ({
      %run_scoped3A = tpu.sem_alloc : memref<!tpu.dma_semaphore, #tpu.memory_space<semaphore_mem>>
      %dma_start3A_23 = arith.constant 0 : i32
      %dma_start3A_24 = arith.constant 0 : i32
      %dma_start3A_25 = tpu.memref_slice %arg3[%add3A, %dma_start3A_23, %dma_start3A_24] : memref<32x125x80xi32, #tpu.memory_space<hbm>> -> memref<1x125x80xi32, #tpu.memory_space<hbm>>
      %dma_start3A_26 = tpu.memref_squeeze %dma_start3A_25 : memref<1x125x80xi32, #tpu.memory_space<hbm>> -> memref<125x80xi32, #tpu.memory_space<hbm>>
      %dma_start3A_27 = arith.constant 0 : i32
      %dma_start3A_28 = arith.constant 0 : i32
      %dma_start3A_29 = tpu.memref_slice %arg3[%add3A, %dma_start3A_27, %dma_start3A_28] : memref<32x125x80xi32, #tpu.memory_space<hbm>> -> memref<1x125x80xi32, #tpu.memory_space<hbm>>
      %dma_start3A_30 = tpu.memref_squeeze %dma_start3A_29 : memref<1x125x80xi32, #tpu.memory_space<hbm>> -> memref<125x80xi32, #tpu.memory_space<hbm>>
      tpu.enqueue_dma source(%dma_start3A_30 : memref<125x80xi32, #tpu.memory_space<hbm>>) target(%arg8 : memref<125x80xi32, #tpu.memory_space<vmem>>) target_semaphore(%run_scoped3A : memref<!tpu.dma_semaphore, #tpu.memory_space<semaphore_mem>>)
      %dma_wait3A = arith.constant 0 : i32
      %dma_wait3A_31 = arith.constant 0 : i32
      %dma_wait3A_32 = tpu.memref_slice %arg3[%add3A, %dma_wait3A, %dma_wait3A_31] : memref<32x125x80xi32, #tpu.memory_space<hbm>> -> memref<1x125x80xi32, #tpu.memory_space<hbm>>
      %dma_wait3A_33 = tpu.memref_squeeze %dma_wait3A_32 : memref<1x125x80xi32, #tpu.memory_space<hbm>> -> memref<125x80xi32, #tpu.memory_space<hbm>>
      %dma_wait3A_34 = arith.constant 0 : i32
      %dma_wait3A_35 = arith.constant 0 : i32
      %dma_wait3A_36 = tpu.memref_slice %arg3[%add3A, %dma_wait3A_34, %dma_wait3A_35] : memref<32x125x80xi32, #tpu.memory_space<hbm>> -> memref<1x125x80xi32, #tpu.memory_space<hbm>>
      %dma_wait3A_37 = tpu.memref_squeeze %dma_wait3A_36 : memref<1x125x80xi32, #tpu.memory_space<hbm>> -> memref<125x80xi32, #tpu.memory_space<hbm>>
      tpu.wait_dma2 semaphore(%run_scoped3A : memref<!tpu.dma_semaphore, #tpu.memory_space<semaphore_mem>>) src(%dma_wait3A_37 : memref<125x80xi32, #tpu.memory_space<hbm>>) dst(%arg8 : memref<125x80xi32, #tpu.memory_space<vmem>>)
      tpu.yield
    }) : () -> ()
    %barrier3A = arith.constant 0 : index
    tpu.barrier barrier_id(%barrier3A)
    %dma_start3A = arith.constant 0 : i32
    %dma_start3A_5 = arith.constant 0 : i32
    %dma_start3A_6 = arith.constant 0 : i32
    %dma_start3A_7 = tpu.memref_slice %arg9[%dma_start3A, %dma_start3A_5, %dma_start3A_6] : memref<2x2000x16xf32, #tpu.memory_space<vmem>> -> memref<1x2000x16xf32, #tpu.memory_space<vmem>>
    %dma_start3A_8 = tpu.memref_squeeze %dma_start3A_7 : memref<1x2000x16xf32, #tpu.memory_space<vmem>> -> memref<2000x16xf32, #tpu.memory_space<vmem>>
    %dma_start3A_9 = arith.constant 0 : i32
    %dma_start3A_10 = tpu.memref_slice %arg2[%mul3A_2, %dma_start3A_9] : memref<320000x16xf32, #tpu.memory_space<hbm>> -> memref<2000x16xf32, #tpu.memory_space<hbm>>
    %dma_start3A_11 = arith.constant 0 : i32
    %dma_start3A_12 = arith.constant 0 : i32
    %dma_start3A_13 = tpu.memref_slice %arg9[%dma_start3A, %dma_start3A_11, %dma_start3A_12] : memref<2x2000x16xf32, #tpu.memory_space<vmem>> -> memref<1x2000x16xf32, #tpu.memory_space<vmem>>
    %dma_start3A_14 = tpu.memref_squeeze %dma_start3A_13 : memref<1x2000x16xf32, #tpu.memory_space<vmem>> -> memref<2000x16xf32, #tpu.memory_space<vmem>>
    %dma_start3A_15 = arith.constant 0 : i32
    %dma_start3A_16 = tpu.memref_slice %arg2[%mul3A_2, %dma_start3A_15] : memref<320000x16xf32, #tpu.memory_space<hbm>> -> memref<2000x16xf32, #tpu.memory_space<hbm>>
    tpu.enqueue_dma source(%dma_start3A_16 : memref<2000x16xf32, #tpu.memory_space<hbm>>) target(%dma_start3A_14 : memref<2000x16xf32, #tpu.memory_space<vmem>>) target_semaphore(%arg13 : memref<!tpu.dma_semaphore, #tpu.memory_space<semaphore_mem>>)
    %scan3A = arith.constant 0 : i32
    %scan3A_17 = arith.constant 0 : i32
    %scan3A_18 = arith.constant 5 : i32
    %scan3A_19 = arith.addi %scan3A_17, %scan3A_18 : i32
    %scan3A_20 = arith.constant 1 : i32
    scf.for %scan3A_23 = %scan3A_17 to %scan3A_19 step %scan3A_20  : i32 {
      %rem3A = arith.constant 2 : i32
      %rem3A_24 = arith.remsi %scan3A_23, %rem3A : i32
      %dma_wait3A = arith.constant 0 : i32
      %dma_wait3A_25 = arith.constant 0 : i32
      %dma_wait3A_26 = arith.constant 0 : i32
      %dma_wait3A_27 = tpu.memref_slice %arg9[%dma_wait3A, %dma_wait3A_25, %dma_wait3A_26] : memref<2x2000x16xf32, #tpu.memory_space<vmem>> -> memref<1x2000x16xf32, #tpu.memory_space<vmem>>
      %dma_wait3A_28 = tpu.memref_squeeze %dma_wait3A_27 : memref<1x2000x16xf32, #tpu.memory_space<vmem>> -> memref<2000x16xf32, #tpu.memory_space<vmem>>
      %dma_wait3A_29 = arith.constant 0 : i32
      %dma_wait3A_30 = arith.constant 0 : i32
      %dma_wait3A_31 = tpu.memref_slice %arg2[%dma_wait3A_29, %dma_wait3A_30] : memref<320000x16xf32, #tpu.memory_space<hbm>> -> memref<2000x16xf32, #tpu.memory_space<hbm>>
      %dma_wait3A_32 = arith.constant 0 : i32
      %dma_wait3A_33 = arith.constant 0 : i32
      %dma_wait3A_34 = tpu.memref_slice %arg9[%dma_wait3A, %dma_wait3A_32, %dma_wait3A_33] : memref<2x2000x16xf32, #tpu.memory_space<vmem>> -> memref<1x2000x16xf32, #tpu.memory_space<vmem>>
      %dma_wait3A_35 = tpu.memref_squeeze %dma_wait3A_34 : memref<1x2000x16xf32, #tpu.memory_space<vmem>> -> memref<2000x16xf32, #tpu.memory_space<vmem>>
      %dma_wait3A_36 = arith.constant 0 : i32
      %dma_wait3A_37 = arith.constant 0 : i32
      %dma_wait3A_38 = tpu.memref_slice %arg2[%dma_wait3A_36, %dma_wait3A_37] : memref<320000x16xf32, #tpu.memory_space<hbm>> -> memref<2000x16xf32, #tpu.memory_space<hbm>>
      tpu.wait_dma2 semaphore(%arg13 : memref<!tpu.dma_semaphore, #tpu.memory_space<semaphore_mem>>) src(%dma_wait3A_38 : memref<2000x16xf32, #tpu.memory_space<hbm>>) dst(%dma_wait3A_35 : memref<2000x16xf32, #tpu.memory_space<vmem>>)
      %add3A_39 = arith.constant 1 : i32
      %add3A_40 = arith.addi %scan3A_23, %add3A_39 : i32
      %lt3A = arith.constant 5 : i32
      %lt3A_41 = arith.cmpi slt, %add3A_40, %lt3A : i32
      %convert_element_type3A = arith.extui %lt3A_41 : i1 to i32
      %cond3A = arith.constant 0 : i32
      %cond3A_42 = arith.cmpi ne, %convert_element_type3A, %cond3A : i32
      scf.if %cond3A_42 {
        %add3A_79 = arith.constant 1 : i32
        %add3A_80 = arith.addi %scan3A_23, %add3A_79 : i32
        %mul3A_81 = arith.constant 2000 : i32
        %mul3A_82 = arith.muli %add3A_80, %mul3A_81 : i32
        %add3A_83 = arith.addi %mul3A_2, %mul3A_82 : i32
        %sub3A = arith.constant 1 : i32
        %sub3A_84 = arith.subi %sub3A, %rem3A_24 : i32
        %dma_start3A_85 = arith.constant 0 : i32
        %dma_start3A_86 = arith.constant 0 : i32
        %dma_start3A_87 = tpu.memref_slice %arg9[%sub3A_84, %dma_start3A_85, %dma_start3A_86] : memref<2x2000x16xf32, #tpu.memory_space<vmem>> -> memref<1x2000x16xf32, #tpu.memory_space<vmem>>
        %dma_start3A_88 = tpu.memref_squeeze %dma_start3A_87 : memref<1x2000x16xf32, #tpu.memory_space<vmem>> -> memref<2000x16xf32, #tpu.memory_space<vmem>>
        %dma_start3A_89 = arith.constant 0 : i32
        %dma_start3A_90 = tpu.memref_slice %arg2[%add3A_83, %dma_start3A_89] : memref<320000x16xf32, #tpu.memory_space<hbm>> -> memref<2000x16xf32, #tpu.memory_space<hbm>>
        %dma_start3A_91 = arith.constant 0 : i32
        %dma_start3A_92 = arith.constant 0 : i32
        %dma_start3A_93 = tpu.memref_slice %arg9[%sub3A_84, %dma_start3A_91, %dma_start3A_92] : memref<2x2000x16xf32, #tpu.memory_space<vmem>> -> memref<1x2000x16xf32, #tpu.memory_space<vmem>>
        %dma_start3A_94 = tpu.memref_squeeze %dma_start3A_93 : memref<1x2000x16xf32, #tpu.memory_space<vmem>> -> memref<2000x16xf32, #tpu.memory_space<vmem>>
        %dma_start3A_95 = arith.constant 0 : i32
        %dma_start3A_96 = tpu.memref_slice %arg2[%add3A_83, %dma_start3A_95] : memref<320000x16xf32, #tpu.memory_space<hbm>> -> memref<2000x16xf32, #tpu.memory_space<hbm>>
        tpu.enqueue_dma source(%dma_start3A_96 : memref<2000x16xf32, #tpu.memory_space<hbm>>) target(%dma_start3A_94 : memref<2000x16xf32, #tpu.memory_space<vmem>>) target_semaphore(%arg13 : memref<!tpu.dma_semaphore, #tpu.memory_space<semaphore_mem>>)
      } else {
      }
      %scan3A_43 = arith.constant 0 : i32
      %scan3A_44 = arith.constant 0 : i32
      %scan3A_45 = arith.constant 25 : i32
      %scan3A_46 = arith.addi %scan3A_44, %scan3A_45 : i32
      %scan3A_47 = arith.constant 1 : i32
      scf.for %scan3A_79 = %scan3A_44 to %scan3A_46 step %scan3A_47  : i32 {
        %mul3A_80 = arith.constant 25 : i32
        %mul3A_81 = arith.muli %scan3A_23, %mul3A_80 : i32
        %add3A_82 = arith.addi %mul3A_81, %scan3A_79 : i32
        %mul3A_83 = arith.constant 80 : i32
        %mul3A_84 = arith.muli %scan3A_79, %mul3A_83 : i32
        %dma_start3A_85 = arith.constant 0 : i32
        %dma_start3A_86 = tpu.memref_slice %arg9[%rem3A_24, %mul3A_84, %dma_start3A_85] : memref<2x2000x16xf32, #tpu.memory_space<vmem>> -> memref<1x80x16xf32, #tpu.memory_space<vmem>>
        %dma_start3A_87 = tpu.memref_squeeze %dma_start3A_86 : memref<1x80x16xf32, #tpu.memory_space<vmem>> -> memref<80x16xf32, #tpu.memory_space<vmem>>
        %dma_start3A_88 = arith.constant 0 : i32
        %dma_start3A_89 = tpu.memref_slice %arg8[%add3A_82, %dma_start3A_88] : memref<125x80xi32, #tpu.memory_space<vmem>> -> memref<1x80xi32, #tpu.memory_space<vmem>>
        %dma_start3A_90 = tpu.memref_squeeze %dma_start3A_89 : memref<1x80xi32, #tpu.memory_space<vmem>> -> memref<80xi32, #tpu.memory_space<vmem>>
        %dma_start3A_91 = arith.constant 0 : i32
        %dma_start3A_92 = arith.constant 0 : i32
        %dma_start3A_93 = tpu.memref_slice %arg11[%dma_start3A_91, %dma_start3A_92] : memref<10000x16xf32, #tpu.memory_space<vmem_shared>> -> memref<10000x16xf32, #tpu.memory_space<vmem_shared>>
        tpu.enqueue_indirect_dma source(%dma_start3A_87 : memref<80x16xf32, #tpu.memory_space<vmem>>) target(%dma_start3A_93 : memref<10000x16xf32, #tpu.memory_space<vmem_shared>>) offsets(%dma_start3A_90 : memref<80xi32, #tpu.memory_space<vmem>>) semaphore(%arg14 : memref<!tpu.dma_semaphore, #tpu.memory_space<semaphore_mem>>) {add = true}
        %dma_start3A_94 = arith.constant 0 : i32
        %dma_start3A_95 = tpu.memref_slice %arg8[%add3A_82, %dma_start3A_94] : memref<125x80xi32, #tpu.memory_space<vmem>> -> memref<1x80xi32, #tpu.memory_space<vmem>>
        %dma_start3A_96 = tpu.memref_squeeze %dma_start3A_95 : memref<1x80xi32, #tpu.memory_space<vmem>> -> memref<80xi32, #tpu.memory_space<vmem>>
        %dma_start3A_97 = arith.constant 0 : i32
        %dma_start3A_98 = arith.constant 0 : i32
        %dma_start3A_99 = tpu.memref_slice %arg12[%dma_start3A_97, %dma_start3A_98] : memref<10000x16xf32, #tpu.memory_space<vmem_shared>> -> memref<10000x16xf32, #tpu.memory_space<vmem_shared>>
        tpu.enqueue_indirect_dma source(%arg10 : memref<80x16xf32, #tpu.memory_space<vmem>>) target(%dma_start3A_99 : memref<10000x16xf32, #tpu.memory_space<vmem_shared>>) offsets(%dma_start3A_96 : memref<80xi32, #tpu.memory_space<vmem>>) semaphore(%arg14 : memref<!tpu.dma_semaphore, #tpu.memory_space<semaphore_mem>>) {add = true}
      }
      %scan3A_48 = arith.constant 25 : i32
      %dma_wait3A_49 = arith.constant 0 : i32
      %dma_wait3A_50 = arith.constant 0 : i32
      %dma_wait3A_51 = arith.constant 0 : i32
      %dma_wait3A_52 = tpu.memref_slice %arg9[%dma_wait3A_49, %dma_wait3A_50, %dma_wait3A_51] : memref<2x2000x16xf32, #tpu.memory_space<vmem>> -> memref<1x2000x16xf32, #tpu.memory_space<vmem>>
      %dma_wait3A_53 = tpu.memref_squeeze %dma_wait3A_52 : memref<1x2000x16xf32, #tpu.memory_space<vmem>> -> memref<2000x16xf32, #tpu.memory_space<vmem>>
      %dma_wait3A_54 = arith.constant 0 : i32
      %dma_wait3A_55 = arith.constant 0 : i32
      %dma_wait3A_56 = tpu.memref_slice %arg2[%dma_wait3A_54, %dma_wait3A_55] : memref<320000x16xf32, #tpu.memory_space<hbm>> -> memref<2000x16xf32, #tpu.memory_space<hbm>>
      %dma_wait3A_57 = arith.constant 0 : i32
      %dma_wait3A_58 = arith.constant 0 : i32
      %dma_wait3A_59 = tpu.memref_slice %arg9[%dma_wait3A_49, %dma_wait3A_57, %dma_wait3A_58] : memref<2x2000x16xf32, #tpu.memory_space<vmem>> -> memref<1x2000x16xf32, #tpu.memory_space<vmem>>
      %dma_wait3A_60 = tpu.memref_squeeze %dma_wait3A_59 : memref<1x2000x16xf32, #tpu.memory_space<vmem>> -> memref<2000x16xf32, #tpu.memory_space<vmem>>
      %dma_wait3A_61 = arith.constant 0 : i32
      %dma_wait3A_62 = arith.constant 0 : i32
      %dma_wait3A_63 = tpu.memref_slice %arg2[%dma_wait3A_61, %dma_wait3A_62] : memref<320000x16xf32, #tpu.memory_space<hbm>> -> memref<2000x16xf32, #tpu.memory_space<hbm>>
      tpu.wait_dma2 semaphore(%arg14 : memref<!tpu.dma_semaphore, #tpu.memory_space<semaphore_mem>>) src(%dma_wait3A_63 : memref<2000x16xf32, #tpu.memory_space<hbm>>) dst(%dma_wait3A_60 : memref<2000x16xf32, #tpu.memory_space<vmem>>)
      %dma_wait3A_64 = arith.constant 0 : i32
      %dma_wait3A_65 = arith.constant 0 : i32
      %dma_wait3A_66 = arith.constant 0 : i32
      %dma_wait3A_67 = tpu.memref_slice %arg9[%dma_wait3A_64, %dma_wait3A_65, %dma_wait3A_66] : memref<2x2000x16xf32, #tpu.memory_space<vmem>> -> memref<1x2000x16xf32, #tpu.memory_space<vmem>>
      %dma_wait3A_68 = tpu.memref_squeeze %dma_wait3A_67 : memref<1x2000x16xf32, #tpu.memory_space<vmem>> -> memref<2000x16xf32, #tpu.memory_space<vmem>>
      %dma_wait3A_69 = arith.constant 0 : i32
      %dma_wait3A_70 = arith.constant 0 : i32
      %dma_wait3A_71 = tpu.memref_slice %arg2[%dma_wait3A_69, %dma_wait3A_70] : memref<320000x16xf32, #tpu.memory_space<hbm>> -> memref<2000x16xf32, #tpu.memory_space<hbm>>
      %dma_wait3A_72 = arith.constant 0 : i32
      %dma_wait3A_73 = arith.constant 0 : i32
      %dma_wait3A_74 = tpu.memref_slice %arg9[%dma_wait3A_64, %dma_wait3A_72, %dma_wait3A_73] : memref<2x2000x16xf32, #tpu.memory_space<vmem>> -> memref<1x2000x16xf32, #tpu.memory_space<vmem>>
      %dma_wait3A_75 = tpu.memref_squeeze %dma_wait3A_74 : memref<1x2000x16xf32, #tpu.memory_space<vmem>> -> memref<2000x16xf32, #tpu.memory_space<vmem>>
      %dma_wait3A_76 = arith.constant 0 : i32
      %dma_wait3A_77 = arith.constant 0 : i32
      %dma_wait3A_78 = tpu.memref_slice %arg2[%dma_wait3A_76, %dma_wait3A_77] : memref<320000x16xf32, #tpu.memory_space<hbm>> -> memref<2000x16xf32, #tpu.memory_space<hbm>>
      tpu.wait_dma2 semaphore(%arg14 : memref<!tpu.dma_semaphore, #tpu.memory_space<semaphore_mem>>) src(%dma_wait3A_78 : memref<2000x16xf32, #tpu.memory_space<hbm>>) dst(%dma_wait3A_75 : memref<2000x16xf32, #tpu.memory_space<vmem>>)
    }
    %scan3A_21 = arith.constant 5 : i32
    %barrier3A_22 = arith.constant 0 : index
    tpu.barrier barrier_id(%barrier3A_22)
    "tpu.region"() ({
      %run_scoped3A = tpu.sem_alloc : memref<!tpu.dma_semaphore, #tpu.memory_space<semaphore_mem>>
      %dma_start3A_23 = arith.constant 0 : i32
      %dma_start3A_24 = tpu.memref_slice %arg6[%arg0, %mul3A_4, %dma_start3A_23] : memref<2x10000x16xf32, #tpu.memory_space<hbm>> -> memref<1x625x16xf32, #tpu.memory_space<hbm>>
      %dma_start3A_25 = tpu.memref_squeeze %dma_start3A_24 : memref<1x625x16xf32, #tpu.memory_space<hbm>> -> memref<625x16xf32, #tpu.memory_space<hbm>>
      %dma_start3A_26 = arith.constant 0 : i32
      %dma_start3A_27 = tpu.memref_slice %arg11[%mul3A_4, %dma_start3A_26] : memref<10000x16xf32, #tpu.memory_space<vmem_shared>> -> memref<625x16xf32, #tpu.memory_space<vmem_shared>>
      tpu.enqueue_dma source(%dma_start3A_27 : memref<625x16xf32, #tpu.memory_space<vmem_shared>>) target(%dma_start3A_25 : memref<625x16xf32, #tpu.memory_space<hbm>>) target_semaphore(%run_scoped3A : memref<!tpu.dma_semaphore, #tpu.memory_space<semaphore_mem>>)
      %dma_wait3A = arith.constant 0 : i32
      %dma_wait3A_28 = tpu.memref_slice %arg6[%arg0, %mul3A_4, %dma_wait3A] : memref<2x10000x16xf32, #tpu.memory_space<hbm>> -> memref<1x625x16xf32, #tpu.memory_space<hbm>>
      %dma_wait3A_29 = tpu.memref_squeeze %dma_wait3A_28 : memref<1x625x16xf32, #tpu.memory_space<hbm>> -> memref<625x16xf32, #tpu.memory_space<hbm>>
      %dma_wait3A_30 = arith.constant 0 : i32
      %dma_wait3A_31 = tpu.memref_slice %arg11[%mul3A_4, %dma_wait3A_30] : memref<10000x16xf32, #tpu.memory_space<vmem_shared>> -> memref<625x16xf32, #tpu.memory_space<vmem_shared>>
      tpu.wait_dma2 semaphore(%run_scoped3A : memref<!tpu.dma_semaphore, #tpu.memory_space<semaphore_mem>>) src(%dma_wait3A_31 : memref<625x16xf32, #tpu.memory_space<vmem_shared>>) dst(%dma_wait3A_29 : memref<625x16xf32, #tpu.memory_space<hbm>>)
      tpu.yield
    }) : () -> ()
    "tpu.region"() ({
      %run_scoped3A = tpu.sem_alloc : memref<!tpu.dma_semaphore, #tpu.memory_space<semaphore_mem>>
      %dma_start3A_23 = arith.constant 0 : i32
      %dma_start3A_24 = tpu.memref_slice %arg7[%arg0, %mul3A_4, %dma_start3A_23] : memref<2x10000x16xf32, #tpu.memory_space<hbm>> -> memref<1x625x16xf32, #tpu.memory_space<hbm>>
      %dma_start3A_25 = tpu.memref_squeeze %dma_start3A_24 : memref<1x625x16xf32, #tpu.memory_space<hbm>> -> memref<625x16xf32, #tpu.memory_space<hbm>>
      %dma_start3A_26 = arith.constant 0 : i32
      %dma_start3A_27 = tpu.memref_slice %arg12[%mul3A_4, %dma_start3A_26] : memref<10000x16xf32, #tpu.memory_space<vmem_shared>> -> memref<625x16xf32, #tpu.memory_space<vmem_shared>>
      tpu.enqueue_dma source(%dma_start3A_27 : memref<625x16xf32, #tpu.memory_space<vmem_shared>>) target(%dma_start3A_25 : memref<625x16xf32, #tpu.memory_space<hbm>>) target_semaphore(%run_scoped3A : memref<!tpu.dma_semaphore, #tpu.memory_space<semaphore_mem>>)
      %dma_wait3A = arith.constant 0 : i32
      %dma_wait3A_28 = tpu.memref_slice %arg7[%arg0, %mul3A_4, %dma_wait3A] : memref<2x10000x16xf32, #tpu.memory_space<hbm>> -> memref<1x625x16xf32, #tpu.memory_space<hbm>>
      %dma_wait3A_29 = tpu.memref_squeeze %dma_wait3A_28 : memref<1x625x16xf32, #tpu.memory_space<hbm>> -> memref<625x16xf32, #tpu.memory_space<hbm>>
      %dma_wait3A_30 = arith.constant 0 : i32
      %dma_wait3A_31 = tpu.memref_slice %arg12[%mul3A_4, %dma_wait3A_30] : memref<10000x16xf32, #tpu.memory_space<vmem_shared>> -> memref<625x16xf32, #tpu.memory_space<vmem_shared>>
      tpu.wait_dma2 semaphore(%run_scoped3A : memref<!tpu.dma_semaphore, #tpu.memory_space<semaphore_mem>>) src(%dma_wait3A_31 : memref<625x16xf32, #tpu.memory_space<vmem_shared>>) dst(%dma_wait3A_29 : memref<625x16xf32, #tpu.memory_space<hbm>>)
      tpu.yield
    }) : () -> ()
    return
  }
}

#map = affine_map<(d0, d1) -> (0, 0)>
#map1 = affine_map<(d0, d1) -> (0, 0, 0)>
module attributes {stable_mosaic.version = 14 : i64} {
  func.func @scatter(%arg0: i32, %arg1: i32, %arg2: memref<320000x16xf32, #tpu.memory_space<hbm>>, %arg3: memref<32x125x80xi32, #tpu.memory_space<hbm>>, %arg4: memref<10000x16xf32, #tpu.memory_space<hbm>>, %arg5: memref<2x10000x16xf32, #tpu.memory_space<hbm>>, %arg6: memref<125x80xi32, #tpu.memory_space<vmem>>, %arg7: memref<2x2000x16xf32, #tpu.memory_space<vmem>>, %arg8: memref<10000x16xf32, #tpu.memory_space<vmem_shared>>, %arg9: memref<!tpu.dma_semaphore, #tpu.memory_space<semaphore_mem>>, %arg10: memref<!tpu.dma_semaphore, #tpu.memory_space<semaphore_mem>>) attributes {dimension_semantics = [#tpu.dimension_semantics<core_parallel>, #tpu.dimension_semantics<subcore_parallel>], iteration_bounds = array<i64: 2, 16>, scalar_prefetch = 0 : i64, scratch_operands = 5 : i64, tpu.core_type = #tpu.core_type<sc_vector_subcore>, window_params = [{transform_indices = #map}, {transform_indices = #map1}, {transform_indices = #map}, {transform_indices = #map1}]} {
    %mul3A = arith.constant 2 : i32
    %mul3A_0 = arith.muli %arg1, %mul3A : i32
    %add3A = arith.addi %mul3A_0, %arg0 : i32
    %mul3A_1 = arith.constant 10000 : i32
    %mul3A_2 = arith.muli %add3A, %mul3A_1 : i32
    %mul3A_3 = arith.constant 625 : i32
    %mul3A_4 = arith.muli %arg1, %mul3A_3 : i32
    "tpu.region"() ({
      %run_scoped3A = tpu.sem_alloc : memref<!tpu.dma_semaphore, #tpu.memory_space<semaphore_mem>>
      %dma_start3A_23 = arith.constant 0 : i32
      %dma_start3A_24 = tpu.memref_slice %arg8[%mul3A_4, %dma_start3A_23] : memref<10000x16xf32, #tpu.memory_space<vmem_shared>> -> memref<625x16xf32, #tpu.memory_space<vmem_shared>>
      %dma_start3A_25 = arith.constant 0 : i32
      %dma_start3A_26 = tpu.memref_slice %arg4[%mul3A_4, %dma_start3A_25] : memref<10000x16xf32, #tpu.memory_space<hbm>> -> memref<625x16xf32, #tpu.memory_space<hbm>>
      tpu.enqueue_dma source(%dma_start3A_26 : memref<625x16xf32, #tpu.memory_space<hbm>>) target(%dma_start3A_24 : memref<625x16xf32, #tpu.memory_space<vmem_shared>>) target_semaphore(%run_scoped3A : memref<!tpu.dma_semaphore, #tpu.memory_space<semaphore_mem>>)
      %dma_wait3A = arith.constant 0 : i32
      %dma_wait3A_27 = tpu.memref_slice %arg8[%mul3A_4, %dma_wait3A] : memref<10000x16xf32, #tpu.memory_space<vmem_shared>> -> memref<625x16xf32, #tpu.memory_space<vmem_shared>>
      %dma_wait3A_28 = arith.constant 0 : i32
      %dma_wait3A_29 = tpu.memref_slice %arg4[%mul3A_4, %dma_wait3A_28] : memref<10000x16xf32, #tpu.memory_space<hbm>> -> memref<625x16xf32, #tpu.memory_space<hbm>>
      tpu.wait_dma2 semaphore(%run_scoped3A : memref<!tpu.dma_semaphore, #tpu.memory_space<semaphore_mem>>) src(%dma_wait3A_29 : memref<625x16xf32, #tpu.memory_space<hbm>>) dst(%dma_wait3A_27 : memref<625x16xf32, #tpu.memory_space<vmem_shared>>)
      tpu.yield
    }) : () -> ()
    "tpu.region"() ({
      %run_scoped3A = tpu.sem_alloc : memref<!tpu.dma_semaphore, #tpu.memory_space<semaphore_mem>>
      %dma_start3A_23 = arith.constant 0 : i32
      %dma_start3A_24 = arith.constant 0 : i32
      %dma_start3A_25 = tpu.memref_slice %arg3[%add3A, %dma_start3A_23, %dma_start3A_24] : memref<32x125x80xi32, #tpu.memory_space<hbm>> -> memref<1x125x80xi32, #tpu.memory_space<hbm>>
      %dma_start3A_26 = tpu.memref_squeeze %dma_start3A_25 : memref<1x125x80xi32, #tpu.memory_space<hbm>> -> memref<125x80xi32, #tpu.memory_space<hbm>>
      %dma_start3A_27 = arith.constant 0 : i32
      %dma_start3A_28 = arith.constant 0 : i32
      %dma_start3A_29 = tpu.memref_slice %arg3[%add3A, %dma_start3A_27, %dma_start3A_28] : memref<32x125x80xi32, #tpu.memory_space<hbm>> -> memref<1x125x80xi32, #tpu.memory_space<hbm>>
      %dma_start3A_30 = tpu.memref_squeeze %dma_start3A_29 : memref<1x125x80xi32, #tpu.memory_space<hbm>> -> memref<125x80xi32, #tpu.memory_space<hbm>>
      tpu.enqueue_dma source(%dma_start3A_30 : memref<125x80xi32, #tpu.memory_space<hbm>>) target(%arg6 : memref<125x80xi32, #tpu.memory_space<vmem>>) target_semaphore(%run_scoped3A : memref<!tpu.dma_semaphore, #tpu.memory_space<semaphore_mem>>)
      %dma_wait3A = arith.constant 0 : i32
      %dma_wait3A_31 = arith.constant 0 : i32
      %dma_wait3A_32 = tpu.memref_slice %arg3[%add3A, %dma_wait3A, %dma_wait3A_31] : memref<32x125x80xi32, #tpu.memory_space<hbm>> -> memref<1x125x80xi32, #tpu.memory_space<hbm>>
      %dma_wait3A_33 = tpu.memref_squeeze %dma_wait3A_32 : memref<1x125x80xi32, #tpu.memory_space<hbm>> -> memref<125x80xi32, #tpu.memory_space<hbm>>
      %dma_wait3A_34 = arith.constant 0 : i32
      %dma_wait3A_35 = arith.constant 0 : i32
      %dma_wait3A_36 = tpu.memref_slice %arg3[%add3A, %dma_wait3A_34, %dma_wait3A_35] : memref<32x125x80xi32, #tpu.memory_space<hbm>> -> memref<1x125x80xi32, #tpu.memory_space<hbm>>
      %dma_wait3A_37 = tpu.memref_squeeze %dma_wait3A_36 : memref<1x125x80xi32, #tpu.memory_space<hbm>> -> memref<125x80xi32, #tpu.memory_space<hbm>>
      tpu.wait_dma2 semaphore(%run_scoped3A : memref<!tpu.dma_semaphore, #tpu.memory_space<semaphore_mem>>) src(%dma_wait3A_37 : memref<125x80xi32, #tpu.memory_space<hbm>>) dst(%arg6 : memref<125x80xi32, #tpu.memory_space<vmem>>)
      tpu.yield
    }) : () -> ()
    %barrier3A = arith.constant 0 : index
    tpu.barrier barrier_id(%barrier3A)
    %dma_start3A = arith.constant 0 : i32
    %dma_start3A_5 = arith.constant 0 : i32
    %dma_start3A_6 = arith.constant 0 : i32
    %dma_start3A_7 = tpu.memref_slice %arg7[%dma_start3A, %dma_start3A_5, %dma_start3A_6] : memref<2x2000x16xf32, #tpu.memory_space<vmem>> -> memref<1x2000x16xf32, #tpu.memory_space<vmem>>
    %dma_start3A_8 = tpu.memref_squeeze %dma_start3A_7 : memref<1x2000x16xf32, #tpu.memory_space<vmem>> -> memref<2000x16xf32, #tpu.memory_space<vmem>>
    %dma_start3A_9 = arith.constant 0 : i32
    %dma_start3A_10 = tpu.memref_slice %arg2[%mul3A_2, %dma_start3A_9] : memref<320000x16xf32, #tpu.memory_space<hbm>> -> memref<2000x16xf32, #tpu.memory_space<hbm>>
    %dma_start3A_11 = arith.constant 0 : i32
    %dma_start3A_12 = arith.constant 0 : i32
    %dma_start3A_13 = tpu.memref_slice %arg7[%dma_start3A, %dma_start3A_11, %dma_start3A_12] : memref<2x2000x16xf32, #tpu.memory_space<vmem>> -> memref<1x2000x16xf32, #tpu.memory_space<vmem>>
    %dma_start3A_14 = tpu.memref_squeeze %dma_start3A_13 : memref<1x2000x16xf32, #tpu.memory_space<vmem>> -> memref<2000x16xf32, #tpu.memory_space<vmem>>
    %dma_start3A_15 = arith.constant 0 : i32
    %dma_start3A_16 = tpu.memref_slice %arg2[%mul3A_2, %dma_start3A_15] : memref<320000x16xf32, #tpu.memory_space<hbm>> -> memref<2000x16xf32, #tpu.memory_space<hbm>>
    tpu.enqueue_dma source(%dma_start3A_16 : memref<2000x16xf32, #tpu.memory_space<hbm>>) target(%dma_start3A_14 : memref<2000x16xf32, #tpu.memory_space<vmem>>) target_semaphore(%arg9 : memref<!tpu.dma_semaphore, #tpu.memory_space<semaphore_mem>>)
    %scan3A = arith.constant 0 : i32
    %scan3A_17 = arith.constant 0 : i32
    %scan3A_18 = arith.constant 5 : i32
    %scan3A_19 = arith.addi %scan3A_17, %scan3A_18 : i32
    %scan3A_20 = arith.constant 1 : i32
    scf.for %scan3A_23 = %scan3A_17 to %scan3A_19 step %scan3A_20  : i32 {
      %rem3A = arith.constant 2 : i32
      %rem3A_24 = arith.remsi %scan3A_23, %rem3A : i32
      %dma_wait3A = arith.constant 0 : i32
      %dma_wait3A_25 = arith.constant 0 : i32
      %dma_wait3A_26 = arith.constant 0 : i32
      %dma_wait3A_27 = tpu.memref_slice %arg7[%dma_wait3A, %dma_wait3A_25, %dma_wait3A_26] : memref<2x2000x16xf32, #tpu.memory_space<vmem>> -> memref<1x2000x16xf32, #tpu.memory_space<vmem>>
      %dma_wait3A_28 = tpu.memref_squeeze %dma_wait3A_27 : memref<1x2000x16xf32, #tpu.memory_space<vmem>> -> memref<2000x16xf32, #tpu.memory_space<vmem>>
      %dma_wait3A_29 = arith.constant 0 : i32
      %dma_wait3A_30 = arith.constant 0 : i32
      %dma_wait3A_31 = tpu.memref_slice %arg2[%dma_wait3A_29, %dma_wait3A_30] : memref<320000x16xf32, #tpu.memory_space<hbm>> -> memref<2000x16xf32, #tpu.memory_space<hbm>>
      %dma_wait3A_32 = arith.constant 0 : i32
      %dma_wait3A_33 = arith.constant 0 : i32
      %dma_wait3A_34 = tpu.memref_slice %arg7[%dma_wait3A, %dma_wait3A_32, %dma_wait3A_33] : memref<2x2000x16xf32, #tpu.memory_space<vmem>> -> memref<1x2000x16xf32, #tpu.memory_space<vmem>>
      %dma_wait3A_35 = tpu.memref_squeeze %dma_wait3A_34 : memref<1x2000x16xf32, #tpu.memory_space<vmem>> -> memref<2000x16xf32, #tpu.memory_space<vmem>>
      %dma_wait3A_36 = arith.constant 0 : i32
      %dma_wait3A_37 = arith.constant 0 : i32
      %dma_wait3A_38 = tpu.memref_slice %arg2[%dma_wait3A_36, %dma_wait3A_37] : memref<320000x16xf32, #tpu.memory_space<hbm>> -> memref<2000x16xf32, #tpu.memory_space<hbm>>
      tpu.wait_dma2 semaphore(%arg9 : memref<!tpu.dma_semaphore, #tpu.memory_space<semaphore_mem>>) src(%dma_wait3A_38 : memref<2000x16xf32, #tpu.memory_space<hbm>>) dst(%dma_wait3A_35 : memref<2000x16xf32, #tpu.memory_space<vmem>>)
      %add3A_39 = arith.constant 1 : i32
      %add3A_40 = arith.addi %scan3A_23, %add3A_39 : i32
      %lt3A = arith.constant 5 : i32
      %lt3A_41 = arith.cmpi slt, %add3A_40, %lt3A : i32
      %convert_element_type3A = arith.extui %lt3A_41 : i1 to i32
      %cond3A = arith.constant 0 : i32
      %cond3A_42 = arith.cmpi ne, %convert_element_type3A, %cond3A : i32
      scf.if %cond3A_42 {
        %add3A_64 = arith.constant 1 : i32
        %add3A_65 = arith.addi %scan3A_23, %add3A_64 : i32
        %mul3A_66 = arith.constant 2000 : i32
        %mul3A_67 = arith.muli %add3A_65, %mul3A_66 : i32
        %add3A_68 = arith.addi %mul3A_2, %mul3A_67 : i32
        %sub3A = arith.constant 1 : i32
        %sub3A_69 = arith.subi %sub3A, %rem3A_24 : i32
        %dma_start3A_70 = arith.constant 0 : i32
        %dma_start3A_71 = arith.constant 0 : i32
        %dma_start3A_72 = tpu.memref_slice %arg7[%sub3A_69, %dma_start3A_70, %dma_start3A_71] : memref<2x2000x16xf32, #tpu.memory_space<vmem>> -> memref<1x2000x16xf32, #tpu.memory_space<vmem>>
        %dma_start3A_73 = tpu.memref_squeeze %dma_start3A_72 : memref<1x2000x16xf32, #tpu.memory_space<vmem>> -> memref<2000x16xf32, #tpu.memory_space<vmem>>
        %dma_start3A_74 = arith.constant 0 : i32
        %dma_start3A_75 = tpu.memref_slice %arg2[%add3A_68, %dma_start3A_74] : memref<320000x16xf32, #tpu.memory_space<hbm>> -> memref<2000x16xf32, #tpu.memory_space<hbm>>
        %dma_start3A_76 = arith.constant 0 : i32
        %dma_start3A_77 = arith.constant 0 : i32
        %dma_start3A_78 = tpu.memref_slice %arg7[%sub3A_69, %dma_start3A_76, %dma_start3A_77] : memref<2x2000x16xf32, #tpu.memory_space<vmem>> -> memref<1x2000x16xf32, #tpu.memory_space<vmem>>
        %dma_start3A_79 = tpu.memref_squeeze %dma_start3A_78 : memref<1x2000x16xf32, #tpu.memory_space<vmem>> -> memref<2000x16xf32, #tpu.memory_space<vmem>>
        %dma_start3A_80 = arith.constant 0 : i32
        %dma_start3A_81 = tpu.memref_slice %arg2[%add3A_68, %dma_start3A_80] : memref<320000x16xf32, #tpu.memory_space<hbm>> -> memref<2000x16xf32, #tpu.memory_space<hbm>>
        tpu.enqueue_dma source(%dma_start3A_81 : memref<2000x16xf32, #tpu.memory_space<hbm>>) target(%dma_start3A_79 : memref<2000x16xf32, #tpu.memory_space<vmem>>) target_semaphore(%arg9 : memref<!tpu.dma_semaphore, #tpu.memory_space<semaphore_mem>>)
      } else {
      }
      %scan3A_43 = arith.constant 0 : i32
      %scan3A_44 = arith.constant 0 : i32
      %scan3A_45 = arith.constant 25 : i32
      %scan3A_46 = arith.addi %scan3A_44, %scan3A_45 : i32
      %scan3A_47 = arith.constant 1 : i32
      scf.for %scan3A_64 = %scan3A_44 to %scan3A_46 step %scan3A_47  : i32 {
        %mul3A_65 = arith.constant 25 : i32
        %mul3A_66 = arith.muli %scan3A_23, %mul3A_65 : i32
        %add3A_67 = arith.addi %mul3A_66, %scan3A_64 : i32
        %mul3A_68 = arith.constant 80 : i32
        %mul3A_69 = arith.muli %scan3A_64, %mul3A_68 : i32
        %dma_start3A_70 = arith.constant 0 : i32
        %dma_start3A_71 = tpu.memref_slice %arg7[%rem3A_24, %mul3A_69, %dma_start3A_70] : memref<2x2000x16xf32, #tpu.memory_space<vmem>> -> memref<1x80x16xf32, #tpu.memory_space<vmem>>
        %dma_start3A_72 = tpu.memref_squeeze %dma_start3A_71 : memref<1x80x16xf32, #tpu.memory_space<vmem>> -> memref<80x16xf32, #tpu.memory_space<vmem>>
        %dma_start3A_73 = arith.constant 0 : i32
        %dma_start3A_74 = tpu.memref_slice %arg6[%add3A_67, %dma_start3A_73] : memref<125x80xi32, #tpu.memory_space<vmem>> -> memref<1x80xi32, #tpu.memory_space<vmem>>
        %dma_start3A_75 = tpu.memref_squeeze %dma_start3A_74 : memref<1x80xi32, #tpu.memory_space<vmem>> -> memref<80xi32, #tpu.memory_space<vmem>>
        %dma_start3A_76 = arith.constant 0 : i32
        %dma_start3A_77 = arith.constant 0 : i32
        %dma_start3A_78 = tpu.memref_slice %arg8[%dma_start3A_76, %dma_start3A_77] : memref<10000x16xf32, #tpu.memory_space<vmem_shared>> -> memref<10000x16xf32, #tpu.memory_space<vmem_shared>>
        tpu.enqueue_indirect_dma source(%dma_start3A_72 : memref<80x16xf32, #tpu.memory_space<vmem>>) target(%dma_start3A_78 : memref<10000x16xf32, #tpu.memory_space<vmem_shared>>) offsets(%dma_start3A_75 : memref<80xi32, #tpu.memory_space<vmem>>) semaphore(%arg10 : memref<!tpu.dma_semaphore, #tpu.memory_space<semaphore_mem>>) {add = true}
      }
      %scan3A_48 = arith.constant 25 : i32
      %dma_wait3A_49 = arith.constant 0 : i32
      %dma_wait3A_50 = arith.constant 0 : i32
      %dma_wait3A_51 = arith.constant 0 : i32
      %dma_wait3A_52 = tpu.memref_slice %arg7[%dma_wait3A_49, %dma_wait3A_50, %dma_wait3A_51] : memref<2x2000x16xf32, #tpu.memory_space<vmem>> -> memref<1x2000x16xf32, #tpu.memory_space<vmem>>
      %dma_wait3A_53 = tpu.memref_squeeze %dma_wait3A_52 : memref<1x2000x16xf32, #tpu.memory_space<vmem>> -> memref<2000x16xf32, #tpu.memory_space<vmem>>
      %dma_wait3A_54 = arith.constant 0 : i32
      %dma_wait3A_55 = arith.constant 0 : i32
      %dma_wait3A_56 = tpu.memref_slice %arg2[%dma_wait3A_54, %dma_wait3A_55] : memref<320000x16xf32, #tpu.memory_space<hbm>> -> memref<2000x16xf32, #tpu.memory_space<hbm>>
      %dma_wait3A_57 = arith.constant 0 : i32
      %dma_wait3A_58 = arith.constant 0 : i32
      %dma_wait3A_59 = tpu.memref_slice %arg7[%dma_wait3A_49, %dma_wait3A_57, %dma_wait3A_58] : memref<2x2000x16xf32, #tpu.memory_space<vmem>> -> memref<1x2000x16xf32, #tpu.memory_space<vmem>>
      %dma_wait3A_60 = tpu.memref_squeeze %dma_wait3A_59 : memref<1x2000x16xf32, #tpu.memory_space<vmem>> -> memref<2000x16xf32, #tpu.memory_space<vmem>>
      %dma_wait3A_61 = arith.constant 0 : i32
      %dma_wait3A_62 = arith.constant 0 : i32
      %dma_wait3A_63 = tpu.memref_slice %arg2[%dma_wait3A_61, %dma_wait3A_62] : memref<320000x16xf32, #tpu.memory_space<hbm>> -> memref<2000x16xf32, #tpu.memory_space<hbm>>
      tpu.wait_dma2 semaphore(%arg10 : memref<!tpu.dma_semaphore, #tpu.memory_space<semaphore_mem>>) src(%dma_wait3A_63 : memref<2000x16xf32, #tpu.memory_space<hbm>>) dst(%dma_wait3A_60 : memref<2000x16xf32, #tpu.memory_space<vmem>>)
    }
    %scan3A_21 = arith.constant 5 : i32
    %barrier3A_22 = arith.constant 0 : index
    tpu.barrier barrier_id(%barrier3A_22)
    "tpu.region"() ({
      %run_scoped3A = tpu.sem_alloc : memref<!tpu.dma_semaphore, #tpu.memory_space<semaphore_mem>>
      %dma_start3A_23 = arith.constant 0 : i32
      %dma_start3A_24 = tpu.memref_slice %arg5[%arg0, %mul3A_4, %dma_start3A_23] : memref<2x10000x16xf32, #tpu.memory_space<hbm>> -> memref<1x625x16xf32, #tpu.memory_space<hbm>>
      %dma_start3A_25 = tpu.memref_squeeze %dma_start3A_24 : memref<1x625x16xf32, #tpu.memory_space<hbm>> -> memref<625x16xf32, #tpu.memory_space<hbm>>
      %dma_start3A_26 = arith.constant 0 : i32
      %dma_start3A_27 = tpu.memref_slice %arg8[%mul3A_4, %dma_start3A_26] : memref<10000x16xf32, #tpu.memory_space<vmem_shared>> -> memref<625x16xf32, #tpu.memory_space<vmem_shared>>
      tpu.enqueue_dma source(%dma_start3A_27 : memref<625x16xf32, #tpu.memory_space<vmem_shared>>) target(%dma_start3A_25 : memref<625x16xf32, #tpu.memory_space<hbm>>) target_semaphore(%run_scoped3A : memref<!tpu.dma_semaphore, #tpu.memory_space<semaphore_mem>>)
      %dma_wait3A = arith.constant 0 : i32
      %dma_wait3A_28 = tpu.memref_slice %arg5[%arg0, %mul3A_4, %dma_wait3A] : memref<2x10000x16xf32, #tpu.memory_space<hbm>> -> memref<1x625x16xf32, #tpu.memory_space<hbm>>
      %dma_wait3A_29 = tpu.memref_squeeze %dma_wait3A_28 : memref<1x625x16xf32, #tpu.memory_space<hbm>> -> memref<625x16xf32, #tpu.memory_space<hbm>>
      %dma_wait3A_30 = arith.constant 0 : i32
      %dma_wait3A_31 = tpu.memref_slice %arg8[%mul3A_4, %dma_wait3A_30] : memref<10000x16xf32, #tpu.memory_space<vmem_shared>> -> memref<625x16xf32, #tpu.memory_space<vmem_shared>>
      tpu.wait_dma2 semaphore(%run_scoped3A : memref<!tpu.dma_semaphore, #tpu.memory_space<semaphore_mem>>) src(%dma_wait3A_31 : memref<625x16xf32, #tpu.memory_space<vmem_shared>>) dst(%dma_wait3A_29 : memref<625x16xf32, #tpu.memory_space<hbm>>)
      tpu.yield
    }) : () -> ()
    return
  }
}

#map = affine_map<(d0, d1) -> (0, 0)>
#map1 = affine_map<(d0, d1) -> (0, 0, 0)>
module attributes {stable_mosaic.version = 14 : i64} {
  func.func @_sc_gather_body(%arg0: i32, %arg1: i32, %arg2: memref<10000x16xf32, #tpu.memory_space<hbm>>, %arg3: memref<32x125x80xi32, #tpu.memory_space<hbm>>, %arg4: memref<320000x16xf32, #tpu.memory_space<hbm>>, %arg5: memref<125x80xi32, #tpu.memory_space<vmem>>, %arg6: memref<2x2000x16xf32, #tpu.memory_space<vmem>>, %arg7: memref<!tpu.dma_semaphore, #tpu.memory_space<semaphore_mem>>, %arg8: memref<!tpu.dma_semaphore, #tpu.memory_space<semaphore_mem>>) attributes {dimension_semantics = [#tpu.dimension_semantics<core_parallel>, #tpu.dimension_semantics<subcore_parallel>], iteration_bounds = array<i64: 2, 16>, scalar_prefetch = 0 : i64, scratch_operands = 4 : i64, tpu.core_type = #tpu.core_type<sc_vector_subcore>, window_params = [{transform_indices = #map}, {transform_indices = #map1}, {transform_indices = #map}]} {
    %mul3A = arith.constant 2 : i32
    %mul3A_0 = arith.muli %arg1, %mul3A : i32
    %add3A = arith.addi %mul3A_0, %arg0 : i32
    %mul3A_1 = arith.constant 10000 : i32
    %mul3A_2 = arith.muli %add3A, %mul3A_1 : i32
    "tpu.region"() ({
      %run_scoped3A = tpu.sem_alloc : memref<!tpu.dma_semaphore, #tpu.memory_space<semaphore_mem>>
      %dma_start3A = arith.constant 0 : i32
      %dma_start3A_37 = arith.constant 0 : i32
      %dma_start3A_38 = tpu.memref_slice %arg3[%add3A, %dma_start3A, %dma_start3A_37] : memref<32x125x80xi32, #tpu.memory_space<hbm>> -> memref<1x125x80xi32, #tpu.memory_space<hbm>>
      %dma_start3A_39 = tpu.memref_squeeze %dma_start3A_38 : memref<1x125x80xi32, #tpu.memory_space<hbm>> -> memref<125x80xi32, #tpu.memory_space<hbm>>
      %dma_start3A_40 = arith.constant 0 : i32
      %dma_start3A_41 = arith.constant 0 : i32
      %dma_start3A_42 = tpu.memref_slice %arg3[%add3A, %dma_start3A_40, %dma_start3A_41] : memref<32x125x80xi32, #tpu.memory_space<hbm>> -> memref<1x125x80xi32, #tpu.memory_space<hbm>>
      %dma_start3A_43 = tpu.memref_squeeze %dma_start3A_42 : memref<1x125x80xi32, #tpu.memory_space<hbm>> -> memref<125x80xi32, #tpu.memory_space<hbm>>
      tpu.enqueue_dma source(%dma_start3A_43 : memref<125x80xi32, #tpu.memory_space<hbm>>) target(%arg5 : memref<125x80xi32, #tpu.memory_space<vmem>>) target_semaphore(%run_scoped3A : memref<!tpu.dma_semaphore, #tpu.memory_space<semaphore_mem>>)
      %dma_wait3A_44 = arith.constant 0 : i32
      %dma_wait3A_45 = arith.constant 0 : i32
      %dma_wait3A_46 = tpu.memref_slice %arg3[%add3A, %dma_wait3A_44, %dma_wait3A_45] : memref<32x125x80xi32, #tpu.memory_space<hbm>> -> memref<1x125x80xi32, #tpu.memory_space<hbm>>
      %dma_wait3A_47 = tpu.memref_squeeze %dma_wait3A_46 : memref<1x125x80xi32, #tpu.memory_space<hbm>> -> memref<125x80xi32, #tpu.memory_space<hbm>>
      %dma_wait3A_48 = arith.constant 0 : i32
      %dma_wait3A_49 = arith.constant 0 : i32
      %dma_wait3A_50 = tpu.memref_slice %arg3[%add3A, %dma_wait3A_48, %dma_wait3A_49] : memref<32x125x80xi32, #tpu.memory_space<hbm>> -> memref<1x125x80xi32, #tpu.memory_space<hbm>>
      %dma_wait3A_51 = tpu.memref_squeeze %dma_wait3A_50 : memref<1x125x80xi32, #tpu.memory_space<hbm>> -> memref<125x80xi32, #tpu.memory_space<hbm>>
      tpu.wait_dma2 semaphore(%run_scoped3A : memref<!tpu.dma_semaphore, #tpu.memory_space<semaphore_mem>>) src(%dma_wait3A_51 : memref<125x80xi32, #tpu.memory_space<hbm>>) dst(%arg5 : memref<125x80xi32, #tpu.memory_space<vmem>>)
      tpu.yield
    }) : () -> ()
    %scan3A = arith.constant 0 : i32
    %scan3A_3 = arith.constant 0 : i32
    %scan3A_4 = arith.constant 5 : i32
    %scan3A_5 = arith.addi %scan3A_3, %scan3A_4 : i32
    %scan3A_6 = arith.constant 1 : i32
    scf.for %scan3A_37 = %scan3A_3 to %scan3A_5 step %scan3A_6  : i32 {
      %rem3A = arith.constant 2 : i32
      %rem3A_38 = arith.remsi %scan3A_37, %rem3A : i32
      %ge3A = arith.constant 2 : i32
      %ge3A_39 = arith.cmpi sge, %scan3A_37, %ge3A : i32
      %convert_element_type3A = arith.extui %ge3A_39 : i1 to i32
      %cond3A = arith.constant 0 : i32
      %cond3A_40 = arith.cmpi ne, %convert_element_type3A, %cond3A : i32
      scf.if %cond3A_40 {
        %dma_wait3A_422 = arith.constant 0 : i32
        %dma_wait3A_423 = arith.constant 0 : i32
        %dma_wait3A_424 = arith.constant 0 : i32
        %dma_wait3A_425 = tpu.memref_slice %arg6[%dma_wait3A_422, %dma_wait3A_423, %dma_wait3A_424] : memref<2x2000x16xf32, #tpu.memory_space<vmem>> -> memref<1x2000x16xf32, #tpu.memory_space<vmem>>
        %dma_wait3A_426 = tpu.memref_squeeze %dma_wait3A_425 : memref<1x2000x16xf32, #tpu.memory_space<vmem>> -> memref<2000x16xf32, #tpu.memory_space<vmem>>
        %dma_wait3A_427 = arith.constant 0 : i32
        %dma_wait3A_428 = arith.constant 0 : i32
        %dma_wait3A_429 = tpu.memref_slice %arg4[%dma_wait3A_427, %dma_wait3A_428] : memref<320000x16xf32, #tpu.memory_space<hbm>> -> memref<2000x16xf32, #tpu.memory_space<hbm>>
        %dma_wait3A_430 = arith.constant 0 : i32
        %dma_wait3A_431 = arith.constant 0 : i32
        %dma_wait3A_432 = tpu.memref_slice %arg6[%dma_wait3A_422, %dma_wait3A_430, %dma_wait3A_431] : memref<2x2000x16xf32, #tpu.memory_space<vmem>> -> memref<1x2000x16xf32, #tpu.memory_space<vmem>>
        %dma_wait3A_433 = tpu.memref_squeeze %dma_wait3A_432 : memref<1x2000x16xf32, #tpu.memory_space<vmem>> -> memref<2000x16xf32, #tpu.memory_space<vmem>>
        %dma_wait3A_434 = arith.constant 0 : i32
        %dma_wait3A_435 = arith.constant 0 : i32
        %dma_wait3A_436 = tpu.memref_slice %arg4[%dma_wait3A_434, %dma_wait3A_435] : memref<320000x16xf32, #tpu.memory_space<hbm>> -> memref<2000x16xf32, #tpu.memory_space<hbm>>
        tpu.wait_dma2 semaphore(%arg8 : memref<!tpu.dma_semaphore, #tpu.memory_space<semaphore_mem>>) src(%dma_wait3A_436 : memref<2000x16xf32, #tpu.memory_space<hbm>>) dst(%dma_wait3A_433 : memref<2000x16xf32, #tpu.memory_space<vmem>>)
      } else {
      }
      %mul3A_41 = arith.constant 25 : i32
      %mul3A_42 = arith.muli %scan3A_37, %mul3A_41 : i32
      %add3A_43 = arith.constant 0 : i32
      %add3A_44 = arith.addi %mul3A_42, %add3A_43 : i32
      %dma_start3A = arith.constant 0 : i32
      %dma_start3A_45 = arith.constant 0 : i32
      %dma_start3A_46 = tpu.memref_slice %arg6[%rem3A_38, %dma_start3A, %dma_start3A_45] : memref<2x2000x16xf32, #tpu.memory_space<vmem>> -> memref<1x80x16xf32, #tpu.memory_space<vmem>>
      %dma_start3A_47 = tpu.memref_squeeze %dma_start3A_46 : memref<1x80x16xf32, #tpu.memory_space<vmem>> -> memref<80x16xf32, #tpu.memory_space<vmem>>
      %dma_start3A_48 = arith.constant 0 : i32
      %dma_start3A_49 = tpu.memref_slice %arg5[%add3A_44, %dma_start3A_48] : memref<125x80xi32, #tpu.memory_space<vmem>> -> memref<1x80xi32, #tpu.memory_space<vmem>>
      %dma_start3A_50 = tpu.memref_squeeze %dma_start3A_49 : memref<1x80xi32, #tpu.memory_space<vmem>> -> memref<80xi32, #tpu.memory_space<vmem>>
      %dma_start3A_51 = arith.constant 0 : i32
      %dma_start3A_52 = arith.constant 0 : i32
      %dma_start3A_53 = tpu.memref_slice %arg2[%dma_start3A_51, %dma_start3A_52] : memref<10000x16xf32, #tpu.memory_space<hbm>> -> memref<10000x16xf32, #tpu.memory_space<hbm>>
      tpu.enqueue_indirect_dma source(%dma_start3A_53 : memref<10000x16xf32, #tpu.memory_space<hbm>>) target(%dma_start3A_47 : memref<80x16xf32, #tpu.memory_space<vmem>>) offsets(%dma_start3A_50 : memref<80xi32, #tpu.memory_space<vmem>>) semaphore(%arg7 : memref<!tpu.dma_semaphore, #tpu.memory_space<semaphore_mem>>)
      %mul3A_54 = arith.constant 25 : i32
      %mul3A_55 = arith.muli %scan3A_37, %mul3A_54 : i32
      %add3A_56 = arith.constant 1 : i32
      %add3A_57 = arith.addi %mul3A_55, %add3A_56 : i32
      %dma_start3A_58 = arith.constant 80 : i32
      %dma_start3A_59 = arith.constant 0 : i32
      %dma_start3A_60 = tpu.memref_slice %arg6[%rem3A_38, %dma_start3A_58, %dma_start3A_59] : memref<2x2000x16xf32, #tpu.memory_space<vmem>> -> memref<1x80x16xf32, #tpu.memory_space<vmem>>
      %dma_start3A_61 = tpu.memref_squeeze %dma_start3A_60 : memref<1x80x16xf32, #tpu.memory_space<vmem>> -> memref<80x16xf32, #tpu.memory_space<vmem>>
      %dma_start3A_62 = arith.constant 0 : i32
      %dma_start3A_63 = tpu.memref_slice %arg5[%add3A_57, %dma_start3A_62] : memref<125x80xi32, #tpu.memory_space<vmem>> -> memref<1x80xi32, #tpu.memory_space<vmem>>
      %dma_start3A_64 = tpu.memref_squeeze %dma_start3A_63 : memref<1x80xi32, #tpu.memory_space<vmem>> -> memref<80xi32, #tpu.memory_space<vmem>>
      %dma_start3A_65 = arith.constant 0 : i32
      %dma_start3A_66 = arith.constant 0 : i32
      %dma_start3A_67 = tpu.memref_slice %arg2[%dma_start3A_65, %dma_start3A_66] : memref<10000x16xf32, #tpu.memory_space<hbm>> -> memref<10000x16xf32, #tpu.memory_space<hbm>>
      tpu.enqueue_indirect_dma source(%dma_start3A_67 : memref<10000x16xf32, #tpu.memory_space<hbm>>) target(%dma_start3A_61 : memref<80x16xf32, #tpu.memory_space<vmem>>) offsets(%dma_start3A_64 : memref<80xi32, #tpu.memory_space<vmem>>) semaphore(%arg7 : memref<!tpu.dma_semaphore, #tpu.memory_space<semaphore_mem>>)
      %mul3A_68 = arith.constant 25 : i32
      %mul3A_69 = arith.muli %scan3A_37, %mul3A_68 : i32
      %add3A_70 = arith.constant 2 : i32
      %add3A_71 = arith.addi %mul3A_69, %add3A_70 : i32
      %dma_start3A_72 = arith.constant 160 : i32
      %dma_start3A_73 = arith.constant 0 : i32
      %dma_start3A_74 = tpu.memref_slice %arg6[%rem3A_38, %dma_start3A_72, %dma_start3A_73] : memref<2x2000x16xf32, #tpu.memory_space<vmem>> -> memref<1x80x16xf32, #tpu.memory_space<vmem>>
      %dma_start3A_75 = tpu.memref_squeeze %dma_start3A_74 : memref<1x80x16xf32, #tpu.memory_space<vmem>> -> memref<80x16xf32, #tpu.memory_space<vmem>>
      %dma_start3A_76 = arith.constant 0 : i32
      %dma_start3A_77 = tpu.memref_slice %arg5[%add3A_71, %dma_start3A_76] : memref<125x80xi32, #tpu.memory_space<vmem>> -> memref<1x80xi32, #tpu.memory_space<vmem>>
      %dma_start3A_78 = tpu.memref_squeeze %dma_start3A_77 : memref<1x80xi32, #tpu.memory_space<vmem>> -> memref<80xi32, #tpu.memory_space<vmem>>
      %dma_start3A_79 = arith.constant 0 : i32
      %dma_start3A_80 = arith.constant 0 : i32
      %dma_start3A_81 = tpu.memref_slice %arg2[%dma_start3A_79, %dma_start3A_80] : memref<10000x16xf32, #tpu.memory_space<hbm>> -> memref<10000x16xf32, #tpu.memory_space<hbm>>
      tpu.enqueue_indirect_dma source(%dma_start3A_81 : memref<10000x16xf32, #tpu.memory_space<hbm>>) target(%dma_start3A_75 : memref<80x16xf32, #tpu.memory_space<vmem>>) offsets(%dma_start3A_78 : memref<80xi32, #tpu.memory_space<vmem>>) semaphore(%arg7 : memref<!tpu.dma_semaphore, #tpu.memory_space<semaphore_mem>>)
      %mul3A_82 = arith.constant 25 : i32
      %mul3A_83 = arith.muli %scan3A_37, %mul3A_82 : i32
      %add3A_84 = arith.constant 3 : i32
      %add3A_85 = arith.addi %mul3A_83, %add3A_84 : i32
      %dma_start3A_86 = arith.constant 240 : i32
      %dma_start3A_87 = arith.constant 0 : i32
      %dma_start3A_88 = tpu.memref_slice %arg6[%rem3A_38, %dma_start3A_86, %dma_start3A_87] : memref<2x2000x16xf32, #tpu.memory_space<vmem>> -> memref<1x80x16xf32, #tpu.memory_space<vmem>>
      %dma_start3A_89 = tpu.memref_squeeze %dma_start3A_88 : memref<1x80x16xf32, #tpu.memory_space<vmem>> -> memref<80x16xf32, #tpu.memory_space<vmem>>
      %dma_start3A_90 = arith.constant 0 : i32
      %dma_start3A_91 = tpu.memref_slice %arg5[%add3A_85, %dma_start3A_90] : memref<125x80xi32, #tpu.memory_space<vmem>> -> memref<1x80xi32, #tpu.memory_space<vmem>>
      %dma_start3A_92 = tpu.memref_squeeze %dma_start3A_91 : memref<1x80xi32, #tpu.memory_space<vmem>> -> memref<80xi32, #tpu.memory_space<vmem>>
      %dma_start3A_93 = arith.constant 0 : i32
      %dma_start3A_94 = arith.constant 0 : i32
      %dma_start3A_95 = tpu.memref_slice %arg2[%dma_start3A_93, %dma_start3A_94] : memref<10000x16xf32, #tpu.memory_space<hbm>> -> memref<10000x16xf32, #tpu.memory_space<hbm>>
      tpu.enqueue_indirect_dma source(%dma_start3A_95 : memref<10000x16xf32, #tpu.memory_space<hbm>>) target(%dma_start3A_89 : memref<80x16xf32, #tpu.memory_space<vmem>>) offsets(%dma_start3A_92 : memref<80xi32, #tpu.memory_space<vmem>>) semaphore(%arg7 : memref<!tpu.dma_semaphore, #tpu.memory_space<semaphore_mem>>)
      %mul3A_96 = arith.constant 25 : i32
      %mul3A_97 = arith.muli %scan3A_37, %mul3A_96 : i32
      %add3A_98 = arith.constant 4 : i32
      %add3A_99 = arith.addi %mul3A_97, %add3A_98 : i32
      %dma_start3A_100 = arith.constant 320 : i32
      %dma_start3A_101 = arith.constant 0 : i32
      %dma_start3A_102 = tpu.memref_slice %arg6[%rem3A_38, %dma_start3A_100, %dma_start3A_101] : memref<2x2000x16xf32, #tpu.memory_space<vmem>> -> memref<1x80x16xf32, #tpu.memory_space<vmem>>
      %dma_start3A_103 = tpu.memref_squeeze %dma_start3A_102 : memref<1x80x16xf32, #tpu.memory_space<vmem>> -> memref<80x16xf32, #tpu.memory_space<vmem>>
      %dma_start3A_104 = arith.constant 0 : i32
      %dma_start3A_105 = tpu.memref_slice %arg5[%add3A_99, %dma_start3A_104] : memref<125x80xi32, #tpu.memory_space<vmem>> -> memref<1x80xi32, #tpu.memory_space<vmem>>
      %dma_start3A_106 = tpu.memref_squeeze %dma_start3A_105 : memref<1x80xi32, #tpu.memory_space<vmem>> -> memref<80xi32, #tpu.memory_space<vmem>>
      %dma_start3A_107 = arith.constant 0 : i32
      %dma_start3A_108 = arith.constant 0 : i32
      %dma_start3A_109 = tpu.memref_slice %arg2[%dma_start3A_107, %dma_start3A_108] : memref<10000x16xf32, #tpu.memory_space<hbm>> -> memref<10000x16xf32, #tpu.memory_space<hbm>>
      tpu.enqueue_indirect_dma source(%dma_start3A_109 : memref<10000x16xf32, #tpu.memory_space<hbm>>) target(%dma_start3A_103 : memref<80x16xf32, #tpu.memory_space<vmem>>) offsets(%dma_start3A_106 : memref<80xi32, #tpu.memory_space<vmem>>) semaphore(%arg7 : memref<!tpu.dma_semaphore, #tpu.memory_space<semaphore_mem>>)
      %mul3A_110 = arith.constant 25 : i32
      %mul3A_111 = arith.muli %scan3A_37, %mul3A_110 : i32
      %add3A_112 = arith.constant 5 : i32
      %add3A_113 = arith.addi %mul3A_111, %add3A_112 : i32
      %dma_start3A_114 = arith.constant 400 : i32
      %dma_start3A_115 = arith.constant 0 : i32
      %dma_start3A_116 = tpu.memref_slice %arg6[%rem3A_38, %dma_start3A_114, %dma_start3A_115] : memref<2x2000x16xf32, #tpu.memory_space<vmem>> -> memref<1x80x16xf32, #tpu.memory_space<vmem>>
      %dma_start3A_117 = tpu.memref_squeeze %dma_start3A_116 : memref<1x80x16xf32, #tpu.memory_space<vmem>> -> memref<80x16xf32, #tpu.memory_space<vmem>>
      %dma_start3A_118 = arith.constant 0 : i32
      %dma_start3A_119 = tpu.memref_slice %arg5[%add3A_113, %dma_start3A_118] : memref<125x80xi32, #tpu.memory_space<vmem>> -> memref<1x80xi32, #tpu.memory_space<vmem>>
      %dma_start3A_120 = tpu.memref_squeeze %dma_start3A_119 : memref<1x80xi32, #tpu.memory_space<vmem>> -> memref<80xi32, #tpu.memory_space<vmem>>
      %dma_start3A_121 = arith.constant 0 : i32
      %dma_start3A_122 = arith.constant 0 : i32
      %dma_start3A_123 = tpu.memref_slice %arg2[%dma_start3A_121, %dma_start3A_122] : memref<10000x16xf32, #tpu.memory_space<hbm>> -> memref<10000x16xf32, #tpu.memory_space<hbm>>
      tpu.enqueue_indirect_dma source(%dma_start3A_123 : memref<10000x16xf32, #tpu.memory_space<hbm>>) target(%dma_start3A_117 : memref<80x16xf32, #tpu.memory_space<vmem>>) offsets(%dma_start3A_120 : memref<80xi32, #tpu.memory_space<vmem>>) semaphore(%arg7 : memref<!tpu.dma_semaphore, #tpu.memory_space<semaphore_mem>>)
      %mul3A_124 = arith.constant 25 : i32
      %mul3A_125 = arith.muli %scan3A_37, %mul3A_124 : i32
      %add3A_126 = arith.constant 6 : i32
      %add3A_127 = arith.addi %mul3A_125, %add3A_126 : i32
      %dma_start3A_128 = arith.constant 480 : i32
      %dma_start3A_129 = arith.constant 0 : i32
      %dma_start3A_130 = tpu.memref_slice %arg6[%rem3A_38, %dma_start3A_128, %dma_start3A_129] : memref<2x2000x16xf32, #tpu.memory_space<vmem>> -> memref<1x80x16xf32, #tpu.memory_space<vmem>>
      %dma_start3A_131 = tpu.memref_squeeze %dma_start3A_130 : memref<1x80x16xf32, #tpu.memory_space<vmem>> -> memref<80x16xf32, #tpu.memory_space<vmem>>
      %dma_start3A_132 = arith.constant 0 : i32
      %dma_start3A_133 = tpu.memref_slice %arg5[%add3A_127, %dma_start3A_132] : memref<125x80xi32, #tpu.memory_space<vmem>> -> memref<1x80xi32, #tpu.memory_space<vmem>>
      %dma_start3A_134 = tpu.memref_squeeze %dma_start3A_133 : memref<1x80xi32, #tpu.memory_space<vmem>> -> memref<80xi32, #tpu.memory_space<vmem>>
      %dma_start3A_135 = arith.constant 0 : i32
      %dma_start3A_136 = arith.constant 0 : i32
      %dma_start3A_137 = tpu.memref_slice %arg2[%dma_start3A_135, %dma_start3A_136] : memref<10000x16xf32, #tpu.memory_space<hbm>> -> memref<10000x16xf32, #tpu.memory_space<hbm>>
      tpu.enqueue_indirect_dma source(%dma_start3A_137 : memref<10000x16xf32, #tpu.memory_space<hbm>>) target(%dma_start3A_131 : memref<80x16xf32, #tpu.memory_space<vmem>>) offsets(%dma_start3A_134 : memref<80xi32, #tpu.memory_space<vmem>>) semaphore(%arg7 : memref<!tpu.dma_semaphore, #tpu.memory_space<semaphore_mem>>)
      %mul3A_138 = arith.constant 25 : i32
      %mul3A_139 = arith.muli %scan3A_37, %mul3A_138 : i32
      %add3A_140 = arith.constant 7 : i32
      %add3A_141 = arith.addi %mul3A_139, %add3A_140 : i32
      %dma_start3A_142 = arith.constant 560 : i32
      %dma_start3A_143 = arith.constant 0 : i32
      %dma_start3A_144 = tpu.memref_slice %arg6[%rem3A_38, %dma_start3A_142, %dma_start3A_143] : memref<2x2000x16xf32, #tpu.memory_space<vmem>> -> memref<1x80x16xf32, #tpu.memory_space<vmem>>
      %dma_start3A_145 = tpu.memref_squeeze %dma_start3A_144 : memref<1x80x16xf32, #tpu.memory_space<vmem>> -> memref<80x16xf32, #tpu.memory_space<vmem>>
      %dma_start3A_146 = arith.constant 0 : i32
      %dma_start3A_147 = tpu.memref_slice %arg5[%add3A_141, %dma_start3A_146] : memref<125x80xi32, #tpu.memory_space<vmem>> -> memref<1x80xi32, #tpu.memory_space<vmem>>
      %dma_start3A_148 = tpu.memref_squeeze %dma_start3A_147 : memref<1x80xi32, #tpu.memory_space<vmem>> -> memref<80xi32, #tpu.memory_space<vmem>>
      %dma_start3A_149 = arith.constant 0 : i32
      %dma_start3A_150 = arith.constant 0 : i32
      %dma_start3A_151 = tpu.memref_slice %arg2[%dma_start3A_149, %dma_start3A_150] : memref<10000x16xf32, #tpu.memory_space<hbm>> -> memref<10000x16xf32, #tpu.memory_space<hbm>>
      tpu.enqueue_indirect_dma source(%dma_start3A_151 : memref<10000x16xf32, #tpu.memory_space<hbm>>) target(%dma_start3A_145 : memref<80x16xf32, #tpu.memory_space<vmem>>) offsets(%dma_start3A_148 : memref<80xi32, #tpu.memory_space<vmem>>) semaphore(%arg7 : memref<!tpu.dma_semaphore, #tpu.memory_space<semaphore_mem>>)
      %mul3A_152 = arith.constant 25 : i32
      %mul3A_153 = arith.muli %scan3A_37, %mul3A_152 : i32
      %add3A_154 = arith.constant 8 : i32
      %add3A_155 = arith.addi %mul3A_153, %add3A_154 : i32
      %dma_start3A_156 = arith.constant 640 : i32
      %dma_start3A_157 = arith.constant 0 : i32
      %dma_start3A_158 = tpu.memref_slice %arg6[%rem3A_38, %dma_start3A_156, %dma_start3A_157] : memref<2x2000x16xf32, #tpu.memory_space<vmem>> -> memref<1x80x16xf32, #tpu.memory_space<vmem>>
      %dma_start3A_159 = tpu.memref_squeeze %dma_start3A_158 : memref<1x80x16xf32, #tpu.memory_space<vmem>> -> memref<80x16xf32, #tpu.memory_space<vmem>>
      %dma_start3A_160 = arith.constant 0 : i32
      %dma_start3A_161 = tpu.memref_slice %arg5[%add3A_155, %dma_start3A_160] : memref<125x80xi32, #tpu.memory_space<vmem>> -> memref<1x80xi32, #tpu.memory_space<vmem>>
      %dma_start3A_162 = tpu.memref_squeeze %dma_start3A_161 : memref<1x80xi32, #tpu.memory_space<vmem>> -> memref<80xi32, #tpu.memory_space<vmem>>
      %dma_start3A_163 = arith.constant 0 : i32
      %dma_start3A_164 = arith.constant 0 : i32
      %dma_start3A_165 = tpu.memref_slice %arg2[%dma_start3A_163, %dma_start3A_164] : memref<10000x16xf32, #tpu.memory_space<hbm>> -> memref<10000x16xf32, #tpu.memory_space<hbm>>
      tpu.enqueue_indirect_dma source(%dma_start3A_165 : memref<10000x16xf32, #tpu.memory_space<hbm>>) target(%dma_start3A_159 : memref<80x16xf32, #tpu.memory_space<vmem>>) offsets(%dma_start3A_162 : memref<80xi32, #tpu.memory_space<vmem>>) semaphore(%arg7 : memref<!tpu.dma_semaphore, #tpu.memory_space<semaphore_mem>>)
      %mul3A_166 = arith.constant 25 : i32
      %mul3A_167 = arith.muli %scan3A_37, %mul3A_166 : i32
      %add3A_168 = arith.constant 9 : i32
      %add3A_169 = arith.addi %mul3A_167, %add3A_168 : i32
      %dma_start3A_170 = arith.constant 720 : i32
      %dma_start3A_171 = arith.constant 0 : i32
      %dma_start3A_172 = tpu.memref_slice %arg6[%rem3A_38, %dma_start3A_170, %dma_start3A_171] : memref<2x2000x16xf32, #tpu.memory_space<vmem>> -> memref<1x80x16xf32, #tpu.memory_space<vmem>>
      %dma_start3A_173 = tpu.memref_squeeze %dma_start3A_172 : memref<1x80x16xf32, #tpu.memory_space<vmem>> -> memref<80x16xf32, #tpu.memory_space<vmem>>
      %dma_start3A_174 = arith.constant 0 : i32
      %dma_start3A_175 = tpu.memref_slice %arg5[%add3A_169, %dma_start3A_174] : memref<125x80xi32, #tpu.memory_space<vmem>> -> memref<1x80xi32, #tpu.memory_space<vmem>>
      %dma_start3A_176 = tpu.memref_squeeze %dma_start3A_175 : memref<1x80xi32, #tpu.memory_space<vmem>> -> memref<80xi32, #tpu.memory_space<vmem>>
      %dma_start3A_177 = arith.constant 0 : i32
      %dma_start3A_178 = arith.constant 0 : i32
      %dma_start3A_179 = tpu.memref_slice %arg2[%dma_start3A_177, %dma_start3A_178] : memref<10000x16xf32, #tpu.memory_space<hbm>> -> memref<10000x16xf32, #tpu.memory_space<hbm>>
      tpu.enqueue_indirect_dma source(%dma_start3A_179 : memref<10000x16xf32, #tpu.memory_space<hbm>>) target(%dma_start3A_173 : memref<80x16xf32, #tpu.memory_space<vmem>>) offsets(%dma_start3A_176 : memref<80xi32, #tpu.memory_space<vmem>>) semaphore(%arg7 : memref<!tpu.dma_semaphore, #tpu.memory_space<semaphore_mem>>)
      %mul3A_180 = arith.constant 25 : i32
      %mul3A_181 = arith.muli %scan3A_37, %mul3A_180 : i32
      %add3A_182 = arith.constant 10 : i32
      %add3A_183 = arith.addi %mul3A_181, %add3A_182 : i32
      %dma_start3A_184 = arith.constant 800 : i32
      %dma_start3A_185 = arith.constant 0 : i32
      %dma_start3A_186 = tpu.memref_slice %arg6[%rem3A_38, %dma_start3A_184, %dma_start3A_185] : memref<2x2000x16xf32, #tpu.memory_space<vmem>> -> memref<1x80x16xf32, #tpu.memory_space<vmem>>
      %dma_start3A_187 = tpu.memref_squeeze %dma_start3A_186 : memref<1x80x16xf32, #tpu.memory_space<vmem>> -> memref<80x16xf32, #tpu.memory_space<vmem>>
      %dma_start3A_188 = arith.constant 0 : i32
      %dma_start3A_189 = tpu.memref_slice %arg5[%add3A_183, %dma_start3A_188] : memref<125x80xi32, #tpu.memory_space<vmem>> -> memref<1x80xi32, #tpu.memory_space<vmem>>
      %dma_start3A_190 = tpu.memref_squeeze %dma_start3A_189 : memref<1x80xi32, #tpu.memory_space<vmem>> -> memref<80xi32, #tpu.memory_space<vmem>>
      %dma_start3A_191 = arith.constant 0 : i32
      %dma_start3A_192 = arith.constant 0 : i32
      %dma_start3A_193 = tpu.memref_slice %arg2[%dma_start3A_191, %dma_start3A_192] : memref<10000x16xf32, #tpu.memory_space<hbm>> -> memref<10000x16xf32, #tpu.memory_space<hbm>>
      tpu.enqueue_indirect_dma source(%dma_start3A_193 : memref<10000x16xf32, #tpu.memory_space<hbm>>) target(%dma_start3A_187 : memref<80x16xf32, #tpu.memory_space<vmem>>) offsets(%dma_start3A_190 : memref<80xi32, #tpu.memory_space<vmem>>) semaphore(%arg7 : memref<!tpu.dma_semaphore, #tpu.memory_space<semaphore_mem>>)
      %mul3A_194 = arith.constant 25 : i32
      %mul3A_195 = arith.muli %scan3A_37, %mul3A_194 : i32
      %add3A_196 = arith.constant 11 : i32
      %add3A_197 = arith.addi %mul3A_195, %add3A_196 : i32
      %dma_start3A_198 = arith.constant 880 : i32
      %dma_start3A_199 = arith.constant 0 : i32
      %dma_start3A_200 = tpu.memref_slice %arg6[%rem3A_38, %dma_start3A_198, %dma_start3A_199] : memref<2x2000x16xf32, #tpu.memory_space<vmem>> -> memref<1x80x16xf32, #tpu.memory_space<vmem>>
      %dma_start3A_201 = tpu.memref_squeeze %dma_start3A_200 : memref<1x80x16xf32, #tpu.memory_space<vmem>> -> memref<80x16xf32, #tpu.memory_space<vmem>>
      %dma_start3A_202 = arith.constant 0 : i32
      %dma_start3A_203 = tpu.memref_slice %arg5[%add3A_197, %dma_start3A_202] : memref<125x80xi32, #tpu.memory_space<vmem>> -> memref<1x80xi32, #tpu.memory_space<vmem>>
      %dma_start3A_204 = tpu.memref_squeeze %dma_start3A_203 : memref<1x80xi32, #tpu.memory_space<vmem>> -> memref<80xi32, #tpu.memory_space<vmem>>
      %dma_start3A_205 = arith.constant 0 : i32
      %dma_start3A_206 = arith.constant 0 : i32
      %dma_start3A_207 = tpu.memref_slice %arg2[%dma_start3A_205, %dma_start3A_206] : memref<10000x16xf32, #tpu.memory_space<hbm>> -> memref<10000x16xf32, #tpu.memory_space<hbm>>
      tpu.enqueue_indirect_dma source(%dma_start3A_207 : memref<10000x16xf32, #tpu.memory_space<hbm>>) target(%dma_start3A_201 : memref<80x16xf32, #tpu.memory_space<vmem>>) offsets(%dma_start3A_204 : memref<80xi32, #tpu.memory_space<vmem>>) semaphore(%arg7 : memref<!tpu.dma_semaphore, #tpu.memory_space<semaphore_mem>>)
      %mul3A_208 = arith.constant 25 : i32
      %mul3A_209 = arith.muli %scan3A_37, %mul3A_208 : i32
      %add3A_210 = arith.constant 12 : i32
      %add3A_211 = arith.addi %mul3A_209, %add3A_210 : i32
      %dma_start3A_212 = arith.constant 960 : i32
      %dma_start3A_213 = arith.constant 0 : i32
      %dma_start3A_214 = tpu.memref_slice %arg6[%rem3A_38, %dma_start3A_212, %dma_start3A_213] : memref<2x2000x16xf32, #tpu.memory_space<vmem>> -> memref<1x80x16xf32, #tpu.memory_space<vmem>>
      %dma_start3A_215 = tpu.memref_squeeze %dma_start3A_214 : memref<1x80x16xf32, #tpu.memory_space<vmem>> -> memref<80x16xf32, #tpu.memory_space<vmem>>
      %dma_start3A_216 = arith.constant 0 : i32
      %dma_start3A_217 = tpu.memref_slice %arg5[%add3A_211, %dma_start3A_216] : memref<125x80xi32, #tpu.memory_space<vmem>> -> memref<1x80xi32, #tpu.memory_space<vmem>>
      %dma_start3A_218 = tpu.memref_squeeze %dma_start3A_217 : memref<1x80xi32, #tpu.memory_space<vmem>> -> memref<80xi32, #tpu.memory_space<vmem>>
      %dma_start3A_219 = arith.constant 0 : i32
      %dma_start3A_220 = arith.constant 0 : i32
      %dma_start3A_221 = tpu.memref_slice %arg2[%dma_start3A_219, %dma_start3A_220] : memref<10000x16xf32, #tpu.memory_space<hbm>> -> memref<10000x16xf32, #tpu.memory_space<hbm>>
      tpu.enqueue_indirect_dma source(%dma_start3A_221 : memref<10000x16xf32, #tpu.memory_space<hbm>>) target(%dma_start3A_215 : memref<80x16xf32, #tpu.memory_space<vmem>>) offsets(%dma_start3A_218 : memref<80xi32, #tpu.memory_space<vmem>>) semaphore(%arg7 : memref<!tpu.dma_semaphore, #tpu.memory_space<semaphore_mem>>)
      %mul3A_222 = arith.constant 25 : i32
      %mul3A_223 = arith.muli %scan3A_37, %mul3A_222 : i32
      %add3A_224 = arith.constant 13 : i32
      %add3A_225 = arith.addi %mul3A_223, %add3A_224 : i32
      %dma_start3A_226 = arith.constant 1040 : i32
      %dma_start3A_227 = arith.constant 0 : i32
      %dma_start3A_228 = tpu.memref_slice %arg6[%rem3A_38, %dma_start3A_226, %dma_start3A_227] : memref<2x2000x16xf32, #tpu.memory_space<vmem>> -> memref<1x80x16xf32, #tpu.memory_space<vmem>>
      %dma_start3A_229 = tpu.memref_squeeze %dma_start3A_228 : memref<1x80x16xf32, #tpu.memory_space<vmem>> -> memref<80x16xf32, #tpu.memory_space<vmem>>
      %dma_start3A_230 = arith.constant 0 : i32
      %dma_start3A_231 = tpu.memref_slice %arg5[%add3A_225, %dma_start3A_230] : memref<125x80xi32, #tpu.memory_space<vmem>> -> memref<1x80xi32, #tpu.memory_space<vmem>>
      %dma_start3A_232 = tpu.memref_squeeze %dma_start3A_231 : memref<1x80xi32, #tpu.memory_space<vmem>> -> memref<80xi32, #tpu.memory_space<vmem>>
      %dma_start3A_233 = arith.constant 0 : i32
      %dma_start3A_234 = arith.constant 0 : i32
      %dma_start3A_235 = tpu.memref_slice %arg2[%dma_start3A_233, %dma_start3A_234] : memref<10000x16xf32, #tpu.memory_space<hbm>> -> memref<10000x16xf32, #tpu.memory_space<hbm>>
      tpu.enqueue_indirect_dma source(%dma_start3A_235 : memref<10000x16xf32, #tpu.memory_space<hbm>>) target(%dma_start3A_229 : memref<80x16xf32, #tpu.memory_space<vmem>>) offsets(%dma_start3A_232 : memref<80xi32, #tpu.memory_space<vmem>>) semaphore(%arg7 : memref<!tpu.dma_semaphore, #tpu.memory_space<semaphore_mem>>)
      %mul3A_236 = arith.constant 25 : i32
      %mul3A_237 = arith.muli %scan3A_37, %mul3A_236 : i32
      %add3A_238 = arith.constant 14 : i32
      %add3A_239 = arith.addi %mul3A_237, %add3A_238 : i32
      %dma_start3A_240 = arith.constant 1120 : i32
      %dma_start3A_241 = arith.constant 0 : i32
      %dma_start3A_242 = tpu.memref_slice %arg6[%rem3A_38, %dma_start3A_240, %dma_start3A_241] : memref<2x2000x16xf32, #tpu.memory_space<vmem>> -> memref<1x80x16xf32, #tpu.memory_space<vmem>>
      %dma_start3A_243 = tpu.memref_squeeze %dma_start3A_242 : memref<1x80x16xf32, #tpu.memory_space<vmem>> -> memref<80x16xf32, #tpu.memory_space<vmem>>
      %dma_start3A_244 = arith.constant 0 : i32
      %dma_start3A_245 = tpu.memref_slice %arg5[%add3A_239, %dma_start3A_244] : memref<125x80xi32, #tpu.memory_space<vmem>> -> memref<1x80xi32, #tpu.memory_space<vmem>>
      %dma_start3A_246 = tpu.memref_squeeze %dma_start3A_245 : memref<1x80xi32, #tpu.memory_space<vmem>> -> memref<80xi32, #tpu.memory_space<vmem>>
      %dma_start3A_247 = arith.constant 0 : i32
      %dma_start3A_248 = arith.constant 0 : i32
      %dma_start3A_249 = tpu.memref_slice %arg2[%dma_start3A_247, %dma_start3A_248] : memref<10000x16xf32, #tpu.memory_space<hbm>> -> memref<10000x16xf32, #tpu.memory_space<hbm>>
      tpu.enqueue_indirect_dma source(%dma_start3A_249 : memref<10000x16xf32, #tpu.memory_space<hbm>>) target(%dma_start3A_243 : memref<80x16xf32, #tpu.memory_space<vmem>>) offsets(%dma_start3A_246 : memref<80xi32, #tpu.memory_space<vmem>>) semaphore(%arg7 : memref<!tpu.dma_semaphore, #tpu.memory_space<semaphore_mem>>)
      %mul3A_250 = arith.constant 25 : i32
      %mul3A_251 = arith.muli %scan3A_37, %mul3A_250 : i32
      %add3A_252 = arith.constant 15 : i32
      %add3A_253 = arith.addi %mul3A_251, %add3A_252 : i32
      %dma_start3A_254 = arith.constant 1200 : i32
      %dma_start3A_255 = arith.constant 0 : i32
      %dma_start3A_256 = tpu.memref_slice %arg6[%rem3A_38, %dma_start3A_254, %dma_start3A_255] : memref<2x2000x16xf32, #tpu.memory_space<vmem>> -> memref<1x80x16xf32, #tpu.memory_space<vmem>>
      %dma_start3A_257 = tpu.memref_squeeze %dma_start3A_256 : memref<1x80x16xf32, #tpu.memory_space<vmem>> -> memref<80x16xf32, #tpu.memory_space<vmem>>
      %dma_start3A_258 = arith.constant 0 : i32
      %dma_start3A_259 = tpu.memref_slice %arg5[%add3A_253, %dma_start3A_258] : memref<125x80xi32, #tpu.memory_space<vmem>> -> memref<1x80xi32, #tpu.memory_space<vmem>>
      %dma_start3A_260 = tpu.memref_squeeze %dma_start3A_259 : memref<1x80xi32, #tpu.memory_space<vmem>> -> memref<80xi32, #tpu.memory_space<vmem>>
      %dma_start3A_261 = arith.constant 0 : i32
      %dma_start3A_262 = arith.constant 0 : i32
      %dma_start3A_263 = tpu.memref_slice %arg2[%dma_start3A_261, %dma_start3A_262] : memref<10000x16xf32, #tpu.memory_space<hbm>> -> memref<10000x16xf32, #tpu.memory_space<hbm>>
      tpu.enqueue_indirect_dma source(%dma_start3A_263 : memref<10000x16xf32, #tpu.memory_space<hbm>>) target(%dma_start3A_257 : memref<80x16xf32, #tpu.memory_space<vmem>>) offsets(%dma_start3A_260 : memref<80xi32, #tpu.memory_space<vmem>>) semaphore(%arg7 : memref<!tpu.dma_semaphore, #tpu.memory_space<semaphore_mem>>)
      %mul3A_264 = arith.constant 25 : i32
      %mul3A_265 = arith.muli %scan3A_37, %mul3A_264 : i32
      %add3A_266 = arith.constant 16 : i32
      %add3A_267 = arith.addi %mul3A_265, %add3A_266 : i32
      %dma_start3A_268 = arith.constant 1280 : i32
      %dma_start3A_269 = arith.constant 0 : i32
      %dma_start3A_270 = tpu.memref_slice %arg6[%rem3A_38, %dma_start3A_268, %dma_start3A_269] : memref<2x2000x16xf32, #tpu.memory_space<vmem>> -> memref<1x80x16xf32, #tpu.memory_space<vmem>>
      %dma_start3A_271 = tpu.memref_squeeze %dma_start3A_270 : memref<1x80x16xf32, #tpu.memory_space<vmem>> -> memref<80x16xf32, #tpu.memory_space<vmem>>
      %dma_start3A_272 = arith.constant 0 : i32
      %dma_start3A_273 = tpu.memref_slice %arg5[%add3A_267, %dma_start3A_272] : memref<125x80xi32, #tpu.memory_space<vmem>> -> memref<1x80xi32, #tpu.memory_space<vmem>>
      %dma_start3A_274 = tpu.memref_squeeze %dma_start3A_273 : memref<1x80xi32, #tpu.memory_space<vmem>> -> memref<80xi32, #tpu.memory_space<vmem>>
      %dma_start3A_275 = arith.constant 0 : i32
      %dma_start3A_276 = arith.constant 0 : i32
      %dma_start3A_277 = tpu.memref_slice %arg2[%dma_start3A_275, %dma_start3A_276] : memref<10000x16xf32, #tpu.memory_space<hbm>> -> memref<10000x16xf32, #tpu.memory_space<hbm>>
      tpu.enqueue_indirect_dma source(%dma_start3A_277 : memref<10000x16xf32, #tpu.memory_space<hbm>>) target(%dma_start3A_271 : memref<80x16xf32, #tpu.memory_space<vmem>>) offsets(%dma_start3A_274 : memref<80xi32, #tpu.memory_space<vmem>>) semaphore(%arg7 : memref<!tpu.dma_semaphore, #tpu.memory_space<semaphore_mem>>)
      %mul3A_278 = arith.constant 25 : i32
      %mul3A_279 = arith.muli %scan3A_37, %mul3A_278 : i32
      %add3A_280 = arith.constant 17 : i32
      %add3A_281 = arith.addi %mul3A_279, %add3A_280 : i32
      %dma_start3A_282 = arith.constant 1360 : i32
      %dma_start3A_283 = arith.constant 0 : i32
      %dma_start3A_284 = tpu.memref_slice %arg6[%rem3A_38, %dma_start3A_282, %dma_start3A_283] : memref<2x2000x16xf32, #tpu.memory_space<vmem>> -> memref<1x80x16xf32, #tpu.memory_space<vmem>>
      %dma_start3A_285 = tpu.memref_squeeze %dma_start3A_284 : memref<1x80x16xf32, #tpu.memory_space<vmem>> -> memref<80x16xf32, #tpu.memory_space<vmem>>
      %dma_start3A_286 = arith.constant 0 : i32
      %dma_start3A_287 = tpu.memref_slice %arg5[%add3A_281, %dma_start3A_286] : memref<125x80xi32, #tpu.memory_space<vmem>> -> memref<1x80xi32, #tpu.memory_space<vmem>>
      %dma_start3A_288 = tpu.memref_squeeze %dma_start3A_287 : memref<1x80xi32, #tpu.memory_space<vmem>> -> memref<80xi32, #tpu.memory_space<vmem>>
      %dma_start3A_289 = arith.constant 0 : i32
      %dma_start3A_290 = arith.constant 0 : i32
      %dma_start3A_291 = tpu.memref_slice %arg2[%dma_start3A_289, %dma_start3A_290] : memref<10000x16xf32, #tpu.memory_space<hbm>> -> memref<10000x16xf32, #tpu.memory_space<hbm>>
      tpu.enqueue_indirect_dma source(%dma_start3A_291 : memref<10000x16xf32, #tpu.memory_space<hbm>>) target(%dma_start3A_285 : memref<80x16xf32, #tpu.memory_space<vmem>>) offsets(%dma_start3A_288 : memref<80xi32, #tpu.memory_space<vmem>>) semaphore(%arg7 : memref<!tpu.dma_semaphore, #tpu.memory_space<semaphore_mem>>)
      %mul3A_292 = arith.constant 25 : i32
      %mul3A_293 = arith.muli %scan3A_37, %mul3A_292 : i32
      %add3A_294 = arith.constant 18 : i32
      %add3A_295 = arith.addi %mul3A_293, %add3A_294 : i32
      %dma_start3A_296 = arith.constant 1440 : i32
      %dma_start3A_297 = arith.constant 0 : i32
      %dma_start3A_298 = tpu.memref_slice %arg6[%rem3A_38, %dma_start3A_296, %dma_start3A_297] : memref<2x2000x16xf32, #tpu.memory_space<vmem>> -> memref<1x80x16xf32, #tpu.memory_space<vmem>>
      %dma_start3A_299 = tpu.memref_squeeze %dma_start3A_298 : memref<1x80x16xf32, #tpu.memory_space<vmem>> -> memref<80x16xf32, #tpu.memory_space<vmem>>
      %dma_start3A_300 = arith.constant 0 : i32
      %dma_start3A_301 = tpu.memref_slice %arg5[%add3A_295, %dma_start3A_300] : memref<125x80xi32, #tpu.memory_space<vmem>> -> memref<1x80xi32, #tpu.memory_space<vmem>>
      %dma_start3A_302 = tpu.memref_squeeze %dma_start3A_301 : memref<1x80xi32, #tpu.memory_space<vmem>> -> memref<80xi32, #tpu.memory_space<vmem>>
      %dma_start3A_303 = arith.constant 0 : i32
      %dma_start3A_304 = arith.constant 0 : i32
      %dma_start3A_305 = tpu.memref_slice %arg2[%dma_start3A_303, %dma_start3A_304] : memref<10000x16xf32, #tpu.memory_space<hbm>> -> memref<10000x16xf32, #tpu.memory_space<hbm>>
      tpu.enqueue_indirect_dma source(%dma_start3A_305 : memref<10000x16xf32, #tpu.memory_space<hbm>>) target(%dma_start3A_299 : memref<80x16xf32, #tpu.memory_space<vmem>>) offsets(%dma_start3A_302 : memref<80xi32, #tpu.memory_space<vmem>>) semaphore(%arg7 : memref<!tpu.dma_semaphore, #tpu.memory_space<semaphore_mem>>)
      %mul3A_306 = arith.constant 25 : i32
      %mul3A_307 = arith.muli %scan3A_37, %mul3A_306 : i32
      %add3A_308 = arith.constant 19 : i32
      %add3A_309 = arith.addi %mul3A_307, %add3A_308 : i32
      %dma_start3A_310 = arith.constant 1520 : i32
      %dma_start3A_311 = arith.constant 0 : i32
      %dma_start3A_312 = tpu.memref_slice %arg6[%rem3A_38, %dma_start3A_310, %dma_start3A_311] : memref<2x2000x16xf32, #tpu.memory_space<vmem>> -> memref<1x80x16xf32, #tpu.memory_space<vmem>>
      %dma_start3A_313 = tpu.memref_squeeze %dma_start3A_312 : memref<1x80x16xf32, #tpu.memory_space<vmem>> -> memref<80x16xf32, #tpu.memory_space<vmem>>
      %dma_start3A_314 = arith.constant 0 : i32
      %dma_start3A_315 = tpu.memref_slice %arg5[%add3A_309, %dma_start3A_314] : memref<125x80xi32, #tpu.memory_space<vmem>> -> memref<1x80xi32, #tpu.memory_space<vmem>>
      %dma_start3A_316 = tpu.memref_squeeze %dma_start3A_315 : memref<1x80xi32, #tpu.memory_space<vmem>> -> memref<80xi32, #tpu.memory_space<vmem>>
      %dma_start3A_317 = arith.constant 0 : i32
      %dma_start3A_318 = arith.constant 0 : i32
      %dma_start3A_319 = tpu.memref_slice %arg2[%dma_start3A_317, %dma_start3A_318] : memref<10000x16xf32, #tpu.memory_space<hbm>> -> memref<10000x16xf32, #tpu.memory_space<hbm>>
      tpu.enqueue_indirect_dma source(%dma_start3A_319 : memref<10000x16xf32, #tpu.memory_space<hbm>>) target(%dma_start3A_313 : memref<80x16xf32, #tpu.memory_space<vmem>>) offsets(%dma_start3A_316 : memref<80xi32, #tpu.memory_space<vmem>>) semaphore(%arg7 : memref<!tpu.dma_semaphore, #tpu.memory_space<semaphore_mem>>)
      %mul3A_320 = arith.constant 25 : i32
      %mul3A_321 = arith.muli %scan3A_37, %mul3A_320 : i32
      %add3A_322 = arith.constant 20 : i32
      %add3A_323 = arith.addi %mul3A_321, %add3A_322 : i32
      %dma_start3A_324 = arith.constant 1600 : i32
      %dma_start3A_325 = arith.constant 0 : i32
      %dma_start3A_326 = tpu.memref_slice %arg6[%rem3A_38, %dma_start3A_324, %dma_start3A_325] : memref<2x2000x16xf32, #tpu.memory_space<vmem>> -> memref<1x80x16xf32, #tpu.memory_space<vmem>>
      %dma_start3A_327 = tpu.memref_squeeze %dma_start3A_326 : memref<1x80x16xf32, #tpu.memory_space<vmem>> -> memref<80x16xf32, #tpu.memory_space<vmem>>
      %dma_start3A_328 = arith.constant 0 : i32
      %dma_start3A_329 = tpu.memref_slice %arg5[%add3A_323, %dma_start3A_328] : memref<125x80xi32, #tpu.memory_space<vmem>> -> memref<1x80xi32, #tpu.memory_space<vmem>>
      %dma_start3A_330 = tpu.memref_squeeze %dma_start3A_329 : memref<1x80xi32, #tpu.memory_space<vmem>> -> memref<80xi32, #tpu.memory_space<vmem>>
      %dma_start3A_331 = arith.constant 0 : i32
      %dma_start3A_332 = arith.constant 0 : i32
      %dma_start3A_333 = tpu.memref_slice %arg2[%dma_start3A_331, %dma_start3A_332] : memref<10000x16xf32, #tpu.memory_space<hbm>> -> memref<10000x16xf32, #tpu.memory_space<hbm>>
      tpu.enqueue_indirect_dma source(%dma_start3A_333 : memref<10000x16xf32, #tpu.memory_space<hbm>>) target(%dma_start3A_327 : memref<80x16xf32, #tpu.memory_space<vmem>>) offsets(%dma_start3A_330 : memref<80xi32, #tpu.memory_space<vmem>>) semaphore(%arg7 : memref<!tpu.dma_semaphore, #tpu.memory_space<semaphore_mem>>)
      %mul3A_334 = arith.constant 25 : i32
      %mul3A_335 = arith.muli %scan3A_37, %mul3A_334 : i32
      %add3A_336 = arith.constant 21 : i32
      %add3A_337 = arith.addi %mul3A_335, %add3A_336 : i32
      %dma_start3A_338 = arith.constant 1680 : i32
      %dma_start3A_339 = arith.constant 0 : i32
      %dma_start3A_340 = tpu.memref_slice %arg6[%rem3A_38, %dma_start3A_338, %dma_start3A_339] : memref<2x2000x16xf32, #tpu.memory_space<vmem>> -> memref<1x80x16xf32, #tpu.memory_space<vmem>>
      %dma_start3A_341 = tpu.memref_squeeze %dma_start3A_340 : memref<1x80x16xf32, #tpu.memory_space<vmem>> -> memref<80x16xf32, #tpu.memory_space<vmem>>
      %dma_start3A_342 = arith.constant 0 : i32
      %dma_start3A_343 = tpu.memref_slice %arg5[%add3A_337, %dma_start3A_342] : memref<125x80xi32, #tpu.memory_space<vmem>> -> memref<1x80xi32, #tpu.memory_space<vmem>>
      %dma_start3A_344 = tpu.memref_squeeze %dma_start3A_343 : memref<1x80xi32, #tpu.memory_space<vmem>> -> memref<80xi32, #tpu.memory_space<vmem>>
      %dma_start3A_345 = arith.constant 0 : i32
      %dma_start3A_346 = arith.constant 0 : i32
      %dma_start3A_347 = tpu.memref_slice %arg2[%dma_start3A_345, %dma_start3A_346] : memref<10000x16xf32, #tpu.memory_space<hbm>> -> memref<10000x16xf32, #tpu.memory_space<hbm>>
      tpu.enqueue_indirect_dma source(%dma_start3A_347 : memref<10000x16xf32, #tpu.memory_space<hbm>>) target(%dma_start3A_341 : memref<80x16xf32, #tpu.memory_space<vmem>>) offsets(%dma_start3A_344 : memref<80xi32, #tpu.memory_space<vmem>>) semaphore(%arg7 : memref<!tpu.dma_semaphore, #tpu.memory_space<semaphore_mem>>)
      %mul3A_348 = arith.constant 25 : i32
      %mul3A_349 = arith.muli %scan3A_37, %mul3A_348 : i32
      %add3A_350 = arith.constant 22 : i32
      %add3A_351 = arith.addi %mul3A_349, %add3A_350 : i32
      %dma_start3A_352 = arith.constant 1760 : i32
      %dma_start3A_353 = arith.constant 0 : i32
      %dma_start3A_354 = tpu.memref_slice %arg6[%rem3A_38, %dma_start3A_352, %dma_start3A_353] : memref<2x2000x16xf32, #tpu.memory_space<vmem>> -> memref<1x80x16xf32, #tpu.memory_space<vmem>>
      %dma_start3A_355 = tpu.memref_squeeze %dma_start3A_354 : memref<1x80x16xf32, #tpu.memory_space<vmem>> -> memref<80x16xf32, #tpu.memory_space<vmem>>
      %dma_start3A_356 = arith.constant 0 : i32
      %dma_start3A_357 = tpu.memref_slice %arg5[%add3A_351, %dma_start3A_356] : memref<125x80xi32, #tpu.memory_space<vmem>> -> memref<1x80xi32, #tpu.memory_space<vmem>>
      %dma_start3A_358 = tpu.memref_squeeze %dma_start3A_357 : memref<1x80xi32, #tpu.memory_space<vmem>> -> memref<80xi32, #tpu.memory_space<vmem>>
      %dma_start3A_359 = arith.constant 0 : i32
      %dma_start3A_360 = arith.constant 0 : i32
      %dma_start3A_361 = tpu.memref_slice %arg2[%dma_start3A_359, %dma_start3A_360] : memref<10000x16xf32, #tpu.memory_space<hbm>> -> memref<10000x16xf32, #tpu.memory_space<hbm>>
      tpu.enqueue_indirect_dma source(%dma_start3A_361 : memref<10000x16xf32, #tpu.memory_space<hbm>>) target(%dma_start3A_355 : memref<80x16xf32, #tpu.memory_space<vmem>>) offsets(%dma_start3A_358 : memref<80xi32, #tpu.memory_space<vmem>>) semaphore(%arg7 : memref<!tpu.dma_semaphore, #tpu.memory_space<semaphore_mem>>)
      %mul3A_362 = arith.constant 25 : i32
      %mul3A_363 = arith.muli %scan3A_37, %mul3A_362 : i32
      %add3A_364 = arith.constant 23 : i32
      %add3A_365 = arith.addi %mul3A_363, %add3A_364 : i32
      %dma_start3A_366 = arith.constant 1840 : i32
      %dma_start3A_367 = arith.constant 0 : i32
      %dma_start3A_368 = tpu.memref_slice %arg6[%rem3A_38, %dma_start3A_366, %dma_start3A_367] : memref<2x2000x16xf32, #tpu.memory_space<vmem>> -> memref<1x80x16xf32, #tpu.memory_space<vmem>>
      %dma_start3A_369 = tpu.memref_squeeze %dma_start3A_368 : memref<1x80x16xf32, #tpu.memory_space<vmem>> -> memref<80x16xf32, #tpu.memory_space<vmem>>
      %dma_start3A_370 = arith.constant 0 : i32
      %dma_start3A_371 = tpu.memref_slice %arg5[%add3A_365, %dma_start3A_370] : memref<125x80xi32, #tpu.memory_space<vmem>> -> memref<1x80xi32, #tpu.memory_space<vmem>>
      %dma_start3A_372 = tpu.memref_squeeze %dma_start3A_371 : memref<1x80xi32, #tpu.memory_space<vmem>> -> memref<80xi32, #tpu.memory_space<vmem>>
      %dma_start3A_373 = arith.constant 0 : i32
      %dma_start3A_374 = arith.constant 0 : i32
      %dma_start3A_375 = tpu.memref_slice %arg2[%dma_start3A_373, %dma_start3A_374] : memref<10000x16xf32, #tpu.memory_space<hbm>> -> memref<10000x16xf32, #tpu.memory_space<hbm>>
      tpu.enqueue_indirect_dma source(%dma_start3A_375 : memref<10000x16xf32, #tpu.memory_space<hbm>>) target(%dma_start3A_369 : memref<80x16xf32, #tpu.memory_space<vmem>>) offsets(%dma_start3A_372 : memref<80xi32, #tpu.memory_space<vmem>>) semaphore(%arg7 : memref<!tpu.dma_semaphore, #tpu.memory_space<semaphore_mem>>)
      %mul3A_376 = arith.constant 25 : i32
      %mul3A_377 = arith.muli %scan3A_37, %mul3A_376 : i32
      %add3A_378 = arith.constant 24 : i32
      %add3A_379 = arith.addi %mul3A_377, %add3A_378 : i32
      %dma_start3A_380 = arith.constant 1920 : i32
      %dma_start3A_381 = arith.constant 0 : i32
      %dma_start3A_382 = tpu.memref_slice %arg6[%rem3A_38, %dma_start3A_380, %dma_start3A_381] : memref<2x2000x16xf32, #tpu.memory_space<vmem>> -> memref<1x80x16xf32, #tpu.memory_space<vmem>>
      %dma_start3A_383 = tpu.memref_squeeze %dma_start3A_382 : memref<1x80x16xf32, #tpu.memory_space<vmem>> -> memref<80x16xf32, #tpu.memory_space<vmem>>
      %dma_start3A_384 = arith.constant 0 : i32
      %dma_start3A_385 = tpu.memref_slice %arg5[%add3A_379, %dma_start3A_384] : memref<125x80xi32, #tpu.memory_space<vmem>> -> memref<1x80xi32, #tpu.memory_space<vmem>>
      %dma_start3A_386 = tpu.memref_squeeze %dma_start3A_385 : memref<1x80xi32, #tpu.memory_space<vmem>> -> memref<80xi32, #tpu.memory_space<vmem>>
      %dma_start3A_387 = arith.constant 0 : i32
      %dma_start3A_388 = arith.constant 0 : i32
      %dma_start3A_389 = tpu.memref_slice %arg2[%dma_start3A_387, %dma_start3A_388] : memref<10000x16xf32, #tpu.memory_space<hbm>> -> memref<10000x16xf32, #tpu.memory_space<hbm>>
      tpu.enqueue_indirect_dma source(%dma_start3A_389 : memref<10000x16xf32, #tpu.memory_space<hbm>>) target(%dma_start3A_383 : memref<80x16xf32, #tpu.memory_space<vmem>>) offsets(%dma_start3A_386 : memref<80xi32, #tpu.memory_space<vmem>>) semaphore(%arg7 : memref<!tpu.dma_semaphore, #tpu.memory_space<semaphore_mem>>)
      %dma_wait3A_390 = arith.constant 0 : i32
      %dma_wait3A_391 = arith.constant 0 : i32
      %dma_wait3A_392 = arith.constant 0 : i32
      %dma_wait3A_393 = tpu.memref_slice %arg6[%dma_wait3A_390, %dma_wait3A_391, %dma_wait3A_392] : memref<2x2000x16xf32, #tpu.memory_space<vmem>> -> memref<1x2000x16xf32, #tpu.memory_space<vmem>>
      %dma_wait3A_394 = tpu.memref_squeeze %dma_wait3A_393 : memref<1x2000x16xf32, #tpu.memory_space<vmem>> -> memref<2000x16xf32, #tpu.memory_space<vmem>>
      %dma_wait3A_395 = arith.constant 0 : i32
      %dma_wait3A_396 = arith.constant 0 : i32
      %dma_wait3A_397 = tpu.memref_slice %arg2[%dma_wait3A_395, %dma_wait3A_396] : memref<10000x16xf32, #tpu.memory_space<hbm>> -> memref<2000x16xf32, #tpu.memory_space<hbm>>
      %dma_wait3A_398 = arith.constant 0 : i32
      %dma_wait3A_399 = arith.constant 0 : i32
      %dma_wait3A_400 = tpu.memref_slice %arg6[%dma_wait3A_390, %dma_wait3A_398, %dma_wait3A_399] : memref<2x2000x16xf32, #tpu.memory_space<vmem>> -> memref<1x2000x16xf32, #tpu.memory_space<vmem>>
      %dma_wait3A_401 = tpu.memref_squeeze %dma_wait3A_400 : memref<1x2000x16xf32, #tpu.memory_space<vmem>> -> memref<2000x16xf32, #tpu.memory_space<vmem>>
      %dma_wait3A_402 = arith.constant 0 : i32
      %dma_wait3A_403 = arith.constant 0 : i32
      %dma_wait3A_404 = tpu.memref_slice %arg2[%dma_wait3A_402, %dma_wait3A_403] : memref<10000x16xf32, #tpu.memory_space<hbm>> -> memref<2000x16xf32, #tpu.memory_space<hbm>>
      tpu.wait_dma2 semaphore(%arg7 : memref<!tpu.dma_semaphore, #tpu.memory_space<semaphore_mem>>) src(%dma_wait3A_404 : memref<2000x16xf32, #tpu.memory_space<hbm>>) dst(%dma_wait3A_401 : memref<2000x16xf32, #tpu.memory_space<vmem>>)
      %mul3A_405 = arith.constant 25 : i32
      %mul3A_406 = arith.muli %scan3A_37, %mul3A_405 : i32
      %mul3A_407 = arith.constant 80 : i32
      %mul3A_408 = arith.muli %mul3A_406, %mul3A_407 : i32
      %add3A_409 = arith.addi %mul3A_2, %mul3A_408 : i32
      %dma_start3A_410 = arith.constant 0 : i32
      %dma_start3A_411 = arith.constant 0 : i32
      %dma_start3A_412 = tpu.memref_slice %arg6[%rem3A_38, %dma_start3A_410, %dma_start3A_411] : memref<2x2000x16xf32, #tpu.memory_space<vmem>> -> memref<1x2000x16xf32, #tpu.memory_space<vmem>>
      %dma_start3A_413 = tpu.memref_squeeze %dma_start3A_412 : memref<1x2000x16xf32, #tpu.memory_space<vmem>> -> memref<2000x16xf32, #tpu.memory_space<vmem>>
      %dma_start3A_414 = arith.constant 0 : i32
      %dma_start3A_415 = tpu.memref_slice %arg4[%add3A_409, %dma_start3A_414] : memref<320000x16xf32, #tpu.memory_space<hbm>> -> memref<2000x16xf32, #tpu.memory_space<hbm>>
      %dma_start3A_416 = arith.constant 0 : i32
      %dma_start3A_417 = tpu.memref_slice %arg4[%add3A_409, %dma_start3A_416] : memref<320000x16xf32, #tpu.memory_space<hbm>> -> memref<2000x16xf32, #tpu.memory_space<hbm>>
      %dma_start3A_418 = arith.constant 0 : i32
      %dma_start3A_419 = arith.constant 0 : i32
      %dma_start3A_420 = tpu.memref_slice %arg6[%rem3A_38, %dma_start3A_418, %dma_start3A_419] : memref<2x2000x16xf32, #tpu.memory_space<vmem>> -> memref<1x2000x16xf32, #tpu.memory_space<vmem>>
      %dma_start3A_421 = tpu.memref_squeeze %dma_start3A_420 : memref<1x2000x16xf32, #tpu.memory_space<vmem>> -> memref<2000x16xf32, #tpu.memory_space<vmem>>
      tpu.enqueue_dma source(%dma_start3A_421 : memref<2000x16xf32, #tpu.memory_space<vmem>>) target(%dma_start3A_417 : memref<2000x16xf32, #tpu.memory_space<hbm>>) target_semaphore(%arg8 : memref<!tpu.dma_semaphore, #tpu.memory_space<semaphore_mem>>)
    }
    %scan3A_7 = arith.constant 5 : i32
    %dma_wait3A = arith.constant 0 : i32
    %dma_wait3A_8 = arith.constant 0 : i32
    %dma_wait3A_9 = arith.constant 0 : i32
    %dma_wait3A_10 = tpu.memref_slice %arg6[%dma_wait3A, %dma_wait3A_8, %dma_wait3A_9] : memref<2x2000x16xf32, #tpu.memory_space<vmem>> -> memref<1x2000x16xf32, #tpu.memory_space<vmem>>
    %dma_wait3A_11 = tpu.memref_squeeze %dma_wait3A_10 : memref<1x2000x16xf32, #tpu.memory_space<vmem>> -> memref<2000x16xf32, #tpu.memory_space<vmem>>
    %dma_wait3A_12 = arith.constant 0 : i32
    %dma_wait3A_13 = arith.constant 0 : i32
    %dma_wait3A_14 = tpu.memref_slice %arg4[%dma_wait3A_12, %dma_wait3A_13] : memref<320000x16xf32, #tpu.memory_space<hbm>> -> memref<2000x16xf32, #tpu.memory_space<hbm>>
    %dma_wait3A_15 = arith.constant 0 : i32
    %dma_wait3A_16 = arith.constant 0 : i32
    %dma_wait3A_17 = tpu.memref_slice %arg6[%dma_wait3A, %dma_wait3A_15, %dma_wait3A_16] : memref<2x2000x16xf32, #tpu.memory_space<vmem>> -> memref<1x2000x16xf32, #tpu.memory_space<vmem>>
    %dma_wait3A_18 = tpu.memref_squeeze %dma_wait3A_17 : memref<1x2000x16xf32, #tpu.memory_space<vmem>> -> memref<2000x16xf32, #tpu.memory_space<vmem>>
    %dma_wait3A_19 = arith.constant 0 : i32
    %dma_wait3A_20 = arith.constant 0 : i32
    %dma_wait3A_21 = tpu.memref_slice %arg4[%dma_wait3A_19, %dma_wait3A_20] : memref<320000x16xf32, #tpu.memory_space<hbm>> -> memref<2000x16xf32, #tpu.memory_space<hbm>>
    tpu.wait_dma2 semaphore(%arg8 : memref<!tpu.dma_semaphore, #tpu.memory_space<semaphore_mem>>) src(%dma_wait3A_21 : memref<2000x16xf32, #tpu.memory_space<hbm>>) dst(%dma_wait3A_18 : memref<2000x16xf32, #tpu.memory_space<vmem>>)
    %dma_wait3A_22 = arith.constant 0 : i32
    %dma_wait3A_23 = arith.constant 0 : i32
    %dma_wait3A_24 = arith.constant 0 : i32
    %dma_wait3A_25 = tpu.memref_slice %arg6[%dma_wait3A_22, %dma_wait3A_23, %dma_wait3A_24] : memref<2x2000x16xf32, #tpu.memory_space<vmem>> -> memref<1x2000x16xf32, #tpu.memory_space<vmem>>
    %dma_wait3A_26 = tpu.memref_squeeze %dma_wait3A_25 : memref<1x2000x16xf32, #tpu.memory_space<vmem>> -> memref<2000x16xf32, #tpu.memory_space<vmem>>
    %dma_wait3A_27 = arith.constant 0 : i32
    %dma_wait3A_28 = arith.constant 0 : i32
    %dma_wait3A_29 = tpu.memref_slice %arg4[%dma_wait3A_27, %dma_wait3A_28] : memref<320000x16xf32, #tpu.memory_space<hbm>> -> memref<2000x16xf32, #tpu.memory_space<hbm>>
    %dma_wait3A_30 = arith.constant 0 : i32
    %dma_wait3A_31 = arith.constant 0 : i32
    %dma_wait3A_32 = tpu.memref_slice %arg6[%dma_wait3A_22, %dma_wait3A_30, %dma_wait3A_31] : memref<2x2000x16xf32, #tpu.memory_space<vmem>> -> memref<1x2000x16xf32, #tpu.memory_space<vmem>>
    %dma_wait3A_33 = tpu.memref_squeeze %dma_wait3A_32 : memref<1x2000x16xf32, #tpu.memory_space<vmem>> -> memref<2000x16xf32, #tpu.memory_space<vmem>>
    %dma_wait3A_34 = arith.constant 0 : i32
    %dma_wait3A_35 = arith.constant 0 : i32
    %dma_wait3A_36 = tpu.memref_slice %arg4[%dma_wait3A_34, %dma_wait3A_35] : memref<320000x16xf32, #tpu.memory_space<hbm>> -> memref<2000x16xf32, #tpu.memory_space<hbm>>
    tpu.wait_dma2 semaphore(%arg8 : memref<!tpu.dma_semaphore, #tpu.memory_space<semaphore_mem>>) src(%dma_wait3A_36 : memref<2000x16xf32, #tpu.memory_space<hbm>>) dst(%dma_wait3A_33 : memref<2000x16xf32, #tpu.memory_space<vmem>>)
    return
  }
}

#map = affine_map<(d0, d1) -> (0, 0)>
#map1 = affine_map<(d0, d1) -> (0, 0, 0)>
module attributes {stable_mosaic.version = 14 : i64} {
  func.func @_sc_gather_body(%arg0: i32, %arg1: i32, %arg2: memref<10000x16xf32, #tpu.memory_space<hbm>>, %arg3: memref<32x125x80xi32, #tpu.memory_space<hbm>>, %arg4: memref<320000x16xf32, #tpu.memory_space<hbm>>, %arg5: memref<125x80xi32, #tpu.memory_space<vmem>>, %arg6: memref<2x2000x16xf32, #tpu.memory_space<vmem>>, %arg7: memref<!tpu.dma_semaphore, #tpu.memory_space<semaphore_mem>>, %arg8: memref<!tpu.dma_semaphore, #tpu.memory_space<semaphore_mem>>) attributes {dimension_semantics = [#tpu.dimension_semantics<core_parallel>, #tpu.dimension_semantics<subcore_parallel>], iteration_bounds = array<i64: 2, 16>, scalar_prefetch = 0 : i64, scratch_operands = 4 : i64, tpu.core_type = #tpu.core_type<sc_vector_subcore>, window_params = [{transform_indices = #map}, {transform_indices = #map1}, {transform_indices = #map}]} {
    %mul3A = arith.constant 2 : i32
    %mul3A_0 = arith.muli %arg1, %mul3A : i32
    %add3A = arith.addi %mul3A_0, %arg0 : i32
    %mul3A_1 = arith.constant 10000 : i32
    %mul3A_2 = arith.muli %add3A, %mul3A_1 : i32
    "tpu.region"() ({
      %run_scoped3A = tpu.sem_alloc : memref<!tpu.dma_semaphore, #tpu.memory_space<semaphore_mem>>
      %dma_start3A = arith.constant 0 : i32
      %dma_start3A_37 = arith.constant 0 : i32
      %dma_start3A_38 = tpu.memref_slice %arg3[%add3A, %dma_start3A, %dma_start3A_37] : memref<32x125x80xi32, #tpu.memory_space<hbm>> -> memref<1x125x80xi32, #tpu.memory_space<hbm>>
      %dma_start3A_39 = tpu.memref_squeeze %dma_start3A_38 : memref<1x125x80xi32, #tpu.memory_space<hbm>> -> memref<125x80xi32, #tpu.memory_space<hbm>>
      %dma_start3A_40 = arith.constant 0 : i32
      %dma_start3A_41 = arith.constant 0 : i32
      %dma_start3A_42 = tpu.memref_slice %arg3[%add3A, %dma_start3A_40, %dma_start3A_41] : memref<32x125x80xi32, #tpu.memory_space<hbm>> -> memref<1x125x80xi32, #tpu.memory_space<hbm>>
      %dma_start3A_43 = tpu.memref_squeeze %dma_start3A_42 : memref<1x125x80xi32, #tpu.memory_space<hbm>> -> memref<125x80xi32, #tpu.memory_space<hbm>>
      tpu.enqueue_dma source(%dma_start3A_43 : memref<125x80xi32, #tpu.memory_space<hbm>>) target(%arg5 : memref<125x80xi32, #tpu.memory_space<vmem>>) target_semaphore(%run_scoped3A : memref<!tpu.dma_semaphore, #tpu.memory_space<semaphore_mem>>)
      %dma_wait3A_44 = arith.constant 0 : i32
      %dma_wait3A_45 = arith.constant 0 : i32
      %dma_wait3A_46 = tpu.memref_slice %arg3[%add3A, %dma_wait3A_44, %dma_wait3A_45] : memref<32x125x80xi32, #tpu.memory_space<hbm>> -> memref<1x125x80xi32, #tpu.memory_space<hbm>>
      %dma_wait3A_47 = tpu.memref_squeeze %dma_wait3A_46 : memref<1x125x80xi32, #tpu.memory_space<hbm>> -> memref<125x80xi32, #tpu.memory_space<hbm>>
      %dma_wait3A_48 = arith.constant 0 : i32
      %dma_wait3A_49 = arith.constant 0 : i32
      %dma_wait3A_50 = tpu.memref_slice %arg3[%add3A, %dma_wait3A_48, %dma_wait3A_49] : memref<32x125x80xi32, #tpu.memory_space<hbm>> -> memref<1x125x80xi32, #tpu.memory_space<hbm>>
      %dma_wait3A_51 = tpu.memref_squeeze %dma_wait3A_50 : memref<1x125x80xi32, #tpu.memory_space<hbm>> -> memref<125x80xi32, #tpu.memory_space<hbm>>
      tpu.wait_dma2 semaphore(%run_scoped3A : memref<!tpu.dma_semaphore, #tpu.memory_space<semaphore_mem>>) src(%dma_wait3A_51 : memref<125x80xi32, #tpu.memory_space<hbm>>) dst(%arg5 : memref<125x80xi32, #tpu.memory_space<vmem>>)
      tpu.yield
    }) : () -> ()
    %scan3A = arith.constant 0 : i32
    %scan3A_3 = arith.constant 0 : i32
    %scan3A_4 = arith.constant 5 : i32
    %scan3A_5 = arith.addi %scan3A_3, %scan3A_4 : i32
    %scan3A_6 = arith.constant 1 : i32
    scf.for %scan3A_37 = %scan3A_3 to %scan3A_5 step %scan3A_6  : i32 {
      %rem3A = arith.constant 2 : i32
      %rem3A_38 = arith.remsi %scan3A_37, %rem3A : i32
      %ge3A = arith.constant 2 : i32
      %ge3A_39 = arith.cmpi sge, %scan3A_37, %ge3A : i32
      %convert_element_type3A = arith.extui %ge3A_39 : i1 to i32
      %cond3A = arith.constant 0 : i32
      %cond3A_40 = arith.cmpi ne, %convert_element_type3A, %cond3A : i32
      scf.if %cond3A_40 {
        %dma_wait3A_422 = arith.constant 0 : i32
        %dma_wait3A_423 = arith.constant 0 : i32
        %dma_wait3A_424 = arith.constant 0 : i32
        %dma_wait3A_425 = tpu.memref_slice %arg6[%dma_wait3A_422, %dma_wait3A_423, %dma_wait3A_424] : memref<2x2000x16xf32, #tpu.memory_space<vmem>> -> memref<1x2000x16xf32, #tpu.memory_space<vmem>>
        %dma_wait3A_426 = tpu.memref_squeeze %dma_wait3A_425 : memref<1x2000x16xf32, #tpu.memory_space<vmem>> -> memref<2000x16xf32, #tpu.memory_space<vmem>>
        %dma_wait3A_427 = arith.constant 0 : i32
        %dma_wait3A_428 = arith.constant 0 : i32
        %dma_wait3A_429 = tpu.memref_slice %arg4[%dma_wait3A_427, %dma_wait3A_428] : memref<320000x16xf32, #tpu.memory_space<hbm>> -> memref<2000x16xf32, #tpu.memory_space<hbm>>
        %dma_wait3A_430 = arith.constant 0 : i32
        %dma_wait3A_431 = arith.constant 0 : i32
        %dma_wait3A_432 = tpu.memref_slice %arg6[%dma_wait3A_422, %dma_wait3A_430, %dma_wait3A_431] : memref<2x2000x16xf32, #tpu.memory_space<vmem>> -> memref<1x2000x16xf32, #tpu.memory_space<vmem>>
        %dma_wait3A_433 = tpu.memref_squeeze %dma_wait3A_432 : memref<1x2000x16xf32, #tpu.memory_space<vmem>> -> memref<2000x16xf32, #tpu.memory_space<vmem>>
        %dma_wait3A_434 = arith.constant 0 : i32
        %dma_wait3A_435 = arith.constant 0 : i32
        %dma_wait3A_436 = tpu.memref_slice %arg4[%dma_wait3A_434, %dma_wait3A_435] : memref<320000x16xf32, #tpu.memory_space<hbm>> -> memref<2000x16xf32, #tpu.memory_space<hbm>>
        tpu.wait_dma2 semaphore(%arg8 : memref<!tpu.dma_semaphore, #tpu.memory_space<semaphore_mem>>) src(%dma_wait3A_436 : memref<2000x16xf32, #tpu.memory_space<hbm>>) dst(%dma_wait3A_433 : memref<2000x16xf32, #tpu.memory_space<vmem>>)
      } else {
      }
      %mul3A_41 = arith.constant 25 : i32
      %mul3A_42 = arith.muli %scan3A_37, %mul3A_41 : i32
      %add3A_43 = arith.constant 0 : i32
      %add3A_44 = arith.addi %mul3A_42, %add3A_43 : i32
      %dma_start3A = arith.constant 0 : i32
      %dma_start3A_45 = arith.constant 0 : i32
      %dma_start3A_46 = tpu.memref_slice %arg6[%rem3A_38, %dma_start3A, %dma_start3A_45] : memref<2x2000x16xf32, #tpu.memory_space<vmem>> -> memref<1x80x16xf32, #tpu.memory_space<vmem>>
      %dma_start3A_47 = tpu.memref_squeeze %dma_start3A_46 : memref<1x80x16xf32, #tpu.memory_space<vmem>> -> memref<80x16xf32, #tpu.memory_space<vmem>>
      %dma_start3A_48 = arith.constant 0 : i32
      %dma_start3A_49 = tpu.memref_slice %arg5[%add3A_44, %dma_start3A_48] : memref<125x80xi32, #tpu.memory_space<vmem>> -> memref<1x80xi32, #tpu.memory_space<vmem>>
      %dma_start3A_50 = tpu.memref_squeeze %dma_start3A_49 : memref<1x80xi32, #tpu.memory_space<vmem>> -> memref<80xi32, #tpu.memory_space<vmem>>
      %dma_start3A_51 = arith.constant 0 : i32
      %dma_start3A_52 = arith.constant 0 : i32
      %dma_start3A_53 = tpu.memref_slice %arg2[%dma_start3A_51, %dma_start3A_52] : memref<10000x16xf32, #tpu.memory_space<hbm>> -> memref<10000x16xf32, #tpu.memory_space<hbm>>
      tpu.enqueue_indirect_dma source(%dma_start3A_53 : memref<10000x16xf32, #tpu.memory_space<hbm>>) target(%dma_start3A_47 : memref<80x16xf32, #tpu.memory_space<vmem>>) offsets(%dma_start3A_50 : memref<80xi32, #tpu.memory_space<vmem>>) semaphore(%arg7 : memref<!tpu.dma_semaphore, #tpu.memory_space<semaphore_mem>>)
      %mul3A_54 = arith.constant 25 : i32
      %mul3A_55 = arith.muli %scan3A_37, %mul3A_54 : i32
      %add3A_56 = arith.constant 1 : i32
      %add3A_57 = arith.addi %mul3A_55, %add3A_56 : i32
      %dma_start3A_58 = arith.constant 80 : i32
      %dma_start3A_59 = arith.constant 0 : i32
      %dma_start3A_60 = tpu.memref_slice %arg6[%rem3A_38, %dma_start3A_58, %dma_start3A_59] : memref<2x2000x16xf32, #tpu.memory_space<vmem>> -> memref<1x80x16xf32, #tpu.memory_space<vmem>>
      %dma_start3A_61 = tpu.memref_squeeze %dma_start3A_60 : memref<1x80x16xf32, #tpu.memory_space<vmem>> -> memref<80x16xf32, #tpu.memory_space<vmem>>
      %dma_start3A_62 = arith.constant 0 : i32
      %dma_start3A_63 = tpu.memref_slice %arg5[%add3A_57, %dma_start3A_62] : memref<125x80xi32, #tpu.memory_space<vmem>> -> memref<1x80xi32, #tpu.memory_space<vmem>>
      %dma_start3A_64 = tpu.memref_squeeze %dma_start3A_63 : memref<1x80xi32, #tpu.memory_space<vmem>> -> memref<80xi32, #tpu.memory_space<vmem>>
      %dma_start3A_65 = arith.constant 0 : i32
      %dma_start3A_66 = arith.constant 0 : i32
      %dma_start3A_67 = tpu.memref_slice %arg2[%dma_start3A_65, %dma_start3A_66] : memref<10000x16xf32, #tpu.memory_space<hbm>> -> memref<10000x16xf32, #tpu.memory_space<hbm>>
      tpu.enqueue_indirect_dma source(%dma_start3A_67 : memref<10000x16xf32, #tpu.memory_space<hbm>>) target(%dma_start3A_61 : memref<80x16xf32, #tpu.memory_space<vmem>>) offsets(%dma_start3A_64 : memref<80xi32, #tpu.memory_space<vmem>>) semaphore(%arg7 : memref<!tpu.dma_semaphore, #tpu.memory_space<semaphore_mem>>)
      %mul3A_68 = arith.constant 25 : i32
      %mul3A_69 = arith.muli %scan3A_37, %mul3A_68 : i32
      %add3A_70 = arith.constant 2 : i32
      %add3A_71 = arith.addi %mul3A_69, %add3A_70 : i32
      %dma_start3A_72 = arith.constant 160 : i32
      %dma_start3A_73 = arith.constant 0 : i32
      %dma_start3A_74 = tpu.memref_slice %arg6[%rem3A_38, %dma_start3A_72, %dma_start3A_73] : memref<2x2000x16xf32, #tpu.memory_space<vmem>> -> memref<1x80x16xf32, #tpu.memory_space<vmem>>
      %dma_start3A_75 = tpu.memref_squeeze %dma_start3A_74 : memref<1x80x16xf32, #tpu.memory_space<vmem>> -> memref<80x16xf32, #tpu.memory_space<vmem>>
      %dma_start3A_76 = arith.constant 0 : i32
      %dma_start3A_77 = tpu.memref_slice %arg5[%add3A_71, %dma_start3A_76] : memref<125x80xi32, #tpu.memory_space<vmem>> -> memref<1x80xi32, #tpu.memory_space<vmem>>
      %dma_start3A_78 = tpu.memref_squeeze %dma_start3A_77 : memref<1x80xi32, #tpu.memory_space<vmem>> -> memref<80xi32, #tpu.memory_space<vmem>>
      %dma_start3A_79 = arith.constant 0 : i32
      %dma_start3A_80 = arith.constant 0 : i32
      %dma_start3A_81 = tpu.memref_slice %arg2[%dma_start3A_79, %dma_start3A_80] : memref<10000x16xf32, #tpu.memory_space<hbm>> -> memref<10000x16xf32, #tpu.memory_space<hbm>>
      tpu.enqueue_indirect_dma source(%dma_start3A_81 : memref<10000x16xf32, #tpu.memory_space<hbm>>) target(%dma_start3A_75 : memref<80x16xf32, #tpu.memory_space<vmem>>) offsets(%dma_start3A_78 : memref<80xi32, #tpu.memory_space<vmem>>) semaphore(%arg7 : memref<!tpu.dma_semaphore, #tpu.memory_space<semaphore_mem>>)
      %mul3A_82 = arith.constant 25 : i32
      %mul3A_83 = arith.muli %scan3A_37, %mul3A_82 : i32
      %add3A_84 = arith.constant 3 : i32
      %add3A_85 = arith.addi %mul3A_83, %add3A_84 : i32
      %dma_start3A_86 = arith.constant 240 : i32
      %dma_start3A_87 = arith.constant 0 : i32
      %dma_start3A_88 = tpu.memref_slice %arg6[%rem3A_38, %dma_start3A_86, %dma_start3A_87] : memref<2x2000x16xf32, #tpu.memory_space<vmem>> -> memref<1x80x16xf32, #tpu.memory_space<vmem>>
      %dma_start3A_89 = tpu.memref_squeeze %dma_start3A_88 : memref<1x80x16xf32, #tpu.memory_space<vmem>> -> memref<80x16xf32, #tpu.memory_space<vmem>>
      %dma_start3A_90 = arith.constant 0 : i32
      %dma_start3A_91 = tpu.memref_slice %arg5[%add3A_85, %dma_start3A_90] : memref<125x80xi32, #tpu.memory_space<vmem>> -> memref<1x80xi32, #tpu.memory_space<vmem>>
      %dma_start3A_92 = tpu.memref_squeeze %dma_start3A_91 : memref<1x80xi32, #tpu.memory_space<vmem>> -> memref<80xi32, #tpu.memory_space<vmem>>
      %dma_start3A_93 = arith.constant 0 : i32
      %dma_start3A_94 = arith.constant 0 : i32
      %dma_start3A_95 = tpu.memref_slice %arg2[%dma_start3A_93, %dma_start3A_94] : memref<10000x16xf32, #tpu.memory_space<hbm>> -> memref<10000x16xf32, #tpu.memory_space<hbm>>
      tpu.enqueue_indirect_dma source(%dma_start3A_95 : memref<10000x16xf32, #tpu.memory_space<hbm>>) target(%dma_start3A_89 : memref<80x16xf32, #tpu.memory_space<vmem>>) offsets(%dma_start3A_92 : memref<80xi32, #tpu.memory_space<vmem>>) semaphore(%arg7 : memref<!tpu.dma_semaphore, #tpu.memory_space<semaphore_mem>>)
      %mul3A_96 = arith.constant 25 : i32
      %mul3A_97 = arith.muli %scan3A_37, %mul3A_96 : i32
      %add3A_98 = arith.constant 4 : i32
      %add3A_99 = arith.addi %mul3A_97, %add3A_98 : i32
      %dma_start3A_100 = arith.constant 320 : i32
      %dma_start3A_101 = arith.constant 0 : i32
      %dma_start3A_102 = tpu.memref_slice %arg6[%rem3A_38, %dma_start3A_100, %dma_start3A_101] : memref<2x2000x16xf32, #tpu.memory_space<vmem>> -> memref<1x80x16xf32, #tpu.memory_space<vmem>>
      %dma_start3A_103 = tpu.memref_squeeze %dma_start3A_102 : memref<1x80x16xf32, #tpu.memory_space<vmem>> -> memref<80x16xf32, #tpu.memory_space<vmem>>
      %dma_start3A_104 = arith.constant 0 : i32
      %dma_start3A_105 = tpu.memref_slice %arg5[%add3A_99, %dma_start3A_104] : memref<125x80xi32, #tpu.memory_space<vmem>> -> memref<1x80xi32, #tpu.memory_space<vmem>>
      %dma_start3A_106 = tpu.memref_squeeze %dma_start3A_105 : memref<1x80xi32, #tpu.memory_space<vmem>> -> memref<80xi32, #tpu.memory_space<vmem>>
      %dma_start3A_107 = arith.constant 0 : i32
      %dma_start3A_108 = arith.constant 0 : i32
      %dma_start3A_109 = tpu.memref_slice %arg2[%dma_start3A_107, %dma_start3A_108] : memref<10000x16xf32, #tpu.memory_space<hbm>> -> memref<10000x16xf32, #tpu.memory_space<hbm>>
      tpu.enqueue_indirect_dma source(%dma_start3A_109 : memref<10000x16xf32, #tpu.memory_space<hbm>>) target(%dma_start3A_103 : memref<80x16xf32, #tpu.memory_space<vmem>>) offsets(%dma_start3A_106 : memref<80xi32, #tpu.memory_space<vmem>>) semaphore(%arg7 : memref<!tpu.dma_semaphore, #tpu.memory_space<semaphore_mem>>)
      %mul3A_110 = arith.constant 25 : i32
      %mul3A_111 = arith.muli %scan3A_37, %mul3A_110 : i32
      %add3A_112 = arith.constant 5 : i32
      %add3A_113 = arith.addi %mul3A_111, %add3A_112 : i32
      %dma_start3A_114 = arith.constant 400 : i32
      %dma_start3A_115 = arith.constant 0 : i32
      %dma_start3A_116 = tpu.memref_slice %arg6[%rem3A_38, %dma_start3A_114, %dma_start3A_115] : memref<2x2000x16xf32, #tpu.memory_space<vmem>> -> memref<1x80x16xf32, #tpu.memory_space<vmem>>
      %dma_start3A_117 = tpu.memref_squeeze %dma_start3A_116 : memref<1x80x16xf32, #tpu.memory_space<vmem>> -> memref<80x16xf32, #tpu.memory_space<vmem>>
      %dma_start3A_118 = arith.constant 0 : i32
      %dma_start3A_119 = tpu.memref_slice %arg5[%add3A_113, %dma_start3A_118] : memref<125x80xi32, #tpu.memory_space<vmem>> -> memref<1x80xi32, #tpu.memory_space<vmem>>
      %dma_start3A_120 = tpu.memref_squeeze %dma_start3A_119 : memref<1x80xi32, #tpu.memory_space<vmem>> -> memref<80xi32, #tpu.memory_space<vmem>>
      %dma_start3A_121 = arith.constant 0 : i32
      %dma_start3A_122 = arith.constant 0 : i32
      %dma_start3A_123 = tpu.memref_slice %arg2[%dma_start3A_121, %dma_start3A_122] : memref<10000x16xf32, #tpu.memory_space<hbm>> -> memref<10000x16xf32, #tpu.memory_space<hbm>>
      tpu.enqueue_indirect_dma source(%dma_start3A_123 : memref<10000x16xf32, #tpu.memory_space<hbm>>) target(%dma_start3A_117 : memref<80x16xf32, #tpu.memory_space<vmem>>) offsets(%dma_start3A_120 : memref<80xi32, #tpu.memory_space<vmem>>) semaphore(%arg7 : memref<!tpu.dma_semaphore, #tpu.memory_space<semaphore_mem>>)
      %mul3A_124 = arith.constant 25 : i32
      %mul3A_125 = arith.muli %scan3A_37, %mul3A_124 : i32
      %add3A_126 = arith.constant 6 : i32
      %add3A_127 = arith.addi %mul3A_125, %add3A_126 : i32
      %dma_start3A_128 = arith.constant 480 : i32
      %dma_start3A_129 = arith.constant 0 : i32
      %dma_start3A_130 = tpu.memref_slice %arg6[%rem3A_38, %dma_start3A_128, %dma_start3A_129] : memref<2x2000x16xf32, #tpu.memory_space<vmem>> -> memref<1x80x16xf32, #tpu.memory_space<vmem>>
      %dma_start3A_131 = tpu.memref_squeeze %dma_start3A_130 : memref<1x80x16xf32, #tpu.memory_space<vmem>> -> memref<80x16xf32, #tpu.memory_space<vmem>>
      %dma_start3A_132 = arith.constant 0 : i32
      %dma_start3A_133 = tpu.memref_slice %arg5[%add3A_127, %dma_start3A_132] : memref<125x80xi32, #tpu.memory_space<vmem>> -> memref<1x80xi32, #tpu.memory_space<vmem>>
      %dma_start3A_134 = tpu.memref_squeeze %dma_start3A_133 : memref<1x80xi32, #tpu.memory_space<vmem>> -> memref<80xi32, #tpu.memory_space<vmem>>
      %dma_start3A_135 = arith.constant 0 : i32
      %dma_start3A_136 = arith.constant 0 : i32
      %dma_start3A_137 = tpu.memref_slice %arg2[%dma_start3A_135, %dma_start3A_136] : memref<10000x16xf32, #tpu.memory_space<hbm>> -> memref<10000x16xf32, #tpu.memory_space<hbm>>
      tpu.enqueue_indirect_dma source(%dma_start3A_137 : memref<10000x16xf32, #tpu.memory_space<hbm>>) target(%dma_start3A_131 : memref<80x16xf32, #tpu.memory_space<vmem>>) offsets(%dma_start3A_134 : memref<80xi32, #tpu.memory_space<vmem>>) semaphore(%arg7 : memref<!tpu.dma_semaphore, #tpu.memory_space<semaphore_mem>>)
      %mul3A_138 = arith.constant 25 : i32
      %mul3A_139 = arith.muli %scan3A_37, %mul3A_138 : i32
      %add3A_140 = arith.constant 7 : i32
      %add3A_141 = arith.addi %mul3A_139, %add3A_140 : i32
      %dma_start3A_142 = arith.constant 560 : i32
      %dma_start3A_143 = arith.constant 0 : i32
      %dma_start3A_144 = tpu.memref_slice %arg6[%rem3A_38, %dma_start3A_142, %dma_start3A_143] : memref<2x2000x16xf32, #tpu.memory_space<vmem>> -> memref<1x80x16xf32, #tpu.memory_space<vmem>>
      %dma_start3A_145 = tpu.memref_squeeze %dma_start3A_144 : memref<1x80x16xf32, #tpu.memory_space<vmem>> -> memref<80x16xf32, #tpu.memory_space<vmem>>
      %dma_start3A_146 = arith.constant 0 : i32
      %dma_start3A_147 = tpu.memref_slice %arg5[%add3A_141, %dma_start3A_146] : memref<125x80xi32, #tpu.memory_space<vmem>> -> memref<1x80xi32, #tpu.memory_space<vmem>>
      %dma_start3A_148 = tpu.memref_squeeze %dma_start3A_147 : memref<1x80xi32, #tpu.memory_space<vmem>> -> memref<80xi32, #tpu.memory_space<vmem>>
      %dma_start3A_149 = arith.constant 0 : i32
      %dma_start3A_150 = arith.constant 0 : i32
      %dma_start3A_151 = tpu.memref_slice %arg2[%dma_start3A_149, %dma_start3A_150] : memref<10000x16xf32, #tpu.memory_space<hbm>> -> memref<10000x16xf32, #tpu.memory_space<hbm>>
      tpu.enqueue_indirect_dma source(%dma_start3A_151 : memref<10000x16xf32, #tpu.memory_space<hbm>>) target(%dma_start3A_145 : memref<80x16xf32, #tpu.memory_space<vmem>>) offsets(%dma_start3A_148 : memref<80xi32, #tpu.memory_space<vmem>>) semaphore(%arg7 : memref<!tpu.dma_semaphore, #tpu.memory_space<semaphore_mem>>)
      %mul3A_152 = arith.constant 25 : i32
      %mul3A_153 = arith.muli %scan3A_37, %mul3A_152 : i32
      %add3A_154 = arith.constant 8 : i32
      %add3A_155 = arith.addi %mul3A_153, %add3A_154 : i32
      %dma_start3A_156 = arith.constant 640 : i32
      %dma_start3A_157 = arith.constant 0 : i32
      %dma_start3A_158 = tpu.memref_slice %arg6[%rem3A_38, %dma_start3A_156, %dma_start3A_157] : memref<2x2000x16xf32, #tpu.memory_space<vmem>> -> memref<1x80x16xf32, #tpu.memory_space<vmem>>
      %dma_start3A_159 = tpu.memref_squeeze %dma_start3A_158 : memref<1x80x16xf32, #tpu.memory_space<vmem>> -> memref<80x16xf32, #tpu.memory_space<vmem>>
      %dma_start3A_160 = arith.constant 0 : i32
      %dma_start3A_161 = tpu.memref_slice %arg5[%add3A_155, %dma_start3A_160] : memref<125x80xi32, #tpu.memory_space<vmem>> -> memref<1x80xi32, #tpu.memory_space<vmem>>
      %dma_start3A_162 = tpu.memref_squeeze %dma_start3A_161 : memref<1x80xi32, #tpu.memory_space<vmem>> -> memref<80xi32, #tpu.memory_space<vmem>>
      %dma_start3A_163 = arith.constant 0 : i32
      %dma_start3A_164 = arith.constant 0 : i32
      %dma_start3A_165 = tpu.memref_slice %arg2[%dma_start3A_163, %dma_start3A_164] : memref<10000x16xf32, #tpu.memory_space<hbm>> -> memref<10000x16xf32, #tpu.memory_space<hbm>>
      tpu.enqueue_indirect_dma source(%dma_start3A_165 : memref<10000x16xf32, #tpu.memory_space<hbm>>) target(%dma_start3A_159 : memref<80x16xf32, #tpu.memory_space<vmem>>) offsets(%dma_start3A_162 : memref<80xi32, #tpu.memory_space<vmem>>) semaphore(%arg7 : memref<!tpu.dma_semaphore, #tpu.memory_space<semaphore_mem>>)
      %mul3A_166 = arith.constant 25 : i32
      %mul3A_167 = arith.muli %scan3A_37, %mul3A_166 : i32
      %add3A_168 = arith.constant 9 : i32
      %add3A_169 = arith.addi %mul3A_167, %add3A_168 : i32
      %dma_start3A_170 = arith.constant 720 : i32
      %dma_start3A_171 = arith.constant 0 : i32
      %dma_start3A_172 = tpu.memref_slice %arg6[%rem3A_38, %dma_start3A_170, %dma_start3A_171] : memref<2x2000x16xf32, #tpu.memory_space<vmem>> -> memref<1x80x16xf32, #tpu.memory_space<vmem>>
      %dma_start3A_173 = tpu.memref_squeeze %dma_start3A_172 : memref<1x80x16xf32, #tpu.memory_space<vmem>> -> memref<80x16xf32, #tpu.memory_space<vmem>>
      %dma_start3A_174 = arith.constant 0 : i32
      %dma_start3A_175 = tpu.memref_slice %arg5[%add3A_169, %dma_start3A_174] : memref<125x80xi32, #tpu.memory_space<vmem>> -> memref<1x80xi32, #tpu.memory_space<vmem>>
      %dma_start3A_176 = tpu.memref_squeeze %dma_start3A_175 : memref<1x80xi32, #tpu.memory_space<vmem>> -> memref<80xi32, #tpu.memory_space<vmem>>
      %dma_start3A_177 = arith.constant 0 : i32
      %dma_start3A_178 = arith.constant 0 : i32
      %dma_start3A_179 = tpu.memref_slice %arg2[%dma_start3A_177, %dma_start3A_178] : memref<10000x16xf32, #tpu.memory_space<hbm>> -> memref<10000x16xf32, #tpu.memory_space<hbm>>
      tpu.enqueue_indirect_dma source(%dma_start3A_179 : memref<10000x16xf32, #tpu.memory_space<hbm>>) target(%dma_start3A_173 : memref<80x16xf32, #tpu.memory_space<vmem>>) offsets(%dma_start3A_176 : memref<80xi32, #tpu.memory_space<vmem>>) semaphore(%arg7 : memref<!tpu.dma_semaphore, #tpu.memory_space<semaphore_mem>>)
      %mul3A_180 = arith.constant 25 : i32
      %mul3A_181 = arith.muli %scan3A_37, %mul3A_180 : i32
      %add3A_182 = arith.constant 10 : i32
      %add3A_183 = arith.addi %mul3A_181, %add3A_182 : i32
      %dma_start3A_184 = arith.constant 800 : i32
      %dma_start3A_185 = arith.constant 0 : i32
      %dma_start3A_186 = tpu.memref_slice %arg6[%rem3A_38, %dma_start3A_184, %dma_start3A_185] : memref<2x2000x16xf32, #tpu.memory_space<vmem>> -> memref<1x80x16xf32, #tpu.memory_space<vmem>>
      %dma_start3A_187 = tpu.memref_squeeze %dma_start3A_186 : memref<1x80x16xf32, #tpu.memory_space<vmem>> -> memref<80x16xf32, #tpu.memory_space<vmem>>
      %dma_start3A_188 = arith.constant 0 : i32
      %dma_start3A_189 = tpu.memref_slice %arg5[%add3A_183, %dma_start3A_188] : memref<125x80xi32, #tpu.memory_space<vmem>> -> memref<1x80xi32, #tpu.memory_space<vmem>>
      %dma_start3A_190 = tpu.memref_squeeze %dma_start3A_189 : memref<1x80xi32, #tpu.memory_space<vmem>> -> memref<80xi32, #tpu.memory_space<vmem>>
      %dma_start3A_191 = arith.constant 0 : i32
      %dma_start3A_192 = arith.constant 0 : i32
      %dma_start3A_193 = tpu.memref_slice %arg2[%dma_start3A_191, %dma_start3A_192] : memref<10000x16xf32, #tpu.memory_space<hbm>> -> memref<10000x16xf32, #tpu.memory_space<hbm>>
      tpu.enqueue_indirect_dma source(%dma_start3A_193 : memref<10000x16xf32, #tpu.memory_space<hbm>>) target(%dma_start3A_187 : memref<80x16xf32, #tpu.memory_space<vmem>>) offsets(%dma_start3A_190 : memref<80xi32, #tpu.memory_space<vmem>>) semaphore(%arg7 : memref<!tpu.dma_semaphore, #tpu.memory_space<semaphore_mem>>)
      %mul3A_194 = arith.constant 25 : i32
      %mul3A_195 = arith.muli %scan3A_37, %mul3A_194 : i32
      %add3A_196 = arith.constant 11 : i32
      %add3A_197 = arith.addi %mul3A_195, %add3A_196 : i32
      %dma_start3A_198 = arith.constant 880 : i32
      %dma_start3A_199 = arith.constant 0 : i32
      %dma_start3A_200 = tpu.memref_slice %arg6[%rem3A_38, %dma_start3A_198, %dma_start3A_199] : memref<2x2000x16xf32, #tpu.memory_space<vmem>> -> memref<1x80x16xf32, #tpu.memory_space<vmem>>
      %dma_start3A_201 = tpu.memref_squeeze %dma_start3A_200 : memref<1x80x16xf32, #tpu.memory_space<vmem>> -> memref<80x16xf32, #tpu.memory_space<vmem>>
      %dma_start3A_202 = arith.constant 0 : i32
      %dma_start3A_203 = tpu.memref_slice %arg5[%add3A_197, %dma_start3A_202] : memref<125x80xi32, #tpu.memory_space<vmem>> -> memref<1x80xi32, #tpu.memory_space<vmem>>
      %dma_start3A_204 = tpu.memref_squeeze %dma_start3A_203 : memref<1x80xi32, #tpu.memory_space<vmem>> -> memref<80xi32, #tpu.memory_space<vmem>>
      %dma_start3A_205 = arith.constant 0 : i32
      %dma_start3A_206 = arith.constant 0 : i32
      %dma_start3A_207 = tpu.memref_slice %arg2[%dma_start3A_205, %dma_start3A_206] : memref<10000x16xf32, #tpu.memory_space<hbm>> -> memref<10000x16xf32, #tpu.memory_space<hbm>>
      tpu.enqueue_indirect_dma source(%dma_start3A_207 : memref<10000x16xf32, #tpu.memory_space<hbm>>) target(%dma_start3A_201 : memref<80x16xf32, #tpu.memory_space<vmem>>) offsets(%dma_start3A_204 : memref<80xi32, #tpu.memory_space<vmem>>) semaphore(%arg7 : memref<!tpu.dma_semaphore, #tpu.memory_space<semaphore_mem>>)
      %mul3A_208 = arith.constant 25 : i32
      %mul3A_209 = arith.muli %scan3A_37, %mul3A_208 : i32
      %add3A_210 = arith.constant 12 : i32
      %add3A_211 = arith.addi %mul3A_209, %add3A_210 : i32
      %dma_start3A_212 = arith.constant 960 : i32
      %dma_start3A_213 = arith.constant 0 : i32
      %dma_start3A_214 = tpu.memref_slice %arg6[%rem3A_38, %dma_start3A_212, %dma_start3A_213] : memref<2x2000x16xf32, #tpu.memory_space<vmem>> -> memref<1x80x16xf32, #tpu.memory_space<vmem>>
      %dma_start3A_215 = tpu.memref_squeeze %dma_start3A_214 : memref<1x80x16xf32, #tpu.memory_space<vmem>> -> memref<80x16xf32, #tpu.memory_space<vmem>>
      %dma_start3A_216 = arith.constant 0 : i32
      %dma_start3A_217 = tpu.memref_slice %arg5[%add3A_211, %dma_start3A_216] : memref<125x80xi32, #tpu.memory_space<vmem>> -> memref<1x80xi32, #tpu.memory_space<vmem>>
      %dma_start3A_218 = tpu.memref_squeeze %dma_start3A_217 : memref<1x80xi32, #tpu.memory_space<vmem>> -> memref<80xi32, #tpu.memory_space<vmem>>
      %dma_start3A_219 = arith.constant 0 : i32
      %dma_start3A_220 = arith.constant 0 : i32
      %dma_start3A_221 = tpu.memref_slice %arg2[%dma_start3A_219, %dma_start3A_220] : memref<10000x16xf32, #tpu.memory_space<hbm>> -> memref<10000x16xf32, #tpu.memory_space<hbm>>
      tpu.enqueue_indirect_dma source(%dma_start3A_221 : memref<10000x16xf32, #tpu.memory_space<hbm>>) target(%dma_start3A_215 : memref<80x16xf32, #tpu.memory_space<vmem>>) offsets(%dma_start3A_218 : memref<80xi32, #tpu.memory_space<vmem>>) semaphore(%arg7 : memref<!tpu.dma_semaphore, #tpu.memory_space<semaphore_mem>>)
      %mul3A_222 = arith.constant 25 : i32
      %mul3A_223 = arith.muli %scan3A_37, %mul3A_222 : i32
      %add3A_224 = arith.constant 13 : i32
      %add3A_225 = arith.addi %mul3A_223, %add3A_224 : i32
      %dma_start3A_226 = arith.constant 1040 : i32
      %dma_start3A_227 = arith.constant 0 : i32
      %dma_start3A_228 = tpu.memref_slice %arg6[%rem3A_38, %dma_start3A_226, %dma_start3A_227] : memref<2x2000x16xf32, #tpu.memory_space<vmem>> -> memref<1x80x16xf32, #tpu.memory_space<vmem>>
      %dma_start3A_229 = tpu.memref_squeeze %dma_start3A_228 : memref<1x80x16xf32, #tpu.memory_space<vmem>> -> memref<80x16xf32, #tpu.memory_space<vmem>>
      %dma_start3A_230 = arith.constant 0 : i32
      %dma_start3A_231 = tpu.memref_slice %arg5[%add3A_225, %dma_start3A_230] : memref<125x80xi32, #tpu.memory_space<vmem>> -> memref<1x80xi32, #tpu.memory_space<vmem>>
      %dma_start3A_232 = tpu.memref_squeeze %dma_start3A_231 : memref<1x80xi32, #tpu.memory_space<vmem>> -> memref<80xi32, #tpu.memory_space<vmem>>
      %dma_start3A_233 = arith.constant 0 : i32
      %dma_start3A_234 = arith.constant 0 : i32
      %dma_start3A_235 = tpu.memref_slice %arg2[%dma_start3A_233, %dma_start3A_234] : memref<10000x16xf32, #tpu.memory_space<hbm>> -> memref<10000x16xf32, #tpu.memory_space<hbm>>
      tpu.enqueue_indirect_dma source(%dma_start3A_235 : memref<10000x16xf32, #tpu.memory_space<hbm>>) target(%dma_start3A_229 : memref<80x16xf32, #tpu.memory_space<vmem>>) offsets(%dma_start3A_232 : memref<80xi32, #tpu.memory_space<vmem>>) semaphore(%arg7 : memref<!tpu.dma_semaphore, #tpu.memory_space<semaphore_mem>>)
      %mul3A_236 = arith.constant 25 : i32
      %mul3A_237 = arith.muli %scan3A_37, %mul3A_236 : i32
      %add3A_238 = arith.constant 14 : i32
      %add3A_239 = arith.addi %mul3A_237, %add3A_238 : i32
      %dma_start3A_240 = arith.constant 1120 : i32
      %dma_start3A_241 = arith.constant 0 : i32
      %dma_start3A_242 = tpu.memref_slice %arg6[%rem3A_38, %dma_start3A_240, %dma_start3A_241] : memref<2x2000x16xf32, #tpu.memory_space<vmem>> -> memref<1x80x16xf32, #tpu.memory_space<vmem>>
      %dma_start3A_243 = tpu.memref_squeeze %dma_start3A_242 : memref<1x80x16xf32, #tpu.memory_space<vmem>> -> memref<80x16xf32, #tpu.memory_space<vmem>>
      %dma_start3A_244 = arith.constant 0 : i32
      %dma_start3A_245 = tpu.memref_slice %arg5[%add3A_239, %dma_start3A_244] : memref<125x80xi32, #tpu.memory_space<vmem>> -> memref<1x80xi32, #tpu.memory_space<vmem>>
      %dma_start3A_246 = tpu.memref_squeeze %dma_start3A_245 : memref<1x80xi32, #tpu.memory_space<vmem>> -> memref<80xi32, #tpu.memory_space<vmem>>
      %dma_start3A_247 = arith.constant 0 : i32
      %dma_start3A_248 = arith.constant 0 : i32
      %dma_start3A_249 = tpu.memref_slice %arg2[%dma_start3A_247, %dma_start3A_248] : memref<10000x16xf32, #tpu.memory_space<hbm>> -> memref<10000x16xf32, #tpu.memory_space<hbm>>
      tpu.enqueue_indirect_dma source(%dma_start3A_249 : memref<10000x16xf32, #tpu.memory_space<hbm>>) target(%dma_start3A_243 : memref<80x16xf32, #tpu.memory_space<vmem>>) offsets(%dma_start3A_246 : memref<80xi32, #tpu.memory_space<vmem>>) semaphore(%arg7 : memref<!tpu.dma_semaphore, #tpu.memory_space<semaphore_mem>>)
      %mul3A_250 = arith.constant 25 : i32
      %mul3A_251 = arith.muli %scan3A_37, %mul3A_250 : i32
      %add3A_252 = arith.constant 15 : i32
      %add3A_253 = arith.addi %mul3A_251, %add3A_252 : i32
      %dma_start3A_254 = arith.constant 1200 : i32
      %dma_start3A_255 = arith.constant 0 : i32
      %dma_start3A_256 = tpu.memref_slice %arg6[%rem3A_38, %dma_start3A_254, %dma_start3A_255] : memref<2x2000x16xf32, #tpu.memory_space<vmem>> -> memref<1x80x16xf32, #tpu.memory_space<vmem>>
      %dma_start3A_257 = tpu.memref_squeeze %dma_start3A_256 : memref<1x80x16xf32, #tpu.memory_space<vmem>> -> memref<80x16xf32, #tpu.memory_space<vmem>>
      %dma_start3A_258 = arith.constant 0 : i32
      %dma_start3A_259 = tpu.memref_slice %arg5[%add3A_253, %dma_start3A_258] : memref<125x80xi32, #tpu.memory_space<vmem>> -> memref<1x80xi32, #tpu.memory_space<vmem>>
      %dma_start3A_260 = tpu.memref_squeeze %dma_start3A_259 : memref<1x80xi32, #tpu.memory_space<vmem>> -> memref<80xi32, #tpu.memory_space<vmem>>
      %dma_start3A_261 = arith.constant 0 : i32
      %dma_start3A_262 = arith.constant 0 : i32
      %dma_start3A_263 = tpu.memref_slice %arg2[%dma_start3A_261, %dma_start3A_262] : memref<10000x16xf32, #tpu.memory_space<hbm>> -> memref<10000x16xf32, #tpu.memory_space<hbm>>
      tpu.enqueue_indirect_dma source(%dma_start3A_263 : memref<10000x16xf32, #tpu.memory_space<hbm>>) target(%dma_start3A_257 : memref<80x16xf32, #tpu.memory_space<vmem>>) offsets(%dma_start3A_260 : memref<80xi32, #tpu.memory_space<vmem>>) semaphore(%arg7 : memref<!tpu.dma_semaphore, #tpu.memory_space<semaphore_mem>>)
      %mul3A_264 = arith.constant 25 : i32
      %mul3A_265 = arith.muli %scan3A_37, %mul3A_264 : i32
      %add3A_266 = arith.constant 16 : i32
      %add3A_267 = arith.addi %mul3A_265, %add3A_266 : i32
      %dma_start3A_268 = arith.constant 1280 : i32
      %dma_start3A_269 = arith.constant 0 : i32
      %dma_start3A_270 = tpu.memref_slice %arg6[%rem3A_38, %dma_start3A_268, %dma_start3A_269] : memref<2x2000x16xf32, #tpu.memory_space<vmem>> -> memref<1x80x16xf32, #tpu.memory_space<vmem>>
      %dma_start3A_271 = tpu.memref_squeeze %dma_start3A_270 : memref<1x80x16xf32, #tpu.memory_space<vmem>> -> memref<80x16xf32, #tpu.memory_space<vmem>>
      %dma_start3A_272 = arith.constant 0 : i32
      %dma_start3A_273 = tpu.memref_slice %arg5[%add3A_267, %dma_start3A_272] : memref<125x80xi32, #tpu.memory_space<vmem>> -> memref<1x80xi32, #tpu.memory_space<vmem>>
      %dma_start3A_274 = tpu.memref_squeeze %dma_start3A_273 : memref<1x80xi32, #tpu.memory_space<vmem>> -> memref<80xi32, #tpu.memory_space<vmem>>
      %dma_start3A_275 = arith.constant 0 : i32
      %dma_start3A_276 = arith.constant 0 : i32
      %dma_start3A_277 = tpu.memref_slice %arg2[%dma_start3A_275, %dma_start3A_276] : memref<10000x16xf32, #tpu.memory_space<hbm>> -> memref<10000x16xf32, #tpu.memory_space<hbm>>
      tpu.enqueue_indirect_dma source(%dma_start3A_277 : memref<10000x16xf32, #tpu.memory_space<hbm>>) target(%dma_start3A_271 : memref<80x16xf32, #tpu.memory_space<vmem>>) offsets(%dma_start3A_274 : memref<80xi32, #tpu.memory_space<vmem>>) semaphore(%arg7 : memref<!tpu.dma_semaphore, #tpu.memory_space<semaphore_mem>>)
      %mul3A_278 = arith.constant 25 : i32
      %mul3A_279 = arith.muli %scan3A_37, %mul3A_278 : i32
      %add3A_280 = arith.constant 17 : i32
      %add3A_281 = arith.addi %mul3A_279, %add3A_280 : i32
      %dma_start3A_282 = arith.constant 1360 : i32
      %dma_start3A_283 = arith.constant 0 : i32
      %dma_start3A_284 = tpu.memref_slice %arg6[%rem3A_38, %dma_start3A_282, %dma_start3A_283] : memref<2x2000x16xf32, #tpu.memory_space<vmem>> -> memref<1x80x16xf32, #tpu.memory_space<vmem>>
      %dma_start3A_285 = tpu.memref_squeeze %dma_start3A_284 : memref<1x80x16xf32, #tpu.memory_space<vmem>> -> memref<80x16xf32, #tpu.memory_space<vmem>>
      %dma_start3A_286 = arith.constant 0 : i32
      %dma_start3A_287 = tpu.memref_slice %arg5[%add3A_281, %dma_start3A_286] : memref<125x80xi32, #tpu.memory_space<vmem>> -> memref<1x80xi32, #tpu.memory_space<vmem>>
      %dma_start3A_288 = tpu.memref_squeeze %dma_start3A_287 : memref<1x80xi32, #tpu.memory_space<vmem>> -> memref<80xi32, #tpu.memory_space<vmem>>
      %dma_start3A_289 = arith.constant 0 : i32
      %dma_start3A_290 = arith.constant 0 : i32
      %dma_start3A_291 = tpu.memref_slice %arg2[%dma_start3A_289, %dma_start3A_290] : memref<10000x16xf32, #tpu.memory_space<hbm>> -> memref<10000x16xf32, #tpu.memory_space<hbm>>
      tpu.enqueue_indirect_dma source(%dma_start3A_291 : memref<10000x16xf32, #tpu.memory_space<hbm>>) target(%dma_start3A_285 : memref<80x16xf32, #tpu.memory_space<vmem>>) offsets(%dma_start3A_288 : memref<80xi32, #tpu.memory_space<vmem>>) semaphore(%arg7 : memref<!tpu.dma_semaphore, #tpu.memory_space<semaphore_mem>>)
      %mul3A_292 = arith.constant 25 : i32
      %mul3A_293 = arith.muli %scan3A_37, %mul3A_292 : i32
      %add3A_294 = arith.constant 18 : i32
      %add3A_295 = arith.addi %mul3A_293, %add3A_294 : i32
      %dma_start3A_296 = arith.constant 1440 : i32
      %dma_start3A_297 = arith.constant 0 : i32
      %dma_start3A_298 = tpu.memref_slice %arg6[%rem3A_38, %dma_start3A_296, %dma_start3A_297] : memref<2x2000x16xf32, #tpu.memory_space<vmem>> -> memref<1x80x16xf32, #tpu.memory_space<vmem>>
      %dma_start3A_299 = tpu.memref_squeeze %dma_start3A_298 : memref<1x80x16xf32, #tpu.memory_space<vmem>> -> memref<80x16xf32, #tpu.memory_space<vmem>>
      %dma_start3A_300 = arith.constant 0 : i32
      %dma_start3A_301 = tpu.memref_slice %arg5[%add3A_295, %dma_start3A_300] : memref<125x80xi32, #tpu.memory_space<vmem>> -> memref<1x80xi32, #tpu.memory_space<vmem>>
      %dma_start3A_302 = tpu.memref_squeeze %dma_start3A_301 : memref<1x80xi32, #tpu.memory_space<vmem>> -> memref<80xi32, #tpu.memory_space<vmem>>
      %dma_start3A_303 = arith.constant 0 : i32
      %dma_start3A_304 = arith.constant 0 : i32
      %dma_start3A_305 = tpu.memref_slice %arg2[%dma_start3A_303, %dma_start3A_304] : memref<10000x16xf32, #tpu.memory_space<hbm>> -> memref<10000x16xf32, #tpu.memory_space<hbm>>
      tpu.enqueue_indirect_dma source(%dma_start3A_305 : memref<10000x16xf32, #tpu.memory_space<hbm>>) target(%dma_start3A_299 : memref<80x16xf32, #tpu.memory_space<vmem>>) offsets(%dma_start3A_302 : memref<80xi32, #tpu.memory_space<vmem>>) semaphore(%arg7 : memref<!tpu.dma_semaphore, #tpu.memory_space<semaphore_mem>>)
      %mul3A_306 = arith.constant 25 : i32
      %mul3A_307 = arith.muli %scan3A_37, %mul3A_306 : i32
      %add3A_308 = arith.constant 19 : i32
      %add3A_309 = arith.addi %mul3A_307, %add3A_308 : i32
      %dma_start3A_310 = arith.constant 1520 : i32
      %dma_start3A_311 = arith.constant 0 : i32
      %dma_start3A_312 = tpu.memref_slice %arg6[%rem3A_38, %dma_start3A_310, %dma_start3A_311] : memref<2x2000x16xf32, #tpu.memory_space<vmem>> -> memref<1x80x16xf32, #tpu.memory_space<vmem>>
      %dma_start3A_313 = tpu.memref_squeeze %dma_start3A_312 : memref<1x80x16xf32, #tpu.memory_space<vmem>> -> memref<80x16xf32, #tpu.memory_space<vmem>>
      %dma_start3A_314 = arith.constant 0 : i32
      %dma_start3A_315 = tpu.memref_slice %arg5[%add3A_309, %dma_start3A_314] : memref<125x80xi32, #tpu.memory_space<vmem>> -> memref<1x80xi32, #tpu.memory_space<vmem>>
      %dma_start3A_316 = tpu.memref_squeeze %dma_start3A_315 : memref<1x80xi32, #tpu.memory_space<vmem>> -> memref<80xi32, #tpu.memory_space<vmem>>
      %dma_start3A_317 = arith.constant 0 : i32
      %dma_start3A_318 = arith.constant 0 : i32
      %dma_start3A_319 = tpu.memref_slice %arg2[%dma_start3A_317, %dma_start3A_318] : memref<10000x16xf32, #tpu.memory_space<hbm>> -> memref<10000x16xf32, #tpu.memory_space<hbm>>
      tpu.enqueue_indirect_dma source(%dma_start3A_319 : memref<10000x16xf32, #tpu.memory_space<hbm>>) target(%dma_start3A_313 : memref<80x16xf32, #tpu.memory_space<vmem>>) offsets(%dma_start3A_316 : memref<80xi32, #tpu.memory_space<vmem>>) semaphore(%arg7 : memref<!tpu.dma_semaphore, #tpu.memory_space<semaphore_mem>>)
      %mul3A_320 = arith.constant 25 : i32
      %mul3A_321 = arith.muli %scan3A_37, %mul3A_320 : i32
      %add3A_322 = arith.constant 20 : i32
      %add3A_323 = arith.addi %mul3A_321, %add3A_322 : i32
      %dma_start3A_324 = arith.constant 1600 : i32
      %dma_start3A_325 = arith.constant 0 : i32
      %dma_start3A_326 = tpu.memref_slice %arg6[%rem3A_38, %dma_start3A_324, %dma_start3A_325] : memref<2x2000x16xf32, #tpu.memory_space<vmem>> -> memref<1x80x16xf32, #tpu.memory_space<vmem>>
      %dma_start3A_327 = tpu.memref_squeeze %dma_start3A_326 : memref<1x80x16xf32, #tpu.memory_space<vmem>> -> memref<80x16xf32, #tpu.memory_space<vmem>>
      %dma_start3A_328 = arith.constant 0 : i32
      %dma_start3A_329 = tpu.memref_slice %arg5[%add3A_323, %dma_start3A_328] : memref<125x80xi32, #tpu.memory_space<vmem>> -> memref<1x80xi32, #tpu.memory_space<vmem>>
      %dma_start3A_330 = tpu.memref_squeeze %dma_start3A_329 : memref<1x80xi32, #tpu.memory_space<vmem>> -> memref<80xi32, #tpu.memory_space<vmem>>
      %dma_start3A_331 = arith.constant 0 : i32
      %dma_start3A_332 = arith.constant 0 : i32
      %dma_start3A_333 = tpu.memref_slice %arg2[%dma_start3A_331, %dma_start3A_332] : memref<10000x16xf32, #tpu.memory_space<hbm>> -> memref<10000x16xf32, #tpu.memory_space<hbm>>
      tpu.enqueue_indirect_dma source(%dma_start3A_333 : memref<10000x16xf32, #tpu.memory_space<hbm>>) target(%dma_start3A_327 : memref<80x16xf32, #tpu.memory_space<vmem>>) offsets(%dma_start3A_330 : memref<80xi32, #tpu.memory_space<vmem>>) semaphore(%arg7 : memref<!tpu.dma_semaphore, #tpu.memory_space<semaphore_mem>>)
      %mul3A_334 = arith.constant 25 : i32
      %mul3A_335 = arith.muli %scan3A_37, %mul3A_334 : i32
      %add3A_336 = arith.constant 21 : i32
      %add3A_337 = arith.addi %mul3A_335, %add3A_336 : i32
      %dma_start3A_338 = arith.constant 1680 : i32
      %dma_start3A_339 = arith.constant 0 : i32
      %dma_start3A_340 = tpu.memref_slice %arg6[%rem3A_38, %dma_start3A_338, %dma_start3A_339] : memref<2x2000x16xf32, #tpu.memory_space<vmem>> -> memref<1x80x16xf32, #tpu.memory_space<vmem>>
      %dma_start3A_341 = tpu.memref_squeeze %dma_start3A_340 : memref<1x80x16xf32, #tpu.memory_space<vmem>> -> memref<80x16xf32, #tpu.memory_space<vmem>>
      %dma_start3A_342 = arith.constant 0 : i32
      %dma_start3A_343 = tpu.memref_slice %arg5[%add3A_337, %dma_start3A_342] : memref<125x80xi32, #tpu.memory_space<vmem>> -> memref<1x80xi32, #tpu.memory_space<vmem>>
      %dma_start3A_344 = tpu.memref_squeeze %dma_start3A_343 : memref<1x80xi32, #tpu.memory_space<vmem>> -> memref<80xi32, #tpu.memory_space<vmem>>
      %dma_start3A_345 = arith.constant 0 : i32
      %dma_start3A_346 = arith.constant 0 : i32
      %dma_start3A_347 = tpu.memref_slice %arg2[%dma_start3A_345, %dma_start3A_346] : memref<10000x16xf32, #tpu.memory_space<hbm>> -> memref<10000x16xf32, #tpu.memory_space<hbm>>
      tpu.enqueue_indirect_dma source(%dma_start3A_347 : memref<10000x16xf32, #tpu.memory_space<hbm>>) target(%dma_start3A_341 : memref<80x16xf32, #tpu.memory_space<vmem>>) offsets(%dma_start3A_344 : memref<80xi32, #tpu.memory_space<vmem>>) semaphore(%arg7 : memref<!tpu.dma_semaphore, #tpu.memory_space<semaphore_mem>>)
      %mul3A_348 = arith.constant 25 : i32
      %mul3A_349 = arith.muli %scan3A_37, %mul3A_348 : i32
      %add3A_350 = arith.constant 22 : i32
      %add3A_351 = arith.addi %mul3A_349, %add3A_350 : i32
      %dma_start3A_352 = arith.constant 1760 : i32
      %dma_start3A_353 = arith.constant 0 : i32
      %dma_start3A_354 = tpu.memref_slice %arg6[%rem3A_38, %dma_start3A_352, %dma_start3A_353] : memref<2x2000x16xf32, #tpu.memory_space<vmem>> -> memref<1x80x16xf32, #tpu.memory_space<vmem>>
      %dma_start3A_355 = tpu.memref_squeeze %dma_start3A_354 : memref<1x80x16xf32, #tpu.memory_space<vmem>> -> memref<80x16xf32, #tpu.memory_space<vmem>>
      %dma_start3A_356 = arith.constant 0 : i32
      %dma_start3A_357 = tpu.memref_slice %arg5[%add3A_351, %dma_start3A_356] : memref<125x80xi32, #tpu.memory_space<vmem>> -> memref<1x80xi32, #tpu.memory_space<vmem>>
      %dma_start3A_358 = tpu.memref_squeeze %dma_start3A_357 : memref<1x80xi32, #tpu.memory_space<vmem>> -> memref<80xi32, #tpu.memory_space<vmem>>
      %dma_start3A_359 = arith.constant 0 : i32
      %dma_start3A_360 = arith.constant 0 : i32
      %dma_start3A_361 = tpu.memref_slice %arg2[%dma_start3A_359, %dma_start3A_360] : memref<10000x16xf32, #tpu.memory_space<hbm>> -> memref<10000x16xf32, #tpu.memory_space<hbm>>
      tpu.enqueue_indirect_dma source(%dma_start3A_361 : memref<10000x16xf32, #tpu.memory_space<hbm>>) target(%dma_start3A_355 : memref<80x16xf32, #tpu.memory_space<vmem>>) offsets(%dma_start3A_358 : memref<80xi32, #tpu.memory_space<vmem>>) semaphore(%arg7 : memref<!tpu.dma_semaphore, #tpu.memory_space<semaphore_mem>>)
      %mul3A_362 = arith.constant 25 : i32
      %mul3A_363 = arith.muli %scan3A_37, %mul3A_362 : i32
      %add3A_364 = arith.constant 23 : i32
      %add3A_365 = arith.addi %mul3A_363, %add3A_364 : i32
      %dma_start3A_366 = arith.constant 1840 : i32
      %dma_start3A_367 = arith.constant 0 : i32
      %dma_start3A_368 = tpu.memref_slice %arg6[%rem3A_38, %dma_start3A_366, %dma_start3A_367] : memref<2x2000x16xf32, #tpu.memory_space<vmem>> -> memref<1x80x16xf32, #tpu.memory_space<vmem>>
      %dma_start3A_369 = tpu.memref_squeeze %dma_start3A_368 : memref<1x80x16xf32, #tpu.memory_space<vmem>> -> memref<80x16xf32, #tpu.memory_space<vmem>>
      %dma_start3A_370 = arith.constant 0 : i32
      %dma_start3A_371 = tpu.memref_slice %arg5[%add3A_365, %dma_start3A_370] : memref<125x80xi32, #tpu.memory_space<vmem>> -> memref<1x80xi32, #tpu.memory_space<vmem>>
      %dma_start3A_372 = tpu.memref_squeeze %dma_start3A_371 : memref<1x80xi32, #tpu.memory_space<vmem>> -> memref<80xi32, #tpu.memory_space<vmem>>
      %dma_start3A_373 = arith.constant 0 : i32
      %dma_start3A_374 = arith.constant 0 : i32
      %dma_start3A_375 = tpu.memref_slice %arg2[%dma_start3A_373, %dma_start3A_374] : memref<10000x16xf32, #tpu.memory_space<hbm>> -> memref<10000x16xf32, #tpu.memory_space<hbm>>
      tpu.enqueue_indirect_dma source(%dma_start3A_375 : memref<10000x16xf32, #tpu.memory_space<hbm>>) target(%dma_start3A_369 : memref<80x16xf32, #tpu.memory_space<vmem>>) offsets(%dma_start3A_372 : memref<80xi32, #tpu.memory_space<vmem>>) semaphore(%arg7 : memref<!tpu.dma_semaphore, #tpu.memory_space<semaphore_mem>>)
      %mul3A_376 = arith.constant 25 : i32
      %mul3A_377 = arith.muli %scan3A_37, %mul3A_376 : i32
      %add3A_378 = arith.constant 24 : i32
      %add3A_379 = arith.addi %mul3A_377, %add3A_378 : i32
      %dma_start3A_380 = arith.constant 1920 : i32
      %dma_start3A_381 = arith.constant 0 : i32
      %dma_start3A_382 = tpu.memref_slice %arg6[%rem3A_38, %dma_start3A_380, %dma_start3A_381] : memref<2x2000x16xf32, #tpu.memory_space<vmem>> -> memref<1x80x16xf32, #tpu.memory_space<vmem>>
      %dma_start3A_383 = tpu.memref_squeeze %dma_start3A_382 : memref<1x80x16xf32, #tpu.memory_space<vmem>> -> memref<80x16xf32, #tpu.memory_space<vmem>>
      %dma_start3A_384 = arith.constant 0 : i32
      %dma_start3A_385 = tpu.memref_slice %arg5[%add3A_379, %dma_start3A_384] : memref<125x80xi32, #tpu.memory_space<vmem>> -> memref<1x80xi32, #tpu.memory_space<vmem>>
      %dma_start3A_386 = tpu.memref_squeeze %dma_start3A_385 : memref<1x80xi32, #tpu.memory_space<vmem>> -> memref<80xi32, #tpu.memory_space<vmem>>
      %dma_start3A_387 = arith.constant 0 : i32
      %dma_start3A_388 = arith.constant 0 : i32
      %dma_start3A_389 = tpu.memref_slice %arg2[%dma_start3A_387, %dma_start3A_388] : memref<10000x16xf32, #tpu.memory_space<hbm>> -> memref<10000x16xf32, #tpu.memory_space<hbm>>
      tpu.enqueue_indirect_dma source(%dma_start3A_389 : memref<10000x16xf32, #tpu.memory_space<hbm>>) target(%dma_start3A_383 : memref<80x16xf32, #tpu.memory_space<vmem>>) offsets(%dma_start3A_386 : memref<80xi32, #tpu.memory_space<vmem>>) semaphore(%arg7 : memref<!tpu.dma_semaphore, #tpu.memory_space<semaphore_mem>>)
      %dma_wait3A_390 = arith.constant 0 : i32
      %dma_wait3A_391 = arith.constant 0 : i32
      %dma_wait3A_392 = arith.constant 0 : i32
      %dma_wait3A_393 = tpu.memref_slice %arg6[%dma_wait3A_390, %dma_wait3A_391, %dma_wait3A_392] : memref<2x2000x16xf32, #tpu.memory_space<vmem>> -> memref<1x2000x16xf32, #tpu.memory_space<vmem>>
      %dma_wait3A_394 = tpu.memref_squeeze %dma_wait3A_393 : memref<1x2000x16xf32, #tpu.memory_space<vmem>> -> memref<2000x16xf32, #tpu.memory_space<vmem>>
      %dma_wait3A_395 = arith.constant 0 : i32
      %dma_wait3A_396 = arith.constant 0 : i32
      %dma_wait3A_397 = tpu.memref_slice %arg2[%dma_wait3A_395, %dma_wait3A_396] : memref<10000x16xf32, #tpu.memory_space<hbm>> -> memref<2000x16xf32, #tpu.memory_space<hbm>>
      %dma_wait3A_398 = arith.constant 0 : i32
      %dma_wait3A_399 = arith.constant 0 : i32
      %dma_wait3A_400 = tpu.memref_slice %arg6[%dma_wait3A_390, %dma_wait3A_398, %dma_wait3A_399] : memref<2x2000x16xf32, #tpu.memory_space<vmem>> -> memref<1x2000x16xf32, #tpu.memory_space<vmem>>
      %dma_wait3A_401 = tpu.memref_squeeze %dma_wait3A_400 : memref<1x2000x16xf32, #tpu.memory_space<vmem>> -> memref<2000x16xf32, #tpu.memory_space<vmem>>
      %dma_wait3A_402 = arith.constant 0 : i32
      %dma_wait3A_403 = arith.constant 0 : i32
      %dma_wait3A_404 = tpu.memref_slice %arg2[%dma_wait3A_402, %dma_wait3A_403] : memref<10000x16xf32, #tpu.memory_space<hbm>> -> memref<2000x16xf32, #tpu.memory_space<hbm>>
      tpu.wait_dma2 semaphore(%arg7 : memref<!tpu.dma_semaphore, #tpu.memory_space<semaphore_mem>>) src(%dma_wait3A_404 : memref<2000x16xf32, #tpu.memory_space<hbm>>) dst(%dma_wait3A_401 : memref<2000x16xf32, #tpu.memory_space<vmem>>)
      %mul3A_405 = arith.constant 25 : i32
      %mul3A_406 = arith.muli %scan3A_37, %mul3A_405 : i32
      %mul3A_407 = arith.constant 80 : i32
      %mul3A_408 = arith.muli %mul3A_406, %mul3A_407 : i32
      %add3A_409 = arith.addi %mul3A_2, %mul3A_408 : i32
      %dma_start3A_410 = arith.constant 0 : i32
      %dma_start3A_411 = arith.constant 0 : i32
      %dma_start3A_412 = tpu.memref_slice %arg6[%rem3A_38, %dma_start3A_410, %dma_start3A_411] : memref<2x2000x16xf32, #tpu.memory_space<vmem>> -> memref<1x2000x16xf32, #tpu.memory_space<vmem>>
      %dma_start3A_413 = tpu.memref_squeeze %dma_start3A_412 : memref<1x2000x16xf32, #tpu.memory_space<vmem>> -> memref<2000x16xf32, #tpu.memory_space<vmem>>
      %dma_start3A_414 = arith.constant 0 : i32
      %dma_start3A_415 = tpu.memref_slice %arg4[%add3A_409, %dma_start3A_414] : memref<320000x16xf32, #tpu.memory_space<hbm>> -> memref<2000x16xf32, #tpu.memory_space<hbm>>
      %dma_start3A_416 = arith.constant 0 : i32
      %dma_start3A_417 = tpu.memref_slice %arg4[%add3A_409, %dma_start3A_416] : memref<320000x16xf32, #tpu.memory_space<hbm>> -> memref<2000x16xf32, #tpu.memory_space<hbm>>
      %dma_start3A_418 = arith.constant 0 : i32
      %dma_start3A_419 = arith.constant 0 : i32
      %dma_start3A_420 = tpu.memref_slice %arg6[%rem3A_38, %dma_start3A_418, %dma_start3A_419] : memref<2x2000x16xf32, #tpu.memory_space<vmem>> -> memref<1x2000x16xf32, #tpu.memory_space<vmem>>
      %dma_start3A_421 = tpu.memref_squeeze %dma_start3A_420 : memref<1x2000x16xf32, #tpu.memory_space<vmem>> -> memref<2000x16xf32, #tpu.memory_space<vmem>>
      tpu.enqueue_dma source(%dma_start3A_421 : memref<2000x16xf32, #tpu.memory_space<vmem>>) target(%dma_start3A_417 : memref<2000x16xf32, #tpu.memory_space<hbm>>) target_semaphore(%arg8 : memref<!tpu.dma_semaphore, #tpu.memory_space<semaphore_mem>>)
    }
    %scan3A_7 = arith.constant 5 : i32
    %dma_wait3A = arith.constant 0 : i32
    %dma_wait3A_8 = arith.constant 0 : i32
    %dma_wait3A_9 = arith.constant 0 : i32
    %dma_wait3A_10 = tpu.memref_slice %arg6[%dma_wait3A, %dma_wait3A_8, %dma_wait3A_9] : memref<2x2000x16xf32, #tpu.memory_space<vmem>> -> memref<1x2000x16xf32, #tpu.memory_space<vmem>>
    %dma_wait3A_11 = tpu.memref_squeeze %dma_wait3A_10 : memref<1x2000x16xf32, #tpu.memory_space<vmem>> -> memref<2000x16xf32, #tpu.memory_space<vmem>>
    %dma_wait3A_12 = arith.constant 0 : i32
    %dma_wait3A_13 = arith.constant 0 : i32
    %dma_wait3A_14 = tpu.memref_slice %arg4[%dma_wait3A_12, %dma_wait3A_13] : memref<320000x16xf32, #tpu.memory_space<hbm>> -> memref<2000x16xf32, #tpu.memory_space<hbm>>
    %dma_wait3A_15 = arith.constant 0 : i32
    %dma_wait3A_16 = arith.constant 0 : i32
    %dma_wait3A_17 = tpu.memref_slice %arg6[%dma_wait3A, %dma_wait3A_15, %dma_wait3A_16] : memref<2x2000x16xf32, #tpu.memory_space<vmem>> -> memref<1x2000x16xf32, #tpu.memory_space<vmem>>
    %dma_wait3A_18 = tpu.memref_squeeze %dma_wait3A_17 : memref<1x2000x16xf32, #tpu.memory_space<vmem>> -> memref<2000x16xf32, #tpu.memory_space<vmem>>
    %dma_wait3A_19 = arith.constant 0 : i32
    %dma_wait3A_20 = arith.constant 0 : i32
    %dma_wait3A_21 = tpu.memref_slice %arg4[%dma_wait3A_19, %dma_wait3A_20] : memref<320000x16xf32, #tpu.memory_space<hbm>> -> memref<2000x16xf32, #tpu.memory_space<hbm>>
    tpu.wait_dma2 semaphore(%arg8 : memref<!tpu.dma_semaphore, #tpu.memory_space<semaphore_mem>>) src(%dma_wait3A_21 : memref<2000x16xf32, #tpu.memory_space<hbm>>) dst(%dma_wait3A_18 : memref<2000x16xf32, #tpu.memory_space<vmem>>)
    %dma_wait3A_22 = arith.constant 0 : i32
    %dma_wait3A_23 = arith.constant 0 : i32
    %dma_wait3A_24 = arith.constant 0 : i32
    %dma_wait3A_25 = tpu.memref_slice %arg6[%dma_wait3A_22, %dma_wait3A_23, %dma_wait3A_24] : memref<2x2000x16xf32, #tpu.memory_space<vmem>> -> memref<1x2000x16xf32, #tpu.memory_space<vmem>>
    %dma_wait3A_26 = tpu.memref_squeeze %dma_wait3A_25 : memref<1x2000x16xf32, #tpu.memory_space<vmem>> -> memref<2000x16xf32, #tpu.memory_space<vmem>>
    %dma_wait3A_27 = arith.constant 0 : i32
    %dma_wait3A_28 = arith.constant 0 : i32
    %dma_wait3A_29 = tpu.memref_slice %arg4[%dma_wait3A_27, %dma_wait3A_28] : memref<320000x16xf32, #tpu.memory_space<hbm>> -> memref<2000x16xf32, #tpu.memory_space<hbm>>
    %dma_wait3A_30 = arith.constant 0 : i32
    %dma_wait3A_31 = arith.constant 0 : i32
    %dma_wait3A_32 = tpu.memref_slice %arg6[%dma_wait3A_22, %dma_wait3A_30, %dma_wait3A_31] : memref<2x2000x16xf32, #tpu.memory_space<vmem>> -> memref<1x2000x16xf32, #tpu.memory_space<vmem>>
    %dma_wait3A_33 = tpu.memref_squeeze %dma_wait3A_32 : memref<1x2000x16xf32, #tpu.memory_space<vmem>> -> memref<2000x16xf32, #tpu.memory_space<vmem>>
    %dma_wait3A_34 = arith.constant 0 : i32
    %dma_wait3A_35 = arith.constant 0 : i32
    %dma_wait3A_36 = tpu.memref_slice %arg4[%dma_wait3A_34, %dma_wait3A_35] : memref<320000x16xf32, #tpu.memory_space<hbm>> -> memref<2000x16xf32, #tpu.memory_space<hbm>>
    tpu.wait_dma2 semaphore(%arg8 : memref<!tpu.dma_semaphore, #tpu.memory_space<semaphore_mem>>) src(%dma_wait3A_36 : memref<2000x16xf32, #tpu.memory_space<hbm>>) dst(%dma_wait3A_33 : memref<2000x16xf32, #tpu.memory_space<vmem>>)
    return
  }
}

module attributes {stable_mosaic.version = 14 : i64} {
  func.func @_msg8_body(%arg0: i32, %arg1: memref<1000x128xf32, #tpu.memory_space<vmem>>, %arg2: memref<1000x128xf32, #tpu.memory_space<vmem>>, %arg3: memref<128x2048xbf16, #tpu.memory_space<vmem>>, %arg4: memref<128x2176xf32, #tpu.memory_space<vmem>>, %arg5: memref<1000x128xf32, #tpu.memory_space<vmem>>) attributes {dimension_semantics = [#tpu.dimension_semantics<arbitrary>], iteration_bounds = array<i64: 40>, scalar_prefetch = 0 : i64, scratch_operands = 0 : i64, tpu.core_type = #tpu.core_type<tc>, window_params = [{transform_indices = @transform_0, window_bounds = array<i64: 1000, 128>}, {transform_indices = @transform_1, window_bounds = array<i64: 1000, 128>}, {pipeline_mode = #tpu.pipeline_mode<synchronous>, transform_indices = @transform_2, window_bounds = array<i64: 128, 2048>}, {pipeline_mode = #tpu.pipeline_mode<synchronous>, transform_indices = @transform_3, window_bounds = array<i64: 128, 2176>}, {transform_indices = @transform_4, window_bounds = array<i64: 1000, 128>}]} {
    %get3A = arith.constant 0 : index
    %get3A_0 = arith.constant 0 : index
    %get3A_1 = vector.load %arg1[%get3A, %get3A_0] : memref<1000x128xf32, #tpu.memory_space<vmem>>, vector<1000x128xf32>
    %convert_element_type3A = arith.truncf %get3A_1 : vector<1000x128xf32> to vector<1000x128xbf16>
    %get3A_2 = arith.constant 0 : index
    %get3A_3 = arith.constant 0 : index
    %get3A_4 = vector.load %arg2[%get3A_2, %get3A_3] : memref<1000x128xf32, #tpu.memory_space<vmem>>, vector<1000x128xf32>
    %get3A_5 = arith.constant 0 : index
    %get3A_6 = arith.constant 0 : index
    %get3A_7 = vector.load %arg3[%get3A_5, %get3A_6] : memref<128x2048xbf16, #tpu.memory_space<vmem>>, vector<128x2048xbf16>
    %dot_general3A = arith.constant dense<0.000000e+00> : vector<1000x2048xf32>
    %dot_general3A_8 = tpu.matmul %convert_element_type3A, %get3A_7, %dot_general3A {dimension_numbers = #tpu.dot_dimension_numbers<[1], [0], [0], [1], [0, 0, 1, 1], [], []>, transpose_lhs_hint = false} : vector<1000x128xbf16>, vector<128x2048xbf16>, vector<1000x2048xf32> -> vector<1000x2048xf32>
    %get3A_9 = arith.constant 0 : index
    %get3A_10 = arith.constant 0 : index
    %get3A_11 = vector.load %arg4[%get3A_9, %get3A_10] : memref<128x2176xf32, #tpu.memory_space<vmem>>, vector<128x2176xf32>
    %dot_general3A_12 = arith.constant dense<0.000000e+00> : vector<1000x2176xf32>
    %dot_general3A_13 = tpu.matmul %get3A_4, %get3A_11, %dot_general3A_12 {dimension_numbers = #tpu.dot_dimension_numbers<[1], [0], [0], [1], [0, 0, 1, 1], [], []>, transpose_lhs_hint = false} : vector<1000x128xf32>, vector<128x2176xf32>, vector<1000x2176xf32> -> vector<1000x2176xf32>
    %slice3A = vector.extract_strided_slice %dot_general3A_13 {offsets = [0, 2048], sizes = [1000, 128], strides = [1, 1]} : vector<1000x2176xf32> to vector<1000x128xf32>
    %slice3A_14 = vector.extract_strided_slice %dot_general3A_8 {offsets = [0, 0], sizes = [1000, 128], strides = [1, 1]} : vector<1000x2048xf32> to vector<1000x128xf32>
    %slice3A_15 = vector.extract_strided_slice %dot_general3A_13 {offsets = [0, 0], sizes = [1000, 128], strides = [1, 1]} : vector<1000x2176xf32> to vector<1000x128xf32>
    %mul3A = arith.mulf %slice3A_14, %slice3A_15 : vector<1000x128xf32>
    %add3A = arith.addf %slice3A, %mul3A : vector<1000x128xf32>
    %slice3A_16 = vector.extract_strided_slice %dot_general3A_8 {offsets = [0, 128], sizes = [1000, 128], strides = [1, 1]} : vector<1000x2048xf32> to vector<1000x128xf32>
    %slice3A_17 = vector.extract_strided_slice %dot_general3A_13 {offsets = [0, 128], sizes = [1000, 128], strides = [1, 1]} : vector<1000x2176xf32> to vector<1000x128xf32>
    %mul3A_18 = arith.mulf %slice3A_16, %slice3A_17 : vector<1000x128xf32>
    %add3A_19 = arith.addf %add3A, %mul3A_18 : vector<1000x128xf32>
    %slice3A_20 = vector.extract_strided_slice %dot_general3A_8 {offsets = [0, 256], sizes = [1000, 128], strides = [1, 1]} : vector<1000x2048xf32> to vector<1000x128xf32>
    %slice3A_21 = vector.extract_strided_slice %dot_general3A_13 {offsets = [0, 256], sizes = [1000, 128], strides = [1, 1]} : vector<1000x2176xf32> to vector<1000x128xf32>
    %mul3A_22 = arith.mulf %slice3A_20, %slice3A_21 : vector<1000x128xf32>
    %add3A_23 = arith.addf %add3A_19, %mul3A_22 : vector<1000x128xf32>
    %slice3A_24 = vector.extract_strided_slice %dot_general3A_8 {offsets = [0, 384], sizes = [1000, 128], strides = [1, 1]} : vector<1000x2048xf32> to vector<1000x128xf32>
    %slice3A_25 = vector.extract_strided_slice %dot_general3A_13 {offsets = [0, 384], sizes = [1000, 128], strides = [1, 1]} : vector<1000x2176xf32> to vector<1000x128xf32>
    %mul3A_26 = arith.mulf %slice3A_24, %slice3A_25 : vector<1000x128xf32>
    %add3A_27 = arith.addf %add3A_23, %mul3A_26 : vector<1000x128xf32>
    %slice3A_28 = vector.extract_strided_slice %dot_general3A_8 {offsets = [0, 512], sizes = [1000, 128], strides = [1, 1]} : vector<1000x2048xf32> to vector<1000x128xf32>
    %slice3A_29 = vector.extract_strided_slice %dot_general3A_13 {offsets = [0, 512], sizes = [1000, 128], strides = [1, 1]} : vector<1000x2176xf32> to vector<1000x128xf32>
    %mul3A_30 = arith.mulf %slice3A_28, %slice3A_29 : vector<1000x128xf32>
    %add3A_31 = arith.addf %add3A_27, %mul3A_30 : vector<1000x128xf32>
    %slice3A_32 = vector.extract_strided_slice %dot_general3A_8 {offsets = [0, 640], sizes = [1000, 128], strides = [1, 1]} : vector<1000x2048xf32> to vector<1000x128xf32>
    %slice3A_33 = vector.extract_strided_slice %dot_general3A_13 {offsets = [0, 640], sizes = [1000, 128], strides = [1, 1]} : vector<1000x2176xf32> to vector<1000x128xf32>
    %mul3A_34 = arith.mulf %slice3A_32, %slice3A_33 : vector<1000x128xf32>
    %add3A_35 = arith.addf %add3A_31, %mul3A_34 : vector<1000x128xf32>
    %slice3A_36 = vector.extract_strided_slice %dot_general3A_8 {offsets = [0, 768], sizes = [1000, 128], strides = [1, 1]} : vector<1000x2048xf32> to vector<1000x128xf32>
    %slice3A_37 = vector.extract_strided_slice %dot_general3A_13 {offsets = [0, 768], sizes = [1000, 128], strides = [1, 1]} : vector<1000x2176xf32> to vector<1000x128xf32>
    %mul3A_38 = arith.mulf %slice3A_36, %slice3A_37 : vector<1000x128xf32>
    %add3A_39 = arith.addf %add3A_35, %mul3A_38 : vector<1000x128xf32>
    %slice3A_40 = vector.extract_strided_slice %dot_general3A_8 {offsets = [0, 896], sizes = [1000, 128], strides = [1, 1]} : vector<1000x2048xf32> to vector<1000x128xf32>
    %slice3A_41 = vector.extract_strided_slice %dot_general3A_13 {offsets = [0, 896], sizes = [1000, 128], strides = [1, 1]} : vector<1000x2176xf32> to vector<1000x128xf32>
    %mul3A_42 = arith.mulf %slice3A_40, %slice3A_41 : vector<1000x128xf32>
    %add3A_43 = arith.addf %add3A_39, %mul3A_42 : vector<1000x128xf32>
    %slice3A_44 = vector.extract_strided_slice %dot_general3A_8 {offsets = [0, 1024], sizes = [1000, 128], strides = [1, 1]} : vector<1000x2048xf32> to vector<1000x128xf32>
    %slice3A_45 = vector.extract_strided_slice %dot_general3A_13 {offsets = [0, 1024], sizes = [1000, 128], strides = [1, 1]} : vector<1000x2176xf32> to vector<1000x128xf32>
    %mul3A_46 = arith.mulf %slice3A_44, %slice3A_45 : vector<1000x128xf32>
    %add3A_47 = arith.addf %add3A_43, %mul3A_46 : vector<1000x128xf32>
    %slice3A_48 = vector.extract_strided_slice %dot_general3A_8 {offsets = [0, 1152], sizes = [1000, 128], strides = [1, 1]} : vector<1000x2048xf32> to vector<1000x128xf32>
    %slice3A_49 = vector.extract_strided_slice %dot_general3A_13 {offsets = [0, 1152], sizes = [1000, 128], strides = [1, 1]} : vector<1000x2176xf32> to vector<1000x128xf32>
    %mul3A_50 = arith.mulf %slice3A_48, %slice3A_49 : vector<1000x128xf32>
    %add3A_51 = arith.addf %add3A_47, %mul3A_50 : vector<1000x128xf32>
    %slice3A_52 = vector.extract_strided_slice %dot_general3A_8 {offsets = [0, 1280], sizes = [1000, 128], strides = [1, 1]} : vector<1000x2048xf32> to vector<1000x128xf32>
    %slice3A_53 = vector.extract_strided_slice %dot_general3A_13 {offsets = [0, 1280], sizes = [1000, 128], strides = [1, 1]} : vector<1000x2176xf32> to vector<1000x128xf32>
    %mul3A_54 = arith.mulf %slice3A_52, %slice3A_53 : vector<1000x128xf32>
    %add3A_55 = arith.addf %add3A_51, %mul3A_54 : vector<1000x128xf32>
    %slice3A_56 = vector.extract_strided_slice %dot_general3A_8 {offsets = [0, 1408], sizes = [1000, 128], strides = [1, 1]} : vector<1000x2048xf32> to vector<1000x128xf32>
    %slice3A_57 = vector.extract_strided_slice %dot_general3A_13 {offsets = [0, 1408], sizes = [1000, 128], strides = [1, 1]} : vector<1000x2176xf32> to vector<1000x128xf32>
    %mul3A_58 = arith.mulf %slice3A_56, %slice3A_57 : vector<1000x128xf32>
    %add3A_59 = arith.addf %add3A_55, %mul3A_58 : vector<1000x128xf32>
    %slice3A_60 = vector.extract_strided_slice %dot_general3A_8 {offsets = [0, 1536], sizes = [1000, 128], strides = [1, 1]} : vector<1000x2048xf32> to vector<1000x128xf32>
    %slice3A_61 = vector.extract_strided_slice %dot_general3A_13 {offsets = [0, 1536], sizes = [1000, 128], strides = [1, 1]} : vector<1000x2176xf32> to vector<1000x128xf32>
    %mul3A_62 = arith.mulf %slice3A_60, %slice3A_61 : vector<1000x128xf32>
    %add3A_63 = arith.addf %add3A_59, %mul3A_62 : vector<1000x128xf32>
    %slice3A_64 = vector.extract_strided_slice %dot_general3A_8 {offsets = [0, 1664], sizes = [1000, 128], strides = [1, 1]} : vector<1000x2048xf32> to vector<1000x128xf32>
    %slice3A_65 = vector.extract_strided_slice %dot_general3A_13 {offsets = [0, 1664], sizes = [1000, 128], strides = [1, 1]} : vector<1000x2176xf32> to vector<1000x128xf32>
    %mul3A_66 = arith.mulf %slice3A_64, %slice3A_65 : vector<1000x128xf32>
    %add3A_67 = arith.addf %add3A_63, %mul3A_66 : vector<1000x128xf32>
    %slice3A_68 = vector.extract_strided_slice %dot_general3A_8 {offsets = [0, 1792], sizes = [1000, 128], strides = [1, 1]} : vector<1000x2048xf32> to vector<1000x128xf32>
    %slice3A_69 = vector.extract_strided_slice %dot_general3A_13 {offsets = [0, 1792], sizes = [1000, 128], strides = [1, 1]} : vector<1000x2176xf32> to vector<1000x128xf32>
    %mul3A_70 = arith.mulf %slice3A_68, %slice3A_69 : vector<1000x128xf32>
    %add3A_71 = arith.addf %add3A_67, %mul3A_70 : vector<1000x128xf32>
    %slice3A_72 = vector.extract_strided_slice %dot_general3A_8 {offsets = [0, 1920], sizes = [1000, 128], strides = [1, 1]} : vector<1000x2048xf32> to vector<1000x128xf32>
    %slice3A_73 = vector.extract_strided_slice %dot_general3A_13 {offsets = [0, 1920], sizes = [1000, 128], strides = [1, 1]} : vector<1000x2176xf32> to vector<1000x128xf32>
    %mul3A_74 = arith.mulf %slice3A_72, %slice3A_73 : vector<1000x128xf32>
    %add3A_75 = arith.addf %add3A_71, %mul3A_74 : vector<1000x128xf32>
    %swap3A = arith.constant 0 : index
    %swap3A_76 = arith.constant 0 : index
    %swap3A_77 = vector.load %arg5[%swap3A, %swap3A_76] : memref<1000x128xf32, #tpu.memory_space<vmem>>, vector<1000x128xf32>
    tpu.vector_store %arg5[%swap3A, %swap3A_76], %add3A_75 {strides = array<i32>} : memref<1000x128xf32, #tpu.memory_space<vmem>>, vector<1000x128xf32>,
    return
  }
  func.func @transform_0(%arg0: i32) -> (i32, i32) {
    %c0_i32 = arith.constant 0 : i32
    %c0_i32_0 = arith.constant 0 : i32
    return %arg0, %c0_i32 : i32, i32
  }
  func.func @transform_1(%arg0: i32) -> (i32, i32) {
    %c0_i32 = arith.constant 0 : i32
    %c0_i32_0 = arith.constant 0 : i32
    return %arg0, %c0_i32 : i32, i32
  }
  func.func @transform_2(%arg0: i32) -> (i32, i32) {
    %c0_i32 = arith.constant 0 : i32
    %c0_i32_0 = arith.constant 0 : i32
    %c0_i32_1 = arith.constant 0 : i32
    return %c0_i32, %c0_i32_0 : i32, i32
  }
  func.func @transform_3(%arg0: i32) -> (i32, i32) {
    %c0_i32 = arith.constant 0 : i32
    %c0_i32_0 = arith.constant 0 : i32
    %c0_i32_1 = arith.constant 0 : i32
    return %c0_i32, %c0_i32_0 : i32, i32
  }
  func.func @transform_4(%arg0: i32) -> (i32, i32) {
    %c0_i32 = arith.constant 0 : i32
    %c0_i32_0 = arith.constant 0 : i32
    return %arg0, %c0_i32 : i32, i32
  }
}

module attributes {stable_mosaic.version = 14 : i64} {
  func.func @_upd8_body(%arg0: memref<2x1250x128xf32, #tpu.memory_space<vmem>>, %arg1: memref<2x1250x128xf32, #tpu.memory_space<vmem>>, %arg2: memref<1250x128xf32, #tpu.memory_space<vmem>>, %arg3: memref<128x128xf32, #tpu.memory_space<vmem>>, %arg4: memref<1x128xf32, #tpu.memory_space<vmem>>, %arg5: memref<1250x128xf32, #tpu.memory_space<vmem>>) attributes {dimension_semantics = [], scalar_prefetch = 0 : i64, scratch_operands = 0 : i64, tpu.core_type = #tpu.core_type<tc>} {
    %get3A = arith.constant 0 : index
    %get3A_0 = arith.constant 0 : index
    %get3A_1 = arith.constant 0 : index
    %get3A_2 = vector.load %arg0[%get3A, %get3A_0, %get3A_1] : memref<2x1250x128xf32, #tpu.memory_space<vmem>>, vector<1x1250x128xf32>
    %get3A_3 = vector.shape_cast %get3A_2 : vector<1x1250x128xf32> to vector<1250x128xf32>
    %get3A_4 = arith.constant 1 : index
    %get3A_5 = arith.constant 0 : index
    %get3A_6 = arith.constant 0 : index
    %get3A_7 = vector.load %arg0[%get3A_4, %get3A_5, %get3A_6] : memref<2x1250x128xf32, #tpu.memory_space<vmem>>, vector<1x1250x128xf32>
    %get3A_8 = vector.shape_cast %get3A_7 : vector<1x1250x128xf32> to vector<1250x128xf32>
    %add3A = arith.addf %get3A_3, %get3A_8 : vector<1250x128xf32>
    %get3A_9 = arith.constant 0 : index
    %get3A_10 = arith.constant 0 : index
    %get3A_11 = arith.constant 0 : index
    %get3A_12 = vector.load %arg1[%get3A_9, %get3A_10, %get3A_11] : memref<2x1250x128xf32, #tpu.memory_space<vmem>>, vector<1x1250x128xf32>
    %get3A_13 = vector.shape_cast %get3A_12 : vector<1x1250x128xf32> to vector<1250x128xf32>
    %get3A_14 = arith.constant 1 : index
    %get3A_15 = arith.constant 0 : index
    %get3A_16 = arith.constant 0 : index
    %get3A_17 = vector.load %arg1[%get3A_14, %get3A_15, %get3A_16] : memref<2x1250x128xf32, #tpu.memory_space<vmem>>, vector<1x1250x128xf32>
    %get3A_18 = vector.shape_cast %get3A_17 : vector<1x1250x128xf32> to vector<1250x128xf32>
    %add3A_19 = arith.addf %get3A_13, %get3A_18 : vector<1250x128xf32>
    %max3A = arith.constant 1.000000e+00 : f32
    %max3A_20 = vector.broadcast %max3A : f32 to vector<1250x128xf32>
    %max3A_21 = arith.maximumf %add3A_19, %max3A_20 : vector<1250x128xf32>
    %div3A = arith.divf %add3A, %max3A_21 : vector<1250x128xf32>
    %get3A_22 = arith.constant 0 : index
    %get3A_23 = arith.constant 0 : index
    %get3A_24 = vector.load %arg2[%get3A_22, %get3A_23] : memref<1250x128xf32, #tpu.memory_space<vmem>>, vector<1250x128xf32>
    %get3A_25 = arith.constant 0 : index
    %get3A_26 = arith.constant 0 : index
    %get3A_27 = vector.load %arg3[%get3A_25, %get3A_26] : memref<128x128xf32, #tpu.memory_space<vmem>>, vector<128x128xf32>
    %dot_general3A = arith.constant dense<0.000000e+00> : vector<1250x128xf32>
    %dot_general3A_28 = tpu.matmul %get3A_24, %get3A_27, %dot_general3A {dimension_numbers = #tpu.dot_dimension_numbers<[1], [0], [0], [1], [0, 0, 1, 1], [], []>, transpose_lhs_hint = false} : vector<1250x128xf32>, vector<128x128xf32>, vector<1250x128xf32> -> vector<1250x128xf32>
    %add3A_29 = arith.addf %div3A, %dot_general3A_28 : vector<1250x128xf32>
    %get3A_30 = arith.constant 0 : index
    %get3A_31 = arith.constant 0 : index
    %get3A_32 = vector.load %arg4[%get3A_30, %get3A_31] : memref<1x128xf32, #tpu.memory_space<vmem>>, vector<1x128xf32>
    %add3A_33 = vector.broadcast %get3A_32 : vector<1x128xf32> to vector<1250x128xf32>
    %add3A_34 = arith.addf %add3A_29, %add3A_33 : vector<1250x128xf32>
    %tanh3A = math.tanh %add3A_34 : vector<1250x128xf32>
    %swap3A = arith.constant 0 : index
    %swap3A_35 = arith.constant 0 : index
    %swap3A_36 = vector.load %arg5[%swap3A, %swap3A_35] : memref<1250x128xf32, #tpu.memory_space<vmem>>, vector<1250x128xf32>
    tpu.vector_store %arg5[%swap3A, %swap3A_35], %tanh3A {strides = array<i32>} : memref<1250x128xf32, #tpu.memory_space<vmem>>, vector<1250x128xf32>,
    return
  }
}

</mosaic_0001>

<sc_bundles>
// kernel: kernel.10.cloned.1.call-start
scs
__scs_entry_jumppad:
0x0: {  	(pc) =	sbr.rel $0x88, $3  }
0x1: {  	(tag) =	ssettag $0x0;
	lr =	simm.s32 $0x1  }
0x2: {  	[smem:$0x3F96] =	sst lr;
	_ =	strace $0xD0000000  }
0x3: {  	_ = 	snop  }
0x4: {  	_ = 	snop  }
0x5: {  	_ = 	snop  }
0x6: {  	_ = 	snop  }
0x7: {  	_ = 	snop  }
__scs_overlays_trampoline_lowered:
0x8: {  	[smem:$0x3FA5] =	sst s0  }
0x9: {  	[smem:$0x3FA6] =	sst s1  }
0xa: {  	[smem:$0x3FA7] =	sst s2  }
0xb: {  	[smem:$0x3FA8] =	sst s3  }
0xc: {  	[smem:$0x3FA9] =	sst s4  }
0xd: {  	[smem:$0x3FAA] =	sst s5  }
0xe: {  	[smem:$0x3FAB] =	sst s6  }
0xf: {  	[smem:$0x3FAC] =	sst s7  }
0x10: {  	[smem:$0x3FAD] =	sst s8  }
0x11: {  	[smem:$0x3FAE] =	sst s9;
	s0 =	simm.s32 @!p0 $0x0  }
0x12: {  	s1 =	sld [smem:$0x3F94];
	s0 =	simm.s32 @p0 $0x1  }
0x13: {  	[smem:$0x3FAF] =	sst s0;
	s0 =	simm.s32 @!p1 $0x0  }
0x14: {  	s2 =	sld [smem:$0x3F93];
	s0 =	simm.s32 @p1 $0x1  }
0x15: {  	[smem:$0x3FB0] =	sst s0;
	s0 =	simm.s32 @!p2 $0x0  }
0x16: {  	s3 =	sld [smem:$0x3FDB];
	s0 =	simm.s32 @p2 $0x1  }
0x17: {  	s4 =	simm.s32 $0x1BF5;
	[smem:$0x3FB2] =	sst s0  }
0x18: {  	s0 =	sld [smem:$0x3F95];
	_ =	swait.ge [sflag:s4], $0x0  }
0x19: {  	s7 =	sld [smem:$0x3F96]  }
0x1a: {  	s8 =	sadd.s32 $0xFFFFE003, lr  }
0x1b: {  	s9 =	sadd.s32 $0xFFFFFEF7, lr;
	s5 =	simm.s32 $0xFFFFFFFF;
	p2 =	slt.u32 s8, $0xFFFFF086  }
0x1c: {  	p1 =	slt.u32 s9, $0xF7A;
	s5 =	simm.s32 @!p2 $0x0  }
0x1d: {  	s5 =	simm.s32 @p1 $0x1;
	p0 =	seq.s32 s7, s2  }
0x1e: {  	s7 =	smul.u32 @!p0 $0xF7A, s2;
	p2 =	seq.s32 @!p0 s5, $0x0  }
0x1f: {  	s9 =	smul.u32 $0xF7A, s1;
	s8 =	simm.s32 @!p0 $0x1BF5;
	p2 =	por !p2, p0  }
0x20: {  	[sflag:s8] =	ssyncset.s32 @!p0 $0xFFFFF086;
	s6 =	sadd.s32 @!p0 s3, s7;
	s7 =	simm.s32 @!p0 $0x108  }
0x21: {  	s3 =	sadd.s32 s3, s9;
	s6 =	sadd.s32 @!p0 $0x88, s6;
	s7 =	simm.s32 @p2 $0x1082  }
0x22: {  	[simem:s7], [sflag:s8] =	dma.local @!p0 [hbm:s6], $0xF7A  }
0x23: {  	s9 =	sor.u32 $0xD0000000, s2;
	s6 =	simm.s32 $0x108;
	_ =	swait.ge @!p0 [sflag:s8], $0x0  }
0x24: {  	s3 =	sadd.s32 $0x88, s3;
	s6 =	simm.s32 @!p1 $0x1082;
	[sflag:s4] =	ssyncset.s32 $0xFFFFF086  }
0x25: {  	[simem:s6], [sflag:s4] =	dma.local [hbm:s3], $0xF7A  }
0x26: {  	[smem:$0x3F96] =	sst s1;
	(tag) =	ssettag s2;
	_ =	strace s9  }
0x27: {  	s1 =	sld [smem:$0x3FA6]  }
0x28: {  	s2 =	sld [smem:$0x3FA7]  }
0x29: {  	s4 =	sld [smem:$0x3FA9]  }
0x2a: {  	p0 =	seq.s32 s5, $0x0;
	s5 =	sld [smem:$0x3FAA]  }
0x2b: {  	s6 =	sld [smem:$0x3FAB]  }
0x2c: {  	s7 =	sld [smem:$0x3FAC]  }
0x2d: {  	s3 =	simm.s32 $0x108;
	s8 =	sld [smem:$0x3FAD]  }
0x2e: {  	s3 =	simm.s32 @!p0 $0x1082;
	s9 =	sld [smem:$0x3FAE]  }
0x2f: {  	lr =	sadd.s32 s0, s3;
	s0 =	sld [smem:$0x3FA5]  }
0x30: {  	s3 =	sld [smem:$0x3FA8]  }
0x31: {  	[smem:$0x3FB1] =	sst s10  }
0x32: {  	s10 =	sld [smem:$0x3FAF];
	_ =	sdelay $0x3  }
0x33: {  	p0 =	seq.s32 s10, $0x1;
	s10 =	sld [smem:$0x3FB1];
	_ =	sdelay $0x3  }
0x34: {  	[smem:$0x3FB1] =	sst s10  }
0x35: {  	s10 =	sld [smem:$0x3FB0];
	_ =	sdelay $0x3  }
0x36: {  	p1 =	seq.s32 s10, $0x1;
	s10 =	sld [smem:$0x3FB1];
	_ =	sdelay $0x3  }
0x37: {  	[smem:$0x3FB1] =	sst s10  }
0x38: {  	s10 =	sld [smem:$0x3FB2]  }
0x39: {  	_ = 	snop;
	(pc) =	sbr.ind lr, $3  }
0x3a: {  	_ = 	snop  }
0x3b: {  	_ = 	snop  }
0x3c: {  	p2 =	seq.s32 s10, $0x1;
	s10 =	sld [smem:$0x3FB1]  }
0x3d: {  	_ =	shalt  }
0x3e: {  	_ =	shalt  }
0x3f: {  	_ =	shalt  }
0x40: {  	_ =	shalt  }
0x41: {  	_ =	shalt  }
0x42: {  	_ =	shalt  }
0x43: {  	_ =	shalt  }
0x44: {  	_ =	shalt  }
0x45: {  	_ =	shalt  }
0x46: {  	_ =	shalt  }
0x47: {  	_ =	shalt  }
0x48: {  	_ =	shalt  }
0x49: {  	_ =	shalt  }
0x4a: {  	_ =	shalt  }
0x4b: {  	_ =	shalt  }
0x4c: {  	_ =	shalt  }
0x4d: {  	_ =	shalt  }
0x4e: {  	_ =	shalt  }
0x4f: {  	_ =	shalt  }
0x50: {  	_ =	shalt  }
0x51: {  	_ =	shalt  }
0x52: {  	_ =	shalt  }
0x53: {  	_ =	shalt  }
0x54: {  	_ =	shalt  }
0x55: {  	_ =	shalt  }
0x56: {  	_ =	shalt  }
0x57: {  	_ =	shalt  }
0x58: {  	_ =	shalt  }
0x59: {  	_ =	shalt  }
0x5a: {  	_ =	shalt  }
0x5b: {  	_ =	shalt  }
0x5c: {  	_ =	shalt  }
0x5d: {  	_ =	shalt  }
0x5e: {  	_ =	shalt  }
0x5f: {  	_ =	shalt  }
0x60: {  	_ =	shalt  }
0x61: {  	_ =	shalt  }
0x62: {  	_ =	shalt  }
0x63: {  	_ =	shalt  }
0x64: {  	_ =	shalt  }
0x65: {  	_ =	shalt  }
0x66: {  	_ =	shalt  }
0x67: {  	_ =	shalt  }
0x68: {  	_ =	shalt  }
0x69: {  	_ =	shalt  }
0x6a: {  	_ =	shalt  }
0x6b: {  	_ =	shalt  }
0x6c: {  	_ =	shalt  }
0x6d: {  	_ =	shalt  }
0x6e: {  	_ =	shalt  }
0x6f: {  	_ =	shalt  }
0x70: {  	_ =	shalt  }
0x71: {  	_ =	shalt  }
0x72: {  	_ =	shalt  }
0x73: {  	_ =	shalt  }
0x74: {  	_ =	shalt  }
0x75: {  	_ =	shalt  }
0x76: {  	_ =	shalt  }
0x77: {  	_ =	shalt  }
0x78: {  	_ =	shalt  }
0x79: {  	_ =	shalt  }
0x7a: {  	_ =	shalt  }
0x7b: {  	_ =	shalt  }
0x7c: {  	_ =	shalt  }
0x7d: {  	_ =	shalt  }
0x7e: {  	_ =	shalt  }
0x7f: {  	_ =	shalt  }
0x80: {  	_ =	shalt  }
0x81: {  	_ =	shalt  }
0x82: {  	_ =	shalt  }
0x83: {  	_ =	shalt  }
0x84: {  	_ =	shalt  }
0x85: {  	_ =	shalt  }
0x86: {  	_ =	shalt  }
0x87: {  	_ =	shalt  }
.Lfunc_end0:
.L_simem_size_0:
called_computation_lowered:
.L_overlay_start_0:
0x88: {  	s2 =	sld [smem:$0x3FD9]  }
0x89: {  	s3 =	sld [smem:$0x3FFE];
	_ =	sdelay $0x1  }
0x8a: {  	s1 =	srdreg.scid  }
0x8b: {  	s0 =	sand.u32 $0x1, s1  }
0x8c: {  	s17 =	sshll.u32 s0, $0xA;
	s2 =	sadd.s32 s3, s2  }
0x8d: {  	s2 =	sadd.s32 s2, s17  }
0x8e: {  	[smem:$0x3FBD] =	sst s2  }
0x8f: {  	_ = 	snop  }
0x90: {  	s2 =	sld [smem:$0x3FD0];
	(tm) =	ssettm $0x1  }
0x91: {  	s18 =	sld [smem:$0x3FFB];
	_ =	sdelay $0x3  }
0x92: {  	_ =	strace s18  }
0x93: {  	s3 =	sld [smem:$0x3FFC];
	_ =	sdelay $0x3  }
0x94: {  	_ =	strace s3  }
0x95: {  	s3 =	sld [smem:$0x3FFD];
	_ =	sdelay $0x3  }
0x96: {  	_ =	strace s3  }
0x97: {  	_ =	strace $0x8FFFFFFF  }
0x98: {  	s19 =	sld [smem:$0x3FDB];
	_ =	sdelay $0x1  }
0x99: {  	s4 =	simm.s32 $_scs_section_size  }
0x9a: {  	s5 =	simm.s32 $_size__tile_overlayer_lowered;
	s6 =	simm.s32 $_tile_overlayer_lowered  }
0x9b: {  	s22 =	simm.s32 $0x1BFF;
	s21 =	sshll.u32 s6, $0x1;
	s3 =	sadd.s32 s4, s19  }
0x9c: {  	s7 =	simm.s32 $0x0;
	s20 =	sshll.u32 s5, $0x1;
	s5 =	sadd.s32 s21, s3  }
0x9d: {  	[timem:s7], [sflag:s22] =	dma.local [hbm:s5], s20  }
0x9e: {  	_ =	swait.ge [sflag:s22], s20  }
0x9f: {  	s4 =	ssub.s32 $0x0, s20;
	[sflag:s22] =	ssyncset.done $0x0  }
0xa0: {  	[sflag:s22] =	ssyncadd.s32 s4;
	_ =	sdelay $0x1  }
0xa1: {  	s23 =	simm.s32 $0x1B8B  }
0xa2: {  	_ =	swait.ge [sflag:s23], $0x1  }
0xa3: {  	[sflag:s23] =	ssyncset.done $0x0  }
0xa4: {  	s25 =	simm.s32 $0x1B8E;
	s24 =	sld [smem:$0x3FFE];
	[sflag:s23] =	ssyncadd.s32 $0xFFFFFFFF  }
0xa5: {  	s26 =	simm.s32 $execute0_lowered;
	[smem:$0x3FD2] =	sst s25  }
0xa6: {  	s5 =	sshll.u32 s26, $0x1;
	_ =	strace $0x80000046;
	[dreg:$0x1] =	wrdreg $0xFFFFFFFF  }
0xa7: {  	s28 =	simm.s32 $_size_execute0_lowered;
	s3 =	sadd.s32 s3, s5;
	[dreg:$0x0] =	wrdreg $0x0  }
0xa8: {  	s5 =	sshll.u32 s28, $0x1;
	[dreg:$0x2] =	wrdreg s3  }
0xa9: {  	[dreg:$0x3] =	wrdreg s5  }
0xaa: {  	[dreg:$0x4] =	wrdreg $0xC0  }
0xab: {  	_ =	task [dreg:s7], $0x5FFFF  }
0xac: {  	[dreg:$0x1] =	wrdreg $0xFFFFFFFF  }
0xad: {  	[dreg:$0x0] =	wrdreg $0x60  }
0xae: {  	[dreg:$0x2] =	wrdreg s2  }
0xaf: {  	[dreg:$0x3] =	wrdreg s24  }
0xb0: {  	[dreg:$0x4] =	wrdreg $0x9  }
0xb1: {  	_ =	task.clear_ibuf [dreg:s7], $0x5FFFF;
	_ =	strace $0x90000046  }
0xb2: {  	s29 =	simm.s32 $0x9;
	_ =	strace $0x80000048  }
0xb3: {  	_ =	swait.ge [sflag:s29], $0x1  }
0xb4: {  	[sflag:s29] =	ssyncadd.s32 $0xFFFFFFFF  }
0xb5: {  	_ =	strace $0x90000048  }
0xb6: {  	_ =	sfence  }
0xb7: {  	s30 =	sld [smem:$0x0];
	_ =	sdelay $0x2  }
0xb8: {  	s31 =	sshll.u32 s1, $0xD;
	s1 =	sshrl.u32 s1, $0x2  }
0xb9: {  	s3 =	sand.u32 $0x4000, s31;
	s1 =	sadd.s32 s1, s30  }
0xba: {  	s0 =	sor.u32 s3, s0;
	s1 =	sshll.u32 s1, $0x11  }
0xbb: {  	s0 =	sor.u32 s1, s0  }
0xbc: {  	s0 =	sadd.s32 $0x8F2B, s0  }
0xbd: {  	[sflag:s0] =	ssyncadd.remote.s32 $0x1  }
0xbe: {  	_ =	sfence.sel $0xFFFF  }
0xbf: {  	[dreg:$0x0] =	wrdreg $0xFFFFFFFF;
	(pc) =	sbr.abs _section_cstart, $3  }
0xc0: {  	[dreg:$0x1] =	wrdreg $0xFFFFFFFF  }
0xc1: {  	_ =	task.clear_ibuf [dreg:s7], $0x2FFFF;
	_ =	strace $0x9FFFFFFF  }
0xc2: {  	(tm) =	ssettm $0x7FFFFFFF  }
0xc3: {  	_ =	shalt  }
tec
execute0_lowered:
.L_overlay_start_1:
0x0: {  	(tag) =	ssettag $0x1  }
0x1: {  	s2 =	rddreg [dreg:$0x0];
	s1 =	srdreg.scid  }
0x2: {  	s0 =	stileid.u32;
	s4 =	rddreg [dreg:$0x1]  }
0x3: {  	s3 =	simm.s32 $0x0;
	s31 =	simm.s32 $0x7D00;
	s9 =	simm.s32 $0x1  }
0x4: {  	s10 =	simm.s32 $0x2;
	s11 =	simm.s32 $0x0;
	s5 =	sand.u32 $0x1, s1  }
0x5: {  	s6 =	sshll.u32 s0, $0x1;
	[smem:$0x7FF] =	sst s3;
	s7 =	smul.u32 $0x9C40, s0  }
0x6: {  	s6 =	sor.u32 s5, s6;
	s8 =	ssub.s32 $0x2, s5;
	s5 =	smul.u32 $0x4E20, s5  }
0x7: {  	s1 =	rddreg [dreg:$0x2];
	_ =	strace $0x80000047;
	s6 =	smul.u32 $0x2710, s6  }
0x8: {  	[dreg:$0x3] =	wrdreg s31;
	s7 =	sadd.s32 s7, s4;
	s29 =	sshrl.u32 s8, $0x1  }
0x9: {  	s8 =	ssub.s32 s8, s29;
	s30 =	sadd.s32 s5, s7;
	s6 =	sshrl.u32 s6, $0x3  }
0xa: {  	s7 =	simm.s32 $0x3;
	s5 =	smax.u32 s8, $0x1;
	s6 =	sadd.s32 s6, s4  }
0xb: {  	s8 =	simm.s32 $0x50;
	s4 =	sadd.s32 $0x2BE00, s6;
	s6 =	sadd.s32 $0x3FA00, s30  }
.LBB2_1:
0xc: {  	[tilespmem:s3], [sflag:$0x3] =	stream.linear.gather [hbm4b:s4+s3], $0x2710, $0x38;
	[tilespmem:$0x12110] =	vst v63  }
0xd: {  	p0 =	por $0x1, $0x1;
	_ =	swait.ge [sflag:s7], $0x2710  }
0xe: {  	p0 =	por p0, p0;
	[sflag:s7] =	ssyncset.done $0x0  }
0xf: {  	s13 =	simm.s32 @!p0 $0x2;
	[sflag:s7] =	ssyncadd.s32 $0xFFFFD8F0  }
0x10: {  	s14 =	sand.u32 $0x1, s3;
	_ =	swait.ge @!p0 [sflag:s13], $0x7D00  }
0x11: {  	p1 =	seq.s32 s14, $0x1;
	s12 =	rddreg [dreg:$0x3]  }
0x12: {  	[sflag:s13] =	ssyncset.done @!p0 $0x0;
	s12 =	simm.s32 @!p1 $0x0  }
0x13: {  	s15 =	simm.s32 $0x0;
	[sflag:s13] =	ssyncadd.s32 @!p0 $0xFFFF8300;
	s13 =	sadd.s32 $0x2710, s12  }
0x14: {  	[tilespmem:s13], [sflag:$0x1] =	stream.indirect.gather [hbm4b:s2+s8], $0x10, s15, s8, $0xb8;
	[tilespmem:$0x12110] =	vst v63  }
0x15: {  	s16 =	sadd.s32 $0x2C10, s12;
	s15 =	simm.s32 $0x50  }
0x16: {  	[tilespmem:s16], [sflag:$0x1] =	stream.indirect.gather [hbm4b:s2+s8], $0x10, s15, s8, $0xb8;
	[tilespmem:$0x12110] =	vst v63  }
0x17: {  	s18 =	simm.s32 $0xA0;
	s17 =	sadd.s32 $0x3110, s12  }
0x18: {  	[tilespmem:s17], [sflag:$0x1] =	stream.indirect.gather [hbm4b:s2+s8], $0x10, s18, s8, $0xb8;
	[tilespmem:$0x12110] =	vst v63  }
0x19: {  	s20 =	simm.s32 $0xF0;
	s19 =	sadd.s32 $0x3610, s12  }
0x1a: {  	[tilespmem:s19], [sflag:$0x1] =	stream.indirect.gather [hbm4b:s2+s8], $0x10, s20, s8, $0xb8;
	[tilespmem:$0x12110] =	vst v63  }
0x1b: {  	s22 =	simm.s32 $0x140;
	s21 =	sadd.s32 $0x3B10, s12  }
0x1c: {  	[tilespmem:s21], [sflag:$0x1] =	stream.indirect.gather [hbm4b:s2+s8], $0x10, s22, s8, $0xb8;
	[tilespmem:$0x12110] =	vst v63  }
0x1d: {  	s24 =	simm.s32 $0x190;
	s23 =	sadd.s32 $0x4010, s12  }
0x1e: {  	[tilespmem:s23], [sflag:$0x1] =	stream.indirect.gather [hbm4b:s2+s8], $0x10, s24, s8, $0xb8;
	[tilespmem:$0x12110] =	vst v63  }
0x1f: {  	s26 =	simm.s32 $0x1E0;
	s25 =	sadd.s32 $0x4510, s12  }
0x20: {  	[tilespmem:s25], [sflag:$0x1] =	stream.indirect.gather [hbm4b:s2+s8], $0x10, s26, s8, $0xb8;
	[tilespmem:$0x12110] =	vst v63  }
0x21: {  	s29 =	simm.s32 $0x230;
	s28 =	sadd.s32 $0x4A10, s12  }
0x22: {  	[tilespmem:s28], [sflag:$0x1] =	stream.indirect.gather [hbm4b:s2+s8], $0x10, s29, s8, $0xb8;
	[tilespmem:$0x12110] =	vst v63  }
0x23: {  	s31 =	simm.s32 $0x280;
	s30 =	sadd.s32 $0x4F10, s12  }
0x24: {  	[tilespmem:s30], [sflag:$0x1] =	stream.indirect.gather [hbm4b:s2+s8], $0x10, s31, s8, $0xb8;
	[tilespmem:$0x12110] =	vst v63  }
0x25: {  	s15 =	sadd.s32 $0x5410, s12;
	s16 =	simm.s32 $0x2D0  }
0x26: {  	[tilespmem:s15], [sflag:$0x1] =	stream.indirect.gather [hbm4b:s2+s8], $0x10, s16, s8, $0xb8;
	[tilespmem:$0x12110] =	vst v63  }
0x27: {  	s17 =	sadd.s32 $0x5910, s12;
	s18 =	simm.s32 $0x320  }
0x28: {  	[tilespmem:s17], [sflag:$0x1] =	stream.indirect.gather [hbm4b:s2+s8], $0x10, s18, s8, $0xb8;
	[tilespmem:$0x12110] =	vst v63  }
0x29: {  	s19 =	sadd.s32 $0x5E10, s12;
	s20 =	simm.s32 $0x370  }
0x2a: {  	[tilespmem:s19], [sflag:$0x1] =	stream.indirect.gather [hbm4b:s2+s8], $0x10, s20, s8, $0xb8;
	[tilespmem:$0x12110] =	vst v63  }
0x2b: {  	s21 =	sadd.s32 $0x6310, s12;
	s22 =	simm.s32 $0x3C0  }
0x2c: {  	[tilespmem:s21], [sflag:$0x1] =	stream.indirect.gather [hbm4b:s2+s8], $0x10, s22, s8, $0xb8;
	[tilespmem:$0x12110] =	vst v63  }
0x2d: {  	s23 =	sadd.s32 $0x6810, s12;
	s24 =	simm.s32 $0x410  }
0x2e: {  	[tilespmem:s23], [sflag:$0x1] =	stream.indirect.gather [hbm4b:s2+s8], $0x10, s24, s8, $0xb8;
	[tilespmem:$0x12110] =	vst v63  }
0x2f: {  	s25 =	sadd.s32 $0x6D10, s12;
	s26 =	simm.s32 $0x460  }
0x30: {  	[tilespmem:s25], [sflag:$0x1] =	stream.indirect.gather [hbm4b:s2+s8], $0x10, s26, s8, $0xb8;
	[tilespmem:$0x12110] =	vst v63  }
0x31: {  	s28 =	sadd.s32 $0x7210, s12;
	s29 =	simm.s32 $0x4B0  }
0x32: {  	[tilespmem:s28], [sflag:$0x1] =	stream.indirect.gather [hbm4b:s2+s8], $0x10, s29, s8, $0xb8;
	[tilespmem:$0x12110] =	vst v63  }
0x33: {  	s30 =	sadd.s32 $0x7710, s12;
	s31 =	simm.s32 $0x500  }
0x34: {  	[tilespmem:s30], [sflag:$0x1] =	stream.indirect.gather [hbm4b:s2+s8], $0x10, s31, s8, $0xb8;
	[tilespmem:$0x12110] =	vst v63  }
0x35: {  	s16 =	sadd.s32 $0x7C10, s12;
	s17 =	simm.s32 $0x550  }
0x36: {  	[tilespmem:s16], [sflag:$0x1] =	stream.indirect.gather [hbm4b:s2+s8], $0x10, s17, s8, $0xb8;
	[tilespmem:$0x12110] =	vst v63  }
0x37: {  	s18 =	sadd.s32 $0x8110, s12;
	s19 =	simm.s32 $0x5A0  }
0x38: {  	[tilespmem:s18], [sflag:$0x1] =	stream.indirect.gather [hbm4b:s2+s8], $0x10, s19, s8, $0xb8;
	[tilespmem:$0x12110] =	vst v63  }
0x39: {  	s20 =	sadd.s32 $0x8610, s12;
	s21 =	simm.s32 $0x5F0  }
0x3a: {  	[tilespmem:s20], [sflag:$0x1] =	stream.indirect.gather [hbm4b:s2+s8], $0x10, s21, s8, $0xb8;
	[tilespmem:$0x12110] =	vst v63  }
0x3b: {  	s22 =	sadd.s32 $0x8B10, s12;
	s23 =	simm.s32 $0x640  }
0x3c: {  	[tilespmem:s22], [sflag:$0x1] =	stream.indirect.gather [hbm4b:s2+s8], $0x10, s23, s8, $0xb8;
	[tilespmem:$0x12110] =	vst v63  }
0x3d: {  	s24 =	sadd.s32 $0x9010, s12;
	s25 =	simm.s32 $0x690  }
0x3e: {  	[tilespmem:s24], [sflag:$0x1] =	stream.indirect.gather [hbm4b:s2+s8], $0x10, s25, s8, $0xb8;
	[tilespmem:$0x12110] =	vst v63  }
0x3f: {  	s26 =	sadd.s32 $0x9510, s12;
	s28 =	simm.s32 $0x6E0  }
0x40: {  	[tilespmem:s26], [sflag:$0x1] =	stream.indirect.gather [hbm4b:s2+s8], $0x10, s28, s8, $0xb8;
	[tilespmem:$0x12110] =	vst v63  }
0x41: {  	p6 =	por $0x1, $0x1;
	s29 =	sadd.s32 $0x9A10, s12;
	s30 =	simm.s32 $0x730  }
0x42: {  	[tilespmem:s29], [sflag:$0x1] =	stream.indirect.gather [hbm4b:s2+s8], $0x10, s30, s8, $0xb8;
	[tilespmem:$0x12110] =	vst v63  }
0x43: {  	s14 =	simm.s32 $0x1F40;
	s12 =	sadd.s32 $0x9F10, s12;
	s31 =	simm.s32 $0x780  }
0x44: {  	[tilespmem:s12], [sflag:$0x1] =	stream.indirect.gather [hbm4b:s2+s8], $0x10, s31, s8, $0xb8;
	[tilespmem:$0x12110] =	vst v63  }
0x45: {  	p0 =	por p6, p6;
	s15 =	simm.s32 $0x1;
	_ =	swait.ge [sflag:s9], $0x7D00  }
0x46: {  	s16 =	simm.s32 $0x3E80;
	s17 =	simm.s32 $0x2;
	[sflag:s9] =	ssyncset.done $0x0  }
0x47: {  	s18 =	smov.u32 s6;
	s12 =	sadd.s32 $0xFA0, s6;
	[sflag:s9] =	ssyncadd.s32 $0xFFFF8300  }
.LBB2_2:
0x48: {  	[hbm4b:s18+s3] =	stream.linear.scatter [tilespmem:s13], [sflag:$0x2], $0x7D00, $0x38;
	[tilespmem:$0x12110] =	vst v63  }
0x49: {  	s13 =	simm.s32 @!p0 $0x2  }
0x4a: {  	s20 =	sand.u32 $0x1, s15;
	_ =	swait.ge @!p0 [sflag:s13], $0x7D00  }
0x4b: {  	p3 =	seq.s32 s20, $0x1;
	s19 =	rddreg [dreg:$0x3]  }
0x4c: {  	[sflag:s13] =	ssyncset.done @!p0 $0x0;
	s19 =	simm.s32 @!p3 $0x0  }
0x4d: {  	s20 =	sshra.s32 s14, $0x2;
	[sflag:s13] =	ssyncadd.s32 @!p0 $0xFFFF8300;
	s13 =	sadd.s32 $0x2710, s19  }
0x4e: {  	[tilespmem:s13], [sflag:$0x1] =	stream.indirect.gather [hbm4b:s2+s8], $0x10, s20, s8, $0xb8;
	[tilespmem:$0x12110] =	vst v63  }
0x4f: {  	s23 =	sadd.s32 $0x50, s20;
	s22 =	sadd.s32 $0x2C10, s19  }
0x50: {  	[tilespmem:s22], [sflag:$0x1] =	stream.indirect.gather [hbm4b:s2+s8], $0x10, s23, s8, $0xb8;
	[tilespmem:$0x12110] =	vst v63  }
0x51: {  	s29 =	sadd.s32 $0xA0, s20;
	s28 =	sadd.s32 $0x3110, s19  }
0x52: {  	[tilespmem:s28], [sflag:$0x1] =	stream.indirect.gather [hbm4b:s2+s8], $0x10, s29, s8, $0xb8;
	[tilespmem:$0x12110] =	vst v63  }
0x53: {  	s31 =	sadd.s32 $0xF0, s20;
	s30 =	sadd.s32 $0x3610, s19  }
0x54: {  	[tilespmem:s30], [sflag:$0x1] =	stream.indirect.gather [hbm4b:s2+s8], $0x10, s31, s8, $0xb8;
	[tilespmem:$0x12110] =	vst v63  }
0x55: {  	s24 =	sadd.s32 $0x140, s20;
	s23 =	sadd.s32 $0x3B10, s19  }
0x56: {  	[tilespmem:s23], [sflag:$0x1] =	stream.indirect.gather [hbm4b:s2+s8], $0x10, s24, s8, $0xb8;
	[tilespmem:$0x12110] =	vst v63  }
0x57: {  	s26 =	sadd.s32 $0x190, s20;
	s25 =	sadd.s32 $0x4010, s19  }
0x58: {  	[tilespmem:s25], [sflag:$0x1] =	stream.indirect.gather [hbm4b:s2+s8], $0x10, s26, s8, $0xb8;
	[tilespmem:$0x12110] =	vst v63  }
0x59: {  	s28 =	sadd.s32 $0x4510, s19;
	s29 =	sadd.s32 $0x1E0, s20  }
0x5a: {  	[tilespmem:s28], [sflag:$0x1] =	stream.indirect.gather [hbm4b:s2+s8], $0x10, s29, s8, $0xb8;
	[tilespmem:$0x12110] =	vst v63  }
0x5b: {  	s30 =	sadd.s32 $0x4A10, s19;
	s31 =	sadd.s32 $0x230, s20  }
0x5c: {  	[tilespmem:s30], [sflag:$0x1] =	stream.indirect.gather [hbm4b:s2+s8], $0x10, s31, s8, $0xb8;
	[tilespmem:$0x12110] =	vst v63  }
0x5d: {  	s23 =	sadd.s32 $0x4F10, s19;
	s24 =	sadd.s32 $0x280, s20  }
0x5e: {  	[tilespmem:s23], [sflag:$0x1] =	stream.indirect.gather [hbm4b:s2+s8], $0x10, s24, s8, $0xb8;
	[tilespmem:$0x12110] =	vst v63  }
0x5f: {  	s25 =	sadd.s32 $0x5410, s19;
	s26 =	sadd.s32 $0x2D0, s20  }
0x60: {  	[tilespmem:s25], [sflag:$0x1] =	stream.indirect.gather [hbm4b:s2+s8], $0x10, s26, s8, $0xb8;
	[tilespmem:$0x12110] =	vst v63  }
0x61: {  	s28 =	sadd.s32 $0x5910, s19;
	s29 =	sadd.s32 $0x320, s20  }
0x62: {  	[tilespmem:s28], [sflag:$0x1] =	stream.indirect.gather [hbm4b:s2+s8], $0x10, s29, s8, $0xb8;
	[tilespmem:$0x12110] =	vst v63  }
0x63: {  	s30 =	sadd.s32 $0x5E10, s19;
	s31 =	sadd.s32 $0x370, s20  }
0x64: {  	[tilespmem:s30], [sflag:$0x1] =	stream.indirect.gather [hbm4b:s2+s8], $0x10, s31, s8, $0xb8;
	[tilespmem:$0x12110] =	vst v63  }
0x65: {  	s23 =	sadd.s32 $0x6310, s19;
	s24 =	sadd.s32 $0x3C0, s20  }
0x66: {  	[tilespmem:s23], [sflag:$0x1] =	stream.indirect.gather [hbm4b:s2+s8], $0x10, s24, s8, $0xb8;
	[tilespmem:$0x12110] =	vst v63  }
0x67: {  	s25 =	sadd.s32 $0x6810, s19;
	s26 =	sadd.s32 $0x410, s20  }
0x68: {  	[tilespmem:s25], [sflag:$0x1] =	stream.indirect.gather [hbm4b:s2+s8], $0x10, s26, s8, $0xb8;
	[tilespmem:$0x12110] =	vst v63  }
0x69: {  	s28 =	sadd.s32 $0x6D10, s19;
	s29 =	sadd.s32 $0x460, s20  }
0x6a: {  	[tilespmem:s28], [sflag:$0x1] =	stream.indirect.gather [hbm4b:s2+s8], $0x10, s29, s8, $0xb8;
	[tilespmem:$0x12110] =	vst v63  }
0x6b: {  	s30 =	sadd.s32 $0x7210, s19;
	s31 =	sadd.s32 $0x4B0, s20  }
0x6c: {  	[tilespmem:s30], [sflag:$0x1] =	stream.indirect.gather [hbm4b:s2+s8], $0x10, s31, s8, $0xb8;
	[tilespmem:$0x12110] =	vst v63  }
0x6d: {  	s23 =	sadd.s32 $0x7710, s19;
	s24 =	sadd.s32 $0x500, s20  }
0x6e: {  	[tilespmem:s23], [sflag:$0x1] =	stream.indirect.gather [hbm4b:s2+s8], $0x10, s24, s8, $0xb8;
	[tilespmem:$0x12110] =	vst v63  }
0x6f: {  	s25 =	sadd.s32 $0x7C10, s19;
	s26 =	sadd.s32 $0x550, s20  }
0x70: {  	[tilespmem:s25], [sflag:$0x1] =	stream.indirect.gather [hbm4b:s2+s8], $0x10, s26, s8, $0xb8;
	[tilespmem:$0x12110] =	vst v63  }
0x71: {  	s28 =	sadd.s32 $0x8110, s19;
	s29 =	sadd.s32 $0x5A0, s20  }
0x72: {  	[tilespmem:s28], [sflag:$0x1] =	stream.indirect.gather [hbm4b:s2+s8], $0x10, s29, s8, $0xb8;
	[tilespmem:$0x12110] =	vst v63  }
0x73: {  	s30 =	sadd.s32 $0x8610, s19;
	s31 =	sadd.s32 $0x5F0, s20  }
0x74: {  	[tilespmem:s30], [sflag:$0x1] =	stream.indirect.gather [hbm4b:s2+s8], $0x10, s31, s8, $0xb8;
	[tilespmem:$0x12110] =	vst v63  }
0x75: {  	s21 =	smov.u32 s16;
	s23 =	sadd.s32 $0x8B10, s19;
	s24 =	sadd.s32 $0x640, s20  }
0x76: {  	[tilespmem:s23], [sflag:$0x1] =	stream.indirect.gather [hbm4b:s2+s8], $0x10, s24, s8, $0xb8;
	[tilespmem:$0x12110] =	vst v63  }
0x77: {  	s18 =	smov.u32 s12;
	s25 =	sadd.s32 $0x9010, s19;
	s26 =	sadd.s32 $0x690, s20  }
0x78: {  	[tilespmem:s25], [sflag:$0x1] =	stream.indirect.gather [hbm4b:s2+s8], $0x10, s26, s8, $0xb8;
	[tilespmem:$0x12110] =	vst v63  }
0x79: {  	s16 =	sadd.s32 $0x1F40, s16;
	s28 =	sadd.s32 $0x9510, s19;
	s29 =	sadd.s32 $0x6E0, s20  }
0x7a: {  	[tilespmem:s28], [sflag:$0x1] =	stream.indirect.gather [hbm4b:s2+s8], $0x10, s29, s8, $0xb8;
	[tilespmem:$0x12110] =	vst v63  }
0x7b: {  	p1 =	sne.s32 s16, $0x9C40;
	s30 =	sadd.s32 $0x9A10, s19;
	s31 =	sadd.s32 $0x730, s20  }
0x7c: {  	[tilespmem:s30], [sflag:$0x1] =	stream.indirect.gather [hbm4b:s2+s8], $0x10, s31, s8, $0xb8;
	[tilespmem:$0x12110] =	vst v63  }
.Ltmp0:
0x7d: {  	s19 =	sadd.s32 $0x9F10, s19;
	s20 =	sadd.s32 $0x780, s20;
	(pc) =	sbr.rel @p1 .LBB2_2-.Ltmp0, $4  }
0x7e: {  	[tilespmem:s19], [sflag:$0x1] =	stream.indirect.gather [hbm4b:s2+s8], $0x10, s20, s8, $0xb8;
	[tilespmem:$0x12110] =	vst v63  }
0x7f: {  	p2 =	slt.u32 s17, $0x2;
	s15 =	smov.u32 s17;
	_ =	swait.ge [sflag:s9], $0x7D00  }
0x80: {  	s17 =	sadd.s32 $0x1, s17;
	s12 =	sadd.s32 $0xFA0, s12;
	[sflag:s9] =	ssyncset.done $0x0  }
0x81: {  	s14 =	smov.u32 s21;
	p0 =	por p2, p2;
	[sflag:s9] =	ssyncadd.s32 $0xFFFF8300  }
0x82: {  	[hbm4b:s18+s3] =	stream.linear.scatter [tilespmem:s13], [sflag:$0x2], $0x7D00, $0x38;
	[tilespmem:$0x12110] =	vst v63  }
0x83: {  	s16 =	simm.s32 @!p0 $0x2  }
0x84: {  	s15 =	sand.u32 $0x1, s15;
	_ =	swait.ge @!p0 [sflag:s16], $0x7D00  }
0x85: {  	p1 =	seq.s32 s15, $0x1;
	s13 =	rddreg [dreg:$0x3]  }
0x86: {  	[sflag:s16] =	ssyncset.done @!p0 $0x0;
	s13 =	simm.s32 @!p1 $0x0  }
0x87: {  	s14 =	sshra.s32 s14, $0x2;
	[sflag:s16] =	ssyncadd.s32 @!p0 $0xFFFF8300;
	s15 =	sadd.s32 $0x2710, s13  }
0x88: {  	[tilespmem:s15], [sflag:$0x1] =	stream.indirect.gather [hbm4b:s2+s8], $0x10, s14, s8, $0xb8;
	[tilespmem:$0x12110] =	vst v63  }
0x89: {  	s17 =	sadd.s32 $0x50, s14;
	s29 =	sadd.s32 $0x2C10, s13  }
0x8a: {  	[tilespmem:s29], [sflag:$0x1] =	stream.indirect.gather [hbm4b:s2+s8], $0x10, s17, s8, $0xb8;
	[tilespmem:$0x12110] =	vst v63  }
0x8b: {  	s31 =	sadd.s32 $0xA0, s14;
	s30 =	sadd.s32 $0x3110, s13  }
0x8c: {  	[tilespmem:s30], [sflag:$0x1] =	stream.indirect.gather [hbm4b:s2+s8], $0x10, s31, s8, $0xb8;
	[tilespmem:$0x12110] =	vst v63  }
0x8d: {  	s18 =	sadd.s32 $0xF0, s14;
	s17 =	sadd.s32 $0x3610, s13  }
0x8e: {  	[tilespmem:s17], [sflag:$0x1] =	stream.indirect.gather [hbm4b:s2+s8], $0x10, s18, s8, $0xb8;
	[tilespmem:$0x12110] =	vst v63  }
0x8f: {  	s20 =	sadd.s32 $0x140, s14;
	s19 =	sadd.s32 $0x3B10, s13  }
0x90: {  	[tilespmem:s19], [sflag:$0x1] =	stream.indirect.gather [hbm4b:s2+s8], $0x10, s20, s8, $0xb8;
	[tilespmem:$0x12110] =	vst v63  }
0x91: {  	s22 =	sadd.s32 $0x190, s14;
	s21 =	sadd.s32 $0x4010, s13  }
0x92: {  	[tilespmem:s21], [sflag:$0x1] =	stream.indirect.gather [hbm4b:s2+s8], $0x10, s22, s8, $0xb8;
	[tilespmem:$0x12110] =	vst v63  }
0x93: {  	s24 =	sadd.s32 $0x1E0, s14;
	s23 =	sadd.s32 $0x4510, s13  }
0x94: {  	[tilespmem:s23], [sflag:$0x1] =	stream.indirect.gather [hbm4b:s2+s8], $0x10, s24, s8, $0xb8;
	[tilespmem:$0x12110] =	vst v63  }
0x95: {  	s26 =	sadd.s32 $0x230, s14;
	s25 =	sadd.s32 $0x4A10, s13  }
0x96: {  	[tilespmem:s25], [sflag:$0x1] =	stream.indirect.gather [hbm4b:s2+s8], $0x10, s26, s8, $0xb8;
	[tilespmem:$0x12110] =	vst v63  }
0x97: {  	s28 =	sadd.s32 $0x4F10, s13;
	s29 =	sadd.s32 $0x280, s14  }
0x98: {  	[tilespmem:s28], [sflag:$0x1] =	stream.indirect.gather [hbm4b:s2+s8], $0x10, s29, s8, $0xb8;
	[tilespmem:$0x12110] =	vst v63  }
0x99: {  	s30 =	sadd.s32 $0x5410, s13;
	s31 =	sadd.s32 $0x2D0, s14  }
0x9a: {  	[tilespmem:s30], [sflag:$0x1] =	stream.indirect.gather [hbm4b:s2+s8], $0x10, s31, s8, $0xb8;
	[tilespmem:$0x12110] =	vst v63  }
0x9b: {  	s17 =	sadd.s32 $0x5910, s13;
	s18 =	sadd.s32 $0x320, s14  }
0x9c: {  	[tilespmem:s17], [sflag:$0x1] =	stream.indirect.gather [hbm4b:s2+s8], $0x10, s18, s8, $0xb8;
	[tilespmem:$0x12110] =	vst v63  }
0x9d: {  	s19 =	sadd.s32 $0x5E10, s13;
	s20 =	sadd.s32 $0x370, s14  }
0x9e: {  	[tilespmem:s19], [sflag:$0x1] =	stream.indirect.gather [hbm4b:s2+s8], $0x10, s20, s8, $0xb8;
	[tilespmem:$0x12110] =	vst v63  }
0x9f: {  	s21 =	sadd.s32 $0x6310, s13;
	s22 =	sadd.s32 $0x3C0, s14  }
0xa0: {  	[tilespmem:s21], [sflag:$0x1] =	stream.indirect.gather [hbm4b:s2+s8], $0x10, s22, s8, $0xb8;
	[tilespmem:$0x12110] =	vst v63  }
0xa1: {  	s23 =	sadd.s32 $0x6810, s13;
	s24 =	sadd.s32 $0x410, s14  }
0xa2: {  	[tilespmem:s23], [sflag:$0x1] =	stream.indirect.gather [hbm4b:s2+s8], $0x10, s24, s8, $0xb8;
	[tilespmem:$0x12110] =	vst v63  }
0xa3: {  	s25 =	sadd.s32 $0x6D10, s13;
	s26 =	sadd.s32 $0x460, s14  }
0xa4: {  	[tilespmem:s25], [sflag:$0x1] =	stream.indirect.gather [hbm4b:s2+s8], $0x10, s26, s8, $0xb8;
	[tilespmem:$0x12110] =	vst v63  }
0xa5: {  	s28 =	sadd.s32 $0x7210, s13;
	s29 =	sadd.s32 $0x4B0, s14  }
0xa6: {  	[tilespmem:s28], [sflag:$0x1] =	stream.indirect.gather [hbm4b:s2+s8], $0x10, s29, s8, $0xb8;
	[tilespmem:$0x12110] =	vst v63  }
0xa7: {  	s30 =	sadd.s32 $0x7710, s13;
	s31 =	sadd.s32 $0x500, s14  }
0xa8: {  	[tilespmem:s30], [sflag:$0x1] =	stream.indirect.gather [hbm4b:s2+s8], $0x10, s31, s8, $0xb8;
	[tilespmem:$0x12110] =	vst v63  }
0xa9: {  	s17 =	sadd.s32 $0x7C10, s13;
	s18 =	sadd.s32 $0x550, s14  }
0xaa: {  	[tilespmem:s17], [sflag:$0x1] =	stream.indirect.gather [hbm4b:s2+s8], $0x10, s18, s8, $0xb8;
	[tilespmem:$0x12110] =	vst v63  }
0xab: {  	s19 =	sadd.s32 $0x8110, s13;
	s20 =	sadd.s32 $0x5A0, s14  }
0xac: {  	[tilespmem:s19], [sflag:$0x1] =	stream.indirect.gather [hbm4b:s2+s8], $0x10, s20, s8, $0xb8;
	[tilespmem:$0x12110] =	vst v63  }
0xad: {  	s21 =	sadd.s32 $0x8610, s13;
	s22 =	sadd.s32 $0x5F0, s14  }
0xae: {  	[tilespmem:s21], [sflag:$0x1] =	stream.indirect.gather [hbm4b:s2+s8], $0x10, s22, s8, $0xb8;
	[tilespmem:$0x12110] =	vst v63  }
0xaf: {  	s23 =	sadd.s32 $0x8B10, s13;
	s24 =	sadd.s32 $0x640, s14  }
0xb0: {  	[tilespmem:s23], [sflag:$0x1] =	stream.indirect.gather [hbm4b:s2+s8], $0x10, s24, s8, $0xb8;
	[tilespmem:$0x12110] =	vst v63  }
0xb1: {  	s25 =	sadd.s32 $0x9010, s13;
	s26 =	sadd.s32 $0x690, s14  }
0xb2: {  	[tilespmem:s25], [sflag:$0x1] =	stream.indirect.gather [hbm4b:s2+s8], $0x10, s26, s8, $0xb8;
	[tilespmem:$0x12110] =	vst v63  }
0xb3: {  	s28 =	sadd.s32 $0x9510, s13;
	s29 =	sadd.s32 $0x6E0, s14  }
0xb4: {  	[tilespmem:s28], [sflag:$0x1] =	stream.indirect.gather [hbm4b:s2+s8], $0x10, s29, s8, $0xb8;
	[tilespmem:$0x12110] =	vst v63  }
0xb5: {  	s30 =	sadd.s32 $0x9A10, s13;
	s31 =	sadd.s32 $0x730, s14  }
0xb6: {  	[tilespmem:s30], [sflag:$0x1] =	stream.indirect.gather [hbm4b:s2+s8], $0x10, s31, s8, $0xb8;
	[tilespmem:$0x12110] =	vst v63  }
0xb7: {  	s13 =	sadd.s32 $0x9F10, s13;
	s14 =	sadd.s32 $0x780, s14  }
0xb8: {  	[tilespmem:s13], [sflag:$0x1] =	stream.indirect.gather [hbm4b:s2+s8], $0x10, s14, s8, $0xb8;
	[tilespmem:$0x12110] =	vst v63  }
0xb9: {  	_ =	swait.ge [sflag:s9], $0x7D00  }
0xba: {  	[sflag:s9] =	ssyncset.done $0x0  }
0xbb: {  	s11 =	sadd.s32 $0x1, s11;
	[sflag:s9] =	ssyncadd.s32 $0xFFFF8300  }
0xbc: {  	[hbm4b:s12+s3] =	stream.linear.scatter [tilespmem:s15], [sflag:$0x2], $0x7D00, $0x38;
	[tilespmem:$0x12110] =	vst v63  }
0xbd: {  	p0 =	sne.s32 s11, s5;
	_ =	swait.ge [sflag:s10], $0x7D00  }
.Ltmp1:
0xbe: {  	[sflag:s10] =	ssyncset.done $0x0;
	(pc) =	sbr.rel @p0 .LBB2_1-.Ltmp1, $4  }
0xbf: {  	[sflag:s10] =	ssyncadd.s32 $0xFFFF8300  }
0xc0: {  	_ =	swait.ge [sflag:s10], $0x7D00  }
0xc1: {  	[sflag:s10] =	ssyncset.done $0x0  }
0xc2: {  	[sflag:s10] =	ssyncadd.s32 $0xFFFF8300  }
0xc3: {  	_ =	sfence.sel $0x180000  }
0xc4: {  	[bflag:$0x0] =	sbarrier.arrive $0xFFFF  }
0xc5: {  	p0 =	sne.s32 s0, $0x0;
	_ =	strace $0x90000047  }
0xc6: {  	s0 =	sadd.s32 @!p0 $0x100000, s1;
	[bflag:$0x2] =	sbarrier.arrive $0xFFFF  }
0xc7: {  	[sflag:s0] =	ssyncadd.tile.s32 @!p0 $0x1;
	_ =	shalt  }
.Lfunc_end2:
_tile_overlayer_lowered:
.L_overlay_start_2:
0xc8: {  	(tag) =	ssettag $0x2  }
0xc9: {  	s0 =	rddreg [dreg:$0x0];
	s2 =	stileid.u32  }
0xca: {  	s1 =	rddreg [dreg:$0x1];
	p0 =	sne.s32 s2, $0x0  }
0xcb: {  	s3 =	rddreg [dreg:$0x2];
	[bflag:$0x3] =	sbarrier.arrive $0xFFFF;
	s2 =	simm.s32 @!p0 $0x1C03  }
0xcc: {  	[timem:s3], [sflag:s2] =	dma.local @!p0 [hbm:s0], s1  }
0xcd: {  	s0 =	simm.s32 @!p0 $0x3  }
0xce: {  	_ =	swait.ge @!p0 [sflag:s0], s1  }
0xcf: {  	s1 =	ssub.s32 @!p0 $0x0, s1;
	[sflag:s0] =	ssyncset.done @!p0 $0x0  }
0xd0: {  	[sflag:s0] =	ssyncadd.s32 @!p0 s1  }
0xd1: {  	[bflag:$0x3] =	sbarrier.arrive $0xFFFF  }
0xd2: {  	_ =	shalt  }

// kernel: kernel.13.cloned.1.call-start
scs
__scs_entry_jumppad:
0x0: {  	(pc) =	sbr.rel $0x88, $3  }
0x1: {  	(tag) =	ssettag $0x0;
	lr =	simm.s32 $0x1  }
0x2: {  	[smem:$0x3F96] =	sst lr;
	_ =	strace $0xD0000000  }
0x3: {  	_ = 	snop  }
0x4: {  	_ = 	snop  }
0x5: {  	_ = 	snop  }
0x6: {  	_ = 	snop  }
0x7: {  	_ = 	snop  }
__scs_overlays_trampoline_lowered:
0x8: {  	[smem:$0x3FA5] =	sst s0  }
0x9: {  	[smem:$0x3FA6] =	sst s1  }
0xa: {  	[smem:$0x3FA7] =	sst s2  }
0xb: {  	[smem:$0x3FA8] =	sst s3  }
0xc: {  	[smem:$0x3FA9] =	sst s4  }
0xd: {  	[smem:$0x3FAA] =	sst s5  }
0xe: {  	[smem:$0x3FAB] =	sst s6  }
0xf: {  	[smem:$0x3FAC] =	sst s7  }
0x10: {  	[smem:$0x3FAD] =	sst s8  }
0x11: {  	[smem:$0x3FAE] =	sst s9;
	s0 =	simm.s32 @!p0 $0x0  }
0x12: {  	s1 =	sld [smem:$0x3F94];
	s0 =	simm.s32 @p0 $0x1  }
0x13: {  	[smem:$0x3FAF] =	sst s0;
	s0 =	simm.s32 @!p1 $0x0  }
0x14: {  	s2 =	sld [smem:$0x3F93];
	s0 =	simm.s32 @p1 $0x1  }
0x15: {  	[smem:$0x3FB0] =	sst s0;
	s0 =	simm.s32 @!p2 $0x0  }
0x16: {  	s3 =	sld [smem:$0x3FDB];
	s0 =	simm.s32 @p2 $0x1  }
0x17: {  	s4 =	simm.s32 $0x1BF5;
	[smem:$0x3FB2] =	sst s0  }
0x18: {  	s0 =	sld [smem:$0x3F95];
	_ =	swait.ge [sflag:s4], $0x0  }
0x19: {  	s7 =	sld [smem:$0x3F96]  }
0x1a: {  	s8 =	sadd.s32 $0xFFFFE003, lr  }
0x1b: {  	s9 =	sadd.s32 $0xFFFFFEF7, lr;
	s5 =	simm.s32 $0xFFFFFFFF;
	p2 =	slt.u32 s8, $0xFFFFF086  }
0x1c: {  	p1 =	slt.u32 s9, $0xF7A;
	s5 =	simm.s32 @!p2 $0x0  }
0x1d: {  	s5 =	simm.s32 @p1 $0x1;
	p0 =	seq.s32 s7, s2  }
0x1e: {  	s7 =	smul.u32 @!p0 $0xF7A, s2;
	p2 =	seq.s32 @!p0 s5, $0x0  }
0x1f: {  	s9 =	smul.u32 $0xF7A, s1;
	s8 =	simm.s32 @!p0 $0x1BF5;
	p2 =	por !p2, p0  }
0x20: {  	[sflag:s8] =	ssyncset.s32 @!p0 $0xFFFFF086;
	s6 =	sadd.s32 @!p0 s3, s7;
	s7 =	simm.s32 @!p0 $0x108  }
0x21: {  	s3 =	sadd.s32 s3, s9;
	s6 =	sadd.s32 @!p0 $0x88, s6;
	s7 =	simm.s32 @p2 $0x1082  }
0x22: {  	[simem:s7], [sflag:s8] =	dma.local @!p0 [hbm:s6], $0xF7A  }
0x23: {  	s9 =	sor.u32 $0xD0000000, s2;
	s6 =	simm.s32 $0x108;
	_ =	swait.ge @!p0 [sflag:s8], $0x0  }
0x24: {  	s3 =	sadd.s32 $0x88, s3;
	s6 =	simm.s32 @!p1 $0x1082;
	[sflag:s4] =	ssyncset.s32 $0xFFFFF086  }
0x25: {  	[simem:s6], [sflag:s4] =	dma.local [hbm:s3], $0xF7A  }
0x26: {  	[smem:$0x3F96] =	sst s1;
	(tag) =	ssettag s2;
	_ =	strace s9  }
0x27: {  	s1 =	sld [smem:$0x3FA6]  }
0x28: {  	s2 =	sld [smem:$0x3FA7]  }
0x29: {  	s4 =	sld [smem:$0x3FA9]  }
0x2a: {  	p0 =	seq.s32 s5, $0x0;
	s5 =	sld [smem:$0x3FAA]  }
0x2b: {  	s6 =	sld [smem:$0x3FAB]  }
0x2c: {  	s7 =	sld [smem:$0x3FAC]  }
0x2d: {  	s3 =	simm.s32 $0x108;
	s8 =	sld [smem:$0x3FAD]  }
0x2e: {  	s3 =	simm.s32 @!p0 $0x1082;
	s9 =	sld [smem:$0x3FAE]  }
0x2f: {  	lr =	sadd.s32 s0, s3;
	s0 =	sld [smem:$0x3FA5]  }
0x30: {  	s3 =	sld [smem:$0x3FA8]  }
0x31: {  	[smem:$0x3FB1] =	sst s10  }
0x32: {  	s10 =	sld [smem:$0x3FAF];
	_ =	sdelay $0x3  }
0x33: {  	p0 =	seq.s32 s10, $0x1;
	s10 =	sld [smem:$0x3FB1];
	_ =	sdelay $0x3  }
0x34: {  	[smem:$0x3FB1] =	sst s10  }
0x35: {  	s10 =	sld [smem:$0x3FB0];
	_ =	sdelay $0x3  }
0x36: {  	p1 =	seq.s32 s10, $0x1;
	s10 =	sld [smem:$0x3FB1];
	_ =	sdelay $0x3  }
0x37: {  	[smem:$0x3FB1] =	sst s10  }
0x38: {  	s10 =	sld [smem:$0x3FB2]  }
0x39: {  	_ = 	snop;
	(pc) =	sbr.ind lr, $3  }
0x3a: {  	_ = 	snop  }
0x3b: {  	_ = 	snop  }
0x3c: {  	p2 =	seq.s32 s10, $0x1;
	s10 =	sld [smem:$0x3FB1]  }
0x3d: {  	_ =	shalt  }
0x3e: {  	_ =	shalt  }
0x3f: {  	_ =	shalt  }
0x40: {  	_ =	shalt  }
0x41: {  	_ =	shalt  }
0x42: {  	_ =	shalt  }
0x43: {  	_ =	shalt  }
0x44: {  	_ =	shalt  }
0x45: {  	_ =	shalt  }
0x46: {  	_ =	shalt  }
0x47: {  	_ =	shalt  }
0x48: {  	_ =	shalt  }
0x49: {  	_ =	shalt  }
0x4a: {  	_ =	shalt  }
0x4b: {  	_ =	shalt  }
0x4c: {  	_ =	shalt  }
0x4d: {  	_ =	shalt  }
0x4e: {  	_ =	shalt  }
0x4f: {  	_ =	shalt  }
0x50: {  	_ =	shalt  }
0x51: {  	_ =	shalt  }
0x52: {  	_ =	shalt  }
0x53: {  	_ =	shalt  }
0x54: {  	_ =	shalt  }
0x55: {  	_ =	shalt  }
0x56: {  	_ =	shalt  }
0x57: {  	_ =	shalt  }
0x58: {  	_ =	shalt  }
0x59: {  	_ =	shalt  }
0x5a: {  	_ =	shalt  }
0x5b: {  	_ =	shalt  }
0x5c: {  	_ =	shalt  }
0x5d: {  	_ =	shalt  }
0x5e: {  	_ =	shalt  }
0x5f: {  	_ =	shalt  }
0x60: {  	_ =	shalt  }
0x61: {  	_ =	shalt  }
0x62: {  	_ =	shalt  }
0x63: {  	_ =	shalt  }
0x64: {  	_ =	shalt  }
0x65: {  	_ =	shalt  }
0x66: {  	_ =	shalt  }
0x67: {  	_ =	shalt  }
0x68: {  	_ =	shalt  }
0x69: {  	_ =	shalt  }
0x6a: {  	_ =	shalt  }
0x6b: {  	_ =	shalt  }
0x6c: {  	_ =	shalt  }
0x6d: {  	_ =	shalt  }
0x6e: {  	_ =	shalt  }
0x6f: {  	_ =	shalt  }
0x70: {  	_ =	shalt  }
0x71: {  	_ =	shalt  }
0x72: {  	_ =	shalt  }
0x73: {  	_ =	shalt  }
0x74: {  	_ =	shalt  }
0x75: {  	_ =	shalt  }
0x76: {  	_ =	shalt  }
0x77: {  	_ =	shalt  }
0x78: {  	_ =	shalt  }
0x79: {  	_ =	shalt  }
0x7a: {  	_ =	shalt  }
0x7b: {  	_ =	shalt  }
0x7c: {  	_ =	shalt  }
0x7d: {  	_ =	shalt  }
0x7e: {  	_ =	shalt  }
0x7f: {  	_ =	shalt  }
0x80: {  	_ =	shalt  }
0x81: {  	_ =	shalt  }
0x82: {  	_ =	shalt  }
0x83: {  	_ =	shalt  }
0x84: {  	_ =	shalt  }
0x85: {  	_ =	shalt  }
0x86: {  	_ =	shalt  }
0x87: {  	_ =	shalt  }
.Lfunc_end0:
.L_simem_size_0:
called_computation.1_lowered:
.L_overlay_start_0:
0x88: {  	s2 =	sld [smem:$0x3FD9]  }
0x89: {  	s3 =	sld [smem:$0x3FFE];
	_ =	sdelay $0x1  }
0x8a: {  	s1 =	srdreg.scid  }
0x8b: {  	s0 =	sand.u32 $0x1, s1  }
0x8c: {  	s17 =	sshll.u32 s0, $0xA;
	s2 =	sadd.s32 s3, s2  }
0x8d: {  	s2 =	sadd.s32 s2, s17  }
0x8e: {  	[smem:$0x3FBD] =	sst s2  }
0x8f: {  	_ = 	snop  }
0x90: {  	s2 =	sld [smem:$0x3FD0];
	(tm) =	ssettm $0x1  }
0x91: {  	s18 =	sld [smem:$0x3FFB];
	_ =	sdelay $0x3  }
0x92: {  	_ =	strace s18  }
0x93: {  	s3 =	sld [smem:$0x3FFC];
	_ =	sdelay $0x3  }
0x94: {  	_ =	strace s3  }
0x95: {  	s3 =	sld [smem:$0x3FFD];
	_ =	sdelay $0x3  }
0x96: {  	_ =	strace s3  }
0x97: {  	_ =	strace $0x8FFFFFFF  }
0x98: {  	s19 =	sld [smem:$0x3FDB];
	_ =	sdelay $0x1  }
0x99: {  	s4 =	simm.s32 $_scs_section_size  }
0x9a: {  	s5 =	simm.s32 $_size__tile_overlayer_lowered;
	s6 =	simm.s32 $_tile_overlayer_lowered  }
0x9b: {  	s22 =	simm.s32 $0x1BFF;
	s21 =	sshll.u32 s6, $0x1;
	s3 =	sadd.s32 s4, s19  }
0x9c: {  	s7 =	simm.s32 $0x0;
	s20 =	sshll.u32 s5, $0x1;
	s5 =	sadd.s32 s21, s3  }
0x9d: {  	[timem:s7], [sflag:s22] =	dma.local [hbm:s5], s20  }
0x9e: {  	_ =	swait.ge [sflag:s22], s20  }
0x9f: {  	s4 =	ssub.s32 $0x0, s20;
	[sflag:s22] =	ssyncset.done $0x0  }
0xa0: {  	[sflag:s22] =	ssyncadd.s32 s4;
	_ =	sdelay $0x1  }
0xa1: {  	s23 =	simm.s32 $0x1B8B  }
0xa2: {  	_ =	swait.ge [sflag:s23], $0x1  }
0xa3: {  	[sflag:s23] =	ssyncset.done $0x0  }
0xa4: {  	s25 =	simm.s32 $0x1B8E;
	s24 =	sld [smem:$0x3FFE];
	[sflag:s23] =	ssyncadd.s32 $0xFFFFFFFF  }
0xa5: {  	s26 =	simm.s32 $execute0_lowered;
	[smem:$0x3FD2] =	sst s25  }
0xa6: {  	s5 =	sshll.u32 s26, $0x1;
	_ =	strace $0x80000049;
	[dreg:$0x1] =	wrdreg $0xFFFFFFFF  }
0xa7: {  	s28 =	simm.s32 $_size_execute0_lowered;
	s3 =	sadd.s32 s3, s5;
	[dreg:$0x0] =	wrdreg $0x0  }
0xa8: {  	s5 =	sshll.u32 s28, $0x1;
	[dreg:$0x2] =	wrdreg s3  }
0xa9: {  	[dreg:$0x3] =	wrdreg s5  }
0xaa: {  	[dreg:$0x4] =	wrdreg $0xC0  }
0xab: {  	_ =	task [dreg:s7], $0x5FFFF  }
0xac: {  	[dreg:$0x1] =	wrdreg $0xFFFFFFFF  }
0xad: {  	[dreg:$0x0] =	wrdreg $0x60  }
0xae: {  	[dreg:$0x2] =	wrdreg s24  }
0xaf: {  	[dreg:$0x3] =	wrdreg s2  }
0xb0: {  	[dreg:$0x4] =	wrdreg $0x126100  }
0xb1: {  	[dreg:$0x5] =	wrdreg $0x14D200  }
0xb2: {  	[dreg:$0x6] =	wrdreg $0x9  }
0xb3: {  	_ =	task.clear_ibuf [dreg:s7], $0x7FFFF;
	_ =	strace $0x90000049  }
0xb4: {  	s29 =	simm.s32 $0x9;
	_ =	strace $0x8000004B  }
0xb5: {  	_ =	swait.ge [sflag:s29], $0x1  }
0xb6: {  	[sflag:s29] =	ssyncadd.s32 $0xFFFFFFFF  }
0xb7: {  	_ =	strace $0x9000004B  }
0xb8: {  	_ =	sfence  }
0xb9: {  	s30 =	sld [smem:$0x0];
	_ =	sdelay $0x2  }
0xba: {  	s31 =	sshll.u32 s1, $0xD;
	s1 =	sshrl.u32 s1, $0x2  }
0xbb: {  	s3 =	sand.u32 $0x4000, s31;
	s1 =	sadd.s32 s1, s30  }
0xbc: {  	s0 =	sor.u32 s3, s0;
	s1 =	sshll.u32 s1, $0x11  }
0xbd: {  	s0 =	sor.u32 s1, s0  }
0xbe: {  	s0 =	sadd.s32 $0x8F2B, s0  }
0xbf: {  	[sflag:s0] =	ssyncadd.remote.s32 $0x1  }
0xc0: {  	_ =	sfence.sel $0xFFFF  }
0xc1: {  	[dreg:$0x0] =	wrdreg $0xFFFFFFFF;
	(pc) =	sbr.abs _section_cstart, $3  }
0xc2: {  	[dreg:$0x1] =	wrdreg $0xFFFFFFFF  }
0xc3: {  	_ =	task.clear_ibuf [dreg:s7], $0x2FFFF;
	_ =	strace $0x9FFFFFFF  }
0xc4: {  	(tm) =	ssettm $0x7FFFFFFF  }
0xc5: {  	_ =	shalt  }
tec
execute0_lowered:
.L_overlay_start_1:
0x0: {  	(tag) =	ssettag $0x1  }
0x1: {  	s8 =	rddreg [dreg:$0x0]  }
0x2: {  	s1 =	srdreg.scid;
	s9 =	rddreg [dreg:$0x1]  }
0x3: {  	s0 =	stileid.u32;
	s2 =	rddreg [dreg:$0x2]  }
0x4: {  	s3 =	rddreg [dreg:$0x3];
	s5 =	simm.s32 $0x0;
	s19 =	simm.s32 $0x2710  }
0x5: {  	s20 =	simm.s32 $0x1;
	s21 =	simm.s32 $0x50;
	s22 =	simm.s32 $0x2  }
0x6: {  	s23 =	simm.s32 $0x0;
	s7 =	sand.u32 $0x1, s1;
	s1 =	rddreg [dreg:$0x4]  }
0x7: {  	s28 =	sshll.u32 s0, $0x1;
	s11 =	smul.u32 $0x2710, s0;
	[smem:$0x7FF] =	sst s5  }
0x8: {  	s6 =	sadd.s32 $0x3FA00, s8;
	s30 =	sshll.u32 s0, $0x6;
	s10 =	sor.u32 s7, s28  }
0x9: {  	s12 =	smul.u32 $0x27100, s7;
	_ =	strace $0x8000004A;
	s14 =	ssub.s32 $0x2, s7  }
0xa: {  	s7 =	sadd.s32 $0xDBE00, s8;
	s4 =	smul.u32 $0x2710, s10;
	s15 =	sshrl.u32 s14, $0x1  }
0xb: {  	s29 =	sshrl.u32 s11, $0x3;
	s31 =	smul.u32 $0x4E20, s10;
	s17 =	sadd.s32 s11, s2  }
0xc: {  	s18 =	sadd.s32 s11, s3;
	s12 =	sadd.s32 s11, s12;
	s14 =	ssub.s32 s14, s15  }
0xd: {  	s15 =	sshrl.u32 s17, $0x3;
	s17 =	sshrl.u32 s18, $0x3;
	s18 =	simm.s32 $0x12110  }
0xe: {  	s13 =	sshrl.u32 s4, $0x3;
	s12 =	sshrl.u32 s12, $0x3;
	s11 =	sadd.s32 s6, s31  }
0xf: {  	s14 =	smax.u32 s14, $0x1;
	s13 =	sadd.s32 s13, s8;
	s16 =	sadd.s32 s12, s8  }
0x10: {  	s8 =	sadd.s32 s9, s29;
	s9 =	sor.u32 $0x1C03, s30;
	s10 =	sadd.s32 $0x35C00, s13  }
0x11: {  	s12 =	sadd.s32 $0xDC000, s16;
	s13 =	sadd.s32 $0xE5E00, s16;
	s16 =	simm.s32 $0x3  }
.LBB2_1:
0x12: {  	[spmem:s15], [sflag:s9] =	dma.local [hbm:s8], $0x4E2  }
0x13: {  	_ =	swait.ge [sflag:s16], $0x4E2  }
0x14: {  	[sflag:s16] =	ssyncset.done $0x0  }
0x15: {  	[sflag:s16] =	ssyncadd.s32 $0xFFFFFB1E  }
0x16: {  	[spmem:s17], [sflag:s9] =	dma.local [hbm:s8], $0x4E2  }
0x17: {  	_ =	swait.ge [sflag:s16], $0x4E2  }
0x18: {  	[sflag:s16] =	ssyncset.done $0x0  }
0x19: {  	[sflag:s16] =	ssyncadd.s32 $0xFFFFFB1E  }
0x1a: {  	[tilespmem:s18], [sflag:$0x3] =	stream.linear.gather [hbm4b:s7+s5], $0x500, $0x38;
	[tilespmem:$0x17430] =	vst v63  }
0x1b: {  	_ =	swait.ge [sflag:s16], $0x500  }
0x1c: {  	[sflag:s16] =	ssyncset.done $0x0  }
0x1d: {  	[sflag:s16] =	ssyncadd.s32 $0xFFFFFB00  }
0x1e: {  	[tilespmem:s5], [sflag:$0x3] =	stream.linear.gather [hbm4b:s10+s5], $0x2710, $0x38;
	[tilespmem:$0x17430] =	vst v63  }
0x1f: {  	_ =	swait.ge [sflag:s16], $0x2710  }
0x20: {  	[sflag:s16] =	ssyncset.done $0x0  }
0x21: {  	p0 =	por $0x0, $0x0;
	[sflag:s16] =	ssyncadd.s32 $0xFFFFD8F0  }
0x22: {  	s24 =	simm.s32 $0x0;
	s25 =	simm.s32 $0x0;
	[bflag:$0x0] =	sbarrier.arrive $0xFFFF  }
0x23: {  	[tilespmem:s19], [sflag:$0x1] =	stream.linear.gather [hbm4b:s11+s5], $0x7D00, $0x38;
	[tilespmem:$0x17430] =	vst v63  }
.LBB2_2:
0x24: {  	s26 =	smov.u32 s25  }
0x25: {  	s25 =	sadd.s32 $0x1, s25;
	p1 =	seq.s32 s26, $0x4  }
0x26: {  	s28 =	simm.s32 $0x1;
	s26 =	sand.u32 $0x1, s26;
	s29 =	smul.u32 @!p1 $0x7D0, s25  }
0x27: {  	_ =	swait.ge [sflag:s20], $0x7D00;
	s28 =	simm.s32 @!p0 $0x0;
	s26 =	sxor.u32 @!p1 $0x1, s26  }
0x28: {  	[sflag:s20] =	ssyncset.done $0x0;
	s26 =	smul.u32 @!p1 $0x1F400, s26;
	s29 =	sadd.s32 @!p1 s4, s29  }
0x29: {  	s28 =	smul.u32 $0x1F400, s28;
	[sflag:s20] =	ssyncadd.s32 $0xFFFF8300;
	s29 =	sshll.u32 @!p1 s29, $0x1  }
0x2a: {  	s30 =	simm.s32 @!p1 $0x0;
	s26 =	sshrl.u32 @!p1 s26, $0x2;
	s29 =	sand.u32 @!p1 $0x1FFFFFE0, s29  }
0x2b: {  	s28 =	sshrl.u32 s28, $0x2;
	s26 =	sadd.s32 @!p1 $0x2710, s26;
	s29 =	sadd.s32 @!p1 s6, s29  }
0x2c: {  	[tilespmem:s26], [sflag:$0x1] =	stream.linear.gather @!p1 [hbm4b:s29+s30], $0x7D00, $0x38;
	[tilespmem:$0x17430] =	vst v63  }
0x2d: {  	s26 =	sadd.s32 $0x2710, s28;
	s28 =	sadd.s32 $0x0, s24  }
0x2e: {  	[spmem:s2] =	stream.indirect.scatter.add.f32 [tilespmem:s26], [sflag:$0x2], $0x10, s28, s21, $0xb8;
	[tilespmem:$0x17430] =	vst v63  }
0x2f: {  	_ = 	snop  }
0x30: {  	[spmem:s3] =	stream.indirect.scatter.add.f32 [tilespmem:s18], [sflag:$0x2], $0x10, s28, s21, $0xb8;
	[tilespmem:$0x17430] =	vst v63  }
0x31: {  	s28 =	simm.s32 $0x140  }
.LBB2_3:
0x32: {  	p1 =	sne.s32 s28, $0x1E00  }
.Ltmp0:
0x33: {  	s29 =	sshra.s32 s28, $0x2;
	s28 =	sadd.s32 $0x140, s28;
	(pc) =	sbr.rel @p1 .LBB2_3-.Ltmp0, $4  }
0x34: {  	s26 =	sadd.s32 $0x500, s26;
	s29 =	sadd.s32 s29, s24  }
0x35: {  	[spmem:s2] =	stream.indirect.scatter.add.f32 [tilespmem:s26], [sflag:$0x2], $0x10, s29, s21, $0xb8;
	[tilespmem:$0x17430] =	vst v63  }
0x36: {  	_ = 	snop  }
0x37: {  	[spmem:s3] =	stream.indirect.scatter.add.f32 [tilespmem:s18], [sflag:$0x2], $0x10, s29, s21, $0xb8;
	[tilespmem:$0x17430] =	vst v63  }
0x38: {  	_ =	swait.ge [sflag:s22], $0x7D00;
	p1 =	sne.s32 s25, $0x5  }
.Ltmp1:
0x39: {  	[sflag:s22] =	ssyncset.done $0x0;
	(pc) =	sbr.rel @p1 .LBB2_2-.Ltmp1, $4  }
0x3a: {  	[sflag:s22] =	ssyncadd.s32 $0xFFFF8300  }
0x3b: {  	_ =	swait.ge [sflag:s22], $0x7D00  }
0x3c: {  	[sflag:s22] =	ssyncset.done $0x0  }
0x3d: {  	p0 =	por !p0, !p0;
	s24 =	sadd.s32 $0x7D0, s24;
	[sflag:s22] =	ssyncadd.s32 $0xFFFF8300  }
0x3e: {  	[bflag:$0x0] =	sbarrier.arrive $0xFFFF  }
0x3f: {  	[hbm:s12], [sflag:s9] =	dma.local [spmem:s15], $0x4E2  }
0x40: {  	s23 =	sadd.s32 $0x1, s23;
	_ =	swait.ge [sflag:s16], $0x4E2  }
0x41: {  	p0 =	sne.s32 s23, s14;
	[sflag:s16] =	ssyncset.done $0x0  }
.Ltmp2:
0x42: {  	[sflag:s16] =	ssyncadd.s32 $0xFFFFFB1E;
	(pc) =	sbr.rel @p0 .LBB2_1-.Ltmp2, $4  }
0x43: {  	[hbm:s13], [sflag:s9] =	dma.local [spmem:s17], $0x4E2  }
0x44: {  	_ =	swait.ge [sflag:s16], $0x4E2  }
0x45: {  	[sflag:s16] =	ssyncset.done $0x0  }
0x46: {  	[sflag:s16] =	ssyncadd.s32 $0xFFFFFB1E  }
0x47: {  	_ =	sfence.sel $0x180000  }
0x48: {  	[bflag:$0x0] =	sbarrier.arrive $0xFFFF  }
0x49: {  	p0 =	sne.s32 s0, $0x0;
	_ =	strace $0x9000004A  }
0x4a: {  	s0 =	sadd.s32 @!p0 $0x100000, s1;
	[bflag:$0x2] =	sbarrier.arrive $0xFFFF  }
0x4b: {  	[sflag:s0] =	ssyncadd.tile.s32 @!p0 $0x1;
	_ =	shalt  }
.Lfunc_end2:
_tile_overlayer_lowered:
.L_overlay_start_2:
0x4c: {  	(tag) =	ssettag $0x2  }
0x4d: {  	s0 =	rddreg [dreg:$0x0];
	s2 =	stileid.u32  }
0x4e: {  	s1 =	rddreg [dreg:$0x1];
	p0 =	sne.s32 s2, $0x0  }
0x4f: {  	s3 =	rddreg [dreg:$0x2];
	[bflag:$0x3] =	sbarrier.arrive $0xFFFF;
	s2 =	simm.s32 @!p0 $0x1C03  }
0x50: {  	[timem:s3], [sflag:s2] =	dma.local @!p0 [hbm:s0], s1  }
0x51: {  	s0 =	simm.s32 @!p0 $0x3  }
0x52: {  	_ =	swait.ge @!p0 [sflag:s0], s1  }
0x53: {  	s1 =	ssub.s32 @!p0 $0x0, s1;
	[sflag:s0] =	ssyncset.done @!p0 $0x0  }
0x54: {  	[sflag:s0] =	ssyncadd.s32 @!p0 s1  }
0x55: {  	[bflag:$0x3] =	sbarrier.arrive $0xFFFF  }
0x56: {  	_ =	shalt  }

// kernel: kernel.16.cloned.1.call-start
scs
__scs_entry_jumppad:
0x0: {  	(pc) =	sbr.rel $0x88, $3  }
0x1: {  	(tag) =	ssettag $0x0;
	lr =	simm.s32 $0x1  }
0x2: {  	[smem:$0x3F96] =	sst lr;
	_ =	strace $0xD0000000  }
0x3: {  	_ = 	snop  }
0x4: {  	_ = 	snop  }
0x5: {  	_ = 	snop  }
0x6: {  	_ = 	snop  }
0x7: {  	_ = 	snop  }
__scs_overlays_trampoline_lowered:
0x8: {  	[smem:$0x3FA5] =	sst s0  }
0x9: {  	[smem:$0x3FA6] =	sst s1  }
0xa: {  	[smem:$0x3FA7] =	sst s2  }
0xb: {  	[smem:$0x3FA8] =	sst s3  }
0xc: {  	[smem:$0x3FA9] =	sst s4  }
0xd: {  	[smem:$0x3FAA] =	sst s5  }
0xe: {  	[smem:$0x3FAB] =	sst s6  }
0xf: {  	[smem:$0x3FAC] =	sst s7  }
0x10: {  	[smem:$0x3FAD] =	sst s8  }
0x11: {  	[smem:$0x3FAE] =	sst s9;
	s0 =	simm.s32 @!p0 $0x0  }
0x12: {  	s1 =	sld [smem:$0x3F94];
	s0 =	simm.s32 @p0 $0x1  }
0x13: {  	[smem:$0x3FAF] =	sst s0;
	s0 =	simm.s32 @!p1 $0x0  }
0x14: {  	s2 =	sld [smem:$0x3F93];
	s0 =	simm.s32 @p1 $0x1  }
0x15: {  	[smem:$0x3FB0] =	sst s0;
	s0 =	simm.s32 @!p2 $0x0  }
0x16: {  	s3 =	sld [smem:$0x3FDB];
	s0 =	simm.s32 @p2 $0x1  }
0x17: {  	s4 =	simm.s32 $0x1BF5;
	[smem:$0x3FB2] =	sst s0  }
0x18: {  	s0 =	sld [smem:$0x3F95];
	_ =	swait.ge [sflag:s4], $0x0  }
0x19: {  	s7 =	sld [smem:$0x3F96]  }
0x1a: {  	s8 =	sadd.s32 $0xFFFFE003, lr  }
0x1b: {  	s9 =	sadd.s32 $0xFFFFFEF7, lr;
	s5 =	simm.s32 $0xFFFFFFFF;
	p2 =	slt.u32 s8, $0xFFFFF086  }
0x1c: {  	p1 =	slt.u32 s9, $0xF7A;
	s5 =	simm.s32 @!p2 $0x0  }
0x1d: {  	s5 =	simm.s32 @p1 $0x1;
	p0 =	seq.s32 s7, s2  }
0x1e: {  	s7 =	smul.u32 @!p0 $0xF7A, s2;
	p2 =	seq.s32 @!p0 s5, $0x0  }
0x1f: {  	s9 =	smul.u32 $0xF7A, s1;
	s8 =	simm.s32 @!p0 $0x1BF5;
	p2 =	por !p2, p0  }
0x20: {  	[sflag:s8] =	ssyncset.s32 @!p0 $0xFFFFF086;
	s6 =	sadd.s32 @!p0 s3, s7;
	s7 =	simm.s32 @!p0 $0x108  }
0x21: {  	s3 =	sadd.s32 s3, s9;
	s6 =	sadd.s32 @!p0 $0x88, s6;
	s7 =	simm.s32 @p2 $0x1082  }
0x22: {  	[simem:s7], [sflag:s8] =	dma.local @!p0 [hbm:s6], $0xF7A  }
0x23: {  	s9 =	sor.u32 $0xD0000000, s2;
	s6 =	simm.s32 $0x108;
	_ =	swait.ge @!p0 [sflag:s8], $0x0  }
0x24: {  	s3 =	sadd.s32 $0x88, s3;
	s6 =	simm.s32 @!p1 $0x1082;
	[sflag:s4] =	ssyncset.s32 $0xFFFFF086  }
0x25: {  	[simem:s6], [sflag:s4] =	dma.local [hbm:s3], $0xF7A  }
0x26: {  	[smem:$0x3F96] =	sst s1;
	(tag) =	ssettag s2;
	_ =	strace s9  }
0x27: {  	s1 =	sld [smem:$0x3FA6]  }
0x28: {  	s2 =	sld [smem:$0x3FA7]  }
0x29: {  	s4 =	sld [smem:$0x3FA9]  }
0x2a: {  	p0 =	seq.s32 s5, $0x0;
	s5 =	sld [smem:$0x3FAA]  }
0x2b: {  	s6 =	sld [smem:$0x3FAB]  }
0x2c: {  	s7 =	sld [smem:$0x3FAC]  }
0x2d: {  	s3 =	simm.s32 $0x108;
	s8 =	sld [smem:$0x3FAD]  }
0x2e: {  	s3 =	simm.s32 @!p0 $0x1082;
	s9 =	sld [smem:$0x3FAE]  }
0x2f: {  	lr =	sadd.s32 s0, s3;
	s0 =	sld [smem:$0x3FA5]  }
0x30: {  	s3 =	sld [smem:$0x3FA8]  }
0x31: {  	[smem:$0x3FB1] =	sst s10  }
0x32: {  	s10 =	sld [smem:$0x3FAF];
	_ =	sdelay $0x3  }
0x33: {  	p0 =	seq.s32 s10, $0x1;
	s10 =	sld [smem:$0x3FB1];
	_ =	sdelay $0x3  }
0x34: {  	[smem:$0x3FB1] =	sst s10  }
0x35: {  	s10 =	sld [smem:$0x3FB0];
	_ =	sdelay $0x3  }
0x36: {  	p1 =	seq.s32 s10, $0x1;
	s10 =	sld [smem:$0x3FB1];
	_ =	sdelay $0x3  }
0x37: {  	[smem:$0x3FB1] =	sst s10  }
0x38: {  	s10 =	sld [smem:$0x3FB2]  }
0x39: {  	_ = 	snop;
	(pc) =	sbr.ind lr, $3  }
0x3a: {  	_ = 	snop  }
0x3b: {  	_ = 	snop  }
0x3c: {  	p2 =	seq.s32 s10, $0x1;
	s10 =	sld [smem:$0x3FB1]  }
0x3d: {  	_ =	shalt  }
0x3e: {  	_ =	shalt  }
0x3f: {  	_ =	shalt  }
0x40: {  	_ =	shalt  }
0x41: {  	_ =	shalt  }
0x42: {  	_ =	shalt  }
0x43: {  	_ =	shalt  }
0x44: {  	_ =	shalt  }
0x45: {  	_ =	shalt  }
0x46: {  	_ =	shalt  }
0x47: {  	_ =	shalt  }
0x48: {  	_ =	shalt  }
0x49: {  	_ =	shalt  }
0x4a: {  	_ =	shalt  }
0x4b: {  	_ =	shalt  }
0x4c: {  	_ =	shalt  }
0x4d: {  	_ =	shalt  }
0x4e: {  	_ =	shalt  }
0x4f: {  	_ =	shalt  }
0x50: {  	_ =	shalt  }
0x51: {  	_ =	shalt  }
0x52: {  	_ =	shalt  }
0x53: {  	_ =	shalt  }
0x54: {  	_ =	shalt  }
0x55: {  	_ =	shalt  }
0x56: {  	_ =	shalt  }
0x57: {  	_ =	shalt  }
0x58: {  	_ =	shalt  }
0x59: {  	_ =	shalt  }
0x5a: {  	_ =	shalt  }
0x5b: {  	_ =	shalt  }
0x5c: {  	_ =	shalt  }
0x5d: {  	_ =	shalt  }
0x5e: {  	_ =	shalt  }
0x5f: {  	_ =	shalt  }
0x60: {  	_ =	shalt  }
0x61: {  	_ =	shalt  }
0x62: {  	_ =	shalt  }
0x63: {  	_ =	shalt  }
0x64: {  	_ =	shalt  }
0x65: {  	_ =	shalt  }
0x66: {  	_ =	shalt  }
0x67: {  	_ =	shalt  }
0x68: {  	_ =	shalt  }
0x69: {  	_ =	shalt  }
0x6a: {  	_ =	shalt  }
0x6b: {  	_ =	shalt  }
0x6c: {  	_ =	shalt  }
0x6d: {  	_ =	shalt  }
0x6e: {  	_ =	shalt  }
0x6f: {  	_ =	shalt  }
0x70: {  	_ =	shalt  }
0x71: {  	_ =	shalt  }
0x72: {  	_ =	shalt  }
0x73: {  	_ =	shalt  }
0x74: {  	_ =	shalt  }
0x75: {  	_ =	shalt  }
0x76: {  	_ =	shalt  }
0x77: {  	_ =	shalt  }
0x78: {  	_ =	shalt  }
0x79: {  	_ =	shalt  }
0x7a: {  	_ =	shalt  }
0x7b: {  	_ =	shalt  }
0x7c: {  	_ =	shalt  }
0x7d: {  	_ =	shalt  }
0x7e: {  	_ =	shalt  }
0x7f: {  	_ =	shalt  }
0x80: {  	_ =	shalt  }
0x81: {  	_ =	shalt  }
0x82: {  	_ =	shalt  }
0x83: {  	_ =	shalt  }
0x84: {  	_ =	shalt  }
0x85: {  	_ =	shalt  }
0x86: {  	_ =	shalt  }
0x87: {  	_ =	shalt  }
.Lfunc_end0:
.L_simem_size_0:
called_computation.2_lowered:
.L_overlay_start_0:
0x88: {  	s2 =	sld [smem:$0x3FD9]  }
0x89: {  	s3 =	sld [smem:$0x3FFE];
	_ =	sdelay $0x1  }
0x8a: {  	s1 =	srdreg.scid  }
0x8b: {  	s0 =	sand.u32 $0x1, s1  }
0x8c: {  	s16 =	sshll.u32 s0, $0xA;
	s2 =	sadd.s32 s3, s2  }
0x8d: {  	s2 =	sadd.s32 s2, s16  }
0x8e: {  	[smem:$0x3FBD] =	sst s2  }
0x8f: {  	_ = 	snop  }
0x90: {  	(tm) =	ssettm $0x1  }
0x91: {  	s17 =	sld [smem:$0x3FFB];
	_ =	sdelay $0x3  }
0x92: {  	_ =	strace s17  }
0x93: {  	s2 =	sld [smem:$0x3FFC];
	_ =	sdelay $0x3  }
0x94: {  	_ =	strace s2  }
0x95: {  	s2 =	sld [smem:$0x3FFD];
	_ =	sdelay $0x3  }
0x96: {  	_ =	strace s2  }
0x97: {  	_ =	strace $0x8FFFFFFF  }
0x98: {  	s18 =	sld [smem:$0x3FDB];
	_ =	sdelay $0x1  }
0x99: {  	s19 =	simm.s32 $_scs_section_size  }
0x9a: {  	s4 =	simm.s32 $_size__tile_overlayer_lowered;
	s5 =	simm.s32 $_tile_overlayer_lowered  }
0x9b: {  	s22 =	simm.s32 $0x1BFF;
	s21 =	sshll.u32 s5, $0x1;
	s2 =	sadd.s32 s19, s18  }
0x9c: {  	s6 =	simm.s32 $0x0;
	s20 =	sshll.u32 s4, $0x1;
	s4 =	sadd.s32 s21, s2  }
0x9d: {  	[timem:s6], [sflag:s22] =	dma.local [hbm:s4], s20  }
0x9e: {  	_ =	swait.ge [sflag:s22], s20  }
0x9f: {  	s3 =	ssub.s32 $0x0, s20;
	[sflag:s22] =	ssyncset.done $0x0  }
0xa0: {  	[sflag:s22] =	ssyncadd.s32 s3;
	_ =	sdelay $0x1  }
0xa1: {  	s23 =	simm.s32 $0x1B8B  }
0xa2: {  	_ =	swait.ge [sflag:s23], $0x1  }
0xa3: {  	[sflag:s23] =	ssyncset.done $0x0  }
0xa4: {  	s25 =	simm.s32 $0x1B8E;
	s24 =	sld [smem:$0x3FFE];
	[sflag:s23] =	ssyncadd.s32 $0xFFFFFFFF  }
0xa5: {  	s26 =	simm.s32 $execute0_lowered;
	[smem:$0x3FD2] =	sst s25  }
0xa6: {  	s4 =	sshll.u32 s26, $0x1;
	_ =	strace $0x8000004C;
	[dreg:$0x1] =	wrdreg $0xFFFFFFFF  }
0xa7: {  	s28 =	simm.s32 $_size_execute0_lowered;
	s2 =	sadd.s32 s2, s4;
	[dreg:$0x0] =	wrdreg $0x0  }
0xa8: {  	s4 =	sshll.u32 s28, $0x1;
	[dreg:$0x2] =	wrdreg s2  }
0xa9: {  	[dreg:$0x3] =	wrdreg s4  }
0xaa: {  	[dreg:$0x4] =	wrdreg $0xC0  }
0xab: {  	_ =	task [dreg:s6], $0x5FFFF  }
0xac: {  	[dreg:$0x1] =	wrdreg $0xFFFFFFFF  }
0xad: {  	[dreg:$0x0] =	wrdreg $0x60  }
0xae: {  	[dreg:$0x2] =	wrdreg s24  }
0xaf: {  	[dreg:$0x3] =	wrdreg $0x9  }
0xb0: {  	_ =	task.clear_ibuf [dreg:s6], $0x4FFFF;
	_ =	strace $0x9000004C  }
0xb1: {  	s29 =	simm.s32 $0x9;
	_ =	strace $0x8000004E  }
0xb2: {  	_ =	swait.ge [sflag:s29], $0x1  }
0xb3: {  	[sflag:s29] =	ssyncadd.s32 $0xFFFFFFFF  }
0xb4: {  	_ =	strace $0x9000004E  }
0xb5: {  	_ =	sfence  }
0xb6: {  	s30 =	sld [smem:$0x0];
	_ =	sdelay $0x2  }
0xb7: {  	s31 =	sshll.u32 s1, $0xD;
	s1 =	sshrl.u32 s1, $0x2  }
0xb8: {  	s3 =	sand.u32 $0x4000, s31;
	s1 =	sadd.s32 s1, s30  }
0xb9: {  	s0 =	sor.u32 s3, s0;
	s1 =	sshll.u32 s1, $0x11  }
0xba: {  	s0 =	sor.u32 s1, s0  }
0xbb: {  	s0 =	sadd.s32 $0x8F2B, s0  }
0xbc: {  	[sflag:s0] =	ssyncadd.remote.s32 $0x1  }
0xbd: {  	_ =	sfence.sel $0xFFFF  }
0xbe: {  	[dreg:$0x0] =	wrdreg $0xFFFFFFFF;
	(pc) =	sbr.abs _section_cstart, $3  }
0xbf: {  	[dreg:$0x1] =	wrdreg $0xFFFFFFFF  }
0xc0: {  	_ =	task.clear_ibuf [dreg:s6], $0x2FFFF;
	_ =	strace $0x9FFFFFFF  }
0xc1: {  	(tm) =	ssettm $0x7FFFFFFF  }
tec
execute0_lowered:
.L_overlay_start_1:
0x0: {  	(tag) =	ssettag $0x1  }
0x1: {  	s1 =	srdreg.scid  }
0x2: {  	s0 =	stileid.u32;
	s4 =	rddreg [dreg:$0x0];
	s2 =	simm.s32 $0x0  }
0x3: {  	s31 =	simm.s32 $0x7D00;
	s9 =	simm.s32 $0x1;
	s10 =	simm.s32 $0x2  }
0x4: {  	s11 =	simm.s32 $0x0;
	s5 =	sand.u32 $0x1, s1;
	s1 =	rddreg [dreg:$0x1]  }
0x5: {  	s3 =	sshll.u32 s0, $0x1;
	[smem:$0x7FF] =	sst s2;
	s7 =	smul.u32 $0x9C40, s0  }
0x6: {  	s3 =	sor.u32 s5, s3;
	s8 =	ssub.s32 $0x2, s5;
	s5 =	smul.u32 $0x4E20, s5  }
0x7: {  	_ =	strace $0x8000004D;
	[dreg:$0x2] =	wrdreg s31;
	s6 =	smul.u32 $0x2710, s3  }
0x8: {  	s3 =	sadd.s32 $0x4C00, s4;
	s7 =	sadd.s32 s7, s4;
	s29 =	sshrl.u32 s8, $0x1  }
0x9: {  	s8 =	ssub.s32 s8, s29;
	s30 =	sadd.s32 s5, s7;
	s6 =	sshrl.u32 s6, $0x3  }
0xa: {  	s7 =	simm.s32 $0x3;
	s5 =	smax.u32 s8, $0x1;
	s6 =	sadd.s32 s6, s4  }
0xb: {  	s8 =	simm.s32 $0x50;
	s4 =	sadd.s32 $0x2BE00, s6;
	s6 =	sadd.s32 $0x3FA00, s30  }
.LBB2_1:
0xc: {  	[tilespmem:s2], [sflag:$0x3] =	stream.linear.gather [hbm4b:s4+s2], $0x2710, $0x38;
	[tilespmem:$0x12110] =	vst v63  }
0xd: {  	p0 =	por $0x1, $0x1;
	_ =	swait.ge [sflag:s7], $0x2710  }
0xe: {  	p0 =	por p0, p0;
	[sflag:s7] =	ssyncset.done $0x0  }
0xf: {  	s13 =	simm.s32 @!p0 $0x2;
	[sflag:s7] =	ssyncadd.s32 $0xFFFFD8F0  }
0x10: {  	s14 =	sand.u32 $0x1, s2;
	_ =	swait.ge @!p0 [sflag:s13], $0x7D00  }
0x11: {  	p1 =	seq.s32 s14, $0x1;
	s12 =	rddreg [dreg:$0x2]  }
0x12: {  	[sflag:s13] =	ssyncset.done @!p0 $0x0;
	s12 =	simm.s32 @!p1 $0x0  }
0x13: {  	s15 =	simm.s32 $0x0;
	[sflag:s13] =	ssyncadd.s32 @!p0 $0xFFFF8300;
	s13 =	sadd.s32 $0x2710, s12  }
0x14: {  	[tilespmem:s13], [sflag:$0x1] =	stream.indirect.gather [hbm4b:s3+s8], $0x10, s15, s8, $0xb8;
	[tilespmem:$0x12110] =	vst v63  }
0x15: {  	s16 =	sadd.s32 $0x2C10, s12;
	s15 =	simm.s32 $0x50  }
0x16: {  	[tilespmem:s16], [sflag:$0x1] =	stream.indirect.gather [hbm4b:s3+s8], $0x10, s15, s8, $0xb8;
	[tilespmem:$0x12110] =	vst v63  }
0x17: {  	s18 =	simm.s32 $0xA0;
	s17 =	sadd.s32 $0x3110, s12  }
0x18: {  	[tilespmem:s17], [sflag:$0x1] =	stream.indirect.gather [hbm4b:s3+s8], $0x10, s18, s8, $0xb8;
	[tilespmem:$0x12110] =	vst v63  }
0x19: {  	s20 =	simm.s32 $0xF0;
	s19 =	sadd.s32 $0x3610, s12  }
0x1a: {  	[tilespmem:s19], [sflag:$0x1] =	stream.indirect.gather [hbm4b:s3+s8], $0x10, s20, s8, $0xb8;
	[tilespmem:$0x12110] =	vst v63  }
0x1b: {  	s22 =	simm.s32 $0x140;
	s21 =	sadd.s32 $0x3B10, s12  }
0x1c: {  	[tilespmem:s21], [sflag:$0x1] =	stream.indirect.gather [hbm4b:s3+s8], $0x10, s22, s8, $0xb8;
	[tilespmem:$0x12110] =	vst v63  }
0x1d: {  	s24 =	simm.s32 $0x190;
	s23 =	sadd.s32 $0x4010, s12  }
0x1e: {  	[tilespmem:s23], [sflag:$0x1] =	stream.indirect.gather [hbm4b:s3+s8], $0x10, s24, s8, $0xb8;
	[tilespmem:$0x12110] =	vst v63  }
0x1f: {  	s26 =	simm.s32 $0x1E0;
	s25 =	sadd.s32 $0x4510, s12  }
0x20: {  	[tilespmem:s25], [sflag:$0x1] =	stream.indirect.gather [hbm4b:s3+s8], $0x10, s26, s8, $0xb8;
	[tilespmem:$0x12110] =	vst v63  }
0x21: {  	s29 =	simm.s32 $0x230;
	s28 =	sadd.s32 $0x4A10, s12  }
0x22: {  	[tilespmem:s28], [sflag:$0x1] =	stream.indirect.gather [hbm4b:s3+s8], $0x10, s29, s8, $0xb8;
	[tilespmem:$0x12110] =	vst v63  }
0x23: {  	s31 =	simm.s32 $0x280;
	s30 =	sadd.s32 $0x4F10, s12  }
0x24: {  	[tilespmem:s30], [sflag:$0x1] =	stream.indirect.gather [hbm4b:s3+s8], $0x10, s31, s8, $0xb8;
	[tilespmem:$0x12110] =	vst v63  }
0x25: {  	s15 =	sadd.s32 $0x5410, s12;
	s16 =	simm.s32 $0x2D0  }
0x26: {  	[tilespmem:s15], [sflag:$0x1] =	stream.indirect.gather [hbm4b:s3+s8], $0x10, s16, s8, $0xb8;
	[tilespmem:$0x12110] =	vst v63  }
0x27: {  	s17 =	sadd.s32 $0x5910, s12;
	s18 =	simm.s32 $0x320  }
0x28: {  	[tilespmem:s17], [sflag:$0x1] =	stream.indirect.gather [hbm4b:s3+s8], $0x10, s18, s8, $0xb8;
	[tilespmem:$0x12110] =	vst v63  }
0x29: {  	s19 =	sadd.s32 $0x5E10, s12;
	s20 =	simm.s32 $0x370  }
0x2a: {  	[tilespmem:s19], [sflag:$0x1] =	stream.indirect.gather [hbm4b:s3+s8], $0x10, s20, s8, $0xb8;
	[tilespmem:$0x12110] =	vst v63  }
0x2b: {  	s21 =	sadd.s32 $0x6310, s12;
	s22 =	simm.s32 $0x3C0  }
0x2c: {  	[tilespmem:s21], [sflag:$0x1] =	stream.indirect.gather [hbm4b:s3+s8], $0x10, s22, s8, $0xb8;
	[tilespmem:$0x12110] =	vst v63  }
0x2d: {  	s23 =	sadd.s32 $0x6810, s12;
	s24 =	simm.s32 $0x410  }
0x2e: {  	[tilespmem:s23], [sflag:$0x1] =	stream.indirect.gather [hbm4b:s3+s8], $0x10, s24, s8, $0xb8;
	[tilespmem:$0x12110] =	vst v63  }
0x2f: {  	s25 =	sadd.s32 $0x6D10, s12;
	s26 =	simm.s32 $0x460  }
0x30: {  	[tilespmem:s25], [sflag:$0x1] =	stream.indirect.gather [hbm4b:s3+s8], $0x10, s26, s8, $0xb8;
	[tilespmem:$0x12110] =	vst v63  }
0x31: {  	s28 =	sadd.s32 $0x7210, s12;
	s29 =	simm.s32 $0x4B0  }
0x32: {  	[tilespmem:s28], [sflag:$0x1] =	stream.indirect.gather [hbm4b:s3+s8], $0x10, s29, s8, $0xb8;
	[tilespmem:$0x12110] =	vst v63  }
0x33: {  	s30 =	sadd.s32 $0x7710, s12;
	s31 =	simm.s32 $0x500  }
0x34: {  	[tilespmem:s30], [sflag:$0x1] =	stream.indirect.gather [hbm4b:s3+s8], $0x10, s31, s8, $0xb8;
	[tilespmem:$0x12110] =	vst v63  }
0x35: {  	s16 =	sadd.s32 $0x7C10, s12;
	s17 =	simm.s32 $0x550  }
0x36: {  	[tilespmem:s16], [sflag:$0x1] =	stream.indirect.gather [hbm4b:s3+s8], $0x10, s17, s8, $0xb8;
	[tilespmem:$0x12110] =	vst v63  }
0x37: {  	s18 =	sadd.s32 $0x8110, s12;
	s19 =	simm.s32 $0x5A0  }
0x38: {  	[tilespmem:s18], [sflag:$0x1] =	stream.indirect.gather [hbm4b:s3+s8], $0x10, s19, s8, $0xb8;
	[tilespmem:$0x12110] =	vst v63  }
0x39: {  	s20 =	sadd.s32 $0x8610, s12;
	s21 =	simm.s32 $0x5F0  }
0x3a: {  	[tilespmem:s20], [sflag:$0x1] =	stream.indirect.gather [hbm4b:s3+s8], $0x10, s21, s8, $0xb8;
	[tilespmem:$0x12110] =	vst v63  }
0x3b: {  	s22 =	sadd.s32 $0x8B10, s12;
	s23 =	simm.s32 $0x640  }
0x3c: {  	[tilespmem:s22], [sflag:$0x1] =	stream.indirect.gather [hbm4b:s3+s8], $0x10, s23, s8, $0xb8;
	[tilespmem:$0x12110] =	vst v63  }
0x3d: {  	s24 =	sadd.s32 $0x9010, s12;
	s25 =	simm.s32 $0x690  }
0x3e: {  	[tilespmem:s24], [sflag:$0x1] =	stream.indirect.gather [hbm4b:s3+s8], $0x10, s25, s8, $0xb8;
	[tilespmem:$0x12110] =	vst v63  }
0x3f: {  	s26 =	sadd.s32 $0x9510, s12;
	s28 =	simm.s32 $0x6E0  }
0x40: {  	[tilespmem:s26], [sflag:$0x1] =	stream.indirect.gather [hbm4b:s3+s8], $0x10, s28, s8, $0xb8;
	[tilespmem:$0x12110] =	vst v63  }
0x41: {  	p6 =	por $0x1, $0x1;
	s29 =	sadd.s32 $0x9A10, s12;
	s30 =	simm.s32 $0x730  }
0x42: {  	[tilespmem:s29], [sflag:$0x1] =	stream.indirect.gather [hbm4b:s3+s8], $0x10, s30, s8, $0xb8;
	[tilespmem:$0x12110] =	vst v63  }
0x43: {  	s14 =	simm.s32 $0x1F40;
	s12 =	sadd.s32 $0x9F10, s12;
	s31 =	simm.s32 $0x780  }
0x44: {  	[tilespmem:s12], [sflag:$0x1] =	stream.indirect.gather [hbm4b:s3+s8], $0x10, s31, s8, $0xb8;
	[tilespmem:$0x12110] =	vst v63  }
0x45: {  	p0 =	por p6, p6;
	s15 =	simm.s32 $0x1;
	_ =	swait.ge [sflag:s9], $0x7D00  }
0x46: {  	s16 =	simm.s32 $0x3E80;
	s17 =	simm.s32 $0x2;
	[sflag:s9] =	ssyncset.done $0x0  }
0x47: {  	s18 =	smov.u32 s6;
	s12 =	sadd.s32 $0xFA0, s6;
	[sflag:s9] =	ssyncadd.s32 $0xFFFF8300  }
.LBB2_2:
0x48: {  	[hbm4b:s18+s2] =	stream.linear.scatter [tilespmem:s13], [sflag:$0x2], $0x7D00, $0x38;
	[tilespmem:$0x12110] =	vst v63  }
0x49: {  	s13 =	simm.s32 @!p0 $0x2  }
0x4a: {  	s20 =	sand.u32 $0x1, s15;
	_ =	swait.ge @!p0 [sflag:s13], $0x7D00  }
0x4b: {  	p3 =	seq.s32 s20, $0x1;
	s19 =	rddreg [dreg:$0x2]  }
0x4c: {  	[sflag:s13] =	ssyncset.done @!p0 $0x0;
	s19 =	simm.s32 @!p3 $0x0  }
0x4d: {  	s20 =	sshra.s32 s14, $0x2;
	[sflag:s13] =	ssyncadd.s32 @!p0 $0xFFFF8300;
	s13 =	sadd.s32 $0x2710, s19  }
0x4e: {  	[tilespmem:s13], [sflag:$0x1] =	stream.indirect.gather [hbm4b:s3+s8], $0x10, s20, s8, $0xb8;
	[tilespmem:$0x12110] =	vst v63  }
0x4f: {  	s23 =	sadd.s32 $0x50, s20;
	s22 =	sadd.s32 $0x2C10, s19  }
0x50: {  	[tilespmem:s22], [sflag:$0x1] =	stream.indirect.gather [hbm4b:s3+s8], $0x10, s23, s8, $0xb8;
	[tilespmem:$0x12110] =	vst v63  }
0x51: {  	s29 =	sadd.s32 $0xA0, s20;
	s28 =	sadd.s32 $0x3110, s19  }
0x52: {  	[tilespmem:s28], [sflag:$0x1] =	stream.indirect.gather [hbm4b:s3+s8], $0x10, s29, s8, $0xb8;
	[tilespmem:$0x12110] =	vst v63  }
0x53: {  	s31 =	sadd.s32 $0xF0, s20;
	s30 =	sadd.s32 $0x3610, s19  }
0x54: {  	[tilespmem:s30], [sflag:$0x1] =	stream.indirect.gather [hbm4b:s3+s8], $0x10, s31, s8, $0xb8;
	[tilespmem:$0x12110] =	vst v63  }
0x55: {  	s24 =	sadd.s32 $0x140, s20;
	s23 =	sadd.s32 $0x3B10, s19  }
0x56: {  	[tilespmem:s23], [sflag:$0x1] =	stream.indirect.gather [hbm4b:s3+s8], $0x10, s24, s8, $0xb8;
	[tilespmem:$0x12110] =	vst v63  }
0x57: {  	s26 =	sadd.s32 $0x190, s20;
	s25 =	sadd.s32 $0x4010, s19  }
0x58: {  	[tilespmem:s25], [sflag:$0x1] =	stream.indirect.gather [hbm4b:s3+s8], $0x10, s26, s8, $0xb8;
	[tilespmem:$0x12110] =	vst v63  }
0x59: {  	s28 =	sadd.s32 $0x4510, s19;
	s29 =	sadd.s32 $0x1E0, s20  }
0x5a: {  	[tilespmem:s28], [sflag:$0x1] =	stream.indirect.gather [hbm4b:s3+s8], $0x10, s29, s8, $0xb8;
	[tilespmem:$0x12110] =	vst v63  }
0x5b: {  	s30 =	sadd.s32 $0x4A10, s19;
	s31 =	sadd.s32 $0x230, s20  }
0x5c: {  	[tilespmem:s30], [sflag:$0x1] =	stream.indirect.gather [hbm4b:s3+s8], $0x10, s31, s8, $0xb8;
	[tilespmem:$0x12110] =	vst v63  }
0x5d: {  	s23 =	sadd.s32 $0x4F10, s19;
	s24 =	sadd.s32 $0x280, s20  }
0x5e: {  	[tilespmem:s23], [sflag:$0x1] =	stream.indirect.gather [hbm4b:s3+s8], $0x10, s24, s8, $0xb8;
	[tilespmem:$0x12110] =	vst v63  }
0x5f: {  	s25 =	sadd.s32 $0x5410, s19;
	s26 =	sadd.s32 $0x2D0, s20  }
0x60: {  	[tilespmem:s25], [sflag:$0x1] =	stream.indirect.gather [hbm4b:s3+s8], $0x10, s26, s8, $0xb8;
	[tilespmem:$0x12110] =	vst v63  }
0x61: {  	s28 =	sadd.s32 $0x5910, s19;
	s29 =	sadd.s32 $0x320, s20  }
0x62: {  	[tilespmem:s28], [sflag:$0x1] =	stream.indirect.gather [hbm4b:s3+s8], $0x10, s29, s8, $0xb8;
	[tilespmem:$0x12110] =	vst v63  }
0x63: {  	s30 =	sadd.s32 $0x5E10, s19;
	s31 =	sadd.s32 $0x370, s20  }
0x64: {  	[tilespmem:s30], [sflag:$0x1] =	stream.indirect.gather [hbm4b:s3+s8], $0x10, s31, s8, $0xb8;
	[tilespmem:$0x12110] =	vst v63  }
0x65: {  	s23 =	sadd.s32 $0x6310, s19;
	s24 =	sadd.s32 $0x3C0, s20  }
0x66: {  	[tilespmem:s23], [sflag:$0x1] =	stream.indirect.gather [hbm4b:s3+s8], $0x10, s24, s8, $0xb8;
	[tilespmem:$0x12110] =	vst v63  }
0x67: {  	s25 =	sadd.s32 $0x6810, s19;
	s26 =	sadd.s32 $0x410, s20  }
0x68: {  	[tilespmem:s25], [sflag:$0x1] =	stream.indirect.gather [hbm4b:s3+s8], $0x10, s26, s8, $0xb8;
	[tilespmem:$0x12110] =	vst v63  }
0x69: {  	s28 =	sadd.s32 $0x6D10, s19;
	s29 =	sadd.s32 $0x460, s20  }
0x6a: {  	[tilespmem:s28], [sflag:$0x1] =	stream.indirect.gather [hbm4b:s3+s8], $0x10, s29, s8, $0xb8;
	[tilespmem:$0x12110] =	vst v63  }
0x6b: {  	s30 =	sadd.s32 $0x7210, s19;
	s31 =	sadd.s32 $0x4B0, s20  }
0x6c: {  	[tilespmem:s30], [sflag:$0x1] =	stream.indirect.gather [hbm4b:s3+s8], $0x10, s31, s8, $0xb8;
	[tilespmem:$0x12110] =	vst v63  }
0x6d: {  	s23 =	sadd.s32 $0x7710, s19;
	s24 =	sadd.s32 $0x500, s20  }
0x6e: {  	[tilespmem:s23], [sflag:$0x1] =	stream.indirect.gather [hbm4b:s3+s8], $0x10, s24, s8, $0xb8;
	[tilespmem:$0x12110] =	vst v63  }
0x6f: {  	s25 =	sadd.s32 $0x7C10, s19;
	s26 =	sadd.s32 $0x550, s20  }
0x70: {  	[tilespmem:s25], [sflag:$0x1] =	stream.indirect.gather [hbm4b:s3+s8], $0x10, s26, s8, $0xb8;
	[tilespmem:$0x12110] =	vst v63  }
0x71: {  	s28 =	sadd.s32 $0x8110, s19;
	s29 =	sadd.s32 $0x5A0, s20  }
0x72: {  	[tilespmem:s28], [sflag:$0x1] =	stream.indirect.gather [hbm4b:s3+s8], $0x10, s29, s8, $0xb8;
	[tilespmem:$0x12110] =	vst v63  }
0x73: {  	s30 =	sadd.s32 $0x8610, s19;
	s31 =	sadd.s32 $0x5F0, s20  }
0x74: {  	[tilespmem:s30], [sflag:$0x1] =	stream.indirect.gather [hbm4b:s3+s8], $0x10, s31, s8, $0xb8;
	[tilespmem:$0x12110] =	vst v63  }
0x75: {  	s21 =	smov.u32 s16;
	s23 =	sadd.s32 $0x8B10, s19;
	s24 =	sadd.s32 $0x640, s20  }
0x76: {  	[tilespmem:s23], [sflag:$0x1] =	stream.indirect.gather [hbm4b:s3+s8], $0x10, s24, s8, $0xb8;
	[tilespmem:$0x12110] =	vst v63  }
0x77: {  	s18 =	smov.u32 s12;
	s25 =	sadd.s32 $0x9010, s19;
	s26 =	sadd.s32 $0x690, s20  }
0x78: {  	[tilespmem:s25], [sflag:$0x1] =	stream.indirect.gather [hbm4b:s3+s8], $0x10, s26, s8, $0xb8;
	[tilespmem:$0x12110] =	vst v63  }
0x79: {  	s16 =	sadd.s32 $0x1F40, s16;
	s28 =	sadd.s32 $0x9510, s19;
	s29 =	sadd.s32 $0x6E0, s20  }
0x7a: {  	[tilespmem:s28], [sflag:$0x1] =	stream.indirect.gather [hbm4b:s3+s8], $0x10, s29, s8, $0xb8;
	[tilespmem:$0x12110] =	vst v63  }
0x7b: {  	p1 =	sne.s32 s16, $0x9C40;
	s30 =	sadd.s32 $0x9A10, s19;
	s31 =	sadd.s32 $0x730, s20  }
0x7c: {  	[tilespmem:s30], [sflag:$0x1] =	stream.indirect.gather [hbm4b:s3+s8], $0x10, s31, s8, $0xb8;
	[tilespmem:$0x12110] =	vst v63  }
.Ltmp0:
0x7d: {  	s19 =	sadd.s32 $0x9F10, s19;
	s20 =	sadd.s32 $0x780, s20;
	(pc) =	sbr.rel @p1 .LBB2_2-.Ltmp0, $4  }
0x7e: {  	[tilespmem:s19], [sflag:$0x1] =	stream.indirect.gather [hbm4b:s3+s8], $0x10, s20, s8, $0xb8;
	[tilespmem:$0x12110] =	vst v63  }
0x7f: {  	p2 =	slt.u32 s17, $0x2;
	s15 =	smov.u32 s17;
	_ =	swait.ge [sflag:s9], $0x7D00  }
0x80: {  	s17 =	sadd.s32 $0x1, s17;
	s12 =	sadd.s32 $0xFA0, s12;
	[sflag:s9] =	ssyncset.done $0x0  }
0x81: {  	s14 =	smov.u32 s21;
	p0 =	por p2, p2;
	[sflag:s9] =	ssyncadd.s32 $0xFFFF8300  }
0x82: {  	[hbm4b:s18+s2] =	stream.linear.scatter [tilespmem:s13], [sflag:$0x2], $0x7D00, $0x38;
	[tilespmem:$0x12110] =	vst v63  }
0x83: {  	s16 =	simm.s32 @!p0 $0x2  }
0x84: {  	s15 =	sand.u32 $0x1, s15;
	_ =	swait.ge @!p0 [sflag:s16], $0x7D00  }
0x85: {  	p1 =	seq.s32 s15, $0x1;
	s13 =	rddreg [dreg:$0x2]  }
0x86: {  	[sflag:s16] =	ssyncset.done @!p0 $0x0;
	s13 =	simm.s32 @!p1 $0x0  }
0x87: {  	s14 =	sshra.s32 s14, $0x2;
	[sflag:s16] =	ssyncadd.s32 @!p0 $0xFFFF8300;
	s15 =	sadd.s32 $0x2710, s13  }
0x88: {  	[tilespmem:s15], [sflag:$0x1] =	stream.indirect.gather [hbm4b:s3+s8], $0x10, s14, s8, $0xb8;
	[tilespmem:$0x12110] =	vst v63  }
0x89: {  	s17 =	sadd.s32 $0x50, s14;
	s29 =	sadd.s32 $0x2C10, s13  }
0x8a: {  	[tilespmem:s29], [sflag:$0x1] =	stream.indirect.gather [hbm4b:s3+s8], $0x10, s17, s8, $0xb8;
	[tilespmem:$0x12110] =	vst v63  }
0x8b: {  	s31 =	sadd.s32 $0xA0, s14;
	s30 =	sadd.s32 $0x3110, s13  }
0x8c: {  	[tilespmem:s30], [sflag:$0x1] =	stream.indirect.gather [hbm4b:s3+s8], $0x10, s31, s8, $0xb8;
	[tilespmem:$0x12110] =	vst v63  }
0x8d: {  	s18 =	sadd.s32 $0xF0, s14;
	s17 =	sadd.s32 $0x3610, s13  }
0x8e: {  	[tilespmem:s17], [sflag:$0x1] =	stream.indirect.gather [hbm4b:s3+s8], $0x10, s18, s8, $0xb8;
	[tilespmem:$0x12110] =	vst v63  }
0x8f: {  	s20 =	sadd.s32 $0x140, s14;
	s19 =	sadd.s32 $0x3B10, s13  }
0x90: {  	[tilespmem:s19], [sflag:$0x1] =	stream.indirect.gather [hbm4b:s3+s8], $0x10, s20, s8, $0xb8;
	[tilespmem:$0x12110] =	vst v63  }
0x91: {  	s22 =	sadd.s32 $0x190, s14;
	s21 =	sadd.s32 $0x4010, s13  }
0x92: {  	[tilespmem:s21], [sflag:$0x1] =	stream.indirect.gather [hbm4b:s3+s8], $0x10, s22, s8, $0xb8;
	[tilespmem:$0x12110] =	vst v63  }
0x93: {  	s24 =	sadd.s32 $0x1E0, s14;
	s23 =	sadd.s32 $0x4510, s13  }
0x94: {  	[tilespmem:s23], [sflag:$0x1] =	stream.indirect.gather [hbm4b:s3+s8], $0x10, s24, s8, $0xb8;
	[tilespmem:$0x12110] =	vst v63  }
0x95: {  	s26 =	sadd.s32 $0x230, s14;
	s25 =	sadd.s32 $0x4A10, s13  }
0x96: {  	[tilespmem:s25], [sflag:$0x1] =	stream.indirect.gather [hbm4b:s3+s8], $0x10, s26, s8, $0xb8;
	[tilespmem:$0x12110] =	vst v63  }
0x97: {  	s28 =	sadd.s32 $0x4F10, s13;
	s29 =	sadd.s32 $0x280, s14  }
0x98: {  	[tilespmem:s28], [sflag:$0x1] =	stream.indirect.gather [hbm4b:s3+s8], $0x10, s29, s8, $0xb8;
	[tilespmem:$0x12110] =	vst v63  }
0x99: {  	s30 =	sadd.s32 $0x5410, s13;
	s31 =	sadd.s32 $0x2D0, s14  }
0x9a: {  	[tilespmem:s30], [sflag:$0x1] =	stream.indirect.gather [hbm4b:s3+s8], $0x10, s31, s8, $0xb8;
	[tilespmem:$0x12110] =	vst v63  }
0x9b: {  	s17 =	sadd.s32 $0x5910, s13;
	s18 =	sadd.s32 $0x320, s14  }
0x9c: {  	[tilespmem:s17], [sflag:$0x1] =	stream.indirect.gather [hbm4b:s3+s8], $0x10, s18, s8, $0xb8;
	[tilespmem:$0x12110] =	vst v63  }
0x9d: {  	s19 =	sadd.s32 $0x5E10, s13;
	s20 =	sadd.s32 $0x370, s14  }
0x9e: {  	[tilespmem:s19], [sflag:$0x1] =	stream.indirect.gather [hbm4b:s3+s8], $0x10, s20, s8, $0xb8;
	[tilespmem:$0x12110] =	vst v63  }
0x9f: {  	s21 =	sadd.s32 $0x6310, s13;
	s22 =	sadd.s32 $0x3C0, s14  }
0xa0: {  	[tilespmem:s21], [sflag:$0x1] =	stream.indirect.gather [hbm4b:s3+s8], $0x10, s22, s8, $0xb8;
	[tilespmem:$0x12110] =	vst v63  }
0xa1: {  	s23 =	sadd.s32 $0x6810, s13;
	s24 =	sadd.s32 $0x410, s14  }
0xa2: {  	[tilespmem:s23], [sflag:$0x1] =	stream.indirect.gather [hbm4b:s3+s8], $0x10, s24, s8, $0xb8;
	[tilespmem:$0x12110] =	vst v63  }
0xa3: {  	s25 =	sadd.s32 $0x6D10, s13;
	s26 =	sadd.s32 $0x460, s14  }
0xa4: {  	[tilespmem:s25], [sflag:$0x1] =	stream.indirect.gather [hbm4b:s3+s8], $0x10, s26, s8, $0xb8;
	[tilespmem:$0x12110] =	vst v63  }
0xa5: {  	s28 =	sadd.s32 $0x7210, s13;
	s29 =	sadd.s32 $0x4B0, s14  }
0xa6: {  	[tilespmem:s28], [sflag:$0x1] =	stream.indirect.gather [hbm4b:s3+s8], $0x10, s29, s8, $0xb8;
	[tilespmem:$0x12110] =	vst v63  }
0xa7: {  	s30 =	sadd.s32 $0x7710, s13;
	s31 =	sadd.s32 $0x500, s14  }
0xa8: {  	[tilespmem:s30], [sflag:$0x1] =	stream.indirect.gather [hbm4b:s3+s8], $0x10, s31, s8, $0xb8;
	[tilespmem:$0x12110] =	vst v63  }
0xa9: {  	s17 =	sadd.s32 $0x7C10, s13;
	s18 =	sadd.s32 $0x550, s14  }
0xaa: {  	[tilespmem:s17], [sflag:$0x1] =	stream.indirect.gather [hbm4b:s3+s8], $0x10, s18, s8, $0xb8;
	[tilespmem:$0x12110] =	vst v63  }
0xab: {  	s19 =	sadd.s32 $0x8110, s13;
	s20 =	sadd.s32 $0x5A0, s14  }
0xac: {  	[tilespmem:s19], [sflag:$0x1] =	stream.indirect.gather [hbm4b:s3+s8], $0x10, s20, s8, $0xb8;
	[tilespmem:$0x12110] =	vst v63  }
0xad: {  	s21 =	sadd.s32 $0x8610, s13;
	s22 =	sadd.s32 $0x5F0, s14  }
0xae: {  	[tilespmem:s21], [sflag:$0x1] =	stream.indirect.gather [hbm4b:s3+s8], $0x10, s22, s8, $0xb8;
	[tilespmem:$0x12110] =	vst v63  }
0xaf: {  	s23 =	sadd.s32 $0x8B10, s13;
	s24 =	sadd.s32 $0x640, s14  }
0xb0: {  	[tilespmem:s23], [sflag:$0x1] =	stream.indirect.gather [hbm4b:s3+s8], $0x10, s24, s8, $0xb8;
	[tilespmem:$0x12110] =	vst v63  }
0xb1: {  	s25 =	sadd.s32 $0x9010, s13;
	s26 =	sadd.s32 $0x690, s14  }
0xb2: {  	[tilespmem:s25], [sflag:$0x1] =	stream.indirect.gather [hbm4b:s3+s8], $0x10, s26, s8, $0xb8;
	[tilespmem:$0x12110] =	vst v63  }
0xb3: {  	s28 =	sadd.s32 $0x9510, s13;
	s29 =	sadd.s32 $0x6E0, s14  }
0xb4: {  	[tilespmem:s28], [sflag:$0x1] =	stream.indirect.gather [hbm4b:s3+s8], $0x10, s29, s8, $0xb8;
	[tilespmem:$0x12110] =	vst v63  }
0xb5: {  	s30 =	sadd.s32 $0x9A10, s13;
	s31 =	sadd.s32 $0x730, s14  }
0xb6: {  	[tilespmem:s30], [sflag:$0x1] =	stream.indirect.gather [hbm4b:s3+s8], $0x10, s31, s8, $0xb8;
	[tilespmem:$0x12110] =	vst v63  }
0xb7: {  	s13 =	sadd.s32 $0x9F10, s13;
	s14 =	sadd.s32 $0x780, s14  }
0xb8: {  	[tilespmem:s13], [sflag:$0x1] =	stream.indirect.gather [hbm4b:s3+s8], $0x10, s14, s8, $0xb8;
	[tilespmem:$0x12110] =	vst v63  }
0xb9: {  	_ =	swait.ge [sflag:s9], $0x7D00  }
0xba: {  	[sflag:s9] =	ssyncset.done $0x0  }
0xbb: {  	s11 =	sadd.s32 $0x1, s11;
	[sflag:s9] =	ssyncadd.s32 $0xFFFF8300  }
0xbc: {  	[hbm4b:s12+s2] =	stream.linear.scatter [tilespmem:s15], [sflag:$0x2], $0x7D00, $0x38;
	[tilespmem:$0x12110] =	vst v63  }
0xbd: {  	p0 =	sne.s32 s11, s5;
	_ =	swait.ge [sflag:s10], $0x7D00  }
.Ltmp1:
0xbe: {  	[sflag:s10] =	ssyncset.done $0x0;
	(pc) =	sbr.rel @p0 .LBB2_1-.Ltmp1, $4  }
0xbf: {  	[sflag:s10] =	ssyncadd.s32 $0xFFFF8300  }
0xc0: {  	_ =	swait.ge [sflag:s10], $0x7D00  }
0xc1: {  	[sflag:s10] =	ssyncset.done $0x0  }
0xc2: {  	[sflag:s10] =	ssyncadd.s32 $0xFFFF8300  }
0xc3: {  	_ =	sfence.sel $0x180000  }
0xc4: {  	[bflag:$0x0] =	sbarrier.arrive $0xFFFF  }
0xc5: {  	p0 =	sne.s32 s0, $0x0;
	_ =	strace $0x9000004D  }
0xc6: {  	s0 =	sadd.s32 @!p0 $0x100000, s1;
	[bflag:$0x2] =	sbarrier.arrive $0xFFFF  }
0xc7: {  	[sflag:s0] =	ssyncadd.tile.s32 @!p0 $0x1;
	_ =	shalt  }
.Lfunc_end2:
_tile_overlayer_lowered:
.L_overlay_start_2:
0xc8: {  	(tag) =	ssettag $0x2  }
0xc9: {  	s0 =	rddreg [dreg:$0x0];
	s2 =	stileid.u32  }
0xca: {  	s1 =	rddreg [dreg:$0x1];
	p0 =	sne.s32 s2, $0x0  }
0xcb: {  	s3 =	rddreg [dreg:$0x2];
	[bflag:$0x3] =	sbarrier.arrive $0xFFFF;
	s2 =	simm.s32 @!p0 $0x1C03  }
0xcc: {  	[timem:s3], [sflag:s2] =	dma.local @!p0 [hbm:s0], s1  }
0xcd: {  	s0 =	simm.s32 @!p0 $0x3  }
0xce: {  	_ =	swait.ge @!p0 [sflag:s0], s1  }
0xcf: {  	s1 =	ssub.s32 @!p0 $0x0, s1;
	[sflag:s0] =	ssyncset.done @!p0 $0x0  }
0xd0: {  	[sflag:s0] =	ssyncadd.s32 @!p0 s1  }
0xd1: {  	[bflag:$0x3] =	sbarrier.arrive $0xFFFF  }
0xd2: {  	_ =	shalt  }

// kernel: kernel.19.cloned.1.call-start
scs
__scs_entry_jumppad:
0x0: {  	(pc) =	sbr.rel $0x88, $3  }
0x1: {  	(tag) =	ssettag $0x0;
	lr =	simm.s32 $0x1  }
0x2: {  	[smem:$0x3F96] =	sst lr;
	_ =	strace $0xD0000000  }
0x3: {  	_ = 	snop  }
0x4: {  	_ = 	snop  }
0x5: {  	_ = 	snop  }
0x6: {  	_ = 	snop  }
0x7: {  	_ = 	snop  }
__scs_overlays_trampoline_lowered:
0x8: {  	[smem:$0x3FA5] =	sst s0  }
0x9: {  	[smem:$0x3FA6] =	sst s1  }
0xa: {  	[smem:$0x3FA7] =	sst s2  }
0xb: {  	[smem:$0x3FA8] =	sst s3  }
0xc: {  	[smem:$0x3FA9] =	sst s4  }
0xd: {  	[smem:$0x3FAA] =	sst s5  }
0xe: {  	[smem:$0x3FAB] =	sst s6  }
0xf: {  	[smem:$0x3FAC] =	sst s7  }
0x10: {  	[smem:$0x3FAD] =	sst s8  }
0x11: {  	[smem:$0x3FAE] =	sst s9;
	s0 =	simm.s32 @!p0 $0x0  }
0x12: {  	s1 =	sld [smem:$0x3F94];
	s0 =	simm.s32 @p0 $0x1  }
0x13: {  	[smem:$0x3FAF] =	sst s0;
	s0 =	simm.s32 @!p1 $0x0  }
0x14: {  	s2 =	sld [smem:$0x3F93];
	s0 =	simm.s32 @p1 $0x1  }
0x15: {  	[smem:$0x3FB0] =	sst s0;
	s0 =	simm.s32 @!p2 $0x0  }
0x16: {  	s3 =	sld [smem:$0x3FDB];
	s0 =	simm.s32 @p2 $0x1  }
0x17: {  	s4 =	simm.s32 $0x1BF5;
	[smem:$0x3FB2] =	sst s0  }
0x18: {  	s0 =	sld [smem:$0x3F95];
	_ =	swait.ge [sflag:s4], $0x0  }
0x19: {  	s7 =	sld [smem:$0x3F96]  }
0x1a: {  	s8 =	sadd.s32 $0xFFFFE003, lr  }
0x1b: {  	s9 =	sadd.s32 $0xFFFFFEF7, lr;
	s5 =	simm.s32 $0xFFFFFFFF;
	p2 =	slt.u32 s8, $0xFFFFF086  }
0x1c: {  	p1 =	slt.u32 s9, $0xF7A;
	s5 =	simm.s32 @!p2 $0x0  }
0x1d: {  	s5 =	simm.s32 @p1 $0x1;
	p0 =	seq.s32 s7, s2  }
0x1e: {  	s7 =	smul.u32 @!p0 $0xF7A, s2;
	p2 =	seq.s32 @!p0 s5, $0x0  }
0x1f: {  	s9 =	smul.u32 $0xF7A, s1;
	s8 =	simm.s32 @!p0 $0x1BF5;
	p2 =	por !p2, p0  }
0x20: {  	[sflag:s8] =	ssyncset.s32 @!p0 $0xFFFFF086;
	s6 =	sadd.s32 @!p0 s3, s7;
	s7 =	simm.s32 @!p0 $0x108  }
0x21: {  	s3 =	sadd.s32 s3, s9;
	s6 =	sadd.s32 @!p0 $0x88, s6;
	s7 =	simm.s32 @p2 $0x1082  }
0x22: {  	[simem:s7], [sflag:s8] =	dma.local @!p0 [hbm:s6], $0xF7A  }
0x23: {  	s9 =	sor.u32 $0xD0000000, s2;
	s6 =	simm.s32 $0x108;
	_ =	swait.ge @!p0 [sflag:s8], $0x0  }
0x24: {  	s3 =	sadd.s32 $0x88, s3;
	s6 =	simm.s32 @!p1 $0x1082;
	[sflag:s4] =	ssyncset.s32 $0xFFFFF086  }
0x25: {  	[simem:s6], [sflag:s4] =	dma.local [hbm:s3], $0xF7A  }
0x26: {  	[smem:$0x3F96] =	sst s1;
	(tag) =	ssettag s2;
	_ =	strace s9  }
0x27: {  	s1 =	sld [smem:$0x3FA6]  }
0x28: {  	s2 =	sld [smem:$0x3FA7]  }
0x29: {  	s4 =	sld [smem:$0x3FA9]  }
0x2a: {  	p0 =	seq.s32 s5, $0x0;
	s5 =	sld [smem:$0x3FAA]  }
0x2b: {  	s6 =	sld [smem:$0x3FAB]  }
0x2c: {  	s7 =	sld [smem:$0x3FAC]  }
0x2d: {  	s3 =	simm.s32 $0x108;
	s8 =	sld [smem:$0x3FAD]  }
0x2e: {  	s3 =	simm.s32 @!p0 $0x1082;
	s9 =	sld [smem:$0x3FAE]  }
0x2f: {  	lr =	sadd.s32 s0, s3;
	s0 =	sld [smem:$0x3FA5]  }
0x30: {  	s3 =	sld [smem:$0x3FA8]  }
0x31: {  	[smem:$0x3FB1] =	sst s10  }
0x32: {  	s10 =	sld [smem:$0x3FAF];
	_ =	sdelay $0x3  }
0x33: {  	p0 =	seq.s32 s10, $0x1;
	s10 =	sld [smem:$0x3FB1];
	_ =	sdelay $0x3  }
0x34: {  	[smem:$0x3FB1] =	sst s10  }
0x35: {  	s10 =	sld [smem:$0x3FB0];
	_ =	sdelay $0x3  }
0x36: {  	p1 =	seq.s32 s10, $0x1;
	s10 =	sld [smem:$0x3FB1];
	_ =	sdelay $0x3  }
0x37: {  	[smem:$0x3FB1] =	sst s10  }
0x38: {  	s10 =	sld [smem:$0x3FB2]  }
0x39: {  	_ = 	snop;
	(pc) =	sbr.ind lr, $3  }
0x3a: {  	_ = 	snop  }
0x3b: {  	_ = 	snop  }
0x3c: {  	p2 =	seq.s32 s10, $0x1;
	s10 =	sld [smem:$0x3FB1]  }
0x3d: {  	_ =	shalt  }
0x3e: {  	_ =	shalt  }
0x3f: {  	_ =	shalt  }
0x40: {  	_ =	shalt  }
0x41: {  	_ =	shalt  }
0x42: {  	_ =	shalt  }
0x43: {  	_ =	shalt  }
0x44: {  	_ =	shalt  }
0x45: {  	_ =	shalt  }
0x46: {  	_ =	shalt  }
0x47: {  	_ =	shalt  }
0x48: {  	_ =	shalt  }
0x49: {  	_ =	shalt  }
0x4a: {  	_ =	shalt  }
0x4b: {  	_ =	shalt  }
0x4c: {  	_ =	shalt  }
0x4d: {  	_ =	shalt  }
0x4e: {  	_ =	shalt  }
0x4f: {  	_ =	shalt  }
0x50: {  	_ =	shalt  }
0x51: {  	_ =	shalt  }
0x52: {  	_ =	shalt  }
0x53: {  	_ =	shalt  }
0x54: {  	_ =	shalt  }
0x55: {  	_ =	shalt  }
0x56: {  	_ =	shalt  }
0x57: {  	_ =	shalt  }
0x58: {  	_ =	shalt  }
0x59: {  	_ =	shalt  }
0x5a: {  	_ =	shalt  }
0x5b: {  	_ =	shalt  }
0x5c: {  	_ =	shalt  }
0x5d: {  	_ =	shalt  }
0x5e: {  	_ =	shalt  }
0x5f: {  	_ =	shalt  }
0x60: {  	_ =	shalt  }
0x61: {  	_ =	shalt  }
0x62: {  	_ =	shalt  }
0x63: {  	_ =	shalt  }
0x64: {  	_ =	shalt  }
0x65: {  	_ =	shalt  }
0x66: {  	_ =	shalt  }
0x67: {  	_ =	shalt  }
0x68: {  	_ =	shalt  }
0x69: {  	_ =	shalt  }
0x6a: {  	_ =	shalt  }
0x6b: {  	_ =	shalt  }
0x6c: {  	_ =	shalt  }
0x6d: {  	_ =	shalt  }
0x6e: {  	_ =	shalt  }
0x6f: {  	_ =	shalt  }
0x70: {  	_ =	shalt  }
0x71: {  	_ =	shalt  }
0x72: {  	_ =	shalt  }
0x73: {  	_ =	shalt  }
0x74: {  	_ =	shalt  }
0x75: {  	_ =	shalt  }
0x76: {  	_ =	shalt  }
0x77: {  	_ =	shalt  }
0x78: {  	_ =	shalt  }
0x79: {  	_ =	shalt  }
0x7a: {  	_ =	shalt  }
0x7b: {  	_ =	shalt  }
0x7c: {  	_ =	shalt  }
0x7d: {  	_ =	shalt  }
0x7e: {  	_ =	shalt  }
0x7f: {  	_ =	shalt  }
0x80: {  	_ =	shalt  }
0x81: {  	_ =	shalt  }
0x82: {  	_ =	shalt  }
0x83: {  	_ =	shalt  }
0x84: {  	_ =	shalt  }
0x85: {  	_ =	shalt  }
0x86: {  	_ =	shalt  }
0x87: {  	_ =	shalt  }
.Lfunc_end0:
.L_simem_size_0:
called_computation.3_lowered:
.L_overlay_start_0:
0x88: {  	s2 =	sld [smem:$0x3FD9]  }
0x89: {  	s3 =	sld [smem:$0x3FFE];
	_ =	sdelay $0x1  }
0x8a: {  	s1 =	srdreg.scid  }
0x8b: {  	s0 =	sand.u32 $0x1, s1  }
0x8c: {  	s17 =	sshll.u32 s0, $0xA;
	s2 =	sadd.s32 s3, s2  }
0x8d: {  	s2 =	sadd.s32 s2, s17  }
0x8e: {  	[smem:$0x3FBD] =	sst s2  }
0x8f: {  	_ = 	snop  }
0x90: {  	s2 =	sld [smem:$0x3FD0];
	(tm) =	ssettm $0x1  }
0x91: {  	s18 =	sld [smem:$0x3FFB];
	_ =	sdelay $0x3  }
0x92: {  	_ =	strace s18  }
0x93: {  	s3 =	sld [smem:$0x3FFC];
	_ =	sdelay $0x3  }
0x94: {  	_ =	strace s3  }
0x95: {  	s3 =	sld [smem:$0x3FFD];
	_ =	sdelay $0x3  }
0x96: {  	_ =	strace s3  }
0x97: {  	_ =	strace $0x8FFFFFFF  }
0x98: {  	s19 =	sld [smem:$0x3FDB];
	_ =	sdelay $0x1  }
0x99: {  	s4 =	simm.s32 $_scs_section_size  }
0x9a: {  	s5 =	simm.s32 $_size__tile_overlayer_lowered;
	s6 =	simm.s32 $_tile_overlayer_lowered  }
0x9b: {  	s22 =	simm.s32 $0x1BFF;
	s21 =	sshll.u32 s6, $0x1;
	s3 =	sadd.s32 s4, s19  }
0x9c: {  	s7 =	simm.s32 $0x0;
	s20 =	sshll.u32 s5, $0x1;
	s5 =	sadd.s32 s21, s3  }
0x9d: {  	[timem:s7], [sflag:s22] =	dma.local [hbm:s5], s20  }
0x9e: {  	_ =	swait.ge [sflag:s22], s20  }
0x9f: {  	s4 =	ssub.s32 $0x0, s20;
	[sflag:s22] =	ssyncset.done $0x0  }
0xa0: {  	[sflag:s22] =	ssyncadd.s32 s4;
	_ =	sdelay $0x1  }
0xa1: {  	s23 =	simm.s32 $0x1B8B  }
0xa2: {  	_ =	swait.ge [sflag:s23], $0x1  }
0xa3: {  	[sflag:s23] =	ssyncset.done $0x0  }
0xa4: {  	s25 =	simm.s32 $0x1B8E;
	s24 =	sld [smem:$0x3FFE];
	[sflag:s23] =	ssyncadd.s32 $0xFFFFFFFF  }
0xa5: {  	s26 =	simm.s32 $execute0_lowered;
	[smem:$0x3FD2] =	sst s25  }
0xa6: {  	s5 =	sshll.u32 s26, $0x1;
	_ =	strace $0x8000004F;
	[dreg:$0x1] =	wrdreg $0xFFFFFFFF  }
0xa7: {  	s28 =	simm.s32 $_size_execute0_lowered;
	s3 =	sadd.s32 s3, s5;
	[dreg:$0x0] =	wrdreg $0x0  }
0xa8: {  	s5 =	sshll.u32 s28, $0x1;
	[dreg:$0x2] =	wrdreg s3  }
0xa9: {  	[dreg:$0x3] =	wrdreg s5  }
0xaa: {  	[dreg:$0x4] =	wrdreg $0xC0  }
0xab: {  	_ =	task [dreg:s7], $0x5FFFF  }
0xac: {  	[dreg:$0x1] =	wrdreg $0xFFFFFFFF  }
0xad: {  	[dreg:$0x0] =	wrdreg $0x60  }
0xae: {  	[dreg:$0x2] =	wrdreg s24  }
0xaf: {  	[dreg:$0x3] =	wrdreg s2  }
0xb0: {  	[dreg:$0x4] =	wrdreg $0x121100  }
0xb1: {  	[dreg:$0x5] =	wrdreg $0x9  }
0xb2: {  	_ =	task.clear_ibuf [dreg:s7], $0x6FFFF;
	_ =	strace $0x9000004F  }
0xb3: {  	s29 =	simm.s32 $0x9;
	_ =	strace $0x80000051  }
0xb4: {  	_ =	swait.ge [sflag:s29], $0x1  }
0xb5: {  	[sflag:s29] =	ssyncadd.s32 $0xFFFFFFFF  }
0xb6: {  	_ =	strace $0x90000051  }
0xb7: {  	_ =	sfence  }
0xb8: {  	s30 =	sld [smem:$0x0];
	_ =	sdelay $0x2  }
0xb9: {  	s31 =	sshll.u32 s1, $0xD;
	s1 =	sshrl.u32 s1, $0x2  }
0xba: {  	s3 =	sand.u32 $0x4000, s31;
	s1 =	sadd.s32 s1, s30  }
0xbb: {  	s0 =	sor.u32 s3, s0;
	s1 =	sshll.u32 s1, $0x11  }
0xbc: {  	s0 =	sor.u32 s1, s0  }
0xbd: {  	s0 =	sadd.s32 $0x8F2B, s0  }
0xbe: {  	[sflag:s0] =	ssyncadd.remote.s32 $0x1  }
0xbf: {  	_ =	sfence.sel $0xFFFF  }
0xc0: {  	[dreg:$0x0] =	wrdreg $0xFFFFFFFF;
	(pc) =	sbr.abs _section_cstart, $3  }
0xc1: {  	[dreg:$0x1] =	wrdreg $0xFFFFFFFF  }
0xc2: {  	_ =	task.clear_ibuf [dreg:s7], $0x2FFFF;
	_ =	strace $0x9FFFFFFF  }
0xc3: {  	(tm) =	ssettm $0x7FFFFFFF  }
tec
execute0_lowered:
.L_overlay_start_1:
0x0: {  	(tag) =	ssettag $0x1  }
0x1: {  	s4 =	rddreg [dreg:$0x0]  }
0x2: {  	s5 =	rddreg [dreg:$0x1]  }
0x3: {  	s2 =	rddreg [dreg:$0x2];
	s3 =	simm.s32 $0x0  }
0x4: {  	s20 =	simm.s32 $0xA0;
	[smem:$0x7FF] =	sst s3  }
0x5: {  	s21 =	simm.s32 $0xF0;
	_ =	strace $0x80000050;
	[dreg:$0xc] =	wrdreg s20  }
0x6: {  	s22 =	simm.s32 $0x140;
	[dreg:$0xd] =	wrdreg s21  }
0x7: {  	s23 =	simm.s32 $0x190;
	[dreg:$0xe] =	wrdreg s22  }
0x8: {  	s24 =	simm.s32 $0x1E0;
	[dreg:$0xf] =	wrdreg s23  }
0x9: {  	s25 =	simm.s32 $0x230;
	[dreg:$0x10] =	wrdreg s24  }
0xa: {  	s26 =	simm.s32 $0x280;
	[dreg:$0x11] =	wrdreg s25  }
0xb: {  	s29 =	simm.s32 $0x2D0;
	[dreg:$0x12] =	wrdreg s26  }
0xc: {  	s30 =	simm.s32 $0x320;
	[dreg:$0x13] =	wrdreg s29  }
0xd: {  	s31 =	simm.s32 $0x370;
	[dreg:$0x14] =	wrdreg s30  }
0xe: {  	s11 =	simm.s32 $0x550;
	[dreg:$0x15] =	wrdreg s31  }
0xf: {  	s12 =	simm.s32 $0x5A0;
	[dreg:$0x1b] =	wrdreg s11  }
0x10: {  	s13 =	simm.s32 $0x5F0;
	[dreg:$0x1c] =	wrdreg s12  }
0x11: {  	[dreg:$0x1d] =	wrdreg s13;
	s20 =	simm.s32 $0x820  }
0x12: {  	s21 =	simm.s32 $0x870;
	[smem:$0x799] =	sst s20  }
0x13: {  	s22 =	simm.s32 $0x8C0;
	[smem:$0x79A] =	sst s21  }
0x14: {  	s23 =	simm.s32 $0x910;
	[smem:$0x79B] =	sst s22  }
0x15: {  	s24 =	simm.s32 $0x960;
	[smem:$0x79C] =	sst s23  }
0x16: {  	s25 =	simm.s32 $0x9B0;
	[smem:$0x79D] =	sst s24  }
0x17: {  	s26 =	simm.s32 $0xA00;
	[smem:$0x79E] =	sst s25  }
0x18: {  	s29 =	simm.s32 $0xA50;
	[smem:$0x79F] =	sst s26  }
0x19: {  	s30 =	simm.s32 $0xAA0;
	[smem:$0x7A0] =	sst s29  }
0x1a: {  	s31 =	simm.s32 $0xAF0;
	[smem:$0x7A1] =	sst s30  }
0x1b: {  	s11 =	simm.s32 $0xCD0;
	[smem:$0x7A2] =	sst s31  }
0x1c: {  	s12 =	simm.s32 $0xD20;
	[smem:$0x7A8] =	sst s11  }
0x1d: {  	s13 =	simm.s32 $0xD70;
	[smem:$0x7A9] =	sst s12  }
0x1e: {  	[smem:$0x7AA] =	sst s13;
	s20 =	simm.s32 $0xFA0  }
0x1f: {  	s21 =	simm.s32 $0xFF0;
	[smem:$0x7B1] =	sst s20  }
0x20: {  	s22 =	simm.s32 $0x1040;
	[smem:$0x7B2] =	sst s21  }
0x21: {  	s23 =	simm.s32 $0x1090;
	[smem:$0x7B3] =	sst s22  }
0x22: {  	s24 =	simm.s32 $0x10E0;
	[smem:$0x7B4] =	sst s23  }
0x23: {  	s25 =	simm.s32 $0x1130;
	[smem:$0x7B5] =	sst s24  }
0x24: {  	s26 =	simm.s32 $0x1180;
	[smem:$0x7B6] =	sst s25  }
0x25: {  	s29 =	simm.s32 $0x11D0;
	[smem:$0x7B7] =	sst s26  }
0x26: {  	s30 =	simm.s32 $0x1220;
	[smem:$0x7B8] =	sst s29  }
0x27: {  	s31 =	simm.s32 $0x1270;
	[smem:$0x7B9] =	sst s30  }
0x28: {  	s11 =	simm.s32 $0x1450;
	[smem:$0x7BA] =	sst s31  }
0x29: {  	s12 =	simm.s32 $0x14A0;
	[smem:$0x7C0] =	sst s11  }
0x2a: {  	s13 =	simm.s32 $0x14F0;
	[smem:$0x7C1] =	sst s12  }
0x2b: {  	[smem:$0x7C2] =	sst s13;
	s20 =	simm.s32 $0x1720  }
0x2c: {  	s21 =	simm.s32 $0x1770;
	[smem:$0x7C9] =	sst s20  }
0x2d: {  	s22 =	simm.s32 $0x17C0;
	[smem:$0x7CA] =	sst s21  }
0x2e: {  	s23 =	simm.s32 $0x1810;
	[smem:$0x7CB] =	sst s22  }
0x2f: {  	s24 =	simm.s32 $0x1860;
	[smem:$0x7CC] =	sst s23  }
0x30: {  	s25 =	simm.s32 $0x18B0;
	[smem:$0x7CD] =	sst s24  }
0x31: {  	s26 =	simm.s32 $0x1900;
	[smem:$0x7CE] =	sst s25  }
0x32: {  	s29 =	simm.s32 $0x1950;
	[smem:$0x7CF] =	sst s26  }
0x33: {  	s30 =	simm.s32 $0x19A0;
	[smem:$0x7D0] =	sst s29  }
0x34: {  	s31 =	simm.s32 $0x19F0;
	[smem:$0x7D1] =	sst s30  }
0x35: {  	s11 =	simm.s32 $0x1BD0;
	[smem:$0x7D2] =	sst s31  }
0x36: {  	s12 =	simm.s32 $0x1C20;
	[smem:$0x7D8] =	sst s11  }
0x37: {  	s13 =	simm.s32 $0x1C70;
	[smem:$0x7D9] =	sst s12  }
0x38: {  	s0 =	srdreg.scid;
	[smem:$0x7DA] =	sst s13;
	s20 =	simm.s32 $0x1EA0  }
0x39: {  	s10 =	stileid.u32;
	s21 =	simm.s32 $0x1EF0;
	[smem:$0x7E1] =	sst s20  }
0x3a: {  	s0 =	sand.u32 $0x1, s0;
	s22 =	simm.s32 $0x1F40;
	[smem:$0x7E2] =	sst s21  }
0x3b: {  	s1 =	sshll.u32 s10, $0x1;
	s24 =	simm.s32 $0x1F90;
	[smem:$0x7E3] =	sst s22  }
0x3c: {  	s1 =	sor.u32 s0, s1;
	s25 =	simm.s32 $0x1FE0;
	[smem:$0x7E4] =	sst s24  }
0x3d: {  	s6 =	smul.u32 $0x4E20, s1;
	s26 =	simm.s32 $0x2030;
	[smem:$0x7E5] =	sst s25  }
0x3e: {  	s7 =	smul.u32 $0x4E2, s1;
	s30 =	simm.s32 $0x2080;
	[smem:$0x7E6] =	sst s26  }
0x3f: {  	s1 =	smul.u32 $0x2710, s10;
	s31 =	simm.s32 $0x20D0;
	[smem:$0x7E7] =	sst s30  }
0x40: {  	s12 =	simm.s32 $0x2170;
	[smem:$0x7E8] =	sst s31  }
0x41: {  	s9 =	sshrl.u32 s1, $0x3;
	s13 =	simm.s32 $0x21C0;
	[smem:$0x7EA] =	sst s12  }
0x42: {  	s7 =	sadd.s32 s7, s4;
	s5 =	sadd.s32 s5, s9;
	[smem:$0x7EB] =	sst s13  }
0x43: {  	s6 =	sadd.s32 s6, s4;
	s14 =	sadd.s32 $0x35C00, s7;
	[dreg:$0x4] =	wrdreg s5  }
0x44: {  	s15 =	sadd.s32 $0x3FA00, s6;
	[dreg:$0x5] =	wrdreg s14  }
0x45: {  	s16 =	sadd.s32 $0x409A0, s6;
	[dreg:$0x6] =	wrdreg s15  }
0x46: {  	s17 =	sadd.s32 $0x41940, s6;
	[dreg:$0x8] =	wrdreg s16  }
0x47: {  	s18 =	sadd.s32 $0x428E0, s6;
	[dreg:$0x9] =	wrdreg s17  }
0x48: {  	s19 =	sadd.s32 $0x43880, s6;
	[dreg:$0xa] =	wrdreg s18  }
0x49: {  	s6 =	simm.s32 $0x410;
	[dreg:$0xb] =	wrdreg s19  }
0x4a: {  	s7 =	simm.s32 $0x460;
	[dreg:$0x17] =	wrdreg s6  }
0x4b: {  	s9 =	simm.s32 $0x500;
	[dreg:$0x18] =	wrdreg s7  }
0x4c: {  	s8 =	smul.u32 $0x27100, s0;
	s20 =	simm.s32 $0x23F0;
	[dreg:$0x1a] =	wrdreg s9  }
0x4d: {  	s0 =	ssub.s32 $0x2, s0;
	s21 =	simm.s32 $0x2440;
	[smem:$0x7F2] =	sst s20  }
0x4e: {  	s23 =	sshrl.u32 s0, $0x1;
	s22 =	simm.s32 $0x2490;
	[smem:$0x7F3] =	sst s21  }
0x4f: {  	s0 =	ssub.s32 s0, s23;
	s23 =	simm.s32 $0x24E0;
	[smem:$0x7F4] =	sst s22  }
0x50: {  	s24 =	simm.s32 $0x2530;
	[smem:$0x7F5] =	sst s23  }
0x51: {  	s25 =	simm.s32 $0x2580;
	[smem:$0x7F6] =	sst s24  }
0x52: {  	s29 =	sshll.u32 s10, $0x6;
	s26 =	simm.s32 $0x25D0;
	[smem:$0x7F7] =	sst s25  }
0x53: {  	s11 =	sor.u32 $0x1C03, s29;
	s29 =	simm.s32 $0x2620;
	[smem:$0x7F8] =	sst s26  }
0x54: {  	s30 =	simm.s32 $0x2670;
	[smem:$0x7F9] =	sst s29  }
0x55: {  	s31 =	simm.s32 $0x26C0;
	[smem:$0x7FA] =	sst s30  }
0x56: {  	s8 =	sadd.s32 s1, s8;
	[smem:$0x7FB] =	sst s31  }
0x57: {  	s8 =	sshrl.u32 s8, $0x3;
	s5 =	simm.s32 $0x3C0;
	[smem:$0x7FC] =	sst s11  }
0x58: {  	s4 =	sadd.s32 s8, s4;
	s8 =	simm.s32 $0x4B0;
	[dreg:$0x16] =	wrdreg s5  }
0x59: {  	s14 =	simm.s32 $0x640;
	[dreg:$0x19] =	wrdreg s8  }
0x5a: {  	s15 =	simm.s32 $0x690;
	[dreg:$0x1e] =	wrdreg s14  }
0x5b: {  	s16 =	simm.s32 $0x6E0;
	[dreg:$0x1f] =	wrdreg s15  }
0x5c: {  	s17 =	simm.s32 $0x730;
	[smem:$0x795] =	sst s16  }
0x5d: {  	s18 =	simm.s32 $0x780;
	[smem:$0x796] =	sst s17  }
0x5e: {  	s19 =	simm.s32 $0x7D0;
	[smem:$0x797] =	sst s18  }
0x5f: {  	s6 =	simm.s32 $0xB90;
	[smem:$0x798] =	sst s19  }
0x60: {  	s7 =	simm.s32 $0xBE0;
	[smem:$0x7A4] =	sst s6  }
0x61: {  	s9 =	simm.s32 $0xC80;
	[smem:$0x7A5] =	sst s7  }
0x62: {  	s4 =	sadd.s32 $0x9C00, s4;
	[smem:$0x7A7] =	sst s9  }
0x63: {  	s5 =	simm.s32 $0xB40;
	[dreg:$0x7] =	wrdreg s4  }
0x64: {  	s8 =	simm.s32 $0xC30;
	[smem:$0x7A3] =	sst s5  }
0x65: {  	s14 =	simm.s32 $0xDC0;
	[smem:$0x7A6] =	sst s8  }
0x66: {  	s15 =	simm.s32 $0xE10;
	[smem:$0x7AB] =	sst s14  }
0x67: {  	s16 =	simm.s32 $0xE60;
	[smem:$0x7AC] =	sst s15  }
0x68: {  	s17 =	simm.s32 $0xEB0;
	[smem:$0x7AD] =	sst s16  }
0x69: {  	s18 =	simm.s32 $0xF00;
	[smem:$0x7AE] =	sst s17  }
0x6a: {  	s19 =	simm.s32 $0xF50;
	[smem:$0x7AF] =	sst s18  }
0x6b: {  	s6 =	simm.s32 $0x1310;
	[smem:$0x7B0] =	sst s19  }
0x6c: {  	s7 =	simm.s32 $0x1360;
	[smem:$0x7BC] =	sst s6  }
0x6d: {  	s9 =	simm.s32 $0x1400;
	[smem:$0x7BD] =	sst s7  }
0x6e: {  	s5 =	simm.s32 $0x12C0;
	[smem:$0x7BF] =	sst s9  }
0x6f: {  	s8 =	simm.s32 $0x13B0;
	[smem:$0x7BB] =	sst s5  }
0x70: {  	s14 =	simm.s32 $0x1540;
	[smem:$0x7BE] =	sst s8  }
0x71: {  	s15 =	simm.s32 $0x1590;
	[smem:$0x7C3] =	sst s14  }
0x72: {  	s16 =	simm.s32 $0x15E0;
	[smem:$0x7C4] =	sst s15  }
0x73: {  	s17 =	simm.s32 $0x1630;
	[smem:$0x7C5] =	sst s16  }
0x74: {  	s18 =	simm.s32 $0x1680;
	[smem:$0x7C6] =	sst s17  }
0x75: {  	s19 =	simm.s32 $0x16D0;
	[smem:$0x7C7] =	sst s18  }
0x76: {  	s6 =	simm.s32 $0x1A90;
	[smem:$0x7C8] =	sst s19  }
0x77: {  	s7 =	simm.s32 $0x1AE0;
	[smem:$0x7D4] =	sst s6  }
0x78: {  	s1 =	sadd.s32 s1, s2;
	s9 =	simm.s32 $0x1B80;
	[smem:$0x7D5] =	sst s7  }
0x79: {  	s4 =	smax.u32 s0, $0x1;
	s0 =	sshrl.u32 s1, $0x3;
	[smem:$0x7D7] =	sst s9  }
0x7a: {  	s5 =	simm.s32 $0x1A40;
	[smem:$0x7FD] =	sst s0  }
0x7b: {  	s8 =	simm.s32 $0x1B30;
	[smem:$0x7D3] =	sst s5  }
0x7c: {  	p0 =	por $0x0, $0x0;
	s14 =	simm.s32 $0x1CC0;
	[smem:$0x7D6] =	sst s8  }
0x7d: {  	s28 =	simm.s32 $0xAE10;
	s15 =	simm.s32 $0x1D10;
	[smem:$0x7DB] =	sst s14  }
0x7e: {  	s12 =	simm.s32 $0xA410;
	s16 =	simm.s32 $0x1D60;
	[smem:$0x7DC] =	sst s15  }
0x7f: {  	s13 =	simm.s32 $0x2C10;
	s17 =	simm.s32 $0x1DB0;
	[smem:$0x7DD] =	sst s16  }
0x80: {  	s20 =	simm.s32 $0xF410;
	s18 =	simm.s32 $0x1E00;
	[smem:$0x7DE] =	sst s17  }
0x81: {  	s19 =	simm.s32 $0x1E50;
	s9 =	simm.s32 $0x2120;
	[smem:$0x7DF] =	sst s18  }
0x82: {  	s6 =	simm.s32 $0x3;
	s7 =	simm.s32 $0x50;
	[smem:$0x7E0] =	sst s19  }
0x83: {  	p1 =	sne.s32 s4, $0x1;
	[smem:$0x7E9] =	sst s9;
	s14 =	simm.s32 $0x2210  }
0x84: {  	s8 =	simm.s32 $0x2710;
	s15 =	simm.s32 $0x2260;
	[smem:$0x7EC] =	sst s14  }
0x85: {  	s9 =	simm.s32 $0x1;
	s16 =	simm.s32 $0x22B0;
	[smem:$0x7ED] =	sst s15  }
.Ltmp0:
0x86: {  	s17 =	simm.s32 $0x2300;
	[smem:$0x7EE] =	sst s16;
	(pc) =	sbr.rel @!p1 .LBB2_5-.Ltmp0, $4  }
0x87: {  	s18 =	simm.s32 $0x2350;
	s19 =	simm.s32 $0x23A0;
	[smem:$0x7EF] =	sst s17  }
0x88: {  	s5 =	sadd.s32 $0xFFFFFFFF, s4;
	s4 =	simm.s32 $0xB310;
	[smem:$0x7F0] =	sst s18  }
0x89: {  	[smem:$0x7F1] =	sst s19;
	s15 =	simm.s32 $0x2;
	s18 =	simm.s32 $0xA910  }
0x8a: {  	s17 =	simm.s32 $0xEF10;
	s16 =	simm.s32 $0xF910;
	s14 =	rddreg [dreg:$0x4]  }
0x8b: {  	[spmem:s0], [sflag:s11] =	dma.local [hbm:s14], $0x4E2  }
0x8c: {  	_ =	swait.ge [sflag:s6], $0x4E2  }
0x8d: {  	[sflag:s6] =	ssyncset.done $0x0  }
0x8e: {  	s22 =	rddreg [dreg:$0x5];
	[sflag:s6] =	ssyncadd.s32 $0xFFFFFB1E  }
0x8f: {  	[tilespmem:s3], [sflag:$0x3] =	stream.linear.gather [hbm4b:s22+s3], $0x2710, $0x38;
	[tilespmem:$0x14820] =	vst v63  }
0x90: {  	_ =	swait.ge [sflag:s6], $0x2710  }
0x91: {  	[sflag:s6] =	ssyncset.done $0x0  }
0x92: {  	[sflag:s6] =	ssyncadd.s32 $0xFFFFD8F0  }
0x93: {  	[bflag:$0x0] =	sbarrier.arrive $0xFFFF  }
0x94: {  	s23 =	rddreg [dreg:$0x6]  }
0x95: {  	[tilespmem:s8], [sflag:$0x1] =	stream.linear.gather [hbm4b:s23+s3], $0x7D00, $0x38;
	[tilespmem:$0x14820] =	vst v63  }
0x96: {  	_ =	swait.ge [sflag:s9], $0x7D00  }
0x97: {  	[sflag:s9] =	ssyncset.done $0x0  }
0x98: {  	s24 =	rddreg [dreg:$0x8];
	[sflag:s9] =	ssyncadd.s32 $0xFFFF8300  }
0x99: {  	[tilespmem:s12], [sflag:$0x1] =	stream.linear.gather [hbm4b:s24+s3], $0x7D00, $0x38;
	[tilespmem:$0x14820] =	vst v63  }
0x9a: {  	_ = 	snop  }
0x9b: {  	[spmem:s2] =	stream.indirect.scatter.add.f32 [tilespmem:s8], [sflag:$0x2], $0x10, s3, s7, $0xb8;
	[tilespmem:$0x14820] =	vst v63  }
0x9c: {  	s25 =	rddreg [dreg:$0xc]  }
0x9d: {  	[spmem:s2] =	stream.indirect.scatter.add.f32 [tilespmem:s13], [sflag:$0x2], $0x10, s7, s7, $0xb8;
	[tilespmem:$0x14820] =	vst v63  }
0x9e: {  	s29 =	simm.s32 $0x3110;
	s26 =	rddreg [dreg:$0xd]  }
0x9f: {  	[spmem:s2] =	stream.indirect.scatter.add.f32 [tilespmem:s29], [sflag:$0x2], $0x10, s25, s7, $0xb8;
	[tilespmem:$0x14820] =	vst v63  }
0xa0: {  	s31 =	simm.s32 $0x3610;
	s30 =	rddreg [dreg:$0xe]  }
0xa1: {  	[spmem:s2] =	stream.indirect.scatter.add.f32 [tilespmem:s31], [sflag:$0x2], $0x10, s26, s7, $0xb8;
	[tilespmem:$0x14820] =	vst v63  }
0xa2: {  	s1 =	rddreg [dreg:$0xf];
	s3 =	simm.s32 $0x3B10  }
0xa3: {  	[spmem:s2] =	stream.indirect.scatter.add.f32 [tilespmem:s3], [sflag:$0x2], $0x10, s30, s7, $0xb8;
	[tilespmem:$0x14820] =	vst v63  }
0xa4: {  	s11 =	simm.s32 $0x4010;
	s6 =	rddreg [dreg:$0x10]  }
0xa5: {  	[spmem:s2] =	stream.indirect.scatter.add.f32 [tilespmem:s11], [sflag:$0x2], $0x10, s1, s7, $0xb8;
	[tilespmem:$0x14820] =	vst v63  }
0xa6: {  	s17 =	simm.s32 $0x4510;
	s19 =	rddreg [dreg:$0x12]  }
0xa7: {  	[spmem:s2] =	stream.indirect.scatter.add.f32 [tilespmem:s17], [sflag:$0x2], $0x10, s6, s7, $0xb8;
	[tilespmem:$0x14820] =	vst v63  }
0xa8: {  	s22 =	simm.s32 $0x4A10;
	s12 =	rddreg [dreg:$0x11]  }
0xa9: {  	[spmem:s2] =	stream.indirect.scatter.add.f32 [tilespmem:s22], [sflag:$0x2], $0x10, s12, s7, $0xb8;
	[tilespmem:$0x14820] =	vst v63  }
0xaa: {  	s23 =	rddreg [dreg:$0x13];
	s24 =	simm.s32 $0x4F10  }
0xab: {  	[spmem:s2] =	stream.indirect.scatter.add.f32 [tilespmem:s24], [sflag:$0x2], $0x10, s19, s7, $0xb8;
	[tilespmem:$0x14820] =	vst v63  }
0xac: {  	s25 =	rddreg [dreg:$0x14];
	s26 =	simm.s32 $0x5410  }
0xad: {  	[spmem:s2] =	stream.indirect.scatter.add.f32 [tilespmem:s26], [sflag:$0x2], $0x10, s23, s7, $0xb8;
	[tilespmem:$0x14820] =	vst v63  }
0xae: {  	s29 =	rddreg [dreg:$0x15];
	s30 =	simm.s32 $0x5910  }
0xaf: {  	[spmem:s2] =	stream.indirect.scatter.add.f32 [tilespmem:s30], [sflag:$0x2], $0x10, s25, s7, $0xb8;
	[tilespmem:$0x14820] =	vst v63  }
0xb0: {  	s31 =	rddreg [dreg:$0x16];
	s1 =	simm.s32 $0x5E10  }
0xb1: {  	[spmem:s2] =	stream.indirect.scatter.add.f32 [tilespmem:s1], [sflag:$0x2], $0x10, s29, s7, $0xb8;
	[tilespmem:$0x14820] =	vst v63  }
0xb2: {  	s3 =	rddreg [dreg:$0x17];
	s6 =	simm.s32 $0x6310  }
0xb3: {  	[spmem:s2] =	stream.indirect.scatter.add.f32 [tilespmem:s6], [sflag:$0x2], $0x10, s31, s7, $0xb8;
	[tilespmem:$0x14820] =	vst v63  }
0xb4: {  	s11 =	rddreg [dreg:$0x18];
	s12 =	simm.s32 $0x6810  }
0xb5: {  	[spmem:s2] =	stream.indirect.scatter.add.f32 [tilespmem:s12], [sflag:$0x2], $0x10, s3, s7, $0xb8;
	[tilespmem:$0x14820] =	vst v63  }
0xb6: {  	s17 =	rddreg [dreg:$0x19];
	s19 =	simm.s32 $0x6D10  }
0xb7: {  	[spmem:s2] =	stream.indirect.scatter.add.f32 [tilespmem:s19], [sflag:$0x2], $0x10, s11, s7, $0xb8;
	[tilespmem:$0x14820] =	vst v63  }
0xb8: {  	s22 =	rddreg [dreg:$0x1a];
	s23 =	simm.s32 $0x7210  }
0xb9: {  	[spmem:s2] =	stream.indirect.scatter.add.f32 [tilespmem:s23], [sflag:$0x2], $0x10, s17, s7, $0xb8;
	[tilespmem:$0x14820] =	vst v63  }
0xba: {  	s24 =	rddreg [dreg:$0x1b];
	s25 =	simm.s32 $0x7710  }
0xbb: {  	[spmem:s2] =	stream.indirect.scatter.add.f32 [tilespmem:s25], [sflag:$0x2], $0x10, s22, s7, $0xb8;
	[tilespmem:$0x14820] =	vst v63  }
0xbc: {  	s26 =	rddreg [dreg:$0x1c];
	s29 =	simm.s32 $0x7C10  }
0xbd: {  	[spmem:s2] =	stream.indirect.scatter.add.f32 [tilespmem:s29], [sflag:$0x2], $0x10, s24, s7, $0xb8;
	[tilespmem:$0x14820] =	vst v63  }
0xbe: {  	s30 =	rddreg [dreg:$0x1d];
	s31 =	simm.s32 $0x8110  }
0xbf: {  	[spmem:s2] =	stream.indirect.scatter.add.f32 [tilespmem:s31], [sflag:$0x2], $0x10, s26, s7, $0xb8;
	[tilespmem:$0x14820] =	vst v63  }
0xc0: {  	s1 =	rddreg [dreg:$0x1e];
	s3 =	simm.s32 $0x8610  }
0xc1: {  	[spmem:s2] =	stream.indirect.scatter.add.f32 [tilespmem:s3], [sflag:$0x2], $0x10, s30, s7, $0xb8;
	[tilespmem:$0x14820] =	vst v63  }
0xc2: {  	s6 =	rddreg [dreg:$0x1f];
	s11 =	simm.s32 $0x8B10  }
0xc3: {  	[spmem:s2] =	stream.indirect.scatter.add.f32 [tilespmem:s11], [sflag:$0x2], $0x10, s1, s7, $0xb8;
	[tilespmem:$0x14820] =	vst v63  }
0xc4: {  	s12 =	sld [smem:$0x795];
	s17 =	simm.s32 $0x9010  }
0xc5: {  	[spmem:s2] =	stream.indirect.scatter.add.f32 [tilespmem:s17], [sflag:$0x2], $0x10, s6, s7, $0xb8;
	[tilespmem:$0x14820] =	vst v63  }
0xc6: {  	s19 =	sld [smem:$0x796];
	s22 =	simm.s32 $0x9510  }
0xc7: {  	[spmem:s2] =	stream.indirect.scatter.add.f32 [tilespmem:s22], [sflag:$0x2], $0x10, s12, s7, $0xb8;
	[tilespmem:$0x14820] =	vst v63  }
0xc8: {  	s23 =	sld [smem:$0x797];
	s24 =	simm.s32 $0x9A10  }
0xc9: {  	[spmem:s2] =	stream.indirect.scatter.add.f32 [tilespmem:s24], [sflag:$0x2], $0x10, s19, s7, $0xb8;
	[tilespmem:$0x14820] =	vst v63  }
0xca: {  	s25 =	simm.s32 $0x9F10  }
0xcb: {  	[spmem:s2] =	stream.indirect.scatter.add.f32 [tilespmem:s25], [sflag:$0x2], $0x10, s23, s7, $0xb8;
	[tilespmem:$0x14820] =	vst v63  }
0xcc: {  	_ =	swait.ge [sflag:s15], $0x7D00  }
0xcd: {  	[sflag:s15] =	ssyncset.done $0x0  }
0xce: {  	s0 =	simm.s32 $0x1;
	[sflag:s15] =	ssyncadd.s32 $0xFFFF8300  }
0xcf: {  	_ =	swait.ge [sflag:s0], $0x7D00  }
0xd0: {  	s30 =	simm.s32 $0x2710;
	s26 =	rddreg [dreg:$0x9];
	[sflag:s0] =	ssyncset.done $0x0  }
0xd1: {  	s1 =	simm.s32 $0x0;
	s29 =	sld [smem:$0x798];
	[sflag:s0] =	ssyncadd.s32 $0xFFFF8300  }
0xd2: {  	[tilespmem:s30], [sflag:$0x1] =	stream.linear.gather [hbm4b:s26+s1], $0x7D00, $0x38;
	[tilespmem:$0x14820] =	vst v63  }
0xd3: {  	s3 =	simm.s32 $0xA410;
	s31 =	sld [smem:$0x799]  }
0xd4: {  	[spmem:s2] =	stream.indirect.scatter.add.f32 [tilespmem:s3], [sflag:$0x2], $0x10, s29, s7, $0xb8;
	[tilespmem:$0x14820] =	vst v63  }
0xd5: {  	s6 =	sld [smem:$0x79A]  }
0xd6: {  	[spmem:s2] =	stream.indirect.scatter.add.f32 [tilespmem:s18], [sflag:$0x2], $0x10, s31, s7, $0xb8;
	[tilespmem:$0x14820] =	vst v63  }
0xd7: {  	s11 =	sld [smem:$0x79B]  }
0xd8: {  	[spmem:s2] =	stream.indirect.scatter.add.f32 [tilespmem:s28], [sflag:$0x2], $0x10, s6, s7, $0xb8;
	[tilespmem:$0x14820] =	vst v63  }
0xd9: {  	s12 =	sld [smem:$0x79C]  }
0xda: {  	[spmem:s2] =	stream.indirect.scatter.add.f32 [tilespmem:s4], [sflag:$0x2], $0x10, s11, s7, $0xb8;
	[tilespmem:$0x14820] =	vst v63  }
0xdb: {  	s19 =	simm.s32 $0xB810;
	s17 =	sld [smem:$0x79D]  }
0xdc: {  	[spmem:s2] =	stream.indirect.scatter.add.f32 [tilespmem:s19], [sflag:$0x2], $0x10, s12, s7, $0xb8;
	[tilespmem:$0x14820] =	vst v63  }
0xdd: {  	s22 =	sld [smem:$0x79E];
	s18 =	simm.s32 $0xBD10  }
0xde: {  	[spmem:s2] =	stream.indirect.scatter.add.f32 [tilespmem:s18], [sflag:$0x2], $0x10, s17, s7, $0xb8;
	[tilespmem:$0x14820] =	vst v63  }
0xdf: {  	s23 =	sld [smem:$0x79F];
	s17 =	simm.s32 $0xC210  }
0xe0: {  	[spmem:s2] =	stream.indirect.scatter.add.f32 [tilespmem:s17], [sflag:$0x2], $0x10, s22, s7, $0xb8;
	[tilespmem:$0x14820] =	vst v63  }
0xe1: {  	s24 =	sld [smem:$0x7A0];
	s12 =	simm.s32 $0xC710  }
0xe2: {  	[spmem:s2] =	stream.indirect.scatter.add.f32 [tilespmem:s12], [sflag:$0x2], $0x10, s23, s7, $0xb8;
	[tilespmem:$0x14820] =	vst v63  }
0xe3: {  	s25 =	sld [smem:$0x7A1];
	s11 =	simm.s32 $0xCC10  }
0xe4: {  	[spmem:s2] =	stream.indirect.scatter.add.f32 [tilespmem:s11], [sflag:$0x2], $0x10, s24, s7, $0xb8;
	[tilespmem:$0x14820] =	vst v63  }
0xe5: {  	s26 =	sld [smem:$0x7A2];
	s29 =	simm.s32 $0xD110  }
0xe6: {  	[spmem:s2] =	stream.indirect.scatter.add.f32 [tilespmem:s29], [sflag:$0x2], $0x10, s25, s7, $0xb8;
	[tilespmem:$0x14820] =	vst v63  }
0xe7: {  	s31 =	sld [smem:$0x7A3];
	s22 =	simm.s32 $0xD610  }
0xe8: {  	[spmem:s2] =	stream.indirect.scatter.add.f32 [tilespmem:s22], [sflag:$0x2], $0x10, s26, s7, $0xb8;
	[tilespmem:$0x14820] =	vst v63  }
0xe9: {  	s23 =	sld [smem:$0x7A4];
	s24 =	simm.s32 $0xDB10  }
0xea: {  	[spmem:s2] =	stream.indirect.scatter.add.f32 [tilespmem:s24], [sflag:$0x2], $0x10, s31, s7, $0xb8;
	[tilespmem:$0x14820] =	vst v63  }
0xeb: {  	s25 =	sld [smem:$0x7A5];
	s26 =	simm.s32 $0xE010  }
0xec: {  	[spmem:s2] =	stream.indirect.scatter.add.f32 [tilespmem:s26], [sflag:$0x2], $0x10, s23, s7, $0xb8;
	[tilespmem:$0x14820] =	vst v63  }
0xed: {  	s29 =	sld [smem:$0x7A6];
	s22 =	simm.s32 $0xE510  }
0xee: {  	[spmem:s2] =	stream.indirect.scatter.add.f32 [tilespmem:s22], [sflag:$0x2], $0x10, s25, s7, $0xb8;
	[tilespmem:$0x14820] =	vst v63  }
0xef: {  	s31 =	sld [smem:$0x7A7];
	s26 =	simm.s32 $0xEA10  }
0xf0: {  	[spmem:s2] =	stream.indirect.scatter.add.f32 [tilespmem:s26], [sflag:$0x2], $0x10, s29, s7, $0xb8;
	[tilespmem:$0x14820] =	vst v63  }
0xf1: {  	s21 =	simm.s32 $0xEF10;
	s6 =	sld [smem:$0x7A8]  }
0xf2: {  	[spmem:s2] =	stream.indirect.scatter.add.f32 [tilespmem:s21], [sflag:$0x2], $0x10, s31, s7, $0xb8;
	[tilespmem:$0x14820] =	vst v63  }
0xf3: {  	s21 =	sld [smem:$0x7A9]  }
0xf4: {  	[spmem:s2] =	stream.indirect.scatter.add.f32 [tilespmem:s20], [sflag:$0x2], $0x10, s6, s7, $0xb8;
	[tilespmem:$0x14820] =	vst v63  }
0xf5: {  	s23 =	sld [smem:$0x7AA]  }
0xf6: {  	[spmem:s2] =	stream.indirect.scatter.add.f32 [tilespmem:s16], [sflag:$0x2], $0x10, s21, s7, $0xb8;
	[tilespmem:$0x14820] =	vst v63  }
0xf7: {  	s24 =	simm.s32 $0xFE10;
	s25 =	sld [smem:$0x7AB]  }
0xf8: {  	[spmem:s2] =	stream.indirect.scatter.add.f32 [tilespmem:s24], [sflag:$0x2], $0x10, s23, s7, $0xb8;
	[tilespmem:$0x14820] =	vst v63  }
0xf9: {  	s29 =	sld [smem:$0x7AC];
	s23 =	simm.s32 $0x10310  }
0xfa: {  	[spmem:s2] =	stream.indirect.scatter.add.f32 [tilespmem:s23], [sflag:$0x2], $0x10, s25, s7, $0xb8;
	[tilespmem:$0x14820] =	vst v63  }
0xfb: {  	s31 =	sld [smem:$0x7AD];
	s21 =	simm.s32 $0x10810  }
0xfc: {  	[spmem:s2] =	stream.indirect.scatter.add.f32 [tilespmem:s21], [sflag:$0x2], $0x10, s29, s7, $0xb8;
	[tilespmem:$0x14820] =	vst v63  }
0xfd: {  	s6 =	sld [smem:$0x7AE];
	s20 =	simm.s32 $0x10D10  }
0xfe: {  	[spmem:s2] =	stream.indirect.scatter.add.f32 [tilespmem:s20], [sflag:$0x2], $0x10, s31, s7, $0xb8;
	[tilespmem:$0x14820] =	vst v63  }
0xff: {  	s25 =	sld [smem:$0x7AF];
	s31 =	simm.s32 $0x11210  }
0x100: {  	[spmem:s2] =	stream.indirect.scatter.add.f32 [tilespmem:s31], [sflag:$0x2], $0x10, s6, s7, $0xb8;
	[tilespmem:$0x14820] =	vst v63  }
0x101: {  	s29 =	simm.s32 $0x11710;
	s6 =	sld [smem:$0x7B0]  }
0x102: {  	[spmem:s2] =	stream.indirect.scatter.add.f32 [tilespmem:s29], [sflag:$0x2], $0x10, s25, s7, $0xb8;
	[tilespmem:$0x14820] =	vst v63  }
0x103: {  	s25 =	simm.s32 $0x11C10  }
0x104: {  	[spmem:s2] =	stream.indirect.scatter.add.f32 [tilespmem:s25], [sflag:$0x2], $0x10, s6, s7, $0xb8;
	[tilespmem:$0x14820] =	vst v63  }
0x105: {  	_ =	swait.ge [sflag:s15], $0x7D00  }
0x106: {  	[sflag:s15] =	ssyncset.done $0x0  }
0x107: {  	[sflag:s15] =	ssyncadd.s32 $0xFFFF8300  }
0x108: {  	_ =	swait.ge [sflag:s0], $0x7D00  }
0x109: {  	s14 =	rddreg [dreg:$0xa];
	[sflag:s0] =	ssyncset.done $0x0  }
0x10a: {  	s6 =	sld [smem:$0x7B1];
	[sflag:s0] =	ssyncadd.s32 $0xFFFF8300  }
0x10b: {  	[tilespmem:s3], [sflag:$0x1] =	stream.linear.gather [hbm4b:s14+s1], $0x7D00, $0x38;
	[tilespmem:$0x14820] =	vst v63  }
0x10c: {  	s13 =	sld [smem:$0x7B2]  }
0x10d: {  	[spmem:s2] =	stream.indirect.scatter.add.f32 [tilespmem:s30], [sflag:$0x2], $0x10, s6, s7, $0xb8;
	[tilespmem:$0x14820] =	vst v63  }
0x10e: {  	s8 =	simm.s32 $0x2C10;
	s6 =	sld [smem:$0x7B3]  }
0x10f: {  	[spmem:s2] =	stream.indirect.scatter.add.f32 [tilespmem:s8], [sflag:$0x2], $0x10, s13, s7, $0xb8;
	[tilespmem:$0x14820] =	vst v63  }
0x110: {  	s9 =	simm.s32 $0x3110;
	s8 =	sld [smem:$0x7B4]  }
0x111: {  	[spmem:s2] =	stream.indirect.scatter.add.f32 [tilespmem:s9], [sflag:$0x2], $0x10, s6, s7, $0xb8;
	[tilespmem:$0x14820] =	vst v63  }
0x112: {  	s10 =	simm.s32 $0x3610;
	s9 =	sld [smem:$0x7B5]  }
0x113: {  	[spmem:s2] =	stream.indirect.scatter.add.f32 [tilespmem:s10], [sflag:$0x2], $0x10, s8, s7, $0xb8;
	[tilespmem:$0x14820] =	vst v63  }
0x114: {  	s10 =	sld [smem:$0x7B6];
	s8 =	simm.s32 $0x3B10  }
0x115: {  	[spmem:s2] =	stream.indirect.scatter.add.f32 [tilespmem:s8], [sflag:$0x2], $0x10, s9, s7, $0xb8;
	[tilespmem:$0x14820] =	vst v63  }
0x116: {  	s14 =	sld [smem:$0x7B7];
	s9 =	simm.s32 $0x4010  }
0x117: {  	[spmem:s2] =	stream.indirect.scatter.add.f32 [tilespmem:s9], [sflag:$0x2], $0x10, s10, s7, $0xb8;
	[tilespmem:$0x14820] =	vst v63  }
0x118: {  	s8 =	simm.s32 $0x4510;
	s10 =	sld [smem:$0x7B8]  }
0x119: {  	[spmem:s2] =	stream.indirect.scatter.add.f32 [tilespmem:s8], [sflag:$0x2], $0x10, s14, s7, $0xb8;
	[tilespmem:$0x14820] =	vst v63  }
0x11a: {  	s9 =	simm.s32 $0x4A10;
	s14 =	sld [smem:$0x7B9]  }
0x11b: {  	[spmem:s2] =	stream.indirect.scatter.add.f32 [tilespmem:s9], [sflag:$0x2], $0x10, s10, s7, $0xb8;
	[tilespmem:$0x14820] =	vst v63  }
0x11c: {  	s8 =	simm.s32 $0x4F10;
	s10 =	sld [smem:$0x7BA]  }
0x11d: {  	[spmem:s2] =	stream.indirect.scatter.add.f32 [tilespmem:s8], [sflag:$0x2], $0x10, s14, s7, $0xb8;
	[tilespmem:$0x14820] =	vst v63  }
0x11e: {  	s9 =	simm.s32 $0x5410;
	s14 =	sld [smem:$0x7BB]  }
0x11f: {  	[spmem:s2] =	stream.indirect.scatter.add.f32 [tilespmem:s9], [sflag:$0x2], $0x10, s10, s7, $0xb8;
	[tilespmem:$0x14820] =	vst v63  }
0x120: {  	s8 =	simm.s32 $0x5910;
	s10 =	sld [smem:$0x7BC]  }
0x121: {  	[spmem:s2] =	stream.indirect.scatter.add.f32 [tilespmem:s8], [sflag:$0x2], $0x10, s14, s7, $0xb8;
	[tilespmem:$0x14820] =	vst v63  }
0x122: {  	s9 =	simm.s32 $0x5E10;
	s14 =	sld [smem:$0x7BD]  }
0x123: {  	[spmem:s2] =	stream.indirect.scatter.add.f32 [tilespmem:s9], [sflag:$0x2], $0x10, s10, s7, $0xb8;
	[tilespmem:$0x14820] =	vst v63  }
0x124: {  	s8 =	simm.s32 $0x6310;
	s10 =	sld [smem:$0x7BE]  }
0x125: {  	[spmem:s2] =	stream.indirect.scatter.add.f32 [tilespmem:s8], [sflag:$0x2], $0x10, s14, s7, $0xb8;
	[tilespmem:$0x14820] =	vst v63  }
0x126: {  	s9 =	simm.s32 $0x6810;
	s14 =	sld [smem:$0x7BF]  }
0x127: {  	[spmem:s2] =	stream.indirect.scatter.add.f32 [tilespmem:s9], [sflag:$0x2], $0x10, s10, s7, $0xb8;
	[tilespmem:$0x14820] =	vst v63  }
0x128: {  	s8 =	simm.s32 $0x6D10;
	s10 =	sld [smem:$0x7C0]  }
0x129: {  	[spmem:s2] =	stream.indirect.scatter.add.f32 [tilespmem:s8], [sflag:$0x2], $0x10, s14, s7, $0xb8;
	[tilespmem:$0x14820] =	vst v63  }
0x12a: {  	s6 =	simm.s32 $0x7210;
	s9 =	sld [smem:$0x7C1]  }
0x12b: {  	[spmem:s2] =	stream.indirect.scatter.add.f32 [tilespmem:s6], [sflag:$0x2], $0x10, s10, s7, $0xb8;
	[tilespmem:$0x14820] =	vst v63  }
0x12c: {  	s13 =	sld [smem:$0x7C2];
	s10 =	simm.s32 $0x7710  }
0x12d: {  	[spmem:s2] =	stream.indirect.scatter.add.f32 [tilespmem:s10], [sflag:$0x2], $0x10, s9, s7, $0xb8;
	[tilespmem:$0x14820] =	vst v63  }
0x12e: {  	s8 =	simm.s32 $0x7C10;
	s9 =	sld [smem:$0x7C3]  }
0x12f: {  	[spmem:s2] =	stream.indirect.scatter.add.f32 [tilespmem:s8], [sflag:$0x2], $0x10, s13, s7, $0xb8;
	[tilespmem:$0x14820] =	vst v63  }
0x130: {  	s10 =	simm.s32 $0x8110;
	s13 =	sld [smem:$0x7C4]  }
0x131: {  	[spmem:s2] =	stream.indirect.scatter.add.f32 [tilespmem:s10], [sflag:$0x2], $0x10, s9, s7, $0xb8;
	[tilespmem:$0x14820] =	vst v63  }
0x132: {  	s14 =	sld [smem:$0x7C5];
	s9 =	simm.s32 $0x8610  }
0x133: {  	[spmem:s2] =	stream.indirect.scatter.add.f32 [tilespmem:s9], [sflag:$0x2], $0x10, s13, s7, $0xb8;
	[tilespmem:$0x14820] =	vst v63  }
0x134: {  	s10 =	simm.s32 $0x8B10;
	s13 =	sld [smem:$0x7C6]  }
0x135: {  	[spmem:s2] =	stream.indirect.scatter.add.f32 [tilespmem:s10], [sflag:$0x2], $0x10, s14, s7, $0xb8;
	[tilespmem:$0x14820] =	vst v63  }
0x136: {  	s14 =	sld [smem:$0x7C7];
	s10 =	simm.s32 $0x9010  }
0x137: {  	[spmem:s2] =	stream.indirect.scatter.add.f32 [tilespmem:s10], [sflag:$0x2], $0x10, s13, s7, $0xb8;
	[tilespmem:$0x14820] =	vst v63  }
0x138: {  	s13 =	sld [smem:$0x7C8];
	s10 =	simm.s32 $0x9510  }
0x139: {  	[spmem:s2] =	stream.indirect.scatter.add.f32 [tilespmem:s10], [sflag:$0x2], $0x10, s14, s7, $0xb8;
	[tilespmem:$0x14820] =	vst v63  }
0x13a: {  	s14 =	sld [smem:$0x7C9];
	s10 =	simm.s32 $0x9A10  }
0x13b: {  	[spmem:s2] =	stream.indirect.scatter.add.f32 [tilespmem:s10], [sflag:$0x2], $0x10, s13, s7, $0xb8;
	[tilespmem:$0x14820] =	vst v63  }
0x13c: {  	s13 =	simm.s32 $0x9F10  }
0x13d: {  	[spmem:s2] =	stream.indirect.scatter.add.f32 [tilespmem:s13], [sflag:$0x2], $0x10, s14, s7, $0xb8;
	[tilespmem:$0x14820] =	vst v63  }
0x13e: {  	_ =	swait.ge [sflag:s15], $0x7D00  }
0x13f: {  	[sflag:s15] =	ssyncset.done $0x0  }
0x140: {  	[sflag:s15] =	ssyncadd.s32 $0xFFFF8300  }
0x141: {  	_ =	swait.ge [sflag:s0], $0x7D00  }
0x142: {  	s13 =	rddreg [dreg:$0xb];
	[sflag:s0] =	ssyncset.done $0x0  }
0x143: {  	s14 =	sld [smem:$0x7CA];
	[sflag:s0] =	ssyncadd.s32 $0xFFFF8300  }
0x144: {  	[tilespmem:s30], [sflag:$0x1] =	stream.linear.gather [hbm4b:s13+s1], $0x7D00, $0x38;
	[tilespmem:$0x14820] =	vst v63  }
0x145: {  	s1 =	sld [smem:$0x7CB]  }
0x146: {  	[spmem:s2] =	stream.indirect.scatter.add.f32 [tilespmem:s3], [sflag:$0x2], $0x10, s14, s7, $0xb8;
	[tilespmem:$0x14820] =	vst v63  }
0x147: {  	s14 =	sld [smem:$0x7CC];
	s3 =	simm.s32 $0xA910  }
0x148: {  	[spmem:s2] =	stream.indirect.scatter.add.f32 [tilespmem:s3], [sflag:$0x2], $0x10, s1, s7, $0xb8;
	[tilespmem:$0x14820] =	vst v63  }
0x149: {  	s3 =	sld [smem:$0x7CD]  }
0x14a: {  	[spmem:s2] =	stream.indirect.scatter.add.f32 [tilespmem:s28], [sflag:$0x2], $0x10, s14, s7, $0xb8;
	[tilespmem:$0x14820] =	vst v63  }
0x14b: {  	s28 =	sld [smem:$0x7CE]  }
0x14c: {  	[spmem:s2] =	stream.indirect.scatter.add.f32 [tilespmem:s4], [sflag:$0x2], $0x10, s3, s7, $0xb8;
	[tilespmem:$0x14820] =	vst v63  }
0x14d: {  	s1 =	sld [smem:$0x7CF]  }
0x14e: {  	[spmem:s2] =	stream.indirect.scatter.add.f32 [tilespmem:s19], [sflag:$0x2], $0x10, s28, s7, $0xb8;
	[tilespmem:$0x14820] =	vst v63  }
0x14f: {  	s3 =	sld [smem:$0x7D0]  }
0x150: {  	[spmem:s2] =	stream.indirect.scatter.add.f32 [tilespmem:s18], [sflag:$0x2], $0x10, s1, s7, $0xb8;
	[tilespmem:$0x14820] =	vst v63  }
0x151: {  	s4 =	sld [smem:$0x7D1]  }
0x152: {  	[spmem:s2] =	stream.indirect.scatter.add.f32 [tilespmem:s17], [sflag:$0x2], $0x10, s3, s7, $0xb8;
	[tilespmem:$0x14820] =	vst v63  }
0x153: {  	s17 =	sld [smem:$0x7D2]  }
0x154: {  	[spmem:s2] =	stream.indirect.scatter.add.f32 [tilespmem:s12], [sflag:$0x2], $0x10, s4, s7, $0xb8;
	[tilespmem:$0x14820] =	vst v63  }
0x155: {  	s18 =	sld [smem:$0x7D3]  }
0x156: {  	[spmem:s2] =	stream.indirect.scatter.add.f32 [tilespmem:s11], [sflag:$0x2], $0x10, s17, s7, $0xb8;
	[tilespmem:$0x14820] =	vst v63  }
0x157: {  	s19 =	sld [smem:$0x7D4];
	s28 =	simm.s32 $0xD110  }
0x158: {  	[spmem:s2] =	stream.indirect.scatter.add.f32 [tilespmem:s28], [sflag:$0x2], $0x10, s18, s7, $0xb8;
	[tilespmem:$0x14820] =	vst v63  }
0x159: {  	s3 =	sld [smem:$0x7D5];
	s4 =	simm.s32 $0xD610  }
0x15a: {  	[spmem:s2] =	stream.indirect.scatter.add.f32 [tilespmem:s4], [sflag:$0x2], $0x10, s19, s7, $0xb8;
	[tilespmem:$0x14820] =	vst v63  }
0x15b: {  	s12 =	simm.s32 $0xDB10;
	s11 =	sld [smem:$0x7D6]  }
0x15c: {  	[spmem:s2] =	stream.indirect.scatter.add.f32 [tilespmem:s12], [sflag:$0x2], $0x10, s3, s7, $0xb8;
	[tilespmem:$0x14820] =	vst v63  }
0x15d: {  	s17 =	sld [smem:$0x7D7];
	s18 =	simm.s32 $0xE010  }
0x15e: {  	[spmem:s2] =	stream.indirect.scatter.add.f32 [tilespmem:s18], [sflag:$0x2], $0x10, s11, s7, $0xb8;
	[tilespmem:$0x14820] =	vst v63  }
0x15f: {  	s19 =	sld [smem:$0x7D8]  }
0x160: {  	[spmem:s2] =	stream.indirect.scatter.add.f32 [tilespmem:s22], [sflag:$0x2], $0x10, s17, s7, $0xb8;
	[tilespmem:$0x14820] =	vst v63  }
0x161: {  	s22 =	sld [smem:$0x7D9]  }
0x162: {  	[spmem:s2] =	stream.indirect.scatter.add.f32 [tilespmem:s26], [sflag:$0x2], $0x10, s19, s7, $0xb8;
	[tilespmem:$0x14820] =	vst v63  }
0x163: {  	s28 =	simm.s32 $0xEF10;
	s26 =	sld [smem:$0x7DA]  }
0x164: {  	[spmem:s2] =	stream.indirect.scatter.add.f32 [tilespmem:s28], [sflag:$0x2], $0x10, s22, s7, $0xb8;
	[tilespmem:$0x14820] =	vst v63  }
0x165: {  	s4 =	simm.s32 $0xF410;
	s3 =	sld [smem:$0x7DB]  }
0x166: {  	[spmem:s2] =	stream.indirect.scatter.add.f32 [tilespmem:s4], [sflag:$0x2], $0x10, s26, s7, $0xb8;
	[tilespmem:$0x14820] =	vst v63  }
0x167: {  	s11 =	sld [smem:$0x7DC]  }
0x168: {  	[spmem:s2] =	stream.indirect.scatter.add.f32 [tilespmem:s16], [sflag:$0x2], $0x10, s3, s7, $0xb8;
	[tilespmem:$0x14820] =	vst v63  }
0x169: {  	s12 =	sld [smem:$0x7DD]  }
0x16a: {  	[spmem:s2] =	stream.indirect.scatter.add.f32 [tilespmem:s24], [sflag:$0x2], $0x10, s11, s7, $0xb8;
	[tilespmem:$0x14820] =	vst v63  }
0x16b: {  	s16 =	sld [smem:$0x7DE]  }
0x16c: {  	[spmem:s2] =	stream.indirect.scatter.add.f32 [tilespmem:s23], [sflag:$0x2], $0x10, s12, s7, $0xb8;
	[tilespmem:$0x14820] =	vst v63  }
0x16d: {  	s17 =	sld [smem:$0x7DF]  }
0x16e: {  	[spmem:s2] =	stream.indirect.scatter.add.f32 [tilespmem:s21], [sflag:$0x2], $0x10, s16, s7, $0xb8;
	[tilespmem:$0x14820] =	vst v63  }
0x16f: {  	s18 =	sld [smem:$0x7E0]  }
0x170: {  	[spmem:s2] =	stream.indirect.scatter.add.f32 [tilespmem:s20], [sflag:$0x2], $0x10, s17, s7, $0xb8;
	[tilespmem:$0x14820] =	vst v63  }
0x171: {  	s19 =	sld [smem:$0x7E1]  }
0x172: {  	[spmem:s2] =	stream.indirect.scatter.add.f32 [tilespmem:s31], [sflag:$0x2], $0x10, s18, s7, $0xb8;
	[tilespmem:$0x14820] =	vst v63  }
0x173: {  	s20 =	sld [smem:$0x7E2]  }
0x174: {  	[spmem:s2] =	stream.indirect.scatter.add.f32 [tilespmem:s29], [sflag:$0x2], $0x10, s19, s7, $0xb8;
	[tilespmem:$0x14820] =	vst v63  }
0x175: {  	_ = 	snop  }
0x176: {  	[spmem:s2] =	stream.indirect.scatter.add.f32 [tilespmem:s25], [sflag:$0x2], $0x10, s20, s7, $0xb8;
	[tilespmem:$0x14820] =	vst v63  }
0x177: {  	_ =	swait.ge [sflag:s15], $0x7D00  }
0x178: {  	[sflag:s15] =	ssyncset.done $0x0  }
0x179: {  	[sflag:s15] =	ssyncadd.s32 $0xFFFF8300  }
0x17a: {  	_ =	swait.ge [sflag:s0], $0x7D00  }
0x17b: {  	s21 =	sld [smem:$0x7E3]  }
0x17c: {  	[sflag:s0] =	ssyncset.done $0x0  }
0x17d: {  	s22 =	sld [smem:$0x7E4];
	[sflag:s0] =	ssyncadd.s32 $0xFFFF8300  }
0x17e: {  	[spmem:s2] =	stream.indirect.scatter.add.f32 [tilespmem:s30], [sflag:$0x2], $0x10, s21, s7, $0xb8;
	[tilespmem:$0x14820] =	vst v63  }
0x17f: {  	s24 =	simm.s32 $0x2C10;
	s23 =	sld [smem:$0x7E5]  }
0x180: {  	[spmem:s2] =	stream.indirect.scatter.add.f32 [tilespmem:s24], [sflag:$0x2], $0x10, s22, s7, $0xb8;
	[tilespmem:$0x14820] =	vst v63  }
0x181: {  	s26 =	simm.s32 $0x3110;
	s25 =	sld [smem:$0x7E6]  }
0x182: {  	[spmem:s2] =	stream.indirect.scatter.add.f32 [tilespmem:s26], [sflag:$0x2], $0x10, s23, s7, $0xb8;
	[tilespmem:$0x14820] =	vst v63  }
0x183: {  	s29 =	simm.s32 $0x3610;
	s28 =	sld [smem:$0x7E7]  }
0x184: {  	[spmem:s2] =	stream.indirect.scatter.add.f32 [tilespmem:s29], [sflag:$0x2], $0x10, s25, s7, $0xb8;
	[tilespmem:$0x14820] =	vst v63  }
0x185: {  	s31 =	simm.s32 $0x3B10;
	s30 =	sld [smem:$0x7E8]  }
0x186: {  	[spmem:s2] =	stream.indirect.scatter.add.f32 [tilespmem:s31], [sflag:$0x2], $0x10, s28, s7, $0xb8;
	[tilespmem:$0x14820] =	vst v63  }
0x187: {  	s4 =	simm.s32 $0x4010;
	s3 =	sld [smem:$0x7E9]  }
0x188: {  	[spmem:s2] =	stream.indirect.scatter.add.f32 [tilespmem:s4], [sflag:$0x2], $0x10, s30, s7, $0xb8;
	[tilespmem:$0x14820] =	vst v63  }
0x189: {  	s12 =	simm.s32 $0x4510;
	s11 =	sld [smem:$0x7EA]  }
0x18a: {  	[spmem:s2] =	stream.indirect.scatter.add.f32 [tilespmem:s12], [sflag:$0x2], $0x10, s3, s7, $0xb8;
	[tilespmem:$0x14820] =	vst v63  }
0x18b: {  	s17 =	simm.s32 $0x4A10;
	s16 =	sld [smem:$0x7EB]  }
0x18c: {  	[spmem:s2] =	stream.indirect.scatter.add.f32 [tilespmem:s17], [sflag:$0x2], $0x10, s11, s7, $0xb8;
	[tilespmem:$0x14820] =	vst v63  }
0x18d: {  	s19 =	simm.s32 $0x4F10;
	s18 =	sld [smem:$0x7EC]  }
0x18e: {  	[spmem:s2] =	stream.indirect.scatter.add.f32 [tilespmem:s19], [sflag:$0x2], $0x10, s16, s7, $0xb8;
	[tilespmem:$0x14820] =	vst v63  }
0x18f: {  	s20 =	sld [smem:$0x7ED];
	s21 =	simm.s32 $0x5410  }
0x190: {  	[spmem:s2] =	stream.indirect.scatter.add.f32 [tilespmem:s21], [sflag:$0x2], $0x10, s18, s7, $0xb8;
	[tilespmem:$0x14820] =	vst v63  }
0x191: {  	s22 =	sld [smem:$0x7EE];
	s23 =	simm.s32 $0x5910  }
0x192: {  	[spmem:s2] =	stream.indirect.scatter.add.f32 [tilespmem:s23], [sflag:$0x2], $0x10, s20, s7, $0xb8;
	[tilespmem:$0x14820] =	vst v63  }
0x193: {  	s24 =	sld [smem:$0x7EF];
	s25 =	simm.s32 $0x5E10  }
0x194: {  	[spmem:s2] =	stream.indirect.scatter.add.f32 [tilespmem:s25], [sflag:$0x2], $0x10, s22, s7, $0xb8;
	[tilespmem:$0x14820] =	vst v63  }
0x195: {  	s26 =	sld [smem:$0x7F0];
	s28 =	simm.s32 $0x6310  }
0x196: {  	[spmem:s2] =	stream.indirect.scatter.add.f32 [tilespmem:s28], [sflag:$0x2], $0x10, s24, s7, $0xb8;
	[tilespmem:$0x14820] =	vst v63  }
0x197: {  	s29 =	sld [smem:$0x7F1];
	s30 =	simm.s32 $0x6810  }
0x198: {  	[spmem:s2] =	stream.indirect.scatter.add.f32 [tilespmem:s30], [sflag:$0x2], $0x10, s26, s7, $0xb8;
	[tilespmem:$0x14820] =	vst v63  }
0x199: {  	s31 =	sld [smem:$0x7F2];
	s3 =	simm.s32 $0x6D10  }
0x19a: {  	[spmem:s2] =	stream.indirect.scatter.add.f32 [tilespmem:s3], [sflag:$0x2], $0x10, s29, s7, $0xb8;
	[tilespmem:$0x14820] =	vst v63  }
0x19b: {  	s4 =	sld [smem:$0x7F3]  }
0x19c: {  	[spmem:s2] =	stream.indirect.scatter.add.f32 [tilespmem:s6], [sflag:$0x2], $0x10, s31, s7, $0xb8;
	[tilespmem:$0x14820] =	vst v63  }
0x19d: {  	s11 =	simm.s32 $0x7710;
	s6 =	sld [smem:$0x7F4]  }
0x19e: {  	[spmem:s2] =	stream.indirect.scatter.add.f32 [tilespmem:s11], [sflag:$0x2], $0x10, s4, s7, $0xb8;
	[tilespmem:$0x14820] =	vst v63  }
0x19f: {  	s12 =	sld [smem:$0x7F5]  }
0x1a0: {  	[spmem:s2] =	stream.indirect.scatter.add.f32 [tilespmem:s8], [sflag:$0x2], $0x10, s6, s7, $0xb8;
	[tilespmem:$0x14820] =	vst v63  }
0x1a1: {  	s17 =	simm.s32 $0x8110;
	s16 =	sld [smem:$0x7F6]  }
0x1a2: {  	[spmem:s2] =	stream.indirect.scatter.add.f32 [tilespmem:s17], [sflag:$0x2], $0x10, s12, s7, $0xb8;
	[tilespmem:$0x14820] =	vst v63  }
0x1a3: {  	s18 =	sld [smem:$0x7F7]  }
0x1a4: {  	[spmem:s2] =	stream.indirect.scatter.add.f32 [tilespmem:s9], [sflag:$0x2], $0x10, s16, s7, $0xb8;
	[tilespmem:$0x14820] =	vst v63  }
0x1a5: {  	s19 =	sld [smem:$0x7F8];
	s20 =	simm.s32 $0x8B10  }
0x1a6: {  	[spmem:s2] =	stream.indirect.scatter.add.f32 [tilespmem:s20], [sflag:$0x2], $0x10, s18, s7, $0xb8;
	[tilespmem:$0x14820] =	vst v63  }
0x1a7: {  	s21 =	sld [smem:$0x7F9];
	s22 =	simm.s32 $0x9010  }
0x1a8: {  	[spmem:s2] =	stream.indirect.scatter.add.f32 [tilespmem:s22], [sflag:$0x2], $0x10, s19, s7, $0xb8;
	[tilespmem:$0x14820] =	vst v63  }
0x1a9: {  	s23 =	sld [smem:$0x7FA];
	s24 =	simm.s32 $0x9510  }
0x1aa: {  	[spmem:s2] =	stream.indirect.scatter.add.f32 [tilespmem:s24], [sflag:$0x2], $0x10, s21, s7, $0xb8;
	[tilespmem:$0x14820] =	vst v63  }
0x1ab: {  	s25 =	sld [smem:$0x7FB]  }
0x1ac: {  	[spmem:s2] =	stream.indirect.scatter.add.f32 [tilespmem:s10], [sflag:$0x2], $0x10, s23, s7, $0xb8;
	[tilespmem:$0x14820] =	vst v63  }
0x1ad: {  	s26 =	simm.s32 $0x9F10  }
0x1ae: {  	[spmem:s2] =	stream.indirect.scatter.add.f32 [tilespmem:s26], [sflag:$0x2], $0x10, s25, s7, $0xb8;
	[tilespmem:$0x14820] =	vst v63  }
0x1af: {  	_ =	swait.ge [sflag:s15], $0x7D00  }
0x1b0: {  	[sflag:s15] =	ssyncset.done $0x0  }
0x1b1: {  	[sflag:s15] =	ssyncadd.s32 $0xFFFF8300  }
0x1b2: {  	[bflag:$0x0] =	sbarrier.arrive $0xFFFF  }
0x1b3: {  	s29 =	sld [smem:$0x7FC]  }
0x1b4: {  	p1 =	sne.s32 s5, $0x1;
	s30 =	sld [smem:$0x7FD]  }
.Ltmp1:
0x1b5: {  	_ = 	snop;
	(pc) =	sbr.rel @!p1 .LBB2_6-.Ltmp1, $4  }
0x1b6: {  	s31 =	simm.s32 $0x3;
	s28 =	rddreg [dreg:$0x7]  }
0x1b7: {  	[hbm:s28], [sflag:s29] =	dma.local [spmem:s30], $0x4E2  }
0x1b8: {  	p0 =	por $0x1, $0x1;
	_ =	swait.ge [sflag:s31], $0x4E2  }
0x1b9: {  	s13 =	sadd.s32 $0xFFFFFFFF, s5;
	s14 =	rddreg [dreg:$0x4];
	[sflag:s31] =	ssyncset.done $0x0  }
0x1ba: {  	s9 =	simm.s32 $0x3;
	s31 =	simm.s32 $0x0;
	s30 =	simm.s32 $0x2710  }
0x1bb: {  	s29 =	simm.s32 $0xA410;
	s21 =	simm.s32 $0xB310;
	s28 =	simm.s32 $0xEF10  }
0x1bc: {  	s25 =	simm.s32 $0xFE10;
	s24 =	simm.s32 $0x10310;
	s23 =	simm.s32 $0x10810  }
0x1bd: {  	s20 =	simm.s32 $0x10D10;
	s19 =	simm.s32 $0x11210;
	s26 =	simm.s32 $0x11C10  }
.LBB2_3:
0x1be: {  	s1 =	sld [smem:$0x7FC]  }
0x1bf: {  	s3 =	sld [smem:$0x7FD];
	_ =	sdelay $0x1  }
0x1c0: {  	[sflag:s9] =	ssyncadd.s32 $0xFFFFFB1E  }
0x1c1: {  	[spmem:s3], [sflag:s1] =	dma.local [hbm:s14], $0x4E2  }
0x1c2: {  	_ =	swait.ge [sflag:s9], $0x4E2  }
0x1c3: {  	[sflag:s9] =	ssyncset.done $0x0  }
0x1c4: {  	s12 =	rddreg [dreg:$0x5];
	[sflag:s9] =	ssyncadd.s32 $0xFFFFFB1E  }
0x1c5: {  	[tilespmem:s31], [sflag:$0x3] =	stream.linear.gather [hbm4b:s12+s31], $0x2710, $0x38;
	[tilespmem:$0x14820] =	vst v63  }
0x1c6: {  	_ =	swait.ge [sflag:s9], $0x2710  }
0x1c7: {  	[sflag:s9] =	ssyncset.done $0x0  }
0x1c8: {  	[sflag:s9] =	ssyncadd.s32 $0xFFFFD8F0  }
0x1c9: {  	[bflag:$0x0] =	sbarrier.arrive $0xFFFF  }
0x1ca: {  	s16 =	rddreg [dreg:$0x6]  }
0x1cb: {  	[tilespmem:s30], [sflag:$0x1] =	stream.linear.gather [hbm4b:s16+s31], $0x7D00, $0x38;
	[tilespmem:$0x14820] =	vst v63  }
0x1cc: {  	_ =	swait.ge [sflag:s0], $0x7D00  }
0x1cd: {  	[sflag:s0] =	ssyncset.done $0x0  }
0x1ce: {  	s17 =	rddreg [dreg:$0x8];
	[sflag:s0] =	ssyncadd.s32 $0xFFFF8300  }
0x1cf: {  	[tilespmem:s29], [sflag:$0x1] =	stream.linear.gather [hbm4b:s17+s31], $0x7D00, $0x38;
	[tilespmem:$0x14820] =	vst v63  }
0x1d0: {  	_ = 	snop  }
0x1d1: {  	[spmem:s2] =	stream.indirect.scatter.add.f32 [tilespmem:s30], [sflag:$0x2], $0x10, s31, s7, $0xb8;
	[tilespmem:$0x14820] =	vst v63  }
0x1d2: {  	s22 =	simm.s32 $0x2C10;
	s18 =	rddreg [dreg:$0xc]  }
0x1d3: {  	[spmem:s2] =	stream.indirect.scatter.add.f32 [tilespmem:s22], [sflag:$0x2], $0x10, s7, s7, $0xb8;
	[tilespmem:$0x14820] =	vst v63  }
0x1d4: {  	s3 =	simm.s32 $0x3110;
	s16 =	rddreg [dreg:$0xd]  }
0x1d5: {  	[spmem:s2] =	stream.indirect.scatter.add.f32 [tilespmem:s3], [sflag:$0x2], $0x10, s18, s7, $0xb8;
	[tilespmem:$0x14820] =	vst v63  }
0x1d6: {  	s10 =	simm.s32 $0x3610;
	s4 =	rddreg [dreg:$0xe]  }
0x1d7: {  	[spmem:s2] =	stream.indirect.scatter.add.f32 [tilespmem:s10], [sflag:$0x2], $0x10, s16, s7, $0xb8;
	[tilespmem:$0x14820] =	vst v63  }
0x1d8: {  	s12 =	simm.s32 $0x3B10;
	s11 =	rddreg [dreg:$0xf]  }
0x1d9: {  	[spmem:s2] =	stream.indirect.scatter.add.f32 [tilespmem:s12], [sflag:$0x2], $0x10, s4, s7, $0xb8;
	[tilespmem:$0x14820] =	vst v63  }
0x1da: {  	s17 =	rddreg [dreg:$0x10];
	s18 =	simm.s32 $0x4010  }
0x1db: {  	[spmem:s2] =	stream.indirect.scatter.add.f32 [tilespmem:s18], [sflag:$0x2], $0x10, s11, s7, $0xb8;
	[tilespmem:$0x14820] =	vst v63  }
0x1dc: {  	s22 =	rddreg [dreg:$0x11];
	s10 =	simm.s32 $0x4510  }
0x1dd: {  	[spmem:s2] =	stream.indirect.scatter.add.f32 [tilespmem:s10], [sflag:$0x2], $0x10, s17, s7, $0xb8;
	[tilespmem:$0x14820] =	vst v63  }
0x1de: {  	s12 =	simm.s32 $0x4A10;
	s11 =	rddreg [dreg:$0x12]  }
0x1df: {  	[spmem:s2] =	stream.indirect.scatter.add.f32 [tilespmem:s12], [sflag:$0x2], $0x10, s22, s7, $0xb8;
	[tilespmem:$0x14820] =	vst v63  }
0x1e0: {  	s18 =	simm.s32 $0x4F10;
	s17 =	rddreg [dreg:$0x13]  }
0x1e1: {  	[spmem:s2] =	stream.indirect.scatter.add.f32 [tilespmem:s18], [sflag:$0x2], $0x10, s11, s7, $0xb8;
	[tilespmem:$0x14820] =	vst v63  }
0x1e2: {  	s10 =	simm.s32 $0x5410;
	s22 =	rddreg [dreg:$0x14]  }
0x1e3: {  	[spmem:s2] =	stream.indirect.scatter.add.f32 [tilespmem:s10], [sflag:$0x2], $0x10, s17, s7, $0xb8;
	[tilespmem:$0x14820] =	vst v63  }
0x1e4: {  	s12 =	simm.s32 $0x5910;
	s11 =	rddreg [dreg:$0x15]  }
0x1e5: {  	[spmem:s2] =	stream.indirect.scatter.add.f32 [tilespmem:s12], [sflag:$0x2], $0x10, s22, s7, $0xb8;
	[tilespmem:$0x14820] =	vst v63  }
0x1e6: {  	s18 =	simm.s32 $0x5E10;
	s17 =	rddreg [dreg:$0x16]  }
0x1e7: {  	[spmem:s2] =	stream.indirect.scatter.add.f32 [tilespmem:s18], [sflag:$0x2], $0x10, s11, s7, $0xb8;
	[tilespmem:$0x14820] =	vst v63  }
0x1e8: {  	s10 =	simm.s32 $0x6310;
	s22 =	rddreg [dreg:$0x17]  }
0x1e9: {  	[spmem:s2] =	stream.indirect.scatter.add.f32 [tilespmem:s10], [sflag:$0x2], $0x10, s17, s7, $0xb8;
	[tilespmem:$0x14820] =	vst v63  }
0x1ea: {  	s12 =	simm.s32 $0x6810;
	s11 =	rddreg [dreg:$0x18]  }
0x1eb: {  	[spmem:s2] =	stream.indirect.scatter.add.f32 [tilespmem:s12], [sflag:$0x2], $0x10, s22, s7, $0xb8;
	[tilespmem:$0x14820] =	vst v63  }
0x1ec: {  	s18 =	simm.s32 $0x6D10;
	s17 =	rddreg [dreg:$0x19]  }
0x1ed: {  	[spmem:s2] =	stream.indirect.scatter.add.f32 [tilespmem:s18], [sflag:$0x2], $0x10, s11, s7, $0xb8;
	[tilespmem:$0x14820] =	vst v63  }
0x1ee: {  	s10 =	simm.s32 $0x7210;
	s22 =	rddreg [dreg:$0x1a]  }
0x1ef: {  	[spmem:s2] =	stream.indirect.scatter.add.f32 [tilespmem:s10], [sflag:$0x2], $0x10, s17, s7, $0xb8;
	[tilespmem:$0x14820] =	vst v63  }
0x1f0: {  	s12 =	simm.s32 $0x7710;
	s11 =	rddreg [dreg:$0x1b]  }
0x1f1: {  	[spmem:s2] =	stream.indirect.scatter.add.f32 [tilespmem:s12], [sflag:$0x2], $0x10, s22, s7, $0xb8;
	[tilespmem:$0x14820] =	vst v63  }
0x1f2: {  	s18 =	simm.s32 $0x7C10;
	s17 =	rddreg [dreg:$0x1c]  }
0x1f3: {  	[spmem:s2] =	stream.indirect.scatter.add.f32 [tilespmem:s18], [sflag:$0x2], $0x10, s11, s7, $0xb8;
	[tilespmem:$0x14820] =	vst v63  }
0x1f4: {  	s10 =	simm.s32 $0x8110;
	s22 =	rddreg [dreg:$0x1d]  }
0x1f5: {  	[spmem:s2] =	stream.indirect.scatter.add.f32 [tilespmem:s10], [sflag:$0x2], $0x10, s17, s7, $0xb8;
	[tilespmem:$0x14820] =	vst v63  }
0x1f6: {  	s12 =	simm.s32 $0x8610;
	s11 =	rddreg [dreg:$0x1e]  }
0x1f7: {  	[spmem:s2] =	stream.indirect.scatter.add.f32 [tilespmem:s12], [sflag:$0x2], $0x10, s22, s7, $0xb8;
	[tilespmem:$0x14820] =	vst v63  }
0x1f8: {  	s18 =	simm.s32 $0x8B10;
	s17 =	rddreg [dreg:$0x1f]  }
0x1f9: {  	[spmem:s2] =	stream.indirect.scatter.add.f32 [tilespmem:s18], [sflag:$0x2], $0x10, s11, s7, $0xb8;
	[tilespmem:$0x14820] =	vst v63  }
0x1fa: {  	s10 =	simm.s32 $0x9010;
	s22 =	sld [smem:$0x795]  }
0x1fb: {  	[spmem:s2] =	stream.indirect.scatter.add.f32 [tilespmem:s10], [sflag:$0x2], $0x10, s17, s7, $0xb8;
	[tilespmem:$0x14820] =	vst v63  }
0x1fc: {  	s12 =	simm.s32 $0x9510;
	s11 =	sld [smem:$0x796]  }
0x1fd: {  	[spmem:s2] =	stream.indirect.scatter.add.f32 [tilespmem:s12], [sflag:$0x2], $0x10, s22, s7, $0xb8;
	[tilespmem:$0x14820] =	vst v63  }
0x1fe: {  	s18 =	simm.s32 $0x9A10;
	s17 =	sld [smem:$0x797]  }
0x1ff: {  	[spmem:s2] =	stream.indirect.scatter.add.f32 [tilespmem:s18], [sflag:$0x2], $0x10, s11, s7, $0xb8;
	[tilespmem:$0x14820] =	vst v63  }
0x200: {  	s22 =	simm.s32 $0x9F10  }
0x201: {  	[spmem:s2] =	stream.indirect.scatter.add.f32 [tilespmem:s22], [sflag:$0x2], $0x10, s17, s7, $0xb8;
	[tilespmem:$0x14820] =	vst v63  }
0x202: {  	_ =	swait.ge [sflag:s15], $0x7D00  }
0x203: {  	[sflag:s15] =	ssyncset.done $0x0  }
0x204: {  	[sflag:s15] =	ssyncadd.s32 $0xFFFF8300  }
0x205: {  	_ =	swait.ge [sflag:s0], $0x7D00  }
0x206: {  	s1 =	rddreg [dreg:$0x9];
	[sflag:s0] =	ssyncset.done $0x0  }
0x207: {  	s10 =	sld [smem:$0x798];
	[sflag:s0] =	ssyncadd.s32 $0xFFFF8300  }
0x208: {  	[tilespmem:s30], [sflag:$0x1] =	stream.linear.gather [hbm4b:s1+s31], $0x7D00, $0x38;
	[tilespmem:$0x14820] =	vst v63  }
0x209: {  	s11 =	sld [smem:$0x799]  }
0x20a: {  	[spmem:s2] =	stream.indirect.scatter.add.f32 [tilespmem:s29], [sflag:$0x2], $0x10, s10, s7, $0xb8;
	[tilespmem:$0x14820] =	vst v63  }
0x20b: {  	s22 =	simm.s32 $0xA910;
	s12 =	sld [smem:$0x79A]  }
0x20c: {  	[spmem:s2] =	stream.indirect.scatter.add.f32 [tilespmem:s22], [sflag:$0x2], $0x10, s11, s7, $0xb8;
	[tilespmem:$0x14820] =	vst v63  }
0x20d: {  	s18 =	simm.s32 $0xAE10;
	s17 =	sld [smem:$0x79B]  }
0x20e: {  	[spmem:s2] =	stream.indirect.scatter.add.f32 [tilespmem:s18], [sflag:$0x2], $0x10, s12, s7, $0xb8;
	[tilespmem:$0x14820] =	vst v63  }
0x20f: {  	s10 =	sld [smem:$0x79C]  }
0x210: {  	[spmem:s2] =	stream.indirect.scatter.add.f32 [tilespmem:s21], [sflag:$0x2], $0x10, s17, s7, $0xb8;
	[tilespmem:$0x14820] =	vst v63  }
0x211: {  	s11 =	sld [smem:$0x79D];
	s18 =	simm.s32 $0xB810  }
0x212: {  	[spmem:s2] =	stream.indirect.scatter.add.f32 [tilespmem:s18], [sflag:$0x2], $0x10, s10, s7, $0xb8;
	[tilespmem:$0x14820] =	vst v63  }
0x213: {  	s12 =	sld [smem:$0x79E];
	s17 =	simm.s32 $0xBD10  }
0x214: {  	[spmem:s2] =	stream.indirect.scatter.add.f32 [tilespmem:s17], [sflag:$0x2], $0x10, s11, s7, $0xb8;
	[tilespmem:$0x14820] =	vst v63  }
0x215: {  	s10 =	sld [smem:$0x79F];
	s11 =	simm.s32 $0xC210  }
0x216: {  	[spmem:s2] =	stream.indirect.scatter.add.f32 [tilespmem:s11], [sflag:$0x2], $0x10, s12, s7, $0xb8;
	[tilespmem:$0x14820] =	vst v63  }
0x217: {  	s17 =	simm.s32 $0xC710;
	s12 =	sld [smem:$0x7A0]  }
0x218: {  	[spmem:s2] =	stream.indirect.scatter.add.f32 [tilespmem:s17], [sflag:$0x2], $0x10, s10, s7, $0xb8;
	[tilespmem:$0x14820] =	vst v63  }
0x219: {  	s11 =	simm.s32 $0xCC10;
	s10 =	sld [smem:$0x7A1]  }
0x21a: {  	[spmem:s2] =	stream.indirect.scatter.add.f32 [tilespmem:s11], [sflag:$0x2], $0x10, s12, s7, $0xb8;
	[tilespmem:$0x14820] =	vst v63  }
0x21b: {  	s17 =	simm.s32 $0xD110;
	s12 =	sld [smem:$0x7A2]  }
0x21c: {  	[spmem:s2] =	stream.indirect.scatter.add.f32 [tilespmem:s17], [sflag:$0x2], $0x10, s10, s7, $0xb8;
	[tilespmem:$0x14820] =	vst v63  }
0x21d: {  	s11 =	simm.s32 $0xD610;
	s10 =	sld [smem:$0x7A3]  }
0x21e: {  	[spmem:s2] =	stream.indirect.scatter.add.f32 [tilespmem:s11], [sflag:$0x2], $0x10, s12, s7, $0xb8;
	[tilespmem:$0x14820] =	vst v63  }
0x21f: {  	s17 =	simm.s32 $0xDB10;
	s12 =	sld [smem:$0x7A4]  }
0x220: {  	[spmem:s2] =	stream.indirect.scatter.add.f32 [tilespmem:s17], [sflag:$0x2], $0x10, s10, s7, $0xb8;
	[tilespmem:$0x14820] =	vst v63  }
0x221: {  	s11 =	simm.s32 $0xE010;
	s10 =	sld [smem:$0x7A5]  }
0x222: {  	[spmem:s2] =	stream.indirect.scatter.add.f32 [tilespmem:s11], [sflag:$0x2], $0x10, s12, s7, $0xb8;
	[tilespmem:$0x14820] =	vst v63  }
0x223: {  	s17 =	simm.s32 $0xE510;
	s12 =	sld [smem:$0x7A6]  }
0x224: {  	[spmem:s2] =	stream.indirect.scatter.add.f32 [tilespmem:s17], [sflag:$0x2], $0x10, s10, s7, $0xb8;
	[tilespmem:$0x14820] =	vst v63  }
0x225: {  	s11 =	simm.s32 $0xEA10;
	s10 =	sld [smem:$0x7A7]  }
0x226: {  	[spmem:s2] =	stream.indirect.scatter.add.f32 [tilespmem:s11], [sflag:$0x2], $0x10, s12, s7, $0xb8;
	[tilespmem:$0x14820] =	vst v63  }
0x227: {  	s12 =	sld [smem:$0x7A8]  }
0x228: {  	[spmem:s2] =	stream.indirect.scatter.add.f32 [tilespmem:s28], [sflag:$0x2], $0x10, s10, s7, $0xb8;
	[tilespmem:$0x14820] =	vst v63  }
0x229: {  	s17 =	sld [smem:$0x7A9];
	s10 =	simm.s32 $0xF410  }
0x22a: {  	[spmem:s2] =	stream.indirect.scatter.add.f32 [tilespmem:s10], [sflag:$0x2], $0x10, s12, s7, $0xb8;
	[tilespmem:$0x14820] =	vst v63  }
0x22b: {  	s11 =	sld [smem:$0x7AA];
	s12 =	simm.s32 $0xF910  }
0x22c: {  	[spmem:s2] =	stream.indirect.scatter.add.f32 [tilespmem:s12], [sflag:$0x2], $0x10, s17, s7, $0xb8;
	[tilespmem:$0x14820] =	vst v63  }
0x22d: {  	s17 =	sld [smem:$0x7AB]  }
0x22e: {  	[spmem:s2] =	stream.indirect.scatter.add.f32 [tilespmem:s25], [sflag:$0x2], $0x10, s11, s7, $0xb8;
	[tilespmem:$0x14820] =	vst v63  }
0x22f: {  	s1 =	sld [smem:$0x7AC]  }
0x230: {  	[spmem:s2] =	stream.indirect.scatter.add.f32 [tilespmem:s24], [sflag:$0x2], $0x10, s17, s7, $0xb8;
	[tilespmem:$0x14820] =	vst v63  }
0x231: {  	s10 =	sld [smem:$0x7AD]  }
0x232: {  	[spmem:s2] =	stream.indirect.scatter.add.f32 [tilespmem:s23], [sflag:$0x2], $0x10, s1, s7, $0xb8;
	[tilespmem:$0x14820] =	vst v63  }
0x233: {  	s11 =	sld [smem:$0x7AE]  }
0x234: {  	[spmem:s2] =	stream.indirect.scatter.add.f32 [tilespmem:s20], [sflag:$0x2], $0x10, s10, s7, $0xb8;
	[tilespmem:$0x14820] =	vst v63  }
0x235: {  	s12 =	sld [smem:$0x7AF]  }
0x236: {  	[spmem:s2] =	stream.indirect.scatter.add.f32 [tilespmem:s19], [sflag:$0x2], $0x10, s11, s7, $0xb8;
	[tilespmem:$0x14820] =	vst v63  }
0x237: {  	s17 =	sld [smem:$0x7B0];
	s10 =	simm.s32 $0x11710  }
0x238: {  	[spmem:s2] =	stream.indirect.scatter.add.f32 [tilespmem:s10], [sflag:$0x2], $0x10, s12, s7, $0xb8;
	[tilespmem:$0x14820] =	vst v63  }
0x239: {  	_ = 	snop  }
0x23a: {  	[spmem:s2] =	stream.indirect.scatter.add.f32 [tilespmem:s26], [sflag:$0x2], $0x10, s17, s7, $0xb8;
	[tilespmem:$0x14820] =	vst v63  }
0x23b: {  	_ =	swait.ge [sflag:s15], $0x7D00  }
0x23c: {  	[sflag:s15] =	ssyncset.done $0x0  }
0x23d: {  	[sflag:s15] =	ssyncadd.s32 $0xFFFF8300  }
0x23e: {  	_ =	swait.ge [sflag:s0], $0x7D00  }
0x23f: {  	s11 =	rddreg [dreg:$0xa];
	[sflag:s0] =	ssyncset.done $0x0  }
0x240: {  	s12 =	sld [smem:$0x7B1];
	[sflag:s0] =	ssyncadd.s32 $0xFFFF8300  }
0x241: {  	[tilespmem:s29], [sflag:$0x1] =	stream.linear.gather [hbm4b:s11+s31], $0x7D00, $0x38;
	[tilespmem:$0x14820] =	vst v63  }
0x242: {  	s17 =	sld [smem:$0x7B2]  }
0x243: {  	[spmem:s2] =	stream.indirect.scatter.add.f32 [tilespmem:s30], [sflag:$0x2], $0x10, s12, s7, $0xb8;
	[tilespmem:$0x14820] =	vst v63  }
0x244: {  	s8 =	simm.s32 $0x2C10;
	s1 =	sld [smem:$0x7B3]  }
0x245: {  	[spmem:s2] =	stream.indirect.scatter.add.f32 [tilespmem:s8], [sflag:$0x2], $0x10, s17, s7, $0xb8;
	[tilespmem:$0x14820] =	vst v63  }
0x246: {  	s6 =	simm.s32 $0x3110;
	s10 =	sld [smem:$0x7B4]  }
0x247: {  	[spmem:s2] =	stream.indirect.scatter.add.f32 [tilespmem:s6], [sflag:$0x2], $0x10, s1, s7, $0xb8;
	[tilespmem:$0x14820] =	vst v63  }
0x248: {  	s5 =	simm.s32 $0x3610;
	s11 =	sld [smem:$0x7B5]  }
0x249: {  	[spmem:s2] =	stream.indirect.scatter.add.f32 [tilespmem:s5], [sflag:$0x2], $0x10, s10, s7, $0xb8;
	[tilespmem:$0x14820] =	vst v63  }
0x24a: {  	s4 =	simm.s32 $0x3B10;
	s12 =	sld [smem:$0x7B6]  }
0x24b: {  	[spmem:s2] =	stream.indirect.scatter.add.f32 [tilespmem:s4], [sflag:$0x2], $0x10, s11, s7, $0xb8;
	[tilespmem:$0x14820] =	vst v63  }
0x24c: {  	s3 =	simm.s32 $0x4010;
	s17 =	sld [smem:$0x7B7]  }
0x24d: {  	[spmem:s2] =	stream.indirect.scatter.add.f32 [tilespmem:s3], [sflag:$0x2], $0x10, s12, s7, $0xb8;
	[tilespmem:$0x14820] =	vst v63  }
0x24e: {  	s1 =	simm.s32 $0x4510;
	s4 =	sld [smem:$0x7B8]  }
0x24f: {  	[spmem:s2] =	stream.indirect.scatter.add.f32 [tilespmem:s1], [sflag:$0x2], $0x10, s17, s7, $0xb8;
	[tilespmem:$0x14820] =	vst v63  }
0x250: {  	s6 =	simm.s32 $0x4A10;
	s5 =	sld [smem:$0x7B9]  }
0x251: {  	[spmem:s2] =	stream.indirect.scatter.add.f32 [tilespmem:s6], [sflag:$0x2], $0x10, s4, s7, $0xb8;
	[tilespmem:$0x14820] =	vst v63  }
0x252: {  	s8 =	sld [smem:$0x7BA];
	s3 =	simm.s32 $0x4F10  }
0x253: {  	[spmem:s2] =	stream.indirect.scatter.add.f32 [tilespmem:s3], [sflag:$0x2], $0x10, s5, s7, $0xb8;
	[tilespmem:$0x14820] =	vst v63  }
0x254: {  	s10 =	sld [smem:$0x7BB];
	s11 =	simm.s32 $0x5410  }
0x255: {  	[spmem:s2] =	stream.indirect.scatter.add.f32 [tilespmem:s11], [sflag:$0x2], $0x10, s8, s7, $0xb8;
	[tilespmem:$0x14820] =	vst v63  }
0x256: {  	s12 =	sld [smem:$0x7BC];
	s4 =	simm.s32 $0x5910  }
0x257: {  	[spmem:s2] =	stream.indirect.scatter.add.f32 [tilespmem:s4], [sflag:$0x2], $0x10, s10, s7, $0xb8;
	[tilespmem:$0x14820] =	vst v63  }
0x258: {  	s17 =	sld [smem:$0x7BD];
	s6 =	simm.s32 $0x5E10  }
0x259: {  	[spmem:s2] =	stream.indirect.scatter.add.f32 [tilespmem:s6], [sflag:$0x2], $0x10, s12, s7, $0xb8;
	[tilespmem:$0x14820] =	vst v63  }
0x25a: {  	s5 =	simm.s32 $0x6310;
	s8 =	sld [smem:$0x7BE]  }
0x25b: {  	[spmem:s2] =	stream.indirect.scatter.add.f32 [tilespmem:s5], [sflag:$0x2], $0x10, s17, s7, $0xb8;
	[tilespmem:$0x14820] =	vst v63  }
0x25c: {  	s11 =	simm.s32 $0x6810;
	s10 =	sld [smem:$0x7BF]  }
0x25d: {  	[spmem:s2] =	stream.indirect.scatter.add.f32 [tilespmem:s11], [sflag:$0x2], $0x10, s8, s7, $0xb8;
	[tilespmem:$0x14820] =	vst v63  }
0x25e: {  	s12 =	sld [smem:$0x7C0];
	s6 =	simm.s32 $0x6D10  }
0x25f: {  	[spmem:s2] =	stream.indirect.scatter.add.f32 [tilespmem:s6], [sflag:$0x2], $0x10, s10, s7, $0xb8;
	[tilespmem:$0x14820] =	vst v63  }
0x260: {  	s17 =	sld [smem:$0x7C1];
	s10 =	simm.s32 $0x7210  }
0x261: {  	[spmem:s2] =	stream.indirect.scatter.add.f32 [tilespmem:s10], [sflag:$0x2], $0x10, s12, s7, $0xb8;
	[tilespmem:$0x14820] =	vst v63  }
0x262: {  	s11 =	sld [smem:$0x7C2];
	s8 =	simm.s32 $0x7710  }
0x263: {  	[spmem:s2] =	stream.indirect.scatter.add.f32 [tilespmem:s8], [sflag:$0x2], $0x10, s17, s7, $0xb8;
	[tilespmem:$0x14820] =	vst v63  }
0x264: {  	s12 =	sld [smem:$0x7C3];
	s10 =	simm.s32 $0x7C10  }
0x265: {  	[spmem:s2] =	stream.indirect.scatter.add.f32 [tilespmem:s10], [sflag:$0x2], $0x10, s11, s7, $0xb8;
	[tilespmem:$0x14820] =	vst v63  }
0x266: {  	s17 =	sld [smem:$0x7C4];
	s10 =	simm.s32 $0x8110  }
0x267: {  	[spmem:s2] =	stream.indirect.scatter.add.f32 [tilespmem:s10], [sflag:$0x2], $0x10, s12, s7, $0xb8;
	[tilespmem:$0x14820] =	vst v63  }
0x268: {  	s11 =	simm.s32 $0x8610;
	s12 =	sld [smem:$0x7C5]  }
0x269: {  	[spmem:s2] =	stream.indirect.scatter.add.f32 [tilespmem:s11], [sflag:$0x2], $0x10, s17, s7, $0xb8;
	[tilespmem:$0x14820] =	vst v63  }
0x26a: {  	s14 =	sld [smem:$0x7C6];
	s11 =	simm.s32 $0x8B10  }
0x26b: {  	[spmem:s2] =	stream.indirect.scatter.add.f32 [tilespmem:s11], [sflag:$0x2], $0x10, s12, s7, $0xb8;
	[tilespmem:$0x14820] =	vst v63  }
0x26c: {  	s17 =	sld [smem:$0x7C7];
	s12 =	simm.s32 $0x9010  }
0x26d: {  	[spmem:s2] =	stream.indirect.scatter.add.f32 [tilespmem:s12], [sflag:$0x2], $0x10, s14, s7, $0xb8;
	[tilespmem:$0x14820] =	vst v63  }
0x26e: {  	s14 =	sld [smem:$0x7C8];
	s12 =	simm.s32 $0x9510  }
0x26f: {  	[spmem:s2] =	stream.indirect.scatter.add.f32 [tilespmem:s12], [sflag:$0x2], $0x10, s17, s7, $0xb8;
	[tilespmem:$0x14820] =	vst v63  }
0x270: {  	s16 =	sld [smem:$0x7C9];
	s17 =	simm.s32 $0x9A10  }
0x271: {  	[spmem:s2] =	stream.indirect.scatter.add.f32 [tilespmem:s17], [sflag:$0x2], $0x10, s14, s7, $0xb8;
	[tilespmem:$0x14820] =	vst v63  }
0x272: {  	s17 =	simm.s32 $0x9F10  }
0x273: {  	[spmem:s2] =	stream.indirect.scatter.add.f32 [tilespmem:s17], [sflag:$0x2], $0x10, s16, s7, $0xb8;
	[tilespmem:$0x14820] =	vst v63  }
0x274: {  	_ =	swait.ge [sflag:s15], $0x7D00  }
0x275: {  	[sflag:s15] =	ssyncset.done $0x0  }
0x276: {  	[sflag:s15] =	ssyncadd.s32 $0xFFFF8300  }
0x277: {  	_ =	swait.ge [sflag:s0], $0x7D00  }
0x278: {  	s14 =	rddreg [dreg:$0xb];
	[sflag:s0] =	ssyncset.done $0x0  }
0x279: {  	s16 =	sld [smem:$0x7CA];
	[sflag:s0] =	ssyncadd.s32 $0xFFFF8300  }
0x27a: {  	[tilespmem:s30], [sflag:$0x1] =	stream.linear.gather [hbm4b:s14+s31], $0x7D00, $0x38;
	[tilespmem:$0x14820] =	vst v63  }
0x27b: {  	s14 =	sld [smem:$0x7CB]  }
0x27c: {  	[spmem:s2] =	stream.indirect.scatter.add.f32 [tilespmem:s29], [sflag:$0x2], $0x10, s16, s7, $0xb8;
	[tilespmem:$0x14820] =	vst v63  }
0x27d: {  	s16 =	sld [smem:$0x7CC]  }
0x27e: {  	[spmem:s2] =	stream.indirect.scatter.add.f32 [tilespmem:s22], [sflag:$0x2], $0x10, s14, s7, $0xb8;
	[tilespmem:$0x14820] =	vst v63  }
0x27f: {  	s14 =	sld [smem:$0x7CD];
	s22 =	simm.s32 $0xAE10  }
0x280: {  	[spmem:s2] =	stream.indirect.scatter.add.f32 [tilespmem:s22], [sflag:$0x2], $0x10, s16, s7, $0xb8;
	[tilespmem:$0x14820] =	vst v63  }
0x281: {  	s22 =	sld [smem:$0x7CE]  }
0x282: {  	[spmem:s2] =	stream.indirect.scatter.add.f32 [tilespmem:s21], [sflag:$0x2], $0x10, s14, s7, $0xb8;
	[tilespmem:$0x14820] =	vst v63  }
0x283: {  	s14 =	sld [smem:$0x7CF]  }
0x284: {  	[spmem:s2] =	stream.indirect.scatter.add.f32 [tilespmem:s18], [sflag:$0x2], $0x10, s22, s7, $0xb8;
	[tilespmem:$0x14820] =	vst v63  }
0x285: {  	s16 =	sld [smem:$0x7D0];
	s22 =	simm.s32 $0xBD10  }
0x286: {  	[spmem:s2] =	stream.indirect.scatter.add.f32 [tilespmem:s22], [sflag:$0x2], $0x10, s14, s7, $0xb8;
	[tilespmem:$0x14820] =	vst v63  }
0x287: {  	s14 =	sld [smem:$0x7D1];
	s22 =	simm.s32 $0xC210  }
0x288: {  	[spmem:s2] =	stream.indirect.scatter.add.f32 [tilespmem:s22], [sflag:$0x2], $0x10, s16, s7, $0xb8;
	[tilespmem:$0x14820] =	vst v63  }
0x289: {  	s16 =	sld [smem:$0x7D2];
	s22 =	simm.s32 $0xC710  }
0x28a: {  	[spmem:s2] =	stream.indirect.scatter.add.f32 [tilespmem:s22], [sflag:$0x2], $0x10, s14, s7, $0xb8;
	[tilespmem:$0x14820] =	vst v63  }
0x28b: {  	s14 =	sld [smem:$0x7D3];
	s22 =	simm.s32 $0xCC10  }
0x28c: {  	[spmem:s2] =	stream.indirect.scatter.add.f32 [tilespmem:s22], [sflag:$0x2], $0x10, s16, s7, $0xb8;
	[tilespmem:$0x14820] =	vst v63  }
0x28d: {  	s16 =	sld [smem:$0x7D4];
	s22 =	simm.s32 $0xD110  }
0x28e: {  	[spmem:s2] =	stream.indirect.scatter.add.f32 [tilespmem:s22], [sflag:$0x2], $0x10, s14, s7, $0xb8;
	[tilespmem:$0x14820] =	vst v63  }
0x28f: {  	s14 =	sld [smem:$0x7D5];
	s22 =	simm.s32 $0xD610  }
0x290: {  	[spmem:s2] =	stream.indirect.scatter.add.f32 [tilespmem:s22], [sflag:$0x2], $0x10, s16, s7, $0xb8;
	[tilespmem:$0x14820] =	vst v63  }
0x291: {  	s16 =	sld [smem:$0x7D6];
	s22 =	simm.s32 $0xDB10  }
0x292: {  	[spmem:s2] =	stream.indirect.scatter.add.f32 [tilespmem:s22], [sflag:$0x2], $0x10, s14, s7, $0xb8;
	[tilespmem:$0x14820] =	vst v63  }
0x293: {  	s14 =	sld [smem:$0x7D7];
	s22 =	simm.s32 $0xE010  }
0x294: {  	[spmem:s2] =	stream.indirect.scatter.add.f32 [tilespmem:s22], [sflag:$0x2], $0x10, s16, s7, $0xb8;
	[tilespmem:$0x14820] =	vst v63  }
0x295: {  	s16 =	sld [smem:$0x7D8];
	s22 =	simm.s32 $0xE510  }
0x296: {  	[spmem:s2] =	stream.indirect.scatter.add.f32 [tilespmem:s22], [sflag:$0x2], $0x10, s14, s7, $0xb8;
	[tilespmem:$0x14820] =	vst v63  }
0x297: {  	s14 =	sld [smem:$0x7D9];
	s22 =	simm.s32 $0xEA10  }
0x298: {  	[spmem:s2] =	stream.indirect.scatter.add.f32 [tilespmem:s22], [sflag:$0x2], $0x10, s16, s7, $0xb8;
	[tilespmem:$0x14820] =	vst v63  }
0x299: {  	s18 =	sld [smem:$0x7DA]  }
0x29a: {  	[spmem:s2] =	stream.indirect.scatter.add.f32 [tilespmem:s28], [sflag:$0x2], $0x10, s14, s7, $0xb8;
	[tilespmem:$0x14820] =	vst v63  }
0x29b: {  	s22 =	simm.s32 $0xF410;
	s14 =	sld [smem:$0x7DB]  }
0x29c: {  	[spmem:s2] =	stream.indirect.scatter.add.f32 [tilespmem:s22], [sflag:$0x2], $0x10, s18, s7, $0xb8;
	[tilespmem:$0x14820] =	vst v63  }
0x29d: {  	s16 =	sld [smem:$0x7DC];
	s22 =	simm.s32 $0xF910  }
0x29e: {  	[spmem:s2] =	stream.indirect.scatter.add.f32 [tilespmem:s22], [sflag:$0x2], $0x10, s14, s7, $0xb8;
	[tilespmem:$0x14820] =	vst v63  }
0x29f: {  	s18 =	sld [smem:$0x7DD]  }
0x2a0: {  	[spmem:s2] =	stream.indirect.scatter.add.f32 [tilespmem:s25], [sflag:$0x2], $0x10, s16, s7, $0xb8;
	[tilespmem:$0x14820] =	vst v63  }
0x2a1: {  	s22 =	sld [smem:$0x7DE]  }
0x2a2: {  	[spmem:s2] =	stream.indirect.scatter.add.f32 [tilespmem:s24], [sflag:$0x2], $0x10, s18, s7, $0xb8;
	[tilespmem:$0x14820] =	vst v63  }
0x2a3: {  	s18 =	sld [smem:$0x7DF]  }
0x2a4: {  	[spmem:s2] =	stream.indirect.scatter.add.f32 [tilespmem:s23], [sflag:$0x2], $0x10, s22, s7, $0xb8;
	[tilespmem:$0x14820] =	vst v63  }
0x2a5: {  	s22 =	sld [smem:$0x7E0]  }
0x2a6: {  	[spmem:s2] =	stream.indirect.scatter.add.f32 [tilespmem:s20], [sflag:$0x2], $0x10, s18, s7, $0xb8;
	[tilespmem:$0x14820] =	vst v63  }
0x2a7: {  	s18 =	sld [smem:$0x7E1]  }
0x2a8: {  	[spmem:s2] =	stream.indirect.scatter.add.f32 [tilespmem:s19], [sflag:$0x2], $0x10, s22, s7, $0xb8;
	[tilespmem:$0x14820] =	vst v63  }
0x2a9: {  	s16 =	sld [smem:$0x7E2];
	s22 =	simm.s32 $0x11710  }
0x2aa: {  	[spmem:s2] =	stream.indirect.scatter.add.f32 [tilespmem:s22], [sflag:$0x2], $0x10, s18, s7, $0xb8;
	[tilespmem:$0x14820] =	vst v63  }
0x2ab: {  	_ = 	snop  }
0x2ac: {  	[spmem:s2] =	stream.indirect.scatter.add.f32 [tilespmem:s26], [sflag:$0x2], $0x10, s16, s7, $0xb8;
	[tilespmem:$0x14820] =	vst v63  }
0x2ad: {  	_ =	swait.ge [sflag:s15], $0x7D00  }
0x2ae: {  	[sflag:s15] =	ssyncset.done $0x0  }
0x2af: {  	[sflag:s15] =	ssyncadd.s32 $0xFFFF8300  }
0x2b0: {  	_ =	swait.ge [sflag:s0], $0x7D00  }
0x2b1: {  	s16 =	sld [smem:$0x7E3]  }
0x2b2: {  	[sflag:s0] =	ssyncset.done $0x0  }
0x2b3: {  	s18 =	sld [smem:$0x7E4];
	[sflag:s0] =	ssyncadd.s32 $0xFFFF8300  }
0x2b4: {  	[spmem:s2] =	stream.indirect.scatter.add.f32 [tilespmem:s30], [sflag:$0x2], $0x10, s16, s7, $0xb8;
	[tilespmem:$0x14820] =	vst v63  }
0x2b5: {  	s22 =	simm.s32 $0x2C10;
	s14 =	sld [smem:$0x7E5]  }
0x2b6: {  	[spmem:s2] =	stream.indirect.scatter.add.f32 [tilespmem:s22], [sflag:$0x2], $0x10, s18, s7, $0xb8;
	[tilespmem:$0x14820] =	vst v63  }
0x2b7: {  	s16 =	sld [smem:$0x7E6];
	s22 =	simm.s32 $0x3110  }
0x2b8: {  	[spmem:s2] =	stream.indirect.scatter.add.f32 [tilespmem:s22], [sflag:$0x2], $0x10, s14, s7, $0xb8;
	[tilespmem:$0x14820] =	vst v63  }
0x2b9: {  	s14 =	sld [smem:$0x7E7];
	s22 =	simm.s32 $0x3610  }
0x2ba: {  	[spmem:s2] =	stream.indirect.scatter.add.f32 [tilespmem:s22], [sflag:$0x2], $0x10, s16, s7, $0xb8;
	[tilespmem:$0x14820] =	vst v63  }
0x2bb: {  	s16 =	sld [smem:$0x7E8];
	s22 =	simm.s32 $0x3B10  }
0x2bc: {  	[spmem:s2] =	stream.indirect.scatter.add.f32 [tilespmem:s22], [sflag:$0x2], $0x10, s14, s7, $0xb8;
	[tilespmem:$0x14820] =	vst v63  }
0x2bd: {  	s14 =	sld [smem:$0x7E9];
	s22 =	simm.s32 $0x4010  }
0x2be: {  	[spmem:s2] =	stream.indirect.scatter.add.f32 [tilespmem:s22], [sflag:$0x2], $0x10, s16, s7, $0xb8;
	[tilespmem:$0x14820] =	vst v63  }
0x2bf: {  	s18 =	sld [smem:$0x7EA]  }
0x2c0: {  	[spmem:s2] =	stream.indirect.scatter.add.f32 [tilespmem:s1], [sflag:$0x2], $0x10, s14, s7, $0xb8;
	[tilespmem:$0x14820] =	vst v63  }
0x2c1: {  	s22 =	simm.s32 $0x4A10;
	s14 =	sld [smem:$0x7EB]  }
0x2c2: {  	[spmem:s2] =	stream.indirect.scatter.add.f32 [tilespmem:s22], [sflag:$0x2], $0x10, s18, s7, $0xb8;
	[tilespmem:$0x14820] =	vst v63  }
0x2c3: {  	s18 =	sld [smem:$0x7EC]  }
0x2c4: {  	[spmem:s2] =	stream.indirect.scatter.add.f32 [tilespmem:s3], [sflag:$0x2], $0x10, s14, s7, $0xb8;
	[tilespmem:$0x14820] =	vst v63  }
0x2c5: {  	s22 =	sld [smem:$0x7ED];
	s3 =	simm.s32 $0x5410  }
0x2c6: {  	[spmem:s2] =	stream.indirect.scatter.add.f32 [tilespmem:s3], [sflag:$0x2], $0x10, s18, s7, $0xb8;
	[tilespmem:$0x14820] =	vst v63  }
0x2c7: {  	s18 =	sld [smem:$0x7EE]  }
0x2c8: {  	[spmem:s2] =	stream.indirect.scatter.add.f32 [tilespmem:s4], [sflag:$0x2], $0x10, s22, s7, $0xb8;
	[tilespmem:$0x14820] =	vst v63  }
0x2c9: {  	s3 =	simm.s32 $0x5E10;
	s22 =	sld [smem:$0x7EF]  }
0x2ca: {  	[spmem:s2] =	stream.indirect.scatter.add.f32 [tilespmem:s3], [sflag:$0x2], $0x10, s18, s7, $0xb8;
	[tilespmem:$0x14820] =	vst v63  }
0x2cb: {  	s4 =	sld [smem:$0x7F0]  }
0x2cc: {  	[spmem:s2] =	stream.indirect.scatter.add.f32 [tilespmem:s5], [sflag:$0x2], $0x10, s22, s7, $0xb8;
	[tilespmem:$0x14820] =	vst v63  }
0x2cd: {  	s18 =	sld [smem:$0x7F1];
	s22 =	simm.s32 $0x6810  }
0x2ce: {  	[spmem:s2] =	stream.indirect.scatter.add.f32 [tilespmem:s22], [sflag:$0x2], $0x10, s4, s7, $0xb8;
	[tilespmem:$0x14820] =	vst v63  }
0x2cf: {  	s3 =	sld [smem:$0x7F2]  }
0x2d0: {  	[spmem:s2] =	stream.indirect.scatter.add.f32 [tilespmem:s6], [sflag:$0x2], $0x10, s18, s7, $0xb8;
	[tilespmem:$0x14820] =	vst v63  }
0x2d1: {  	s5 =	simm.s32 $0x7210;
	s4 =	sld [smem:$0x7F3]  }
0x2d2: {  	[spmem:s2] =	stream.indirect.scatter.add.f32 [tilespmem:s5], [sflag:$0x2], $0x10, s3, s7, $0xb8;
	[tilespmem:$0x14820] =	vst v63  }
0x2d3: {  	s6 =	sld [smem:$0x7F4]  }
0x2d4: {  	[spmem:s2] =	stream.indirect.scatter.add.f32 [tilespmem:s8], [sflag:$0x2], $0x10, s4, s7, $0xb8;
	[tilespmem:$0x14820] =	vst v63  }
0x2d5: {  	s22 =	simm.s32 $0x7C10;
	s18 =	sld [smem:$0x7F5]  }
0x2d6: {  	[spmem:s2] =	stream.indirect.scatter.add.f32 [tilespmem:s22], [sflag:$0x2], $0x10, s6, s7, $0xb8;
	[tilespmem:$0x14820] =	vst v63  }
0x2d7: {  	s1 =	sld [smem:$0x7F6]  }
0x2d8: {  	[spmem:s2] =	stream.indirect.scatter.add.f32 [tilespmem:s10], [sflag:$0x2], $0x10, s18, s7, $0xb8;
	[tilespmem:$0x14820] =	vst v63  }
0x2d9: {  	s3 =	sld [smem:$0x7F7];
	s4 =	simm.s32 $0x8610  }
0x2da: {  	[spmem:s2] =	stream.indirect.scatter.add.f32 [tilespmem:s4], [sflag:$0x2], $0x10, s1, s7, $0xb8;
	[tilespmem:$0x14820] =	vst v63  }
0x2db: {  	s5 =	sld [smem:$0x7F8]  }
0x2dc: {  	[spmem:s2] =	stream.indirect.scatter.add.f32 [tilespmem:s11], [sflag:$0x2], $0x10, s3, s7, $0xb8;
	[tilespmem:$0x14820] =	vst v63  }
0x2dd: {  	s8 =	simm.s32 $0x9010;
	s6 =	sld [smem:$0x7F9]  }
0x2de: {  	[spmem:s2] =	stream.indirect.scatter.add.f32 [tilespmem:s8], [sflag:$0x2], $0x10, s5, s7, $0xb8;
	[tilespmem:$0x14820] =	vst v63  }
0x2df: {  	s10 =	sld [smem:$0x7FA]  }
0x2e0: {  	[spmem:s2] =	stream.indirect.scatter.add.f32 [tilespmem:s12], [sflag:$0x2], $0x10, s6, s7, $0xb8;
	[tilespmem:$0x14820] =	vst v63  }
0x2e1: {  	s11 =	sld [smem:$0x7FB];
	s12 =	simm.s32 $0x9A10  }
0x2e2: {  	[spmem:s2] =	stream.indirect.scatter.add.f32 [tilespmem:s12], [sflag:$0x2], $0x10, s10, s7, $0xb8;
	[tilespmem:$0x14820] =	vst v63  }
0x2e3: {  	_ = 	snop  }
0x2e4: {  	[spmem:s2] =	stream.indirect.scatter.add.f32 [tilespmem:s17], [sflag:$0x2], $0x10, s11, s7, $0xb8;
	[tilespmem:$0x14820] =	vst v63  }
0x2e5: {  	_ =	swait.ge [sflag:s15], $0x7D00  }
0x2e6: {  	[sflag:s15] =	ssyncset.done $0x0  }
0x2e7: {  	[sflag:s15] =	ssyncadd.s32 $0xFFFF8300  }
0x2e8: {  	[bflag:$0x0] =	sbarrier.arrive $0xFFFF  }
0x2e9: {  	s18 =	sld [smem:$0x7FC]  }
0x2ea: {  	p1 =	sne.s32 s13, $0x1;
	s22 =	sld [smem:$0x7FD]  }
.Ltmp2:
0x2eb: {  	_ = 	snop;
	(pc) =	sbr.rel @p1 .LBB2_3-.Ltmp2, $4  }
0x2ec: {  	s17 =	rddreg [dreg:$0x7]  }
0x2ed: {  	[hbm:s17], [sflag:s18] =	dma.local [spmem:s22], $0x4E2  }
0x2ee: {  	_ =	swait.ge [sflag:s9], $0x4E2  }
0x2ef: {  	s13 =	sadd.s32 $0xFFFFFFFF, s13;
	s14 =	rddreg [dreg:$0x4];
	[sflag:s9] =	ssyncset.done $0x0  }
0x2f0: {  	s11 =	sld [smem:$0x7FC]  }
0x2f1: {  	s0 =	sld [smem:$0x7FD]  }
0x2f2: {  	s16 =	simm.s32 $0xF910;
	s17 =	simm.s32 $0xEF10;
	s4 =	simm.s32 $0xB310  }
0x2f3: {  	s28 =	simm.s32 $0xAE10;
	s12 =	simm.s32 $0xA410;
	s8 =	simm.s32 $0x2710  }
0x2f4: {  	s3 =	simm.s32 $0x0;
	s6 =	simm.s32 $0x3;
	s9 =	simm.s32 $0x1  }
.LBB2_5:
0x2f5: {  	[sflag:s6] =	ssyncadd.s32 @p0 $0xFFFFFB1E  }
0x2f6: {  	[spmem:s0], [sflag:s11] =	dma.local [hbm:s14], $0x4E2  }
0x2f7: {  	_ =	swait.ge [sflag:s6], $0x4E2  }
0x2f8: {  	[sflag:s6] =	ssyncset.done $0x0  }
0x2f9: {  	s13 =	rddreg [dreg:$0x5];
	[sflag:s6] =	ssyncadd.s32 $0xFFFFFB1E  }
0x2fa: {  	[tilespmem:s3], [sflag:$0x3] =	stream.linear.gather [hbm4b:s13+s3], $0x2710, $0x38;
	[tilespmem:$0x14820] =	vst v63  }
0x2fb: {  	_ =	swait.ge [sflag:s6], $0x2710  }
0x2fc: {  	[sflag:s6] =	ssyncset.done $0x0  }
0x2fd: {  	[sflag:s6] =	ssyncadd.s32 $0xFFFFD8F0  }
0x2fe: {  	[bflag:$0x0] =	sbarrier.arrive $0xFFFF  }
0x2ff: {  	s18 =	rddreg [dreg:$0x6]  }
0x300: {  	[tilespmem:s8], [sflag:$0x1] =	stream.linear.gather [hbm4b:s18+s3], $0x7D00, $0x38;
	[tilespmem:$0x14820] =	vst v63  }
0x301: {  	_ =	swait.ge [sflag:s9], $0x7D00  }
0x302: {  	[sflag:s9] =	ssyncset.done $0x0  }
0x303: {  	s19 =	rddreg [dreg:$0x8];
	[sflag:s9] =	ssyncadd.s32 $0xFFFF8300  }
0x304: {  	[tilespmem:s12], [sflag:$0x1] =	stream.linear.gather [hbm4b:s19+s3], $0x7D00, $0x38;
	[tilespmem:$0x14820] =	vst v63  }
0x305: {  	_ = 	snop  }
0x306: {  	[spmem:s2] =	stream.indirect.scatter.add.f32 [tilespmem:s8], [sflag:$0x2], $0x10, s3, s7, $0xb8;
	[tilespmem:$0x14820] =	vst v63  }
0x307: {  	s21 =	simm.s32 $0x2C10;
	s20 =	rddreg [dreg:$0xc]  }
0x308: {  	[spmem:s2] =	stream.indirect.scatter.add.f32 [tilespmem:s21], [sflag:$0x2], $0x10, s7, s7, $0xb8;
	[tilespmem:$0x14820] =	vst v63  }
0x309: {  	s23 =	simm.s32 $0x3110;
	s22 =	rddreg [dreg:$0xd]  }
0x30a: {  	[spmem:s2] =	stream.indirect.scatter.add.f32 [tilespmem:s23], [sflag:$0x2], $0x10, s20, s7, $0xb8;
	[tilespmem:$0x14820] =	vst v63  }
0x30b: {  	s25 =	simm.s32 $0x3610;
	s24 =	rddreg [dreg:$0xe]  }
0x30c: {  	[spmem:s2] =	stream.indirect.scatter.add.f32 [tilespmem:s25], [sflag:$0x2], $0x10, s22, s7, $0xb8;
	[tilespmem:$0x14820] =	vst v63  }
0x30d: {  	s29 =	simm.s32 $0x3B10;
	s26 =	rddreg [dreg:$0xf]  }
0x30e: {  	[spmem:s2] =	stream.indirect.scatter.add.f32 [tilespmem:s29], [sflag:$0x2], $0x10, s24, s7, $0xb8;
	[tilespmem:$0x14820] =	vst v63  }
0x30f: {  	s1 =	simm.s32 $0x4010;
	s30 =	rddreg [dreg:$0x10]  }
0x310: {  	[spmem:s2] =	stream.indirect.scatter.add.f32 [tilespmem:s1], [sflag:$0x2], $0x10, s26, s7, $0xb8;
	[tilespmem:$0x14820] =	vst v63  }
0x311: {  	s10 =	simm.s32 $0x4510;
	s5 =	rddreg [dreg:$0x11]  }
0x312: {  	[spmem:s2] =	stream.indirect.scatter.add.f32 [tilespmem:s10], [sflag:$0x2], $0x10, s30, s7, $0xb8;
	[tilespmem:$0x14820] =	vst v63  }
0x313: {  	s18 =	simm.s32 $0x4A10;
	s11 =	rddreg [dreg:$0x12]  }
0x314: {  	[spmem:s2] =	stream.indirect.scatter.add.f32 [tilespmem:s18], [sflag:$0x2], $0x10, s5, s7, $0xb8;
	[tilespmem:$0x14820] =	vst v63  }
0x315: {  	s19 =	rddreg [dreg:$0x13];
	s20 =	simm.s32 $0x4F10  }
0x316: {  	[spmem:s2] =	stream.indirect.scatter.add.f32 [tilespmem:s20], [sflag:$0x2], $0x10, s11, s7, $0xb8;
	[tilespmem:$0x14820] =	vst v63  }
0x317: {  	s21 =	rddreg [dreg:$0x14];
	s22 =	simm.s32 $0x5410  }
0x318: {  	[spmem:s2] =	stream.indirect.scatter.add.f32 [tilespmem:s22], [sflag:$0x2], $0x10, s19, s7, $0xb8;
	[tilespmem:$0x14820] =	vst v63  }
0x319: {  	s23 =	rddreg [dreg:$0x15];
	s24 =	simm.s32 $0x5910  }
0x31a: {  	[spmem:s2] =	stream.indirect.scatter.add.f32 [tilespmem:s24], [sflag:$0x2], $0x10, s21, s7, $0xb8;
	[tilespmem:$0x14820] =	vst v63  }
0x31b: {  	s25 =	rddreg [dreg:$0x16];
	s26 =	simm.s32 $0x5E10  }
0x31c: {  	[spmem:s2] =	stream.indirect.scatter.add.f32 [tilespmem:s26], [sflag:$0x2], $0x10, s23, s7, $0xb8;
	[tilespmem:$0x14820] =	vst v63  }
0x31d: {  	s29 =	rddreg [dreg:$0x17];
	s30 =	simm.s32 $0x6310  }
0x31e: {  	[spmem:s2] =	stream.indirect.scatter.add.f32 [tilespmem:s30], [sflag:$0x2], $0x10, s25, s7, $0xb8;
	[tilespmem:$0x14820] =	vst v63  }
0x31f: {  	s1 =	rddreg [dreg:$0x18];
	s5 =	simm.s32 $0x6810  }
0x320: {  	[spmem:s2] =	stream.indirect.scatter.add.f32 [tilespmem:s5], [sflag:$0x2], $0x10, s29, s7, $0xb8;
	[tilespmem:$0x14820] =	vst v63  }
0x321: {  	s10 =	rddreg [dreg:$0x19];
	s11 =	simm.s32 $0x6D10  }
0x322: {  	[spmem:s2] =	stream.indirect.scatter.add.f32 [tilespmem:s11], [sflag:$0x2], $0x10, s1, s7, $0xb8;
	[tilespmem:$0x14820] =	vst v63  }
0x323: {  	s18 =	rddreg [dreg:$0x1a];
	s19 =	simm.s32 $0x7210  }
0x324: {  	[spmem:s2] =	stream.indirect.scatter.add.f32 [tilespmem:s19], [sflag:$0x2], $0x10, s10, s7, $0xb8;
	[tilespmem:$0x14820] =	vst v63  }
0x325: {  	s20 =	rddreg [dreg:$0x1b];
	s21 =	simm.s32 $0x7710  }
0x326: {  	[spmem:s2] =	stream.indirect.scatter.add.f32 [tilespmem:s21], [sflag:$0x2], $0x10, s18, s7, $0xb8;
	[tilespmem:$0x14820] =	vst v63  }
0x327: {  	s22 =	rddreg [dreg:$0x1c];
	s23 =	simm.s32 $0x7C10  }
0x328: {  	[spmem:s2] =	stream.indirect.scatter.add.f32 [tilespmem:s23], [sflag:$0x2], $0x10, s20, s7, $0xb8;
	[tilespmem:$0x14820] =	vst v63  }
0x329: {  	s24 =	rddreg [dreg:$0x1d];
	s25 =	simm.s32 $0x8110  }
0x32a: {  	[spmem:s2] =	stream.indirect.scatter.add.f32 [tilespmem:s25], [sflag:$0x2], $0x10, s22, s7, $0xb8;
	[tilespmem:$0x14820] =	vst v63  }
0x32b: {  	s26 =	rddreg [dreg:$0x1e];
	s29 =	simm.s32 $0x8610  }
0x32c: {  	[spmem:s2] =	stream.indirect.scatter.add.f32 [tilespmem:s29], [sflag:$0x2], $0x10, s24, s7, $0xb8;
	[tilespmem:$0x14820] =	vst v63  }
0x32d: {  	s30 =	rddreg [dreg:$0x1f];
	s1 =	simm.s32 $0x8B10  }
0x32e: {  	[spmem:s2] =	stream.indirect.scatter.add.f32 [tilespmem:s1], [sflag:$0x2], $0x10, s26, s7, $0xb8;
	[tilespmem:$0x14820] =	vst v63  }
0x32f: {  	s5 =	sld [smem:$0x795];
	s10 =	simm.s32 $0x9010  }
0x330: {  	[spmem:s2] =	stream.indirect.scatter.add.f32 [tilespmem:s10], [sflag:$0x2], $0x10, s30, s7, $0xb8;
	[tilespmem:$0x14820] =	vst v63  }
0x331: {  	s11 =	sld [smem:$0x796];
	s18 =	simm.s32 $0x9510  }
0x332: {  	[spmem:s2] =	stream.indirect.scatter.add.f32 [tilespmem:s18], [sflag:$0x2], $0x10, s5, s7, $0xb8;
	[tilespmem:$0x14820] =	vst v63  }
0x333: {  	s19 =	sld [smem:$0x797];
	s20 =	simm.s32 $0x9A10  }
0x334: {  	[spmem:s2] =	stream.indirect.scatter.add.f32 [tilespmem:s20], [sflag:$0x2], $0x10, s11, s7, $0xb8;
	[tilespmem:$0x14820] =	vst v63  }
0x335: {  	s21 =	simm.s32 $0x9F10  }
0x336: {  	[spmem:s2] =	stream.indirect.scatter.add.f32 [tilespmem:s21], [sflag:$0x2], $0x10, s19, s7, $0xb8;
	[tilespmem:$0x14820] =	vst v63  }
0x337: {  	_ =	swait.ge [sflag:s15], $0x7D00  }
0x338: {  	[sflag:s15] =	ssyncset.done $0x0  }
0x339: {  	[sflag:s15] =	ssyncadd.s32 $0xFFFF8300  }
0x33a: {  	_ =	swait.ge [sflag:s9], $0x7D00  }
0x33b: {  	s22 =	rddreg [dreg:$0x9];
	[sflag:s9] =	ssyncset.done $0x0  }
0x33c: {  	s23 =	sld [smem:$0x798];
	[sflag:s9] =	ssyncadd.s32 $0xFFFF8300  }
0x33d: {  	[tilespmem:s8], [sflag:$0x1] =	stream.linear.gather [hbm4b:s22+s3], $0x7D00, $0x38;
	[tilespmem:$0x14820] =	vst v63  }
0x33e: {  	s24 =	sld [smem:$0x799]  }
0x33f: {  	[spmem:s2] =	stream.indirect.scatter.add.f32 [tilespmem:s12], [sflag:$0x2], $0x10, s23, s7, $0xb8;
	[tilespmem:$0x14820] =	vst v63  }
0x340: {  	s30 =	simm.s32 $0xA910;
	s25 =	sld [smem:$0x79A]  }
0x341: {  	[spmem:s2] =	stream.indirect.scatter.add.f32 [tilespmem:s30], [sflag:$0x2], $0x10, s24, s7, $0xb8;
	[tilespmem:$0x14820] =	vst v63  }
0x342: {  	s26 =	sld [smem:$0x79B]  }
0x343: {  	[spmem:s2] =	stream.indirect.scatter.add.f32 [tilespmem:s28], [sflag:$0x2], $0x10, s25, s7, $0xb8;
	[tilespmem:$0x14820] =	vst v63  }
0x344: {  	s28 =	sld [smem:$0x79C]  }
0x345: {  	[spmem:s2] =	stream.indirect.scatter.add.f32 [tilespmem:s4], [sflag:$0x2], $0x10, s26, s7, $0xb8;
	[tilespmem:$0x14820] =	vst v63  }
0x346: {  	s29 =	simm.s32 $0xB810;
	s0 =	sld [smem:$0x79D]  }
0x347: {  	[spmem:s2] =	stream.indirect.scatter.add.f32 [tilespmem:s29], [sflag:$0x2], $0x10, s28, s7, $0xb8;
	[tilespmem:$0x14820] =	vst v63  }
0x348: {  	s1 =	sld [smem:$0x79E];
	s28 =	simm.s32 $0xBD10  }
0x349: {  	[spmem:s2] =	stream.indirect.scatter.add.f32 [tilespmem:s28], [sflag:$0x2], $0x10, s0, s7, $0xb8;
	[tilespmem:$0x14820] =	vst v63  }
0x34a: {  	s4 =	sld [smem:$0x79F];
	s26 =	simm.s32 $0xC210  }
0x34b: {  	[spmem:s2] =	stream.indirect.scatter.add.f32 [tilespmem:s26], [sflag:$0x2], $0x10, s1, s7, $0xb8;
	[tilespmem:$0x14820] =	vst v63  }
0x34c: {  	s5 =	sld [smem:$0x7A0];
	s25 =	simm.s32 $0xC710  }
0x34d: {  	[spmem:s2] =	stream.indirect.scatter.add.f32 [tilespmem:s25], [sflag:$0x2], $0x10, s4, s7, $0xb8;
	[tilespmem:$0x14820] =	vst v63  }
0x34e: {  	s10 =	sld [smem:$0x7A1];
	s24 =	simm.s32 $0xCC10  }
0x34f: {  	[spmem:s2] =	stream.indirect.scatter.add.f32 [tilespmem:s24], [sflag:$0x2], $0x10, s5, s7, $0xb8;
	[tilespmem:$0x14820] =	vst v63  }
0x350: {  	s11 =	sld [smem:$0x7A2];
	s23 =	simm.s32 $0xD110  }
0x351: {  	[spmem:s2] =	stream.indirect.scatter.add.f32 [tilespmem:s23], [sflag:$0x2], $0x10, s10, s7, $0xb8;
	[tilespmem:$0x14820] =	vst v63  }
0x352: {  	s18 =	sld [smem:$0x7A3];
	s22 =	simm.s32 $0xD610  }
0x353: {  	[spmem:s2] =	stream.indirect.scatter.add.f32 [tilespmem:s22], [sflag:$0x2], $0x10, s11, s7, $0xb8;
	[tilespmem:$0x14820] =	vst v63  }
0x354: {  	s21 =	simm.s32 $0xDB10;
	s19 =	sld [smem:$0x7A4]  }
0x355: {  	[spmem:s2] =	stream.indirect.scatter.add.f32 [tilespmem:s21], [sflag:$0x2], $0x10, s18, s7, $0xb8;
	[tilespmem:$0x14820] =	vst v63  }
0x356: {  	s20 =	simm.s32 $0xE010;
	s0 =	sld [smem:$0x7A5]  }
0x357: {  	[spmem:s2] =	stream.indirect.scatter.add.f32 [tilespmem:s20], [sflag:$0x2], $0x10, s19, s7, $0xb8;
	[tilespmem:$0x14820] =	vst v63  }
0x358: {  	s1 =	sld [smem:$0x7A6];
	s19 =	simm.s32 $0xE510  }
0x359: {  	[spmem:s2] =	stream.indirect.scatter.add.f32 [tilespmem:s19], [sflag:$0x2], $0x10, s0, s7, $0xb8;
	[tilespmem:$0x14820] =	vst v63  }
0x35a: {  	s4 =	sld [smem:$0x7A7];
	s18 =	simm.s32 $0xEA10  }
0x35b: {  	[spmem:s2] =	stream.indirect.scatter.add.f32 [tilespmem:s18], [sflag:$0x2], $0x10, s1, s7, $0xb8;
	[tilespmem:$0x14820] =	vst v63  }
0x35c: {  	s5 =	sld [smem:$0x7A8]  }
0x35d: {  	[spmem:s2] =	stream.indirect.scatter.add.f32 [tilespmem:s17], [sflag:$0x2], $0x10, s4, s7, $0xb8;
	[tilespmem:$0x14820] =	vst v63  }
0x35e: {  	s10 =	sld [smem:$0x7A9];
	s17 =	simm.s32 $0xF410  }
0x35f: {  	[spmem:s2] =	stream.indirect.scatter.add.f32 [tilespmem:s17], [sflag:$0x2], $0x10, s5, s7, $0xb8;
	[tilespmem:$0x14820] =	vst v63  }
0x360: {  	s11 =	sld [smem:$0x7AA]  }
0x361: {  	[spmem:s2] =	stream.indirect.scatter.add.f32 [tilespmem:s16], [sflag:$0x2], $0x10, s10, s7, $0xb8;
	[tilespmem:$0x14820] =	vst v63  }
0x362: {  	s0 =	sld [smem:$0x7AB];
	s16 =	simm.s32 $0xFE10  }
0x363: {  	[spmem:s2] =	stream.indirect.scatter.add.f32 [tilespmem:s16], [sflag:$0x2], $0x10, s11, s7, $0xb8;
	[tilespmem:$0x14820] =	vst v63  }
0x364: {  	s1 =	sld [smem:$0x7AC];
	s11 =	simm.s32 $0x10310  }
0x365: {  	[spmem:s2] =	stream.indirect.scatter.add.f32 [tilespmem:s11], [sflag:$0x2], $0x10, s0, s7, $0xb8;
	[tilespmem:$0x14820] =	vst v63  }
0x366: {  	s4 =	sld [smem:$0x7AD];
	s10 =	simm.s32 $0x10810  }
0x367: {  	[spmem:s2] =	stream.indirect.scatter.add.f32 [tilespmem:s10], [sflag:$0x2], $0x10, s1, s7, $0xb8;
	[tilespmem:$0x14820] =	vst v63  }
0x368: {  	s5 =	simm.s32 $0x10D10;
	s0 =	sld [smem:$0x7AE]  }
0x369: {  	[spmem:s2] =	stream.indirect.scatter.add.f32 [tilespmem:s5], [sflag:$0x2], $0x10, s4, s7, $0xb8;
	[tilespmem:$0x14820] =	vst v63  }
0x36a: {  	s1 =	sld [smem:$0x7AF];
	s4 =	simm.s32 $0x11210  }
0x36b: {  	[spmem:s2] =	stream.indirect.scatter.add.f32 [tilespmem:s4], [sflag:$0x2], $0x10, s0, s7, $0xb8;
	[tilespmem:$0x14820] =	vst v63  }
0x36c: {  	s14 =	sld [smem:$0x7B0];
	s0 =	simm.s32 $0x11710  }
0x36d: {  	[spmem:s2] =	stream.indirect.scatter.add.f32 [tilespmem:s0], [sflag:$0x2], $0x10, s1, s7, $0xb8;
	[tilespmem:$0x14820] =	vst v63  }
0x36e: {  	s1 =	simm.s32 $0x11C10  }
0x36f: {  	[spmem:s2] =	stream.indirect.scatter.add.f32 [tilespmem:s1], [sflag:$0x2], $0x10, s14, s7, $0xb8;
	[tilespmem:$0x14820] =	vst v63  }
0x370: {  	_ =	swait.ge [sflag:s15], $0x7D00  }
0x371: {  	[sflag:s15] =	ssyncset.done $0x0  }
0x372: {  	[sflag:s15] =	ssyncadd.s32 $0xFFFF8300  }
0x373: {  	_ =	swait.ge [sflag:s9], $0x7D00  }
0x374: {  	s13 =	rddreg [dreg:$0xa];
	[sflag:s9] =	ssyncset.done $0x0  }
0x375: {  	s14 =	sld [smem:$0x7B1];
	[sflag:s9] =	ssyncadd.s32 $0xFFFF8300  }
0x376: {  	[tilespmem:s12], [sflag:$0x1] =	stream.linear.gather [hbm4b:s13+s3], $0x7D00, $0x38;
	[tilespmem:$0x14820] =	vst v63  }
0x377: {  	s13 =	sld [smem:$0x7B2]  }
0x378: {  	[spmem:s2] =	stream.indirect.scatter.add.f32 [tilespmem:s8], [sflag:$0x2], $0x10, s14, s7, $0xb8;
	[tilespmem:$0x14820] =	vst v63  }
0x379: {  	s31 =	simm.s32 $0x2C10;
	s14 =	sld [smem:$0x7B3]  }
0x37a: {  	[spmem:s2] =	stream.indirect.scatter.add.f32 [tilespmem:s31], [sflag:$0x2], $0x10, s13, s7, $0xb8;
	[tilespmem:$0x14820] =	vst v63  }
0x37b: {  	s13 =	sld [smem:$0x7B4];
	s31 =	simm.s32 $0x3110  }
0x37c: {  	[spmem:s2] =	stream.indirect.scatter.add.f32 [tilespmem:s31], [sflag:$0x2], $0x10, s14, s7, $0xb8;
	[tilespmem:$0x14820] =	vst v63  }
0x37d: {  	s14 =	sld [smem:$0x7B5];
	s31 =	simm.s32 $0x3610  }
0x37e: {  	[spmem:s2] =	stream.indirect.scatter.add.f32 [tilespmem:s31], [sflag:$0x2], $0x10, s13, s7, $0xb8;
	[tilespmem:$0x14820] =	vst v63  }
0x37f: {  	s13 =	sld [smem:$0x7B6];
	s31 =	simm.s32 $0x3B10  }
0x380: {  	[spmem:s2] =	stream.indirect.scatter.add.f32 [tilespmem:s31], [sflag:$0x2], $0x10, s14, s7, $0xb8;
	[tilespmem:$0x14820] =	vst v63  }
0x381: {  	s14 =	sld [smem:$0x7B7];
	s31 =	simm.s32 $0x4010  }
0x382: {  	[spmem:s2] =	stream.indirect.scatter.add.f32 [tilespmem:s31], [sflag:$0x2], $0x10, s13, s7, $0xb8;
	[tilespmem:$0x14820] =	vst v63  }
0x383: {  	s13 =	sld [smem:$0x7B8];
	s31 =	simm.s32 $0x4510  }
0x384: {  	[spmem:s2] =	stream.indirect.scatter.add.f32 [tilespmem:s31], [sflag:$0x2], $0x10, s14, s7, $0xb8;
	[tilespmem:$0x14820] =	vst v63  }
0x385: {  	s14 =	sld [smem:$0x7B9];
	s31 =	simm.s32 $0x4A10  }
0x386: {  	[spmem:s2] =	stream.indirect.scatter.add.f32 [tilespmem:s31], [sflag:$0x2], $0x10, s13, s7, $0xb8;
	[tilespmem:$0x14820] =	vst v63  }
0x387: {  	s13 =	sld [smem:$0x7BA];
	s31 =	simm.s32 $0x4F10  }
0x388: {  	[spmem:s2] =	stream.indirect.scatter.add.f32 [tilespmem:s31], [sflag:$0x2], $0x10, s14, s7, $0xb8;
	[tilespmem:$0x14820] =	vst v63  }
0x389: {  	s14 =	sld [smem:$0x7BB];
	s31 =	simm.s32 $0x5410  }
0x38a: {  	[spmem:s2] =	stream.indirect.scatter.add.f32 [tilespmem:s31], [sflag:$0x2], $0x10, s13, s7, $0xb8;
	[tilespmem:$0x14820] =	vst v63  }
0x38b: {  	s13 =	sld [smem:$0x7BC];
	s31 =	simm.s32 $0x5910  }
0x38c: {  	[spmem:s2] =	stream.indirect.scatter.add.f32 [tilespmem:s31], [sflag:$0x2], $0x10, s14, s7, $0xb8;
	[tilespmem:$0x14820] =	vst v63  }
0x38d: {  	s14 =	sld [smem:$0x7BD];
	s31 =	simm.s32 $0x5E10  }
0x38e: {  	[spmem:s2] =	stream.indirect.scatter.add.f32 [tilespmem:s31], [sflag:$0x2], $0x10, s13, s7, $0xb8;
	[tilespmem:$0x14820] =	vst v63  }
0x38f: {  	s13 =	sld [smem:$0x7BE];
	s31 =	simm.s32 $0x6310  }
0x390: {  	[spmem:s2] =	stream.indirect.scatter.add.f32 [tilespmem:s31], [sflag:$0x2], $0x10, s14, s7, $0xb8;
	[tilespmem:$0x14820] =	vst v63  }
0x391: {  	s14 =	sld [smem:$0x7BF];
	s31 =	simm.s32 $0x6810  }
0x392: {  	[spmem:s2] =	stream.indirect.scatter.add.f32 [tilespmem:s31], [sflag:$0x2], $0x10, s13, s7, $0xb8;
	[tilespmem:$0x14820] =	vst v63  }
0x393: {  	s13 =	sld [smem:$0x7C0];
	s31 =	simm.s32 $0x6D10  }
0x394: {  	[spmem:s2] =	stream.indirect.scatter.add.f32 [tilespmem:s31], [sflag:$0x2], $0x10, s14, s7, $0xb8;
	[tilespmem:$0x14820] =	vst v63  }
0x395: {  	s14 =	sld [smem:$0x7C1];
	s31 =	simm.s32 $0x7210  }
0x396: {  	[spmem:s2] =	stream.indirect.scatter.add.f32 [tilespmem:s31], [sflag:$0x2], $0x10, s13, s7, $0xb8;
	[tilespmem:$0x14820] =	vst v63  }
0x397: {  	s13 =	sld [smem:$0x7C2];
	s31 =	simm.s32 $0x7710  }
0x398: {  	[spmem:s2] =	stream.indirect.scatter.add.f32 [tilespmem:s31], [sflag:$0x2], $0x10, s14, s7, $0xb8;
	[tilespmem:$0x14820] =	vst v63  }
0x399: {  	s14 =	sld [smem:$0x7C3];
	s31 =	simm.s32 $0x7C10  }
0x39a: {  	[spmem:s2] =	stream.indirect.scatter.add.f32 [tilespmem:s31], [sflag:$0x2], $0x10, s13, s7, $0xb8;
	[tilespmem:$0x14820] =	vst v63  }
0x39b: {  	s13 =	sld [smem:$0x7C4];
	s31 =	simm.s32 $0x8110  }
0x39c: {  	[spmem:s2] =	stream.indirect.scatter.add.f32 [tilespmem:s31], [sflag:$0x2], $0x10, s14, s7, $0xb8;
	[tilespmem:$0x14820] =	vst v63  }
0x39d: {  	s14 =	sld [smem:$0x7C5];
	s31 =	simm.s32 $0x8610  }
0x39e: {  	[spmem:s2] =	stream.indirect.scatter.add.f32 [tilespmem:s31], [sflag:$0x2], $0x10, s13, s7, $0xb8;
	[tilespmem:$0x14820] =	vst v63  }
0x39f: {  	s13 =	sld [smem:$0x7C6];
	s31 =	simm.s32 $0x8B10  }
0x3a0: {  	[spmem:s2] =	stream.indirect.scatter.add.f32 [tilespmem:s31], [sflag:$0x2], $0x10, s14, s7, $0xb8;
	[tilespmem:$0x14820] =	vst v63  }
0x3a1: {  	s14 =	sld [smem:$0x7C7];
	s31 =	simm.s32 $0x9010  }
0x3a2: {  	[spmem:s2] =	stream.indirect.scatter.add.f32 [tilespmem:s31], [sflag:$0x2], $0x10, s13, s7, $0xb8;
	[tilespmem:$0x14820] =	vst v63  }
0x3a3: {  	s13 =	sld [smem:$0x7C8];
	s31 =	simm.s32 $0x9510  }
0x3a4: {  	[spmem:s2] =	stream.indirect.scatter.add.f32 [tilespmem:s31], [sflag:$0x2], $0x10, s14, s7, $0xb8;
	[tilespmem:$0x14820] =	vst v63  }
0x3a5: {  	s14 =	sld [smem:$0x7C9];
	s31 =	simm.s32 $0x9A10  }
0x3a6: {  	[spmem:s2] =	stream.indirect.scatter.add.f32 [tilespmem:s31], [sflag:$0x2], $0x10, s13, s7, $0xb8;
	[tilespmem:$0x14820] =	vst v63  }
0x3a7: {  	s31 =	simm.s32 $0x9F10  }
0x3a8: {  	[spmem:s2] =	stream.indirect.scatter.add.f32 [tilespmem:s31], [sflag:$0x2], $0x10, s14, s7, $0xb8;
	[tilespmem:$0x14820] =	vst v63  }
0x3a9: {  	_ =	swait.ge [sflag:s15], $0x7D00  }
0x3aa: {  	[sflag:s15] =	ssyncset.done $0x0  }
0x3ab: {  	[sflag:s15] =	ssyncadd.s32 $0xFFFF8300  }
0x3ac: {  	_ =	swait.ge [sflag:s9], $0x7D00  }
0x3ad: {  	s13 =	rddreg [dreg:$0xb];
	[sflag:s9] =	ssyncset.done $0x0  }
0x3ae: {  	s14 =	sld [smem:$0x7CA];
	[sflag:s9] =	ssyncadd.s32 $0xFFFF8300  }
0x3af: {  	[tilespmem:s8], [sflag:$0x1] =	stream.linear.gather [hbm4b:s13+s3], $0x7D00, $0x38;
	[tilespmem:$0x14820] =	vst v63  }
0x3b0: {  	s13 =	sld [smem:$0x7CB]  }
0x3b1: {  	[spmem:s2] =	stream.indirect.scatter.add.f32 [tilespmem:s12], [sflag:$0x2], $0x10, s14, s7, $0xb8;
	[tilespmem:$0x14820] =	vst v63  }
0x3b2: {  	s14 =	sld [smem:$0x7CC]  }
0x3b3: {  	[spmem:s2] =	stream.indirect.scatter.add.f32 [tilespmem:s30], [sflag:$0x2], $0x10, s13, s7, $0xb8;
	[tilespmem:$0x14820] =	vst v63  }
0x3b4: {  	s3 =	sld [smem:$0x7CD];
	s30 =	simm.s32 $0xAE10  }
0x3b5: {  	[spmem:s2] =	stream.indirect.scatter.add.f32 [tilespmem:s30], [sflag:$0x2], $0x10, s14, s7, $0xb8;
	[tilespmem:$0x14820] =	vst v63  }
0x3b6: {  	s14 =	sld [smem:$0x7CE];
	s30 =	simm.s32 $0xB310  }
0x3b7: {  	[spmem:s2] =	stream.indirect.scatter.add.f32 [tilespmem:s30], [sflag:$0x2], $0x10, s3, s7, $0xb8;
	[tilespmem:$0x14820] =	vst v63  }
0x3b8: {  	s13 =	sld [smem:$0x7CF]  }
0x3b9: {  	[spmem:s2] =	stream.indirect.scatter.add.f32 [tilespmem:s29], [sflag:$0x2], $0x10, s14, s7, $0xb8;
	[tilespmem:$0x14820] =	vst v63  }
0x3ba: {  	s14 =	sld [smem:$0x7D0]  }
0x3bb: {  	[spmem:s2] =	stream.indirect.scatter.add.f32 [tilespmem:s28], [sflag:$0x2], $0x10, s13, s7, $0xb8;
	[tilespmem:$0x14820] =	vst v63  }
0x3bc: {  	s29 =	sld [smem:$0x7D1]  }
0x3bd: {  	[spmem:s2] =	stream.indirect.scatter.add.f32 [tilespmem:s26], [sflag:$0x2], $0x10, s14, s7, $0xb8;
	[tilespmem:$0x14820] =	vst v63  }
0x3be: {  	s30 =	sld [smem:$0x7D2]  }
0x3bf: {  	[spmem:s2] =	stream.indirect.scatter.add.f32 [tilespmem:s25], [sflag:$0x2], $0x10, s29, s7, $0xb8;
	[tilespmem:$0x14820] =	vst v63  }
0x3c0: {  	s13 =	sld [smem:$0x7D3]  }
0x3c1: {  	[spmem:s2] =	stream.indirect.scatter.add.f32 [tilespmem:s24], [sflag:$0x2], $0x10, s30, s7, $0xb8;
	[tilespmem:$0x14820] =	vst v63  }
0x3c2: {  	s14 =	sld [smem:$0x7D4]  }
0x3c3: {  	[spmem:s2] =	stream.indirect.scatter.add.f32 [tilespmem:s23], [sflag:$0x2], $0x10, s13, s7, $0xb8;
	[tilespmem:$0x14820] =	vst v63  }
0x3c4: {  	s23 =	sld [smem:$0x7D5]  }
0x3c5: {  	[spmem:s2] =	stream.indirect.scatter.add.f32 [tilespmem:s22], [sflag:$0x2], $0x10, s14, s7, $0xb8;
	[tilespmem:$0x14820] =	vst v63  }
0x3c6: {  	s24 =	sld [smem:$0x7D6]  }
0x3c7: {  	[spmem:s2] =	stream.indirect.scatter.add.f32 [tilespmem:s21], [sflag:$0x2], $0x10, s23, s7, $0xb8;
	[tilespmem:$0x14820] =	vst v63  }
0x3c8: {  	s25 =	sld [smem:$0x7D7]  }
0x3c9: {  	[spmem:s2] =	stream.indirect.scatter.add.f32 [tilespmem:s20], [sflag:$0x2], $0x10, s24, s7, $0xb8;
	[tilespmem:$0x14820] =	vst v63  }
0x3ca: {  	s26 =	sld [smem:$0x7D8]  }
0x3cb: {  	[spmem:s2] =	stream.indirect.scatter.add.f32 [tilespmem:s19], [sflag:$0x2], $0x10, s25, s7, $0xb8;
	[tilespmem:$0x14820] =	vst v63  }
0x3cc: {  	s28 =	sld [smem:$0x7D9]  }
0x3cd: {  	[spmem:s2] =	stream.indirect.scatter.add.f32 [tilespmem:s18], [sflag:$0x2], $0x10, s26, s7, $0xb8;
	[tilespmem:$0x14820] =	vst v63  }
0x3ce: {  	s29 =	sld [smem:$0x7DA];
	s30 =	simm.s32 $0xEF10  }
0x3cf: {  	[spmem:s2] =	stream.indirect.scatter.add.f32 [tilespmem:s30], [sflag:$0x2], $0x10, s28, s7, $0xb8;
	[tilespmem:$0x14820] =	vst v63  }
0x3d0: {  	s14 =	sld [smem:$0x7DB]  }
0x3d1: {  	[spmem:s2] =	stream.indirect.scatter.add.f32 [tilespmem:s17], [sflag:$0x2], $0x10, s29, s7, $0xb8;
	[tilespmem:$0x14820] =	vst v63  }
0x3d2: {  	s18 =	simm.s32 $0xF910;
	s17 =	sld [smem:$0x7DC]  }
0x3d3: {  	[spmem:s2] =	stream.indirect.scatter.add.f32 [tilespmem:s18], [sflag:$0x2], $0x10, s14, s7, $0xb8;
	[tilespmem:$0x14820] =	vst v63  }
0x3d4: {  	s19 =	sld [smem:$0x7DD]  }
0x3d5: {  	[spmem:s2] =	stream.indirect.scatter.add.f32 [tilespmem:s16], [sflag:$0x2], $0x10, s17, s7, $0xb8;
	[tilespmem:$0x14820] =	vst v63  }
0x3d6: {  	s20 =	sld [smem:$0x7DE]  }
0x3d7: {  	[spmem:s2] =	stream.indirect.scatter.add.f32 [tilespmem:s11], [sflag:$0x2], $0x10, s19, s7, $0xb8;
	[tilespmem:$0x14820] =	vst v63  }
0x3d8: {  	s21 =	sld [smem:$0x7DF]  }
0x3d9: {  	[spmem:s2] =	stream.indirect.scatter.add.f32 [tilespmem:s10], [sflag:$0x2], $0x10, s20, s7, $0xb8;
	[tilespmem:$0x14820] =	vst v63  }
0x3da: {  	s22 =	sld [smem:$0x7E0]  }
0x3db: {  	[spmem:s2] =	stream.indirect.scatter.add.f32 [tilespmem:s5], [sflag:$0x2], $0x10, s21, s7, $0xb8;
	[tilespmem:$0x14820] =	vst v63  }
0x3dc: {  	s23 =	sld [smem:$0x7E1]  }
0x3dd: {  	[spmem:s2] =	stream.indirect.scatter.add.f32 [tilespmem:s4], [sflag:$0x2], $0x10, s22, s7, $0xb8;
	[tilespmem:$0x14820] =	vst v63  }
0x3de: {  	s24 =	sld [smem:$0x7E2]  }
0x3df: {  	[spmem:s2] =	stream.indirect.scatter.add.f32 [tilespmem:s0], [sflag:$0x2], $0x10, s23, s7, $0xb8;
	[tilespmem:$0x14820] =	vst v63  }
0x3e0: {  	_ = 	snop  }
0x3e1: {  	[spmem:s2] =	stream.indirect.scatter.add.f32 [tilespmem:s1], [sflag:$0x2], $0x10, s24, s7, $0xb8;
	[tilespmem:$0x14820] =	vst v63  }
0x3e2: {  	_ =	swait.ge [sflag:s15], $0x7D00  }
0x3e3: {  	[sflag:s15] =	ssyncset.done $0x0  }
0x3e4: {  	[sflag:s15] =	ssyncadd.s32 $0xFFFF8300  }
0x3e5: {  	_ =	swait.ge [sflag:s9], $0x7D00  }
0x3e6: {  	s25 =	sld [smem:$0x7E3]  }
0x3e7: {  	[sflag:s9] =	ssyncset.done $0x0  }
0x3e8: {  	s26 =	sld [smem:$0x7E4];
	[sflag:s9] =	ssyncadd.s32 $0xFFFF8300  }
0x3e9: {  	[spmem:s2] =	stream.indirect.scatter.add.f32 [tilespmem:s8], [sflag:$0x2], $0x10, s25, s7, $0xb8;
	[tilespmem:$0x14820] =	vst v63  }
0x3ea: {  	s29 =	simm.s32 $0x2C10;
	s28 =	sld [smem:$0x7E5]  }
0x3eb: {  	[spmem:s2] =	stream.indirect.scatter.add.f32 [tilespmem:s29], [sflag:$0x2], $0x10, s26, s7, $0xb8;
	[tilespmem:$0x14820] =	vst v63  }
0x3ec: {  	s1 =	simm.s32 $0x3110;
	s30 =	sld [smem:$0x7E6]  }
0x3ed: {  	[spmem:s2] =	stream.indirect.scatter.add.f32 [tilespmem:s1], [sflag:$0x2], $0x10, s28, s7, $0xb8;
	[tilespmem:$0x14820] =	vst v63  }
0x3ee: {  	s5 =	simm.s32 $0x3610;
	s4 =	sld [smem:$0x7E7]  }
0x3ef: {  	[spmem:s2] =	stream.indirect.scatter.add.f32 [tilespmem:s5], [sflag:$0x2], $0x10, s30, s7, $0xb8;
	[tilespmem:$0x14820] =	vst v63  }
0x3f0: {  	s10 =	simm.s32 $0x3B10;
	s9 =	sld [smem:$0x7E8]  }
0x3f1: {  	[spmem:s2] =	stream.indirect.scatter.add.f32 [tilespmem:s10], [sflag:$0x2], $0x10, s4, s7, $0xb8;
	[tilespmem:$0x14820] =	vst v63  }
0x3f2: {  	s12 =	simm.s32 $0x4010;
	s11 =	sld [smem:$0x7E9]  }
0x3f3: {  	[spmem:s2] =	stream.indirect.scatter.add.f32 [tilespmem:s12], [sflag:$0x2], $0x10, s9, s7, $0xb8;
	[tilespmem:$0x14820] =	vst v63  }
0x3f4: {  	s14 =	simm.s32 $0x4510;
	s13 =	sld [smem:$0x7EA]  }
0x3f5: {  	[spmem:s2] =	stream.indirect.scatter.add.f32 [tilespmem:s14], [sflag:$0x2], $0x10, s11, s7, $0xb8;
	[tilespmem:$0x14820] =	vst v63  }
0x3f6: {  	s17 =	simm.s32 $0x4A10;
	s16 =	sld [smem:$0x7EB]  }
0x3f7: {  	[spmem:s2] =	stream.indirect.scatter.add.f32 [tilespmem:s17], [sflag:$0x2], $0x10, s13, s7, $0xb8;
	[tilespmem:$0x14820] =	vst v63  }
0x3f8: {  	s19 =	simm.s32 $0x4F10;
	s18 =	sld [smem:$0x7EC]  }
0x3f9: {  	[spmem:s2] =	stream.indirect.scatter.add.f32 [tilespmem:s19], [sflag:$0x2], $0x10, s16, s7, $0xb8;
	[tilespmem:$0x14820] =	vst v63  }
0x3fa: {  	s21 =	simm.s32 $0x5410;
	s20 =	sld [smem:$0x7ED]  }
0x3fb: {  	[spmem:s2] =	stream.indirect.scatter.add.f32 [tilespmem:s21], [sflag:$0x2], $0x10, s18, s7, $0xb8;
	[tilespmem:$0x14820] =	vst v63  }
0x3fc: {  	s23 =	simm.s32 $0x5910;
	s22 =	sld [smem:$0x7EE]  }
0x3fd: {  	[spmem:s2] =	stream.indirect.scatter.add.f32 [tilespmem:s23], [sflag:$0x2], $0x10, s20, s7, $0xb8;
	[tilespmem:$0x14820] =	vst v63  }
0x3fe: {  	s24 =	sld [smem:$0x7EF];
	s25 =	simm.s32 $0x5E10  }
0x3ff: {  	[spmem:s2] =	stream.indirect.scatter.add.f32 [tilespmem:s25], [sflag:$0x2], $0x10, s22, s7, $0xb8;
	[tilespmem:$0x14820] =	vst v63  }
0x400: {  	s26 =	sld [smem:$0x7F0];
	s28 =	simm.s32 $0x6310  }
0x401: {  	[spmem:s2] =	stream.indirect.scatter.add.f32 [tilespmem:s28], [sflag:$0x2], $0x10, s24, s7, $0xb8;
	[tilespmem:$0x14820] =	vst v63  }
0x402: {  	s29 =	sld [smem:$0x7F1];
	s30 =	simm.s32 $0x6810  }
0x403: {  	[spmem:s2] =	stream.indirect.scatter.add.f32 [tilespmem:s30], [sflag:$0x2], $0x10, s26, s7, $0xb8;
	[tilespmem:$0x14820] =	vst v63  }
0x404: {  	s1 =	sld [smem:$0x7F2];
	s4 =	simm.s32 $0x6D10  }
0x405: {  	[spmem:s2] =	stream.indirect.scatter.add.f32 [tilespmem:s4], [sflag:$0x2], $0x10, s29, s7, $0xb8;
	[tilespmem:$0x14820] =	vst v63  }
0x406: {  	s5 =	sld [smem:$0x7F3];
	s9 =	simm.s32 $0x7210  }
0x407: {  	[spmem:s2] =	stream.indirect.scatter.add.f32 [tilespmem:s9], [sflag:$0x2], $0x10, s1, s7, $0xb8;
	[tilespmem:$0x14820] =	vst v63  }
0x408: {  	s10 =	sld [smem:$0x7F4];
	s11 =	simm.s32 $0x7710  }
0x409: {  	[spmem:s2] =	stream.indirect.scatter.add.f32 [tilespmem:s11], [sflag:$0x2], $0x10, s5, s7, $0xb8;
	[tilespmem:$0x14820] =	vst v63  }
0x40a: {  	s12 =	sld [smem:$0x7F5];
	s13 =	simm.s32 $0x7C10  }
0x40b: {  	[spmem:s2] =	stream.indirect.scatter.add.f32 [tilespmem:s13], [sflag:$0x2], $0x10, s10, s7, $0xb8;
	[tilespmem:$0x14820] =	vst v63  }
0x40c: {  	s14 =	sld [smem:$0x7F6];
	s16 =	simm.s32 $0x8110  }
0x40d: {  	[spmem:s2] =	stream.indirect.scatter.add.f32 [tilespmem:s16], [sflag:$0x2], $0x10, s12, s7, $0xb8;
	[tilespmem:$0x14820] =	vst v63  }
0x40e: {  	s17 =	sld [smem:$0x7F7];
	s18 =	simm.s32 $0x8610  }
0x40f: {  	[spmem:s2] =	stream.indirect.scatter.add.f32 [tilespmem:s18], [sflag:$0x2], $0x10, s14, s7, $0xb8;
	[tilespmem:$0x14820] =	vst v63  }
0x410: {  	s19 =	sld [smem:$0x7F8];
	s20 =	simm.s32 $0x8B10  }
0x411: {  	[spmem:s2] =	stream.indirect.scatter.add.f32 [tilespmem:s20], [sflag:$0x2], $0x10, s17, s7, $0xb8;
	[tilespmem:$0x14820] =	vst v63  }
0x412: {  	s21 =	sld [smem:$0x7F9];
	s22 =	simm.s32 $0x9010  }
0x413: {  	[spmem:s2] =	stream.indirect.scatter.add.f32 [tilespmem:s22], [sflag:$0x2], $0x10, s19, s7, $0xb8;
	[tilespmem:$0x14820] =	vst v63  }
0x414: {  	s23 =	sld [smem:$0x7FA];
	s24 =	simm.s32 $0x9510  }
0x415: {  	[spmem:s2] =	stream.indirect.scatter.add.f32 [tilespmem:s24], [sflag:$0x2], $0x10, s21, s7, $0xb8;
	[tilespmem:$0x14820] =	vst v63  }
0x416: {  	s25 =	sld [smem:$0x7FB];
	s26 =	simm.s32 $0x9A10  }
0x417: {  	[spmem:s2] =	stream.indirect.scatter.add.f32 [tilespmem:s26], [sflag:$0x2], $0x10, s23, s7, $0xb8;
	[tilespmem:$0x14820] =	vst v63  }
0x418: {  	_ = 	snop  }
0x419: {  	[spmem:s2] =	stream.indirect.scatter.add.f32 [tilespmem:s31], [sflag:$0x2], $0x10, s25, s7, $0xb8;
	[tilespmem:$0x14820] =	vst v63  }
0x41a: {  	_ =	swait.ge [sflag:s15], $0x7D00  }
0x41b: {  	[sflag:s15] =	ssyncset.done $0x0  }
0x41c: {  	[sflag:s15] =	ssyncadd.s32 $0xFFFF8300  }
0x41d: {  	[bflag:$0x0] =	sbarrier.arrive $0xFFFF  }
0x41e: {  	s29 =	sld [smem:$0x7FC]  }
0x41f: {  	s30 =	sld [smem:$0x7FD];
	_ =	sdelay $0x1  }
0x420: {  	s28 =	rddreg [dreg:$0x7]  }
0x421: {  	[hbm:s28], [sflag:s29] =	dma.local [spmem:s30], $0x4E2  }
0x422: {  	_ =	swait.ge [sflag:s6], $0x4E2  }
0x423: {  	[sflag:s6] =	ssyncset.done $0x0  }
0x424: {  	[sflag:s6] =	ssyncadd.s32 $0xFFFFFB1E  }
0x425: {  	_ =	sfence.sel $0x180000  }
0x426: {  	[bflag:$0x0] =	sbarrier.arrive $0xFFFF  }
0x427: {  	_ =	strace $0x90000050  }
0x428: {  	s31 =	stileid.u32;
	[bflag:$0x2] =	sbarrier.arrive $0xFFFF  }
0x429: {  	p0 =	sne.s32 s31, $0x0;
	s0 =	rddreg [dreg:$0x3]  }
0x42a: {  	s0 =	sadd.s32 @!p0 $0x100000, s0  }
0x42b: {  	[sflag:s0] =	ssyncadd.tile.s32 @!p0 $0x1;
	_ =	shalt  }
.LBB2_6:
.Ltmp3:
0x42c: {  	s11 =	sld [smem:$0x7FC];
	(pc) =	sbr.rel .LBB2_5-.Ltmp3, $4  }
0x42d: {  	s0 =	sld [smem:$0x7FD]  }
0x42e: {  	s16 =	simm.s32 $0xF910;
	s17 =	simm.s32 $0xEF10;
	s4 =	simm.s32 $0xB310  }
0x42f: {  	s28 =	simm.s32 $0xAE10;
	s12 =	simm.s32 $0xA410;
	s8 =	simm.s32 $0x2710  }
0x430: {  	s3 =	simm.s32 $0x0;
	s6 =	simm.s32 $0x3;
	s9 =	simm.s32 $0x1  }
.Lfunc_end2:
_tile_overlayer_lowered:
.L_overlay_start_2:
0x431: {  	(tag) =	ssettag $0x2  }
0x432: {  	s0 =	rddreg [dreg:$0x0];
	s2 =	stileid.u32  }
0x433: {  	s1 =	rddreg [dreg:$0x1];
	p0 =	sne.s32 s2, $0x0  }
0x434: {  	s3 =	rddreg [dreg:$0x2];
	[bflag:$0x3] =	sbarrier.arrive $0xFFFF;
	s2 =	simm.s32 @!p0 $0x1C03  }
0x435: {  	[timem:s3], [sflag:s2] =	dma.local @!p0 [hbm:s0], s1  }
0x436: {  	s0 =	simm.s32 @!p0 $0x3  }
0x437: {  	_ =	swait.ge @!p0 [sflag:s0], s1  }
0x438: {  	s1 =	ssub.s32 @!p0 $0x0, s1;
	[sflag:s0] =	ssyncset.done @!p0 $0x0  }
0x439: {  	[sflag:s0] =	ssyncadd.s32 @!p0 s1  }
0x43a: {  	[bflag:$0x3] =	sbarrier.arrive $0xFFFF  }
0x43b: {  	_ =	shalt  }

</sc_bundles>
